<compile_context>
chip_gen: v7x
topology: tpu7x:2x2x1
jax: 0.10.2.dev20260603
libtpu: 0.0.44.dev20260713+nightly
codegen_flags: <defaults>
</compile_context>

<pallas_src>
import jax
import jax.numpy as jnp
from jax import lax
from jax.experimental import pallas as pl
from jax.experimental.pallas import tpu as pltpu
from jax.experimental.pallas import tpu_sc as plsc

_NCLASS = 1000
_D = 512
_B = 16384
_NC = 2
_NS = 16
_NT = _NC * _NS
_L = 16
_CPT = 32
_G = 16
_NVEC = _D // _L
_RB = 2048


def _sc_body(feat_hbm, lab_hbm, out_hbm,
             labs_v, rowbuf, labbuf, rows_v, rows_w, tab_v, cnt_v,
             out_v, sem0, sem1):
    c = lax.axis_index("c")
    s = lax.axis_index("s")
    t = s * _NC + c
    zvec = jnp.zeros((_L,), jnp.float32)
    ovec = jnp.ones((_L,), jnp.float32)
    iota = lax.iota(jnp.int32, _L)
    five = jnp.full((_L,), 5, jnp.int32)
    onei = jnp.full((_L,), 1, jnp.int32)
    tvec = jnp.broadcast_to(t, (_L,))
    cvec0 = jnp.broadcast_to(t * _CPT, (_L,))
    dumpvec = jnp.broadcast_to(t * _CPT + _CPT, (_L,))

    lab_cp = pltpu.async_copy(lab_hbm, labs_v, sem0)

    def zrow(i, _):
        for cc in range(_NVEC):
            tab_v[i, pl.ds(cc * _L, _L)] = zvec
        cnt_v[i] = 0.0
        return 0

    lax.fori_loop(0, _CPT + 1, zrow, 0)
    lab_cp.wait()

    sixteen = jnp.full((_L,), _L, jnp.int32)
    _W = 8

    def scan_body(i, offv):
        lvs, ms, css, rids = [], [], [], []
        for k in range(_W):
            lv = labs_v[pl.ds((i * _W + k) * _L, _L)]
            m = lax.shift_right_logical(lv, five) == tvec
            lvs.append(lv)
            ms.append(m)
            css.append(plsc.cumsum(jnp.where(m, onei, onei - onei)))
            rids.append(iota + jnp.broadcast_to((i * _W + k) * _L, (_L,)))
        for k in range(_W):
            pos = (css[k] - onei) + offv
            plsc.store_scatter(rowbuf, [pos], rids[k], mask=ms[k])
            plsc.store_scatter(labbuf, [pos], lvs[k], mask=ms[k])
            offv = offv + plsc.all_reduce_population_count(ms[k])
        return offv

    offv = lax.fori_loop(0, _B // (_W * _L), scan_body,
                         jnp.zeros((_L,), jnp.int32))
    n = offv[0]
    zveci = jnp.zeros((_L,), jnp.int32)
    rowbuf[pl.ds(n, _L)] = zveci
    rowbuf[pl.ds(n + _L, _L)] = zveci
    labbuf[pl.ds(n, _L)] = dumpvec
    labbuf[pl.ds(n + _L, _L)] = dumpvec

    npair = (n + 2 * _G - 1) // (2 * _G)
    ntot2 = npair * 2

    def start(cid, buf, sem):
        pltpu.async_copy(feat_hbm.at[rowbuf.at[pl.ds(cid * _G, _G)]], buf, sem)

    def wait(cid, buf, sem):
        pltpu.make_async_copy(
            feat_hbm.at[rowbuf.at[pl.ds(cid * _G, _G)]], buf, sem).wait()

    @pl.when(ntot2 > 0)
    def _p0():
        start(0, rows_v, sem0)

    @pl.when(ntot2 > 1)
    def _p1():
        start(1, rows_w, sem1)

    def acc_chunk(cid, buf):
        lvec = labbuf[pl.ds(cid * _G, _L)] - cvec0
        for r in range(_G):
            lc = lvec[r]
            cnt_v[lc] = cnt_v[lc] + 1.0

            @plsc.parallel_loop(0, _NVEC, unroll=8)
            def _cc(cc):
                v = buf[r, pl.ds(cc * _L, _L)]
                plsc.addupdate(tab_v.at[lc, pl.ds(cc * _L, _L)], v)

    def pair(pid, _):
        cid0 = 2 * pid
        wait(cid0, rows_v, sem0)
        acc_chunk(cid0, rows_v)

        @pl.when(cid0 + 2 < ntot2)
        def _n0():
            start(cid0 + 2, rows_v, sem0)

        cid1 = cid0 + 1
        wait(cid1, rows_w, sem1)
        acc_chunk(cid1, rows_w)

        @pl.when(cid1 + 2 < ntot2)
        def _n1():
            start(cid1 + 2, rows_w, sem1)

        return 0

    lax.fori_loop(0, npair, pair, 0)

    def crow(lc, ctr):
        cvec = jnp.broadcast_to(cnt_v[lc], (_L,))
        inv = ovec / jnp.maximum(cvec, ovec)
        accs = [zvec, zvec, zvec, zvec]
        for cc in range(_NVEC):
            v = tab_v[lc, pl.ds(cc * _L, _L)]
            accs[cc % 4] = accs[cc % 4] + v * v
        rowacc = (accs[0] + accs[1]) + (accs[2] + accs[3])
        return ctr + rowacc * inv

    ctr = lax.fori_loop(0, _CPT, crow, zvec)
    out_v[pl.ds(0, _L)] = ctr
    pltpu.sync_copy(out_v, out_hbm.at[t])


def _ssq_body(x_ref, o_ref):
    i = pl.program_id(0)

    @pl.when(i == 0)
    def _init():
        o_ref[...] = jnp.zeros_like(o_ref)

    x = x_ref[...]
    o_ref[...] = o_ref[...] + jnp.sum(x * x)


@jax.jit
def _center_loss_sc(features, labels):
    ctr_parts = pl.kernel(
        _sc_body,
        out_type=jax.ShapeDtypeStruct((_NT, _L), jnp.float32),
        mesh=plsc.VectorSubcoreMesh(core_axis_name="c", subcore_axis_name="s"),
        compiler_params=pltpu.CompilerParams(needs_layout_passes=False),
        cost_estimate=pl.CostEstimate(
            flops=40_000_000, bytes_accessed=70_000_000, transcendentals=0),
        scratch_types=[
            pltpu.VMEM((_B,), jnp.int32),
            pltpu.VMEM((_B + 2 * _L,), jnp.int32),
            pltpu.VMEM((_B + 2 * _L,), jnp.int32),
            pltpu.VMEM((_G, _D), jnp.float32),
            pltpu.VMEM((_G, _D), jnp.float32),
            pltpu.VMEM((_CPT + 1, _D), jnp.float32),
            pltpu.SMEM((_CPT + 1,), jnp.float32),
            pltpu.VMEM((_L,), jnp.float32),
            pltpu.SemaphoreType.DMA,
            pltpu.SemaphoreType.DMA,
        ],
    )(features, labels)
    ssq = pl.pallas_call(
        _ssq_body,
        grid=(_B // _RB,),
        in_specs=[pl.BlockSpec((_RB, _D), lambda i: (i, 0))],
        out_specs=pl.BlockSpec((1, 1), lambda i: (0, 0)),
        out_shape=jax.ShapeDtypeStruct((1, 1), jnp.float32),
        compiler_params=pltpu.CompilerParams(
            dimension_semantics=("arbitrary",)),
    )(features)
    return (ssq[0, 0] - jnp.sum(ctr_parts)) / (2.0 * features.shape[0])


def kernel(features, labels):
    return _center_loss_sc(features, labels)

# --- scband reference (transcript-rebuilt; emitter-appended) ---
"""Pipeline reference for scband-center-loss-77575699300892 (READ-ONLY COPY).

The authoritative reference and input builder live on the scoring server;
editing this copy changes nothing except your own understanding.
"""

import jax, jax.numpy as jnp
import numpy as np

NUM_CLASSES = 1000
FEATURE_DIM = 512
BATCH = 16384


def setup_inputs(seed: int = 0) -> dict:
    key = jax.random.key(seed)
    k1, k2 = jax.random.split(key)
    features = jax.random.normal(k1, (BATCH, FEATURE_DIM), dtype=jnp.float32)
    labels = jax.random.randint(k2, (BATCH,), 0, NUM_CLASSES, dtype=jnp.int32)
    return {"features": features, "labels": labels}


def reference(features, labels):
    batch_size = features.shape[0]
    # Vectorized equivalent of the python loop: scatter-add features into per-class
    # centers and count occurrences per class.
    centers = jnp.zeros((NUM_CLASSES, FEATURE_DIM), dtype=features.dtype).at[labels].add(features)
    counts = jnp.zeros((NUM_CLASSES,), dtype=features.dtype).at[labels].add(1.0)
    counts = jnp.where(counts == 0, jnp.ones_like(counts), counts)
    centers = centers / counts[:, None]
    centers_batch = centers[labels]  # gather
    loss = jnp.sum((features - centers_batch) ** 2) / 2.0 / batch_size
    return loss

if __name__ == "__main__":
    import jax
    _d = setup_inputs()
    print(jax.jit(kernel)(*tuple(_d.values())))

</pallas_src>

<mosaic_0001>
#map = affine_map<(d0, d1) -> (0, 0)>
#map1 = affine_map<(d0, d1) -> (0)>
module attributes {stable_mosaic.version = 14 : i64} {
  func.func @_sc_body(%arg0: i32, %arg1: i32, %arg2: memref<16384x512xf32, #tpu.memory_space<hbm>>, %arg3: memref<16384xi32, #tpu.memory_space<hbm>>, %arg4: memref<32x16xf32, #tpu.memory_space<hbm>>, %arg5: memref<16384xi32, #tpu.memory_space<vmem>>, %arg6: memref<16416xi32, #tpu.memory_space<vmem>>, %arg7: memref<16416xi32, #tpu.memory_space<vmem>>, %arg8: memref<16x512xf32, #tpu.memory_space<vmem>>, %arg9: memref<16x512xf32, #tpu.memory_space<vmem>>, %arg10: memref<33x512xf32, #tpu.memory_space<vmem>>, %arg11: memref<33xf32, #tpu.memory_space<smem>>, %arg12: memref<16xf32, #tpu.memory_space<vmem>>, %arg13: memref<!tpu.dma_semaphore, #tpu.memory_space<semaphore_mem>>, %arg14: memref<!tpu.dma_semaphore, #tpu.memory_space<semaphore_mem>>) attributes {dimension_semantics = [#tpu.dimension_semantics<core_parallel>, #tpu.dimension_semantics<subcore_parallel>], iteration_bounds = array<i64: 2, 16>, scalar_prefetch = 0 : i64, scratch_operands = 10 : i64, tpu.core_type = #tpu.core_type<sc_vector_subcore>, window_params = [{transform_indices = #map}, {transform_indices = #map1}, {transform_indices = #map}]} {
    %mul3A = arith.constant 2 : i32
    %mul3A_0 = arith.muli %arg1, %mul3A : i32
    %add3A = arith.addi %mul3A_0, %arg0 : i32
    %broadcast_in_dim3A = arith.constant 0.000000e+00 : f32
    %broadcast_in_dim3A_1 = vector.broadcast %broadcast_in_dim3A : f32 to vector<16xf32>
    %broadcast_in_dim3A_2 = arith.constant 1.000000e+00 : f32
    %broadcast_in_dim3A_3 = vector.broadcast %broadcast_in_dim3A_2 : f32 to vector<16xf32>
    %iota3A = tpu.iota {dimensions = array<i32: 0>} : vector<16xi32>
    %broadcast_in_dim3A_4 = arith.constant 5 : i32
    %broadcast_in_dim3A_5 = vector.broadcast %broadcast_in_dim3A_4 : i32 to vector<16xi32>
    %broadcast_in_dim3A_6 = arith.constant 1 : i32
    %broadcast_in_dim3A_7 = vector.broadcast %broadcast_in_dim3A_6 : i32 to vector<16xi32>
    %broadcast_in_dim3A_8 = vector.broadcast %add3A : i32 to vector<16xi32>
    %mul3A_9 = arith.constant 32 : i32
    %mul3A_10 = arith.muli %add3A, %mul3A_9 : i32
    %broadcast_in_dim3A_11 = vector.broadcast %mul3A_10 : i32 to vector<16xi32>
    %mul3A_12 = arith.constant 32 : i32
    %mul3A_13 = arith.muli %add3A, %mul3A_12 : i32
    %add3A_14 = arith.constant 32 : i32
    %add3A_15 = arith.addi %mul3A_13, %add3A_14 : i32
    %broadcast_in_dim3A_16 = vector.broadcast %add3A_15 : i32 to vector<16xi32>
    tpu.enqueue_dma source(%arg3 : memref<16384xi32, #tpu.memory_space<hbm>>) target(%arg5 : memref<16384xi32, #tpu.memory_space<vmem>>) target_semaphore(%arg13 : memref<!tpu.dma_semaphore, #tpu.memory_space<semaphore_mem>>)
    %scan3A = arith.constant 0 : i32
    %scan3A_17 = arith.constant 0 : i32
    %scan3A_18 = arith.constant 33 : i32
    %scan3A_19 = arith.addi %scan3A_17, %scan3A_18 : i32
    %scan3A_20 = arith.constant 1 : i32
    %scan3A_21 = scf.for %scan3A_94 = %scan3A_17 to %scan3A_19 step %scan3A_20 iter_args(%scan3A_95 = %scan3A) -> (i32)  : i32 {
      %swap3A_96 = arith.index_cast %scan3A_94 : i32 to index
      %swap3A_97 = arith.constant 0 : index
      %swap3A_98 = tpu.vector_load %arg10[%swap3A_96, %swap3A_97] {strides = array<i32>} : memref<33x512xf32, #tpu.memory_space<vmem>>, vector<16xf32>,
      tpu.vector_store %arg10[%swap3A_96, %swap3A_97], %broadcast_in_dim3A_1 {strides = array<i32>} : memref<33x512xf32, #tpu.memory_space<vmem>>, vector<16xf32>,
      %swap3A_99 = arith.index_cast %scan3A_94 : i32 to index
      %swap3A_100 = arith.constant 16 : index
      %swap3A_101 = tpu.vector_load %arg10[%swap3A_99, %swap3A_100] {strides = array<i32>} : memref<33x512xf32, #tpu.memory_space<vmem>>, vector<16xf32>,
      tpu.vector_store %arg10[%swap3A_99, %swap3A_100], %broadcast_in_dim3A_1 {strides = array<i32>} : memref<33x512xf32, #tpu.memory_space<vmem>>, vector<16xf32>,
      %swap3A_102 = arith.index_cast %scan3A_94 : i32 to index
      %swap3A_103 = arith.constant 32 : index
      %swap3A_104 = tpu.vector_load %arg10[%swap3A_102, %swap3A_103] {strides = array<i32>} : memref<33x512xf32, #tpu.memory_space<vmem>>, vector<16xf32>,
      tpu.vector_store %arg10[%swap3A_102, %swap3A_103], %broadcast_in_dim3A_1 {strides = array<i32>} : memref<33x512xf32, #tpu.memory_space<vmem>>, vector<16xf32>,
      %swap3A_105 = arith.index_cast %scan3A_94 : i32 to index
      %swap3A_106 = arith.constant 48 : index
      %swap3A_107 = tpu.vector_load %arg10[%swap3A_105, %swap3A_106] {strides = array<i32>} : memref<33x512xf32, #tpu.memory_space<vmem>>, vector<16xf32>,
      tpu.vector_store %arg10[%swap3A_105, %swap3A_106], %broadcast_in_dim3A_1 {strides = array<i32>} : memref<33x512xf32, #tpu.memory_space<vmem>>, vector<16xf32>,
      %swap3A_108 = arith.index_cast %scan3A_94 : i32 to index
      %swap3A_109 = arith.constant 64 : index
      %swap3A_110 = tpu.vector_load %arg10[%swap3A_108, %swap3A_109] {strides = array<i32>} : memref<33x512xf32, #tpu.memory_space<vmem>>, vector<16xf32>,
      tpu.vector_store %arg10[%swap3A_108, %swap3A_109], %broadcast_in_dim3A_1 {strides = array<i32>} : memref<33x512xf32, #tpu.memory_space<vmem>>, vector<16xf32>,
      %swap3A_111 = arith.index_cast %scan3A_94 : i32 to index
      %swap3A_112 = arith.constant 80 : index
      %swap3A_113 = tpu.vector_load %arg10[%swap3A_111, %swap3A_112] {strides = array<i32>} : memref<33x512xf32, #tpu.memory_space<vmem>>, vector<16xf32>,
      tpu.vector_store %arg10[%swap3A_111, %swap3A_112], %broadcast_in_dim3A_1 {strides = array<i32>} : memref<33x512xf32, #tpu.memory_space<vmem>>, vector<16xf32>,
      %swap3A_114 = arith.index_cast %scan3A_94 : i32 to index
      %swap3A_115 = arith.constant 96 : index
      %swap3A_116 = tpu.vector_load %arg10[%swap3A_114, %swap3A_115] {strides = array<i32>} : memref<33x512xf32, #tpu.memory_space<vmem>>, vector<16xf32>,
      tpu.vector_store %arg10[%swap3A_114, %swap3A_115], %broadcast_in_dim3A_1 {strides = array<i32>} : memref<33x512xf32, #tpu.memory_space<vmem>>, vector<16xf32>,
      %swap3A_117 = arith.index_cast %scan3A_94 : i32 to index
      %swap3A_118 = arith.constant 112 : index
      %swap3A_119 = tpu.vector_load %arg10[%swap3A_117, %swap3A_118] {strides = array<i32>} : memref<33x512xf32, #tpu.memory_space<vmem>>, vector<16xf32>,
      tpu.vector_store %arg10[%swap3A_117, %swap3A_118], %broadcast_in_dim3A_1 {strides = array<i32>} : memref<33x512xf32, #tpu.memory_space<vmem>>, vector<16xf32>,
      %swap3A_120 = arith.index_cast %scan3A_94 : i32 to index
      %swap3A_121 = arith.constant 128 : index
      %swap3A_122 = tpu.vector_load %arg10[%swap3A_120, %swap3A_121] {strides = array<i32>} : memref<33x512xf32, #tpu.memory_space<vmem>>, vector<16xf32>,
      tpu.vector_store %arg10[%swap3A_120, %swap3A_121], %broadcast_in_dim3A_1 {strides = array<i32>} : memref<33x512xf32, #tpu.memory_space<vmem>>, vector<16xf32>,
      %swap3A_123 = arith.index_cast %scan3A_94 : i32 to index
      %swap3A_124 = arith.constant 144 : index
      %swap3A_125 = tpu.vector_load %arg10[%swap3A_123, %swap3A_124] {strides = array<i32>} : memref<33x512xf32, #tpu.memory_space<vmem>>, vector<16xf32>,
      tpu.vector_store %arg10[%swap3A_123, %swap3A_124], %broadcast_in_dim3A_1 {strides = array<i32>} : memref<33x512xf32, #tpu.memory_space<vmem>>, vector<16xf32>,
      %swap3A_126 = arith.index_cast %scan3A_94 : i32 to index
      %swap3A_127 = arith.constant 160 : index
      %swap3A_128 = tpu.vector_load %arg10[%swap3A_126, %swap3A_127] {strides = array<i32>} : memref<33x512xf32, #tpu.memory_space<vmem>>, vector<16xf32>,
      tpu.vector_store %arg10[%swap3A_126, %swap3A_127], %broadcast_in_dim3A_1 {strides = array<i32>} : memref<33x512xf32, #tpu.memory_space<vmem>>, vector<16xf32>,
      %swap3A_129 = arith.index_cast %scan3A_94 : i32 to index
      %swap3A_130 = arith.constant 176 : index
      %swap3A_131 = tpu.vector_load %arg10[%swap3A_129, %swap3A_130] {strides = array<i32>} : memref<33x512xf32, #tpu.memory_space<vmem>>, vector<16xf32>,
      tpu.vector_store %arg10[%swap3A_129, %swap3A_130], %broadcast_in_dim3A_1 {strides = array<i32>} : memref<33x512xf32, #tpu.memory_space<vmem>>, vector<16xf32>,
      %swap3A_132 = arith.index_cast %scan3A_94 : i32 to index
      %swap3A_133 = arith.constant 192 : index
      %swap3A_134 = tpu.vector_load %arg10[%swap3A_132, %swap3A_133] {strides = array<i32>} : memref<33x512xf32, #tpu.memory_space<vmem>>, vector<16xf32>,
      tpu.vector_store %arg10[%swap3A_132, %swap3A_133], %broadcast_in_dim3A_1 {strides = array<i32>} : memref<33x512xf32, #tpu.memory_space<vmem>>, vector<16xf32>,
      %swap3A_135 = arith.index_cast %scan3A_94 : i32 to index
      %swap3A_136 = arith.constant 208 : index
      %swap3A_137 = tpu.vector_load %arg10[%swap3A_135, %swap3A_136] {strides = array<i32>} : memref<33x512xf32, #tpu.memory_space<vmem>>, vector<16xf32>,
      tpu.vector_store %arg10[%swap3A_135, %swap3A_136], %broadcast_in_dim3A_1 {strides = array<i32>} : memref<33x512xf32, #tpu.memory_space<vmem>>, vector<16xf32>,
      %swap3A_138 = arith.index_cast %scan3A_94 : i32 to index
      %swap3A_139 = arith.constant 224 : index
      %swap3A_140 = tpu.vector_load %arg10[%swap3A_138, %swap3A_139] {strides = array<i32>} : memref<33x512xf32, #tpu.memory_space<vmem>>, vector<16xf32>,
      tpu.vector_store %arg10[%swap3A_138, %swap3A_139], %broadcast_in_dim3A_1 {strides = array<i32>} : memref<33x512xf32, #tpu.memory_space<vmem>>, vector<16xf32>,
      %swap3A_141 = arith.index_cast %scan3A_94 : i32 to index
      %swap3A_142 = arith.constant 240 : index
      %swap3A_143 = tpu.vector_load %arg10[%swap3A_141, %swap3A_142] {strides = array<i32>} : memref<33x512xf32, #tpu.memory_space<vmem>>, vector<16xf32>,
      tpu.vector_store %arg10[%swap3A_141, %swap3A_142], %broadcast_in_dim3A_1 {strides = array<i32>} : memref<33x512xf32, #tpu.memory_space<vmem>>, vector<16xf32>,
      %swap3A_144 = arith.index_cast %scan3A_94 : i32 to index
      %swap3A_145 = arith.constant 256 : index
      %swap3A_146 = tpu.vector_load %arg10[%swap3A_144, %swap3A_145] {strides = array<i32>} : memref<33x512xf32, #tpu.memory_space<vmem>>, vector<16xf32>,
      tpu.vector_store %arg10[%swap3A_144, %swap3A_145], %broadcast_in_dim3A_1 {strides = array<i32>} : memref<33x512xf32, #tpu.memory_space<vmem>>, vector<16xf32>,
      %swap3A_147 = arith.index_cast %scan3A_94 : i32 to index
      %swap3A_148 = arith.constant 272 : index
      %swap3A_149 = tpu.vector_load %arg10[%swap3A_147, %swap3A_148] {strides = array<i32>} : memref<33x512xf32, #tpu.memory_space<vmem>>, vector<16xf32>,
      tpu.vector_store %arg10[%swap3A_147, %swap3A_148], %broadcast_in_dim3A_1 {strides = array<i32>} : memref<33x512xf32, #tpu.memory_space<vmem>>, vector<16xf32>,
      %swap3A_150 = arith.index_cast %scan3A_94 : i32 to index
      %swap3A_151 = arith.constant 288 : index
      %swap3A_152 = tpu.vector_load %arg10[%swap3A_150, %swap3A_151] {strides = array<i32>} : memref<33x512xf32, #tpu.memory_space<vmem>>, vector<16xf32>,
      tpu.vector_store %arg10[%swap3A_150, %swap3A_151], %broadcast_in_dim3A_1 {strides = array<i32>} : memref<33x512xf32, #tpu.memory_space<vmem>>, vector<16xf32>,
      %swap3A_153 = arith.index_cast %scan3A_94 : i32 to index
      %swap3A_154 = arith.constant 304 : index
      %swap3A_155 = tpu.vector_load %arg10[%swap3A_153, %swap3A_154] {strides = array<i32>} : memref<33x512xf32, #tpu.memory_space<vmem>>, vector<16xf32>,
      tpu.vector_store %arg10[%swap3A_153, %swap3A_154], %broadcast_in_dim3A_1 {strides = array<i32>} : memref<33x512xf32, #tpu.memory_space<vmem>>, vector<16xf32>,
      %swap3A_156 = arith.index_cast %scan3A_94 : i32 to index
      %swap3A_157 = arith.constant 320 : index
      %swap3A_158 = tpu.vector_load %arg10[%swap3A_156, %swap3A_157] {strides = array<i32>} : memref<33x512xf32, #tpu.memory_space<vmem>>, vector<16xf32>,
      tpu.vector_store %arg10[%swap3A_156, %swap3A_157], %broadcast_in_dim3A_1 {strides = array<i32>} : memref<33x512xf32, #tpu.memory_space<vmem>>, vector<16xf32>,
      %swap3A_159 = arith.index_cast %scan3A_94 : i32 to index
      %swap3A_160 = arith.constant 336 : index
      %swap3A_161 = tpu.vector_load %arg10[%swap3A_159, %swap3A_160] {strides = array<i32>} : memref<33x512xf32, #tpu.memory_space<vmem>>, vector<16xf32>,
      tpu.vector_store %arg10[%swap3A_159, %swap3A_160], %broadcast_in_dim3A_1 {strides = array<i32>} : memref<33x512xf32, #tpu.memory_space<vmem>>, vector<16xf32>,
      %swap3A_162 = arith.index_cast %scan3A_94 : i32 to index
      %swap3A_163 = arith.constant 352 : index
      %swap3A_164 = tpu.vector_load %arg10[%swap3A_162, %swap3A_163] {strides = array<i32>} : memref<33x512xf32, #tpu.memory_space<vmem>>, vector<16xf32>,
      tpu.vector_store %arg10[%swap3A_162, %swap3A_163], %broadcast_in_dim3A_1 {strides = array<i32>} : memref<33x512xf32, #tpu.memory_space<vmem>>, vector<16xf32>,
      %swap3A_165 = arith.index_cast %scan3A_94 : i32 to index
      %swap3A_166 = arith.constant 368 : index
      %swap3A_167 = tpu.vector_load %arg10[%swap3A_165, %swap3A_166] {strides = array<i32>} : memref<33x512xf32, #tpu.memory_space<vmem>>, vector<16xf32>,
      tpu.vector_store %arg10[%swap3A_165, %swap3A_166], %broadcast_in_dim3A_1 {strides = array<i32>} : memref<33x512xf32, #tpu.memory_space<vmem>>, vector<16xf32>,
      %swap3A_168 = arith.index_cast %scan3A_94 : i32 to index
      %swap3A_169 = arith.constant 384 : index
      %swap3A_170 = tpu.vector_load %arg10[%swap3A_168, %swap3A_169] {strides = array<i32>} : memref<33x512xf32, #tpu.memory_space<vmem>>, vector<16xf32>,
      tpu.vector_store %arg10[%swap3A_168, %swap3A_169], %broadcast_in_dim3A_1 {strides = array<i32>} : memref<33x512xf32, #tpu.memory_space<vmem>>, vector<16xf32>,
      %swap3A_171 = arith.index_cast %scan3A_94 : i32 to index
      %swap3A_172 = arith.constant 400 : index
      %swap3A_173 = tpu.vector_load %arg10[%swap3A_171, %swap3A_172] {strides = array<i32>} : memref<33x512xf32, #tpu.memory_space<vmem>>, vector<16xf32>,
      tpu.vector_store %arg10[%swap3A_171, %swap3A_172], %broadcast_in_dim3A_1 {strides = array<i32>} : memref<33x512xf32, #tpu.memory_space<vmem>>, vector<16xf32>,
      %swap3A_174 = arith.index_cast %scan3A_94 : i32 to index
      %swap3A_175 = arith.constant 416 : index
      %swap3A_176 = tpu.vector_load %arg10[%swap3A_174, %swap3A_175] {strides = array<i32>} : memref<33x512xf32, #tpu.memory_space<vmem>>, vector<16xf32>,
      tpu.vector_store %arg10[%swap3A_174, %swap3A_175], %broadcast_in_dim3A_1 {strides = array<i32>} : memref<33x512xf32, #tpu.memory_space<vmem>>, vector<16xf32>,
      %swap3A_177 = arith.index_cast %scan3A_94 : i32 to index
      %swap3A_178 = arith.constant 432 : index
      %swap3A_179 = tpu.vector_load %arg10[%swap3A_177, %swap3A_178] {strides = array<i32>} : memref<33x512xf32, #tpu.memory_space<vmem>>, vector<16xf32>,
      tpu.vector_store %arg10[%swap3A_177, %swap3A_178], %broadcast_in_dim3A_1 {strides = array<i32>} : memref<33x512xf32, #tpu.memory_space<vmem>>, vector<16xf32>,
      %swap3A_180 = arith.index_cast %scan3A_94 : i32 to index
      %swap3A_181 = arith.constant 448 : index
      %swap3A_182 = tpu.vector_load %arg10[%swap3A_180, %swap3A_181] {strides = array<i32>} : memref<33x512xf32, #tpu.memory_space<vmem>>, vector<16xf32>,
      tpu.vector_store %arg10[%swap3A_180, %swap3A_181], %broadcast_in_dim3A_1 {strides = array<i32>} : memref<33x512xf32, #tpu.memory_space<vmem>>, vector<16xf32>,
      %swap3A_183 = arith.index_cast %scan3A_94 : i32 to index
      %swap3A_184 = arith.constant 464 : index
      %swap3A_185 = tpu.vector_load %arg10[%swap3A_183, %swap3A_184] {strides = array<i32>} : memref<33x512xf32, #tpu.memory_space<vmem>>, vector<16xf32>,
      tpu.vector_store %arg10[%swap3A_183, %swap3A_184], %broadcast_in_dim3A_1 {strides = array<i32>} : memref<33x512xf32, #tpu.memory_space<vmem>>, vector<16xf32>,
      %swap3A_186 = arith.index_cast %scan3A_94 : i32 to index
      %swap3A_187 = arith.constant 480 : index
      %swap3A_188 = tpu.vector_load %arg10[%swap3A_186, %swap3A_187] {strides = array<i32>} : memref<33x512xf32, #tpu.memory_space<vmem>>, vector<16xf32>,
      tpu.vector_store %arg10[%swap3A_186, %swap3A_187], %broadcast_in_dim3A_1 {strides = array<i32>} : memref<33x512xf32, #tpu.memory_space<vmem>>, vector<16xf32>,
      %swap3A_189 = arith.index_cast %scan3A_94 : i32 to index
      %swap3A_190 = arith.constant 496 : index
      %swap3A_191 = tpu.vector_load %arg10[%swap3A_189, %swap3A_190] {strides = array<i32>} : memref<33x512xf32, #tpu.memory_space<vmem>>, vector<16xf32>,
      tpu.vector_store %arg10[%swap3A_189, %swap3A_190], %broadcast_in_dim3A_1 {strides = array<i32>} : memref<33x512xf32, #tpu.memory_space<vmem>>, vector<16xf32>,
      %swap3A_192 = arith.constant 0.000000e+00 : f32
      %swap3A_193 = arith.index_cast %scan3A_94 : i32 to index
      %swap3A_194 = memref.load %arg11[%swap3A_193] : memref<33xf32, #tpu.memory_space<smem>>
      memref.store %swap3A_192, %arg11[%swap3A_193] : memref<33xf32, #tpu.memory_space<smem>>
      %scan3A_195 = arith.constant 0 : i32
      scf.yield %scan3A_195 : i32
    }
    %scan3A_22 = arith.constant 33 : i32
    tpu.wait_dma2 semaphore(%arg13 : memref<!tpu.dma_semaphore, #tpu.memory_space<semaphore_mem>>) src(%arg3 : memref<16384xi32, #tpu.memory_space<hbm>>) dst(%arg5 : memref<16384xi32, #tpu.memory_space<vmem>>)
    %broadcast_in_dim3A_23 = arith.constant 16 : i32
    %broadcast_in_dim3A_24 = vector.broadcast %broadcast_in_dim3A_23 : i32 to vector<16xi32>
    %broadcast_in_dim3A_25 = arith.constant 0 : i32
    %broadcast_in_dim3A_26 = vector.broadcast %broadcast_in_dim3A_25 : i32 to vector<16xi32>
    %scan3A_27 = arith.constant 0 : i32
    %scan3A_28 = arith.constant 128 : i32
    %scan3A_29 = arith.addi %scan3A_27, %scan3A_28 : i32
    %scan3A_30 = arith.constant 1 : i32
    %scan3A_31 = scf.for %scan3A_94 = %scan3A_27 to %scan3A_29 step %scan3A_30 iter_args(%scan3A_95 = %broadcast_in_dim3A_26) -> (vector<16xi32>)  : i32 {
      %mul3A_96 = arith.constant 8 : i32
      %mul3A_97 = arith.muli %scan3A_94, %mul3A_96 : i32
      %add3A_98 = arith.constant 0 : i32
      %add3A_99 = arith.addi %mul3A_97, %add3A_98 : i32
      %mul3A_100 = arith.constant 16 : i32
      %mul3A_101 = arith.muli %add3A_99, %mul3A_100 : i32
      %get3A = arith.index_cast %mul3A_101 : i32 to index
      %get3A_102 = tpu.vector_load %arg5[%get3A] {strides = array<i32>} : memref<16384xi32, #tpu.memory_space<vmem>>, vector<16xi32>,
      %shift_right_logical3A = arith.shrui %get3A_102, %broadcast_in_dim3A_5 : vector<16xi32>
      %eq3A = arith.cmpi eq, %shift_right_logical3A, %broadcast_in_dim3A_8 : vector<16xi32>
      %sub3A_103 = arith.subi %broadcast_in_dim3A_7, %broadcast_in_dim3A_7 : vector<16xi32>
      %select_n3A_104 = arith.select %eq3A, %broadcast_in_dim3A_7, %sub3A_103 : vector<16xi1>, vector<16xi32>
      %broadcast_in_dim3A_105 = arith.constant true
      %broadcast_in_dim3A_106 = vector.broadcast %broadcast_in_dim3A_105 : i1 to vector<16xi1>
      %masked_cumsum3A = tpu.scan <sum>, %select_n3A_104 masked %broadcast_in_dim3A_106 : vector<16xi32>, vector<16xi1> -> vector<16xi32>
      %mul3A_107 = arith.constant 8 : i32
      %mul3A_108 = arith.muli %scan3A_94, %mul3A_107 : i32
      %add3A_109 = arith.constant 0 : i32
      %add3A_110 = arith.addi %mul3A_108, %add3A_109 : i32
      %mul3A_111 = arith.constant 16 : i32
      %mul3A_112 = arith.muli %add3A_110, %mul3A_111 : i32
      %broadcast_in_dim3A_113 = vector.broadcast %mul3A_112 : i32 to vector<16xi32>
      %add3A_114 = arith.addi %iota3A, %broadcast_in_dim3A_113 : vector<16xi32>
      %mul3A_115 = arith.constant 8 : i32
      %mul3A_116 = arith.muli %scan3A_94, %mul3A_115 : i32
      %add3A_117 = arith.constant 1 : i32
      %add3A_118 = arith.addi %mul3A_116, %add3A_117 : i32
      %mul3A_119 = arith.constant 16 : i32
      %mul3A_120 = arith.muli %add3A_118, %mul3A_119 : i32
      %get3A_121 = arith.index_cast %mul3A_120 : i32 to index
      %get3A_122 = tpu.vector_load %arg5[%get3A_121] {strides = array<i32>} : memref<16384xi32, #tpu.memory_space<vmem>>, vector<16xi32>,
      %shift_right_logical3A_123 = arith.shrui %get3A_122, %broadcast_in_dim3A_5 : vector<16xi32>
      %eq3A_124 = arith.cmpi eq, %shift_right_logical3A_123, %broadcast_in_dim3A_8 : vector<16xi32>
      %sub3A_125 = arith.subi %broadcast_in_dim3A_7, %broadcast_in_dim3A_7 : vector<16xi32>
      %select_n3A_126 = arith.select %eq3A_124, %broadcast_in_dim3A_7, %sub3A_125 : vector<16xi1>, vector<16xi32>
      %broadcast_in_dim3A_127 = arith.constant true
      %broadcast_in_dim3A_128 = vector.broadcast %broadcast_in_dim3A_127 : i1 to vector<16xi1>
      %masked_cumsum3A_129 = tpu.scan <sum>, %select_n3A_126 masked %broadcast_in_dim3A_128 : vector<16xi32>, vector<16xi1> -> vector<16xi32>
      %mul3A_130 = arith.constant 8 : i32
      %mul3A_131 = arith.muli %scan3A_94, %mul3A_130 : i32
      %add3A_132 = arith.constant 1 : i32
      %add3A_133 = arith.addi %mul3A_131, %add3A_132 : i32
      %mul3A_134 = arith.constant 16 : i32
      %mul3A_135 = arith.muli %add3A_133, %mul3A_134 : i32
      %broadcast_in_dim3A_136 = vector.broadcast %mul3A_135 : i32 to vector<16xi32>
      %add3A_137 = arith.addi %iota3A, %broadcast_in_dim3A_136 : vector<16xi32>
      %mul3A_138 = arith.constant 8 : i32
      %mul3A_139 = arith.muli %scan3A_94, %mul3A_138 : i32
      %add3A_140 = arith.constant 2 : i32
      %add3A_141 = arith.addi %mul3A_139, %add3A_140 : i32
      %mul3A_142 = arith.constant 16 : i32
      %mul3A_143 = arith.muli %add3A_141, %mul3A_142 : i32
      %get3A_144 = arith.index_cast %mul3A_143 : i32 to index
      %get3A_145 = tpu.vector_load %arg5[%get3A_144] {strides = array<i32>} : memref<16384xi32, #tpu.memory_space<vmem>>, vector<16xi32>,
      %shift_right_logical3A_146 = arith.shrui %get3A_145, %broadcast_in_dim3A_5 : vector<16xi32>
      %eq3A_147 = arith.cmpi eq, %shift_right_logical3A_146, %broadcast_in_dim3A_8 : vector<16xi32>
      %sub3A_148 = arith.subi %broadcast_in_dim3A_7, %broadcast_in_dim3A_7 : vector<16xi32>
      %select_n3A_149 = arith.select %eq3A_147, %broadcast_in_dim3A_7, %sub3A_148 : vector<16xi1>, vector<16xi32>
      %broadcast_in_dim3A_150 = arith.constant true
      %broadcast_in_dim3A_151 = vector.broadcast %broadcast_in_dim3A_150 : i1 to vector<16xi1>
      %masked_cumsum3A_152 = tpu.scan <sum>, %select_n3A_149 masked %broadcast_in_dim3A_151 : vector<16xi32>, vector<16xi1> -> vector<16xi32>
      %mul3A_153 = arith.constant 8 : i32
      %mul3A_154 = arith.muli %scan3A_94, %mul3A_153 : i32
      %add3A_155 = arith.constant 2 : i32
      %add3A_156 = arith.addi %mul3A_154, %add3A_155 : i32
      %mul3A_157 = arith.constant 16 : i32
      %mul3A_158 = arith.muli %add3A_156, %mul3A_157 : i32
      %broadcast_in_dim3A_159 = vector.broadcast %mul3A_158 : i32 to vector<16xi32>
      %add3A_160 = arith.addi %iota3A, %broadcast_in_dim3A_159 : vector<16xi32>
      %mul3A_161 = arith.constant 8 : i32
      %mul3A_162 = arith.muli %scan3A_94, %mul3A_161 : i32
      %add3A_163 = arith.constant 3 : i32
      %add3A_164 = arith.addi %mul3A_162, %add3A_163 : i32
      %mul3A_165 = arith.constant 16 : i32
      %mul3A_166 = arith.muli %add3A_164, %mul3A_165 : i32
      %get3A_167 = arith.index_cast %mul3A_166 : i32 to index
      %get3A_168 = tpu.vector_load %arg5[%get3A_167] {strides = array<i32>} : memref<16384xi32, #tpu.memory_space<vmem>>, vector<16xi32>,
      %shift_right_logical3A_169 = arith.shrui %get3A_168, %broadcast_in_dim3A_5 : vector<16xi32>
      %eq3A_170 = arith.cmpi eq, %shift_right_logical3A_169, %broadcast_in_dim3A_8 : vector<16xi32>
      %sub3A_171 = arith.subi %broadcast_in_dim3A_7, %broadcast_in_dim3A_7 : vector<16xi32>
      %select_n3A_172 = arith.select %eq3A_170, %broadcast_in_dim3A_7, %sub3A_171 : vector<16xi1>, vector<16xi32>
      %broadcast_in_dim3A_173 = arith.constant true
      %broadcast_in_dim3A_174 = vector.broadcast %broadcast_in_dim3A_173 : i1 to vector<16xi1>
      %masked_cumsum3A_175 = tpu.scan <sum>, %select_n3A_172 masked %broadcast_in_dim3A_174 : vector<16xi32>, vector<16xi1> -> vector<16xi32>
      %mul3A_176 = arith.constant 8 : i32
      %mul3A_177 = arith.muli %scan3A_94, %mul3A_176 : i32
      %add3A_178 = arith.constant 3 : i32
      %add3A_179 = arith.addi %mul3A_177, %add3A_178 : i32
      %mul3A_180 = arith.constant 16 : i32
      %mul3A_181 = arith.muli %add3A_179, %mul3A_180 : i32
      %broadcast_in_dim3A_182 = vector.broadcast %mul3A_181 : i32 to vector<16xi32>
      %add3A_183 = arith.addi %iota3A, %broadcast_in_dim3A_182 : vector<16xi32>
      %mul3A_184 = arith.constant 8 : i32
      %mul3A_185 = arith.muli %scan3A_94, %mul3A_184 : i32
      %add3A_186 = arith.constant 4 : i32
      %add3A_187 = arith.addi %mul3A_185, %add3A_186 : i32
      %mul3A_188 = arith.constant 16 : i32
      %mul3A_189 = arith.muli %add3A_187, %mul3A_188 : i32
      %get3A_190 = arith.index_cast %mul3A_189 : i32 to index
      %get3A_191 = tpu.vector_load %arg5[%get3A_190] {strides = array<i32>} : memref<16384xi32, #tpu.memory_space<vmem>>, vector<16xi32>,
      %shift_right_logical3A_192 = arith.shrui %get3A_191, %broadcast_in_dim3A_5 : vector<16xi32>
      %eq3A_193 = arith.cmpi eq, %shift_right_logical3A_192, %broadcast_in_dim3A_8 : vector<16xi32>
      %sub3A_194 = arith.subi %broadcast_in_dim3A_7, %broadcast_in_dim3A_7 : vector<16xi32>
      %select_n3A_195 = arith.select %eq3A_193, %broadcast_in_dim3A_7, %sub3A_194 : vector<16xi1>, vector<16xi32>
      %broadcast_in_dim3A_196 = arith.constant true
      %broadcast_in_dim3A_197 = vector.broadcast %broadcast_in_dim3A_196 : i1 to vector<16xi1>
      %masked_cumsum3A_198 = tpu.scan <sum>, %select_n3A_195 masked %broadcast_in_dim3A_197 : vector<16xi32>, vector<16xi1> -> vector<16xi32>
      %mul3A_199 = arith.constant 8 : i32
      %mul3A_200 = arith.muli %scan3A_94, %mul3A_199 : i32
      %add3A_201 = arith.constant 4 : i32
      %add3A_202 = arith.addi %mul3A_200, %add3A_201 : i32
      %mul3A_203 = arith.constant 16 : i32
      %mul3A_204 = arith.muli %add3A_202, %mul3A_203 : i32
      %broadcast_in_dim3A_205 = vector.broadcast %mul3A_204 : i32 to vector<16xi32>
      %add3A_206 = arith.addi %iota3A, %broadcast_in_dim3A_205 : vector<16xi32>
      %mul3A_207 = arith.constant 8 : i32
      %mul3A_208 = arith.muli %scan3A_94, %mul3A_207 : i32
      %add3A_209 = arith.constant 5 : i32
      %add3A_210 = arith.addi %mul3A_208, %add3A_209 : i32
      %mul3A_211 = arith.constant 16 : i32
      %mul3A_212 = arith.muli %add3A_210, %mul3A_211 : i32
      %get3A_213 = arith.index_cast %mul3A_212 : i32 to index
      %get3A_214 = tpu.vector_load %arg5[%get3A_213] {strides = array<i32>} : memref<16384xi32, #tpu.memory_space<vmem>>, vector<16xi32>,
      %shift_right_logical3A_215 = arith.shrui %get3A_214, %broadcast_in_dim3A_5 : vector<16xi32>
      %eq3A_216 = arith.cmpi eq, %shift_right_logical3A_215, %broadcast_in_dim3A_8 : vector<16xi32>
      %sub3A_217 = arith.subi %broadcast_in_dim3A_7, %broadcast_in_dim3A_7 : vector<16xi32>
      %select_n3A_218 = arith.select %eq3A_216, %broadcast_in_dim3A_7, %sub3A_217 : vector<16xi1>, vector<16xi32>
      %broadcast_in_dim3A_219 = arith.constant true
      %broadcast_in_dim3A_220 = vector.broadcast %broadcast_in_dim3A_219 : i1 to vector<16xi1>
      %masked_cumsum3A_221 = tpu.scan <sum>, %select_n3A_218 masked %broadcast_in_dim3A_220 : vector<16xi32>, vector<16xi1> -> vector<16xi32>
      %mul3A_222 = arith.constant 8 : i32
      %mul3A_223 = arith.muli %scan3A_94, %mul3A_222 : i32
      %add3A_224 = arith.constant 5 : i32
      %add3A_225 = arith.addi %mul3A_223, %add3A_224 : i32
      %mul3A_226 = arith.constant 16 : i32
      %mul3A_227 = arith.muli %add3A_225, %mul3A_226 : i32
      %broadcast_in_dim3A_228 = vector.broadcast %mul3A_227 : i32 to vector<16xi32>
      %add3A_229 = arith.addi %iota3A, %broadcast_in_dim3A_228 : vector<16xi32>
      %mul3A_230 = arith.constant 8 : i32
      %mul3A_231 = arith.muli %scan3A_94, %mul3A_230 : i32
      %add3A_232 = arith.constant 6 : i32
      %add3A_233 = arith.addi %mul3A_231, %add3A_232 : i32
      %mul3A_234 = arith.constant 16 : i32
      %mul3A_235 = arith.muli %add3A_233, %mul3A_234 : i32
      %get3A_236 = arith.index_cast %mul3A_235 : i32 to index
      %get3A_237 = tpu.vector_load %arg5[%get3A_236] {strides = array<i32>} : memref<16384xi32, #tpu.memory_space<vmem>>, vector<16xi32>,
      %shift_right_logical3A_238 = arith.shrui %get3A_237, %broadcast_in_dim3A_5 : vector<16xi32>
      %eq3A_239 = arith.cmpi eq, %shift_right_logical3A_238, %broadcast_in_dim3A_8 : vector<16xi32>
      %sub3A_240 = arith.subi %broadcast_in_dim3A_7, %broadcast_in_dim3A_7 : vector<16xi32>
      %select_n3A_241 = arith.select %eq3A_239, %broadcast_in_dim3A_7, %sub3A_240 : vector<16xi1>, vector<16xi32>
      %broadcast_in_dim3A_242 = arith.constant true
      %broadcast_in_dim3A_243 = vector.broadcast %broadcast_in_dim3A_242 : i1 to vector<16xi1>
      %masked_cumsum3A_244 = tpu.scan <sum>, %select_n3A_241 masked %broadcast_in_dim3A_243 : vector<16xi32>, vector<16xi1> -> vector<16xi32>
      %mul3A_245 = arith.constant 8 : i32
      %mul3A_246 = arith.muli %scan3A_94, %mul3A_245 : i32
      %add3A_247 = arith.constant 6 : i32
      %add3A_248 = arith.addi %mul3A_246, %add3A_247 : i32
      %mul3A_249 = arith.constant 16 : i32
      %mul3A_250 = arith.muli %add3A_248, %mul3A_249 : i32
      %broadcast_in_dim3A_251 = vector.broadcast %mul3A_250 : i32 to vector<16xi32>
      %add3A_252 = arith.addi %iota3A, %broadcast_in_dim3A_251 : vector<16xi32>
      %mul3A_253 = arith.constant 8 : i32
      %mul3A_254 = arith.muli %scan3A_94, %mul3A_253 : i32
      %add3A_255 = arith.constant 7 : i32
      %add3A_256 = arith.addi %mul3A_254, %add3A_255 : i32
      %mul3A_257 = arith.constant 16 : i32
      %mul3A_258 = arith.muli %add3A_256, %mul3A_257 : i32
      %get3A_259 = arith.index_cast %mul3A_258 : i32 to index
      %get3A_260 = tpu.vector_load %arg5[%get3A_259] {strides = array<i32>} : memref<16384xi32, #tpu.memory_space<vmem>>, vector<16xi32>,
      %shift_right_logical3A_261 = arith.shrui %get3A_260, %broadcast_in_dim3A_5 : vector<16xi32>
      %eq3A_262 = arith.cmpi eq, %shift_right_logical3A_261, %broadcast_in_dim3A_8 : vector<16xi32>
      %sub3A_263 = arith.subi %broadcast_in_dim3A_7, %broadcast_in_dim3A_7 : vector<16xi32>
      %select_n3A_264 = arith.select %eq3A_262, %broadcast_in_dim3A_7, %sub3A_263 : vector<16xi1>, vector<16xi32>
      %broadcast_in_dim3A_265 = arith.constant true
      %broadcast_in_dim3A_266 = vector.broadcast %broadcast_in_dim3A_265 : i1 to vector<16xi1>
      %masked_cumsum3A_267 = tpu.scan <sum>, %select_n3A_264 masked %broadcast_in_dim3A_266 : vector<16xi32>, vector<16xi1> -> vector<16xi32>
      %mul3A_268 = arith.constant 8 : i32
      %mul3A_269 = arith.muli %scan3A_94, %mul3A_268 : i32
      %add3A_270 = arith.constant 7 : i32
      %add3A_271 = arith.addi %mul3A_269, %add3A_270 : i32
      %mul3A_272 = arith.constant 16 : i32
      %mul3A_273 = arith.muli %add3A_271, %mul3A_272 : i32
      %broadcast_in_dim3A_274 = vector.broadcast %mul3A_273 : i32 to vector<16xi32>
      %add3A_275 = arith.addi %iota3A, %broadcast_in_dim3A_274 : vector<16xi32>
      %sub3A_276 = arith.subi %masked_cumsum3A, %broadcast_in_dim3A_7 : vector<16xi32>
      %add3A_277 = arith.addi %sub3A_276, %scan3A_95 : vector<16xi32>
      tpu.vector_store_idx %arg6[%add3A_277], %add3A_114 masked %eq3A : memref<16416xi32, #tpu.memory_space<vmem>>[vector<16xi32>], vector<16xi32>, vector<16xi1>
      tpu.vector_store_idx %arg7[%add3A_277], %get3A_102 masked %eq3A : memref<16416xi32, #tpu.memory_space<vmem>>[vector<16xi32>], vector<16xi32>, vector<16xi1>
      %all_reduce_population_count3A = tpu.all_reduce %eq3A {dim = 0 : i64, kind = #tpu.reduction_kind<sum>} : vector<16xi1> -> vector<16xi32>
      %add3A_278 = arith.addi %scan3A_95, %all_reduce_population_count3A : vector<16xi32>
      %sub3A_279 = arith.subi %masked_cumsum3A_129, %broadcast_in_dim3A_7 : vector<16xi32>
      %add3A_280 = arith.addi %sub3A_279, %add3A_278 : vector<16xi32>
      tpu.vector_store_idx %arg6[%add3A_280], %add3A_137 masked %eq3A_124 : memref<16416xi32, #tpu.memory_space<vmem>>[vector<16xi32>], vector<16xi32>, vector<16xi1>
      tpu.vector_store_idx %arg7[%add3A_280], %get3A_122 masked %eq3A_124 : memref<16416xi32, #tpu.memory_space<vmem>>[vector<16xi32>], vector<16xi32>, vector<16xi1>
      %all_reduce_population_count3A_281 = tpu.all_reduce %eq3A_124 {dim = 0 : i64, kind = #tpu.reduction_kind<sum>} : vector<16xi1> -> vector<16xi32>
      %add3A_282 = arith.addi %add3A_278, %all_reduce_population_count3A_281 : vector<16xi32>
      %sub3A_283 = arith.subi %masked_cumsum3A_152, %broadcast_in_dim3A_7 : vector<16xi32>
      %add3A_284 = arith.addi %sub3A_283, %add3A_282 : vector<16xi32>
      tpu.vector_store_idx %arg6[%add3A_284], %add3A_160 masked %eq3A_147 : memref<16416xi32, #tpu.memory_space<vmem>>[vector<16xi32>], vector<16xi32>, vector<16xi1>
      tpu.vector_store_idx %arg7[%add3A_284], %get3A_145 masked %eq3A_147 : memref<16416xi32, #tpu.memory_space<vmem>>[vector<16xi32>], vector<16xi32>, vector<16xi1>
      %all_reduce_population_count3A_285 = tpu.all_reduce %eq3A_147 {dim = 0 : i64, kind = #tpu.reduction_kind<sum>} : vector<16xi1> -> vector<16xi32>
      %add3A_286 = arith.addi %add3A_282, %all_reduce_population_count3A_285 : vector<16xi32>
      %sub3A_287 = arith.subi %masked_cumsum3A_175, %broadcast_in_dim3A_7 : vector<16xi32>
      %add3A_288 = arith.addi %sub3A_287, %add3A_286 : vector<16xi32>
      tpu.vector_store_idx %arg6[%add3A_288], %add3A_183 masked %eq3A_170 : memref<16416xi32, #tpu.memory_space<vmem>>[vector<16xi32>], vector<16xi32>, vector<16xi1>
      tpu.vector_store_idx %arg7[%add3A_288], %get3A_168 masked %eq3A_170 : memref<16416xi32, #tpu.memory_space<vmem>>[vector<16xi32>], vector<16xi32>, vector<16xi1>
      %all_reduce_population_count3A_289 = tpu.all_reduce %eq3A_170 {dim = 0 : i64, kind = #tpu.reduction_kind<sum>} : vector<16xi1> -> vector<16xi32>
      %add3A_290 = arith.addi %add3A_286, %all_reduce_population_count3A_289 : vector<16xi32>
      %sub3A_291 = arith.subi %masked_cumsum3A_198, %broadcast_in_dim3A_7 : vector<16xi32>
      %add3A_292 = arith.addi %sub3A_291, %add3A_290 : vector<16xi32>
      tpu.vector_store_idx %arg6[%add3A_292], %add3A_206 masked %eq3A_193 : memref<16416xi32, #tpu.memory_space<vmem>>[vector<16xi32>], vector<16xi32>, vector<16xi1>
      tpu.vector_store_idx %arg7[%add3A_292], %get3A_191 masked %eq3A_193 : memref<16416xi32, #tpu.memory_space<vmem>>[vector<16xi32>], vector<16xi32>, vector<16xi1>
      %all_reduce_population_count3A_293 = tpu.all_reduce %eq3A_193 {dim = 0 : i64, kind = #tpu.reduction_kind<sum>} : vector<16xi1> -> vector<16xi32>
      %add3A_294 = arith.addi %add3A_290, %all_reduce_population_count3A_293 : vector<16xi32>
      %sub3A_295 = arith.subi %masked_cumsum3A_221, %broadcast_in_dim3A_7 : vector<16xi32>
      %add3A_296 = arith.addi %sub3A_295, %add3A_294 : vector<16xi32>
      tpu.vector_store_idx %arg6[%add3A_296], %add3A_229 masked %eq3A_216 : memref<16416xi32, #tpu.memory_space<vmem>>[vector<16xi32>], vector<16xi32>, vector<16xi1>
      tpu.vector_store_idx %arg7[%add3A_296], %get3A_214 masked %eq3A_216 : memref<16416xi32, #tpu.memory_space<vmem>>[vector<16xi32>], vector<16xi32>, vector<16xi1>
      %all_reduce_population_count3A_297 = tpu.all_reduce %eq3A_216 {dim = 0 : i64, kind = #tpu.reduction_kind<sum>} : vector<16xi1> -> vector<16xi32>
      %add3A_298 = arith.addi %add3A_294, %all_reduce_population_count3A_297 : vector<16xi32>
      %sub3A_299 = arith.subi %masked_cumsum3A_244, %broadcast_in_dim3A_7 : vector<16xi32>
      %add3A_300 = arith.addi %sub3A_299, %add3A_298 : vector<16xi32>
      tpu.vector_store_idx %arg6[%add3A_300], %add3A_252 masked %eq3A_239 : memref<16416xi32, #tpu.memory_space<vmem>>[vector<16xi32>], vector<16xi32>, vector<16xi1>
      tpu.vector_store_idx %arg7[%add3A_300], %get3A_237 masked %eq3A_239 : memref<16416xi32, #tpu.memory_space<vmem>>[vector<16xi32>], vector<16xi32>, vector<16xi1>
      %all_reduce_population_count3A_301 = tpu.all_reduce %eq3A_239 {dim = 0 : i64, kind = #tpu.reduction_kind<sum>} : vector<16xi1> -> vector<16xi32>
      %add3A_302 = arith.addi %add3A_298, %all_reduce_population_count3A_301 : vector<16xi32>
      %sub3A_303 = arith.subi %masked_cumsum3A_267, %broadcast_in_dim3A_7 : vector<16xi32>
      %add3A_304 = arith.addi %sub3A_303, %add3A_302 : vector<16xi32>
      tpu.vector_store_idx %arg6[%add3A_304], %add3A_275 masked %eq3A_262 : memref<16416xi32, #tpu.memory_space<vmem>>[vector<16xi32>], vector<16xi32>, vector<16xi1>
      tpu.vector_store_idx %arg7[%add3A_304], %get3A_260 masked %eq3A_262 : memref<16416xi32, #tpu.memory_space<vmem>>[vector<16xi32>], vector<16xi32>, vector<16xi1>
      %all_reduce_population_count3A_305 = tpu.all_reduce %eq3A_262 {dim = 0 : i64, kind = #tpu.reduction_kind<sum>} : vector<16xi1> -> vector<16xi32>
      %add3A_306 = arith.addi %add3A_302, %all_reduce_population_count3A_305 : vector<16xi32>
      scf.yield %add3A_306 : vector<16xi32>
    }
    %scan3A_32 = arith.constant 128 : i32
    %slice3A = vector.extract_strided_slice %scan3A_31 {offsets = [0], sizes = [1], strides = [1]} : vector<16xi32> to vector<1xi32>
    %squeeze3A = vector.extract %slice3A[0] : i32 from vector<1xi32>
    %broadcast_in_dim3A_33 = arith.constant 0 : i32
    %broadcast_in_dim3A_34 = vector.broadcast %broadcast_in_dim3A_33 : i32 to vector<16xi32>
    %swap3A = arith.index_cast %squeeze3A : i32 to index
    %swap3A_35 = tpu.vector_load %arg6[%swap3A] {strides = array<i32>} : memref<16416xi32, #tpu.memory_space<vmem>>, vector<16xi32>,
    tpu.vector_store %arg6[%swap3A], %broadcast_in_dim3A_34 {strides = array<i32>} : memref<16416xi32, #tpu.memory_space<vmem>>, vector<16xi32>,
    %add3A_36 = arith.constant 16 : i32
    %add3A_37 = arith.addi %squeeze3A, %add3A_36 : i32
    %swap3A_38 = arith.index_cast %add3A_37 : i32 to index
    %swap3A_39 = tpu.vector_load %arg6[%swap3A_38] {strides = array<i32>} : memref<16416xi32, #tpu.memory_space<vmem>>, vector<16xi32>,
    tpu.vector_store %arg6[%swap3A_38], %broadcast_in_dim3A_34 {strides = array<i32>} : memref<16416xi32, #tpu.memory_space<vmem>>, vector<16xi32>,
    %swap3A_40 = arith.index_cast %squeeze3A : i32 to index
    %swap3A_41 = tpu.vector_load %arg7[%swap3A_40] {strides = array<i32>} : memref<16416xi32, #tpu.memory_space<vmem>>, vector<16xi32>,
    tpu.vector_store %arg7[%swap3A_40], %broadcast_in_dim3A_16 {strides = array<i32>} : memref<16416xi32, #tpu.memory_space<vmem>>, vector<16xi32>,
    %add3A_42 = arith.constant 16 : i32
    %add3A_43 = arith.addi %squeeze3A, %add3A_42 : i32
    %swap3A_44 = arith.index_cast %add3A_43 : i32 to index
    %swap3A_45 = tpu.vector_load %arg7[%swap3A_44] {strides = array<i32>} : memref<16416xi32, #tpu.memory_space<vmem>>, vector<16xi32>,
    tpu.vector_store %arg7[%swap3A_44], %broadcast_in_dim3A_16 {strides = array<i32>} : memref<16416xi32, #tpu.memory_space<vmem>>, vector<16xi32>,
    %add3A_46 = arith.constant 32 : i32
    %add3A_47 = arith.addi %squeeze3A, %add3A_46 : i32
    %sub3A = arith.constant 1 : i32
    %sub3A_48 = arith.subi %add3A_47, %sub3A : i32
    %jit3A = arith.constant 32 : i32
    %div3A = arith.divsi %sub3A_48, %jit3A : i32
    %sign3A = arith.constant 0 : i32
    %sign3A_49 = arith.cmpi sgt, %sub3A_48, %sign3A : i32
    %sign3A_50 = arith.extui %sign3A_49 : i1 to i32
    %sign3A_51 = arith.constant 0 : i32
    %sign3A_52 = arith.cmpi slt, %sub3A_48, %sign3A_51 : i32
    %sign3A_53 = arith.extui %sign3A_52 : i1 to i32
    %sign3A_54 = arith.subi %sign3A_50, %sign3A_53 : i32
    %sign3A_55 = arith.constant 0 : i32
    %sign3A_56 = arith.cmpi sgt, %jit3A, %sign3A_55 : i32
    %sign3A_57 = arith.extui %sign3A_56 : i1 to i32
    %sign3A_58 = arith.constant 0 : i32
    %sign3A_59 = arith.cmpi slt, %jit3A, %sign3A_58 : i32
    %sign3A_60 = arith.extui %sign3A_59 : i1 to i32
    %sign3A_61 = arith.subi %sign3A_57, %sign3A_60 : i32
    %ne3A = arith.cmpi ne, %sign3A_54, %sign3A_61 : i32
    %rem3A = arith.remsi %sub3A_48, %jit3A : i32
    %ne3A_62 = arith.constant 0 : i32
    %ne3A_63 = arith.cmpi ne, %rem3A, %ne3A_62 : i32
    %and3A = arith.andi %ne3A, %ne3A_63 : i1
    %sub3A_64 = arith.constant 1 : i32
    %sub3A_65 = arith.subi %div3A, %sub3A_64 : i32
    %select_n3A = arith.select %and3A, %sub3A_65, %div3A : i32
    %mul3A_66 = arith.constant 2 : i32
    %mul3A_67 = arith.muli %select_n3A, %mul3A_66 : i32
    %gt3A = arith.constant 0 : i32
    %gt3A_68 = arith.cmpi sgt, %mul3A_67, %gt3A : i32
    %convert_element_type3A = arith.extui %gt3A_68 : i1 to i32
    %cond3A = arith.constant 0 : i32
    %cond3A_69 = arith.cmpi ne, %convert_element_type3A, %cond3A : i32
    scf.if %cond3A_69 {
      %dma_start3A = arith.constant 0 : i32
      %dma_start3A_94 = tpu.memref_slice %arg6[%dma_start3A] : memref<16416xi32, #tpu.memory_space<vmem>> -> memref<16xi32, #tpu.memory_space<vmem>>
      %dma_start3A_95 = arith.constant 0 : i32
      %dma_start3A_96 = arith.constant 0 : i32
      %dma_start3A_97 = tpu.memref_slice %arg2[%dma_start3A_95, %dma_start3A_96] : memref<16384x512xf32, #tpu.memory_space<hbm>> -> memref<16384x512xf32, #tpu.memory_space<hbm>>
      tpu.enqueue_indirect_dma source(%dma_start3A_97 : memref<16384x512xf32, #tpu.memory_space<hbm>>) target(%arg8 : memref<16x512xf32, #tpu.memory_space<vmem>>) offsets(%dma_start3A_94 : memref<16xi32, #tpu.memory_space<vmem>>) semaphore(%arg13 : memref<!tpu.dma_semaphore, #tpu.memory_space<semaphore_mem>>)
    } else {
    }
    %gt3A_70 = arith.constant 1 : i32
    %gt3A_71 = arith.cmpi sgt, %mul3A_67, %gt3A_70 : i32
    %convert_element_type3A_72 = arith.extui %gt3A_71 : i1 to i32
    %cond3A_73 = arith.constant 0 : i32
    %cond3A_74 = arith.cmpi ne, %convert_element_type3A_72, %cond3A_73 : i32
    scf.if %cond3A_74 {
      %dma_start3A = arith.constant 16 : i32
      %dma_start3A_94 = tpu.memref_slice %arg6[%dma_start3A] : memref<16416xi32, #tpu.memory_space<vmem>> -> memref<16xi32, #tpu.memory_space<vmem>>
      %dma_start3A_95 = arith.constant 0 : i32
      %dma_start3A_96 = arith.constant 0 : i32
      %dma_start3A_97 = tpu.memref_slice %arg2[%dma_start3A_95, %dma_start3A_96] : memref<16384x512xf32, #tpu.memory_space<hbm>> -> memref<16384x512xf32, #tpu.memory_space<hbm>>
      tpu.enqueue_indirect_dma source(%dma_start3A_97 : memref<16384x512xf32, #tpu.memory_space<hbm>>) target(%arg9 : memref<16x512xf32, #tpu.memory_space<vmem>>) offsets(%dma_start3A_94 : memref<16xi32, #tpu.memory_space<vmem>>) semaphore(%arg14 : memref<!tpu.dma_semaphore, #tpu.memory_space<semaphore_mem>>)
    } else {
    }
    %while3A = arith.constant 0 : i32
    %while3A_75 = arith.constant 0 : i32
    %while3A_76 = arith.subi %select_n3A, %while3A : i32
    %while3A_77 = arith.addi %while3A, %while3A_76 : i32
    %while3A_78 = arith.constant 1 : i32
    %while3A_79 = arith.divsi %while3A_76, %while3A_78 : i32
    %while3A_80 = arith.muli %while3A_79, %while3A_78 : i32
    %while3A_81 = arith.addi %while3A, %while3A_80 : i32
    %while3A_82 = arith.constant 1 : i32
    %while3A_83 = scf.for %while3A_94 = %while3A to %while3A_81 step %while3A_82 iter_args(%while3A_95 = %while3A_75) -> (i32)  : i32 {
      %mul3A_96 = arith.constant 2 : i32
      %mul3A_97 = arith.muli %mul3A_96, %while3A_94 : i32
      %mul3A_98 = arith.constant 16 : i32
      %mul3A_99 = arith.muli %mul3A_97, %mul3A_98 : i32
      %dma_wait3A = tpu.memref_slice %arg6[%mul3A_99] : memref<16416xi32, #tpu.memory_space<vmem>> -> memref<16xi32, #tpu.memory_space<vmem>>
      %dma_wait3A_100 = arith.constant 0 : i32
      %dma_wait3A_101 = arith.constant 0 : i32
      %dma_wait3A_102 = tpu.memref_slice %arg2[%dma_wait3A_100, %dma_wait3A_101] : memref<16384x512xf32, #tpu.memory_space<hbm>> -> memref<16384x512xf32, #tpu.memory_space<hbm>>
      tpu.wait_indirect_dma semaphore(%arg13 : memref<!tpu.dma_semaphore, #tpu.memory_space<semaphore_mem>>) src(%dma_wait3A_102 : memref<16384x512xf32, #tpu.memory_space<hbm>>) dst(%arg8 : memref<16x512xf32, #tpu.memory_space<vmem>>)
      %mul3A_103 = arith.constant 16 : i32
      %mul3A_104 = arith.muli %mul3A_97, %mul3A_103 : i32
      %get3A = arith.index_cast %mul3A_104 : i32 to index
      %get3A_105 = tpu.vector_load %arg7[%get3A] {strides = array<i32>} : memref<16416xi32, #tpu.memory_space<vmem>>, vector<16xi32>,
      %sub3A_106 = arith.subi %get3A_105, %broadcast_in_dim3A_11 : vector<16xi32>
      %slice3A_107 = vector.extract_strided_slice %sub3A_106 {offsets = [0], sizes = [1], strides = [1]} : vector<16xi32> to vector<1xi32>
      %squeeze3A_108 = vector.extract %slice3A_107[0] : i32 from vector<1xi32>
      %get3A_109 = arith.index_cast %squeeze3A_108 : i32 to index
      %get3A_110 = memref.load %arg11[%get3A_109] : memref<33xf32, #tpu.memory_space<smem>>
      %add3A_111 = arith.constant 1.000000e+00 : f32
      %add3A_112 = arith.addf %get3A_110, %add3A_111 : f32
      %swap3A_113 = arith.index_cast %squeeze3A_108 : i32 to index
      %swap3A_114 = memref.load %arg11[%swap3A_113] : memref<33xf32, #tpu.memory_space<smem>>
      memref.store %add3A_112, %arg11[%swap3A_113] : memref<33xf32, #tpu.memory_space<smem>>
      %parallel_loop3A = arith.constant 0 : i32
      %parallel_loop3A_115 = arith.constant 32 : i32
      %parallel_loop3A_116 = arith.constant 1 : i32
      scf.for %parallel_loop3A_483 = %parallel_loop3A to %parallel_loop3A_115 step %parallel_loop3A_116  : i32 {
        %parallel_loop3A_484 = arith.constant 16 : i32
        %parallel_loop3A_485 = arith.muli %parallel_loop3A_483, %parallel_loop3A_484 : i32
        %parallel_loop3A_486 = arith.constant 0 : i32
        %parallel_loop3A_487 = arith.index_cast %parallel_loop3A_486 : i32 to index
        %parallel_loop3A_488 = arith.index_cast %parallel_loop3A_485 : i32 to index
        %parallel_loop3A_489 = tpu.vector_load %arg8[%parallel_loop3A_487, %parallel_loop3A_488] {strides = array<i32>} : memref<16x512xf32, #tpu.memory_space<vmem>>, vector<16xf32>,
        %parallel_loop3A_490 = arith.constant 16 : i32
        %parallel_loop3A_491 = arith.muli %parallel_loop3A_483, %parallel_loop3A_490 : i32
        %parallel_loop3A_492 = arith.index_cast %squeeze3A_108 : i32 to index
        %parallel_loop3A_493 = arith.index_cast %parallel_loop3A_491 : i32 to index
        %parallel_loop3A_494 = tpu.vector_load %arg10[%parallel_loop3A_492, %parallel_loop3A_493] {strides = array<i32>} : memref<33x512xf32, #tpu.memory_space<vmem>>, vector<16xf32>,
        tpu.vector_store %arg10[%parallel_loop3A_492, %parallel_loop3A_493], %parallel_loop3A_489 {add = true, strides = array<i32>} : memref<33x512xf32, #tpu.memory_space<vmem>>, vector<16xf32>,
      } {sc.loop_unroll_factor = 8 : i64, sc.parallel_access}
      %slice3A_117 = vector.extract_strided_slice %sub3A_106 {offsets = [1], sizes = [1], strides = [1]} : vector<16xi32> to vector<1xi32>
      %squeeze3A_118 = vector.extract %slice3A_117[0] : i32 from vector<1xi32>
      %get3A_119 = arith.index_cast %squeeze3A_118 : i32 to index
      %get3A_120 = memref.load %arg11[%get3A_119] : memref<33xf32, #tpu.memory_space<smem>>
      %add3A_121 = arith.constant 1.000000e+00 : f32
      %add3A_122 = arith.addf %get3A_120, %add3A_121 : f32
      %swap3A_123 = arith.index_cast %squeeze3A_118 : i32 to index
      %swap3A_124 = memref.load %arg11[%swap3A_123] : memref<33xf32, #tpu.memory_space<smem>>
      memref.store %add3A_122, %arg11[%swap3A_123] : memref<33xf32, #tpu.memory_space<smem>>
      %parallel_loop3A_125 = arith.constant 0 : i32
      %parallel_loop3A_126 = arith.constant 32 : i32
      %parallel_loop3A_127 = arith.constant 1 : i32
      scf.for %parallel_loop3A_483 = %parallel_loop3A_125 to %parallel_loop3A_126 step %parallel_loop3A_127  : i32 {
        %parallel_loop3A_484 = arith.constant 16 : i32
        %parallel_loop3A_485 = arith.muli %parallel_loop3A_483, %parallel_loop3A_484 : i32
        %parallel_loop3A_486 = arith.constant 1 : i32
        %parallel_loop3A_487 = arith.index_cast %parallel_loop3A_486 : i32 to index
        %parallel_loop3A_488 = arith.index_cast %parallel_loop3A_485 : i32 to index
        %parallel_loop3A_489 = tpu.vector_load %arg8[%parallel_loop3A_487, %parallel_loop3A_488] {strides = array<i32>} : memref<16x512xf32, #tpu.memory_space<vmem>>, vector<16xf32>,
        %parallel_loop3A_490 = arith.constant 16 : i32
        %parallel_loop3A_491 = arith.muli %parallel_loop3A_483, %parallel_loop3A_490 : i32
        %parallel_loop3A_492 = arith.index_cast %squeeze3A_118 : i32 to index
        %parallel_loop3A_493 = arith.index_cast %parallel_loop3A_491 : i32 to index
        %parallel_loop3A_494 = tpu.vector_load %arg10[%parallel_loop3A_492, %parallel_loop3A_493] {strides = array<i32>} : memref<33x512xf32, #tpu.memory_space<vmem>>, vector<16xf32>,
        tpu.vector_store %arg10[%parallel_loop3A_492, %parallel_loop3A_493], %parallel_loop3A_489 {add = true, strides = array<i32>} : memref<33x512xf32, #tpu.memory_space<vmem>>, vector<16xf32>,
      } {sc.loop_unroll_factor = 8 : i64, sc.parallel_access}
      %slice3A_128 = vector.extract_strided_slice %sub3A_106 {offsets = [2], sizes = [1], strides = [1]} : vector<16xi32> to vector<1xi32>
      %squeeze3A_129 = vector.extract %slice3A_128[0] : i32 from vector<1xi32>
      %get3A_130 = arith.index_cast %squeeze3A_129 : i32 to index
      %get3A_131 = memref.load %arg11[%get3A_130] : memref<33xf32, #tpu.memory_space<smem>>
      %add3A_132 = arith.constant 1.000000e+00 : f32
      %add3A_133 = arith.addf %get3A_131, %add3A_132 : f32
      %swap3A_134 = arith.index_cast %squeeze3A_129 : i32 to index
      %swap3A_135 = memref.load %arg11[%swap3A_134] : memref<33xf32, #tpu.memory_space<smem>>
      memref.store %add3A_133, %arg11[%swap3A_134] : memref<33xf32, #tpu.memory_space<smem>>
      %parallel_loop3A_136 = arith.constant 0 : i32
      %parallel_loop3A_137 = arith.constant 32 : i32
      %parallel_loop3A_138 = arith.constant 1 : i32
      scf.for %parallel_loop3A_483 = %parallel_loop3A_136 to %parallel_loop3A_137 step %parallel_loop3A_138  : i32 {
        %parallel_loop3A_484 = arith.constant 16 : i32
        %parallel_loop3A_485 = arith.muli %parallel_loop3A_483, %parallel_loop3A_484 : i32
        %parallel_loop3A_486 = arith.constant 2 : i32
        %parallel_loop3A_487 = arith.index_cast %parallel_loop3A_486 : i32 to index
        %parallel_loop3A_488 = arith.index_cast %parallel_loop3A_485 : i32 to index
        %parallel_loop3A_489 = tpu.vector_load %arg8[%parallel_loop3A_487, %parallel_loop3A_488] {strides = array<i32>} : memref<16x512xf32, #tpu.memory_space<vmem>>, vector<16xf32>,
        %parallel_loop3A_490 = arith.constant 16 : i32
        %parallel_loop3A_491 = arith.muli %parallel_loop3A_483, %parallel_loop3A_490 : i32
        %parallel_loop3A_492 = arith.index_cast %squeeze3A_129 : i32 to index
        %parallel_loop3A_493 = arith.index_cast %parallel_loop3A_491 : i32 to index
        %parallel_loop3A_494 = tpu.vector_load %arg10[%parallel_loop3A_492, %parallel_loop3A_493] {strides = array<i32>} : memref<33x512xf32, #tpu.memory_space<vmem>>, vector<16xf32>,
        tpu.vector_store %arg10[%parallel_loop3A_492, %parallel_loop3A_493], %parallel_loop3A_489 {add = true, strides = array<i32>} : memref<33x512xf32, #tpu.memory_space<vmem>>, vector<16xf32>,
      } {sc.loop_unroll_factor = 8 : i64, sc.parallel_access}
      %slice3A_139 = vector.extract_strided_slice %sub3A_106 {offsets = [3], sizes = [1], strides = [1]} : vector<16xi32> to vector<1xi32>
      %squeeze3A_140 = vector.extract %slice3A_139[0] : i32 from vector<1xi32>
      %get3A_141 = arith.index_cast %squeeze3A_140 : i32 to index
      %get3A_142 = memref.load %arg11[%get3A_141] : memref<33xf32, #tpu.memory_space<smem>>
      %add3A_143 = arith.constant 1.000000e+00 : f32
      %add3A_144 = arith.addf %get3A_142, %add3A_143 : f32
      %swap3A_145 = arith.index_cast %squeeze3A_140 : i32 to index
      %swap3A_146 = memref.load %arg11[%swap3A_145] : memref<33xf32, #tpu.memory_space<smem>>
      memref.store %add3A_144, %arg11[%swap3A_145] : memref<33xf32, #tpu.memory_space<smem>>
      %parallel_loop3A_147 = arith.constant 0 : i32
      %parallel_loop3A_148 = arith.constant 32 : i32
      %parallel_loop3A_149 = arith.constant 1 : i32
      scf.for %parallel_loop3A_483 = %parallel_loop3A_147 to %parallel_loop3A_148 step %parallel_loop3A_149  : i32 {
        %parallel_loop3A_484 = arith.constant 16 : i32
        %parallel_loop3A_485 = arith.muli %parallel_loop3A_483, %parallel_loop3A_484 : i32
        %parallel_loop3A_486 = arith.constant 3 : i32
        %parallel_loop3A_487 = arith.index_cast %parallel_loop3A_486 : i32 to index
        %parallel_loop3A_488 = arith.index_cast %parallel_loop3A_485 : i32 to index
        %parallel_loop3A_489 = tpu.vector_load %arg8[%parallel_loop3A_487, %parallel_loop3A_488] {strides = array<i32>} : memref<16x512xf32, #tpu.memory_space<vmem>>, vector<16xf32>,
        %parallel_loop3A_490 = arith.constant 16 : i32
        %parallel_loop3A_491 = arith.muli %parallel_loop3A_483, %parallel_loop3A_490 : i32
        %parallel_loop3A_492 = arith.index_cast %squeeze3A_140 : i32 to index
        %parallel_loop3A_493 = arith.index_cast %parallel_loop3A_491 : i32 to index
        %parallel_loop3A_494 = tpu.vector_load %arg10[%parallel_loop3A_492, %parallel_loop3A_493] {strides = array<i32>} : memref<33x512xf32, #tpu.memory_space<vmem>>, vector<16xf32>,
        tpu.vector_store %arg10[%parallel_loop3A_492, %parallel_loop3A_493], %parallel_loop3A_489 {add = true, strides = array<i32>} : memref<33x512xf32, #tpu.memory_space<vmem>>, vector<16xf32>,
      } {sc.loop_unroll_factor = 8 : i64, sc.parallel_access}
      %slice3A_150 = vector.extract_strided_slice %sub3A_106 {offsets = [4], sizes = [1], strides = [1]} : vector<16xi32> to vector<1xi32>
      %squeeze3A_151 = vector.extract %slice3A_150[0] : i32 from vector<1xi32>
      %get3A_152 = arith.index_cast %squeeze3A_151 : i32 to index
      %get3A_153 = memref.load %arg11[%get3A_152] : memref<33xf32, #tpu.memory_space<smem>>
      %add3A_154 = arith.constant 1.000000e+00 : f32
      %add3A_155 = arith.addf %get3A_153, %add3A_154 : f32
      %swap3A_156 = arith.index_cast %squeeze3A_151 : i32 to index
      %swap3A_157 = memref.load %arg11[%swap3A_156] : memref<33xf32, #tpu.memory_space<smem>>
      memref.store %add3A_155, %arg11[%swap3A_156] : memref<33xf32, #tpu.memory_space<smem>>
      %parallel_loop3A_158 = arith.constant 0 : i32
      %parallel_loop3A_159 = arith.constant 32 : i32
      %parallel_loop3A_160 = arith.constant 1 : i32
      scf.for %parallel_loop3A_483 = %parallel_loop3A_158 to %parallel_loop3A_159 step %parallel_loop3A_160  : i32 {
        %parallel_loop3A_484 = arith.constant 16 : i32
        %parallel_loop3A_485 = arith.muli %parallel_loop3A_483, %parallel_loop3A_484 : i32
        %parallel_loop3A_486 = arith.constant 4 : i32
        %parallel_loop3A_487 = arith.index_cast %parallel_loop3A_486 : i32 to index
        %parallel_loop3A_488 = arith.index_cast %parallel_loop3A_485 : i32 to index
        %parallel_loop3A_489 = tpu.vector_load %arg8[%parallel_loop3A_487, %parallel_loop3A_488] {strides = array<i32>} : memref<16x512xf32, #tpu.memory_space<vmem>>, vector<16xf32>,
        %parallel_loop3A_490 = arith.constant 16 : i32
        %parallel_loop3A_491 = arith.muli %parallel_loop3A_483, %parallel_loop3A_490 : i32
        %parallel_loop3A_492 = arith.index_cast %squeeze3A_151 : i32 to index
        %parallel_loop3A_493 = arith.index_cast %parallel_loop3A_491 : i32 to index
        %parallel_loop3A_494 = tpu.vector_load %arg10[%parallel_loop3A_492, %parallel_loop3A_493] {strides = array<i32>} : memref<33x512xf32, #tpu.memory_space<vmem>>, vector<16xf32>,
        tpu.vector_store %arg10[%parallel_loop3A_492, %parallel_loop3A_493], %parallel_loop3A_489 {add = true, strides = array<i32>} : memref<33x512xf32, #tpu.memory_space<vmem>>, vector<16xf32>,
      } {sc.loop_unroll_factor = 8 : i64, sc.parallel_access}
      %slice3A_161 = vector.extract_strided_slice %sub3A_106 {offsets = [5], sizes = [1], strides = [1]} : vector<16xi32> to vector<1xi32>
      %squeeze3A_162 = vector.extract %slice3A_161[0] : i32 from vector<1xi32>
      %get3A_163 = arith.index_cast %squeeze3A_162 : i32 to index
      %get3A_164 = memref.load %arg11[%get3A_163] : memref<33xf32, #tpu.memory_space<smem>>
      %add3A_165 = arith.constant 1.000000e+00 : f32
      %add3A_166 = arith.addf %get3A_164, %add3A_165 : f32
      %swap3A_167 = arith.index_cast %squeeze3A_162 : i32 to index
      %swap3A_168 = memref.load %arg11[%swap3A_167] : memref<33xf32, #tpu.memory_space<smem>>
      memref.store %add3A_166, %arg11[%swap3A_167] : memref<33xf32, #tpu.memory_space<smem>>
      %parallel_loop3A_169 = arith.constant 0 : i32
      %parallel_loop3A_170 = arith.constant 32 : i32
      %parallel_loop3A_171 = arith.constant 1 : i32
      scf.for %parallel_loop3A_483 = %parallel_loop3A_169 to %parallel_loop3A_170 step %parallel_loop3A_171  : i32 {
        %parallel_loop3A_484 = arith.constant 16 : i32
        %parallel_loop3A_485 = arith.muli %parallel_loop3A_483, %parallel_loop3A_484 : i32
        %parallel_loop3A_486 = arith.constant 5 : i32
        %parallel_loop3A_487 = arith.index_cast %parallel_loop3A_486 : i32 to index
        %parallel_loop3A_488 = arith.index_cast %parallel_loop3A_485 : i32 to index
        %parallel_loop3A_489 = tpu.vector_load %arg8[%parallel_loop3A_487, %parallel_loop3A_488] {strides = array<i32>} : memref<16x512xf32, #tpu.memory_space<vmem>>, vector<16xf32>,
        %parallel_loop3A_490 = arith.constant 16 : i32
        %parallel_loop3A_491 = arith.muli %parallel_loop3A_483, %parallel_loop3A_490 : i32
        %parallel_loop3A_492 = arith.index_cast %squeeze3A_162 : i32 to index
        %parallel_loop3A_493 = arith.index_cast %parallel_loop3A_491 : i32 to index
        %parallel_loop3A_494 = tpu.vector_load %arg10[%parallel_loop3A_492, %parallel_loop3A_493] {strides = array<i32>} : memref<33x512xf32, #tpu.memory_space<vmem>>, vector<16xf32>,
        tpu.vector_store %arg10[%parallel_loop3A_492, %parallel_loop3A_493], %parallel_loop3A_489 {add = true, strides = array<i32>} : memref<33x512xf32, #tpu.memory_space<vmem>>, vector<16xf32>,
      } {sc.loop_unroll_factor = 8 : i64, sc.parallel_access}
      %slice3A_172 = vector.extract_strided_slice %sub3A_106 {offsets = [6], sizes = [1], strides = [1]} : vector<16xi32> to vector<1xi32>
      %squeeze3A_173 = vector.extract %slice3A_172[0] : i32 from vector<1xi32>
      %get3A_174 = arith.index_cast %squeeze3A_173 : i32 to index
      %get3A_175 = memref.load %arg11[%get3A_174] : memref<33xf32, #tpu.memory_space<smem>>
      %add3A_176 = arith.constant 1.000000e+00 : f32
      %add3A_177 = arith.addf %get3A_175, %add3A_176 : f32
      %swap3A_178 = arith.index_cast %squeeze3A_173 : i32 to index
      %swap3A_179 = memref.load %arg11[%swap3A_178] : memref<33xf32, #tpu.memory_space<smem>>
      memref.store %add3A_177, %arg11[%swap3A_178] : memref<33xf32, #tpu.memory_space<smem>>
      %parallel_loop3A_180 = arith.constant 0 : i32
      %parallel_loop3A_181 = arith.constant 32 : i32
      %parallel_loop3A_182 = arith.constant 1 : i32
      scf.for %parallel_loop3A_483 = %parallel_loop3A_180 to %parallel_loop3A_181 step %parallel_loop3A_182  : i32 {
        %parallel_loop3A_484 = arith.constant 16 : i32
        %parallel_loop3A_485 = arith.muli %parallel_loop3A_483, %parallel_loop3A_484 : i32
        %parallel_loop3A_486 = arith.constant 6 : i32
        %parallel_loop3A_487 = arith.index_cast %parallel_loop3A_486 : i32 to index
        %parallel_loop3A_488 = arith.index_cast %parallel_loop3A_485 : i32 to index
        %parallel_loop3A_489 = tpu.vector_load %arg8[%parallel_loop3A_487, %parallel_loop3A_488] {strides = array<i32>} : memref<16x512xf32, #tpu.memory_space<vmem>>, vector<16xf32>,
        %parallel_loop3A_490 = arith.constant 16 : i32
        %parallel_loop3A_491 = arith.muli %parallel_loop3A_483, %parallel_loop3A_490 : i32
        %parallel_loop3A_492 = arith.index_cast %squeeze3A_173 : i32 to index
        %parallel_loop3A_493 = arith.index_cast %parallel_loop3A_491 : i32 to index
        %parallel_loop3A_494 = tpu.vector_load %arg10[%parallel_loop3A_492, %parallel_loop3A_493] {strides = array<i32>} : memref<33x512xf32, #tpu.memory_space<vmem>>, vector<16xf32>,
        tpu.vector_store %arg10[%parallel_loop3A_492, %parallel_loop3A_493], %parallel_loop3A_489 {add = true, strides = array<i32>} : memref<33x512xf32, #tpu.memory_space<vmem>>, vector<16xf32>,
      } {sc.loop_unroll_factor = 8 : i64, sc.parallel_access}
      %slice3A_183 = vector.extract_strided_slice %sub3A_106 {offsets = [7], sizes = [1], strides = [1]} : vector<16xi32> to vector<1xi32>
      %squeeze3A_184 = vector.extract %slice3A_183[0] : i32 from vector<1xi32>
      %get3A_185 = arith.index_cast %squeeze3A_184 : i32 to index
      %get3A_186 = memref.load %arg11[%get3A_185] : memref<33xf32, #tpu.memory_space<smem>>
      %add3A_187 = arith.constant 1.000000e+00 : f32
      %add3A_188 = arith.addf %get3A_186, %add3A_187 : f32
      %swap3A_189 = arith.index_cast %squeeze3A_184 : i32 to index
      %swap3A_190 = memref.load %arg11[%swap3A_189] : memref<33xf32, #tpu.memory_space<smem>>
      memref.store %add3A_188, %arg11[%swap3A_189] : memref<33xf32, #tpu.memory_space<smem>>
      %parallel_loop3A_191 = arith.constant 0 : i32
      %parallel_loop3A_192 = arith.constant 32 : i32
      %parallel_loop3A_193 = arith.constant 1 : i32
      scf.for %parallel_loop3A_483 = %parallel_loop3A_191 to %parallel_loop3A_192 step %parallel_loop3A_193  : i32 {
        %parallel_loop3A_484 = arith.constant 16 : i32
        %parallel_loop3A_485 = arith.muli %parallel_loop3A_483, %parallel_loop3A_484 : i32
        %parallel_loop3A_486 = arith.constant 7 : i32
        %parallel_loop3A_487 = arith.index_cast %parallel_loop3A_486 : i32 to index
        %parallel_loop3A_488 = arith.index_cast %parallel_loop3A_485 : i32 to index
        %parallel_loop3A_489 = tpu.vector_load %arg8[%parallel_loop3A_487, %parallel_loop3A_488] {strides = array<i32>} : memref<16x512xf32, #tpu.memory_space<vmem>>, vector<16xf32>,
        %parallel_loop3A_490 = arith.constant 16 : i32
        %parallel_loop3A_491 = arith.muli %parallel_loop3A_483, %parallel_loop3A_490 : i32
        %parallel_loop3A_492 = arith.index_cast %squeeze3A_184 : i32 to index
        %parallel_loop3A_493 = arith.index_cast %parallel_loop3A_491 : i32 to index
        %parallel_loop3A_494 = tpu.vector_load %arg10[%parallel_loop3A_492, %parallel_loop3A_493] {strides = array<i32>} : memref<33x512xf32, #tpu.memory_space<vmem>>, vector<16xf32>,
        tpu.vector_store %arg10[%parallel_loop3A_492, %parallel_loop3A_493], %parallel_loop3A_489 {add = true, strides = array<i32>} : memref<33x512xf32, #tpu.memory_space<vmem>>, vector<16xf32>,
      } {sc.loop_unroll_factor = 8 : i64, sc.parallel_access}
      %slice3A_194 = vector.extract_strided_slice %sub3A_106 {offsets = [8], sizes = [1], strides = [1]} : vector<16xi32> to vector<1xi32>
      %squeeze3A_195 = vector.extract %slice3A_194[0] : i32 from vector<1xi32>
      %get3A_196 = arith.index_cast %squeeze3A_195 : i32 to index
      %get3A_197 = memref.load %arg11[%get3A_196] : memref<33xf32, #tpu.memory_space<smem>>
      %add3A_198 = arith.constant 1.000000e+00 : f32
      %add3A_199 = arith.addf %get3A_197, %add3A_198 : f32
      %swap3A_200 = arith.index_cast %squeeze3A_195 : i32 to index
      %swap3A_201 = memref.load %arg11[%swap3A_200] : memref<33xf32, #tpu.memory_space<smem>>
      memref.store %add3A_199, %arg11[%swap3A_200] : memref<33xf32, #tpu.memory_space<smem>>
      %parallel_loop3A_202 = arith.constant 0 : i32
      %parallel_loop3A_203 = arith.constant 32 : i32
      %parallel_loop3A_204 = arith.constant 1 : i32
      scf.for %parallel_loop3A_483 = %parallel_loop3A_202 to %parallel_loop3A_203 step %parallel_loop3A_204  : i32 {
        %parallel_loop3A_484 = arith.constant 16 : i32
        %parallel_loop3A_485 = arith.muli %parallel_loop3A_483, %parallel_loop3A_484 : i32
        %parallel_loop3A_486 = arith.constant 8 : i32
        %parallel_loop3A_487 = arith.index_cast %parallel_loop3A_486 : i32 to index
        %parallel_loop3A_488 = arith.index_cast %parallel_loop3A_485 : i32 to index
        %parallel_loop3A_489 = tpu.vector_load %arg8[%parallel_loop3A_487, %parallel_loop3A_488] {strides = array<i32>} : memref<16x512xf32, #tpu.memory_space<vmem>>, vector<16xf32>,
        %parallel_loop3A_490 = arith.constant 16 : i32
        %parallel_loop3A_491 = arith.muli %parallel_loop3A_483, %parallel_loop3A_490 : i32
        %parallel_loop3A_492 = arith.index_cast %squeeze3A_195 : i32 to index
        %parallel_loop3A_493 = arith.index_cast %parallel_loop3A_491 : i32 to index
        %parallel_loop3A_494 = tpu.vector_load %arg10[%parallel_loop3A_492, %parallel_loop3A_493] {strides = array<i32>} : memref<33x512xf32, #tpu.memory_space<vmem>>, vector<16xf32>,
        tpu.vector_store %arg10[%parallel_loop3A_492, %parallel_loop3A_493], %parallel_loop3A_489 {add = true, strides = array<i32>} : memref<33x512xf32, #tpu.memory_space<vmem>>, vector<16xf32>,
      } {sc.loop_unroll_factor = 8 : i64, sc.parallel_access}
      %slice3A_205 = vector.extract_strided_slice %sub3A_106 {offsets = [9], sizes = [1], strides = [1]} : vector<16xi32> to vector<1xi32>
      %squeeze3A_206 = vector.extract %slice3A_205[0] : i32 from vector<1xi32>
      %get3A_207 = arith.index_cast %squeeze3A_206 : i32 to index
      %get3A_208 = memref.load %arg11[%get3A_207] : memref<33xf32, #tpu.memory_space<smem>>
      %add3A_209 = arith.constant 1.000000e+00 : f32
      %add3A_210 = arith.addf %get3A_208, %add3A_209 : f32
      %swap3A_211 = arith.index_cast %squeeze3A_206 : i32 to index
      %swap3A_212 = memref.load %arg11[%swap3A_211] : memref<33xf32, #tpu.memory_space<smem>>
      memref.store %add3A_210, %arg11[%swap3A_211] : memref<33xf32, #tpu.memory_space<smem>>
      %parallel_loop3A_213 = arith.constant 0 : i32
      %parallel_loop3A_214 = arith.constant 32 : i32
      %parallel_loop3A_215 = arith.constant 1 : i32
      scf.for %parallel_loop3A_483 = %parallel_loop3A_213 to %parallel_loop3A_214 step %parallel_loop3A_215  : i32 {
        %parallel_loop3A_484 = arith.constant 16 : i32
        %parallel_loop3A_485 = arith.muli %parallel_loop3A_483, %parallel_loop3A_484 : i32
        %parallel_loop3A_486 = arith.constant 9 : i32
        %parallel_loop3A_487 = arith.index_cast %parallel_loop3A_486 : i32 to index
        %parallel_loop3A_488 = arith.index_cast %parallel_loop3A_485 : i32 to index
        %parallel_loop3A_489 = tpu.vector_load %arg8[%parallel_loop3A_487, %parallel_loop3A_488] {strides = array<i32>} : memref<16x512xf32, #tpu.memory_space<vmem>>, vector<16xf32>,
        %parallel_loop3A_490 = arith.constant 16 : i32
        %parallel_loop3A_491 = arith.muli %parallel_loop3A_483, %parallel_loop3A_490 : i32
        %parallel_loop3A_492 = arith.index_cast %squeeze3A_206 : i32 to index
        %parallel_loop3A_493 = arith.index_cast %parallel_loop3A_491 : i32 to index
        %parallel_loop3A_494 = tpu.vector_load %arg10[%parallel_loop3A_492, %parallel_loop3A_493] {strides = array<i32>} : memref<33x512xf32, #tpu.memory_space<vmem>>, vector<16xf32>,
        tpu.vector_store %arg10[%parallel_loop3A_492, %parallel_loop3A_493], %parallel_loop3A_489 {add = true, strides = array<i32>} : memref<33x512xf32, #tpu.memory_space<vmem>>, vector<16xf32>,
      } {sc.loop_unroll_factor = 8 : i64, sc.parallel_access}
      %slice3A_216 = vector.extract_strided_slice %sub3A_106 {offsets = [10], sizes = [1], strides = [1]} : vector<16xi32> to vector<1xi32>
      %squeeze3A_217 = vector.extract %slice3A_216[0] : i32 from vector<1xi32>
      %get3A_218 = arith.index_cast %squeeze3A_217 : i32 to index
      %get3A_219 = memref.load %arg11[%get3A_218] : memref<33xf32, #tpu.memory_space<smem>>
      %add3A_220 = arith.constant 1.000000e+00 : f32
      %add3A_221 = arith.addf %get3A_219, %add3A_220 : f32
      %swap3A_222 = arith.index_cast %squeeze3A_217 : i32 to index
      %swap3A_223 = memref.load %arg11[%swap3A_222] : memref<33xf32, #tpu.memory_space<smem>>
      memref.store %add3A_221, %arg11[%swap3A_222] : memref<33xf32, #tpu.memory_space<smem>>
      %parallel_loop3A_224 = arith.constant 0 : i32
      %parallel_loop3A_225 = arith.constant 32 : i32
      %parallel_loop3A_226 = arith.constant 1 : i32
      scf.for %parallel_loop3A_483 = %parallel_loop3A_224 to %parallel_loop3A_225 step %parallel_loop3A_226  : i32 {
        %parallel_loop3A_484 = arith.constant 16 : i32
        %parallel_loop3A_485 = arith.muli %parallel_loop3A_483, %parallel_loop3A_484 : i32
        %parallel_loop3A_486 = arith.constant 10 : i32
        %parallel_loop3A_487 = arith.index_cast %parallel_loop3A_486 : i32 to index
        %parallel_loop3A_488 = arith.index_cast %parallel_loop3A_485 : i32 to index
        %parallel_loop3A_489 = tpu.vector_load %arg8[%parallel_loop3A_487, %parallel_loop3A_488] {strides = array<i32>} : memref<16x512xf32, #tpu.memory_space<vmem>>, vector<16xf32>,
        %parallel_loop3A_490 = arith.constant 16 : i32
        %parallel_loop3A_491 = arith.muli %parallel_loop3A_483, %parallel_loop3A_490 : i32
        %parallel_loop3A_492 = arith.index_cast %squeeze3A_217 : i32 to index
        %parallel_loop3A_493 = arith.index_cast %parallel_loop3A_491 : i32 to index
        %parallel_loop3A_494 = tpu.vector_load %arg10[%parallel_loop3A_492, %parallel_loop3A_493] {strides = array<i32>} : memref<33x512xf32, #tpu.memory_space<vmem>>, vector<16xf32>,
        tpu.vector_store %arg10[%parallel_loop3A_492, %parallel_loop3A_493], %parallel_loop3A_489 {add = true, strides = array<i32>} : memref<33x512xf32, #tpu.memory_space<vmem>>, vector<16xf32>,
      } {sc.loop_unroll_factor = 8 : i64, sc.parallel_access}
      %slice3A_227 = vector.extract_strided_slice %sub3A_106 {offsets = [11], sizes = [1], strides = [1]} : vector<16xi32> to vector<1xi32>
      %squeeze3A_228 = vector.extract %slice3A_227[0] : i32 from vector<1xi32>
      %get3A_229 = arith.index_cast %squeeze3A_228 : i32 to index
      %get3A_230 = memref.load %arg11[%get3A_229] : memref<33xf32, #tpu.memory_space<smem>>
      %add3A_231 = arith.constant 1.000000e+00 : f32
      %add3A_232 = arith.addf %get3A_230, %add3A_231 : f32
      %swap3A_233 = arith.index_cast %squeeze3A_228 : i32 to index
      %swap3A_234 = memref.load %arg11[%swap3A_233] : memref<33xf32, #tpu.memory_space<smem>>
      memref.store %add3A_232, %arg11[%swap3A_233] : memref<33xf32, #tpu.memory_space<smem>>
      %parallel_loop3A_235 = arith.constant 0 : i32
      %parallel_loop3A_236 = arith.constant 32 : i32
      %parallel_loop3A_237 = arith.constant 1 : i32
      scf.for %parallel_loop3A_483 = %parallel_loop3A_235 to %parallel_loop3A_236 step %parallel_loop3A_237  : i32 {
        %parallel_loop3A_484 = arith.constant 16 : i32
        %parallel_loop3A_485 = arith.muli %parallel_loop3A_483, %parallel_loop3A_484 : i32
        %parallel_loop3A_486 = arith.constant 11 : i32
        %parallel_loop3A_487 = arith.index_cast %parallel_loop3A_486 : i32 to index
        %parallel_loop3A_488 = arith.index_cast %parallel_loop3A_485 : i32 to index
        %parallel_loop3A_489 = tpu.vector_load %arg8[%parallel_loop3A_487, %parallel_loop3A_488] {strides = array<i32>} : memref<16x512xf32, #tpu.memory_space<vmem>>, vector<16xf32>,
        %parallel_loop3A_490 = arith.constant 16 : i32
        %parallel_loop3A_491 = arith.muli %parallel_loop3A_483, %parallel_loop3A_490 : i32
        %parallel_loop3A_492 = arith.index_cast %squeeze3A_228 : i32 to index
        %parallel_loop3A_493 = arith.index_cast %parallel_loop3A_491 : i32 to index
        %parallel_loop3A_494 = tpu.vector_load %arg10[%parallel_loop3A_492, %parallel_loop3A_493] {strides = array<i32>} : memref<33x512xf32, #tpu.memory_space<vmem>>, vector<16xf32>,
        tpu.vector_store %arg10[%parallel_loop3A_492, %parallel_loop3A_493], %parallel_loop3A_489 {add = true, strides = array<i32>} : memref<33x512xf32, #tpu.memory_space<vmem>>, vector<16xf32>,
      } {sc.loop_unroll_factor = 8 : i64, sc.parallel_access}
      %slice3A_238 = vector.extract_strided_slice %sub3A_106 {offsets = [12], sizes = [1], strides = [1]} : vector<16xi32> to vector<1xi32>
      %squeeze3A_239 = vector.extract %slice3A_238[0] : i32 from vector<1xi32>
      %get3A_240 = arith.index_cast %squeeze3A_239 : i32 to index
      %get3A_241 = memref.load %arg11[%get3A_240] : memref<33xf32, #tpu.memory_space<smem>>
      %add3A_242 = arith.constant 1.000000e+00 : f32
      %add3A_243 = arith.addf %get3A_241, %add3A_242 : f32
      %swap3A_244 = arith.index_cast %squeeze3A_239 : i32 to index
      %swap3A_245 = memref.load %arg11[%swap3A_244] : memref<33xf32, #tpu.memory_space<smem>>
      memref.store %add3A_243, %arg11[%swap3A_244] : memref<33xf32, #tpu.memory_space<smem>>
      %parallel_loop3A_246 = arith.constant 0 : i32
      %parallel_loop3A_247 = arith.constant 32 : i32
      %parallel_loop3A_248 = arith.constant 1 : i32
      scf.for %parallel_loop3A_483 = %parallel_loop3A_246 to %parallel_loop3A_247 step %parallel_loop3A_248  : i32 {
        %parallel_loop3A_484 = arith.constant 16 : i32
        %parallel_loop3A_485 = arith.muli %parallel_loop3A_483, %parallel_loop3A_484 : i32
        %parallel_loop3A_486 = arith.constant 12 : i32
        %parallel_loop3A_487 = arith.index_cast %parallel_loop3A_486 : i32 to index
        %parallel_loop3A_488 = arith.index_cast %parallel_loop3A_485 : i32 to index
        %parallel_loop3A_489 = tpu.vector_load %arg8[%parallel_loop3A_487, %parallel_loop3A_488] {strides = array<i32>} : memref<16x512xf32, #tpu.memory_space<vmem>>, vector<16xf32>,
        %parallel_loop3A_490 = arith.constant 16 : i32
        %parallel_loop3A_491 = arith.muli %parallel_loop3A_483, %parallel_loop3A_490 : i32
        %parallel_loop3A_492 = arith.index_cast %squeeze3A_239 : i32 to index
        %parallel_loop3A_493 = arith.index_cast %parallel_loop3A_491 : i32 to index
        %parallel_loop3A_494 = tpu.vector_load %arg10[%parallel_loop3A_492, %parallel_loop3A_493] {strides = array<i32>} : memref<33x512xf32, #tpu.memory_space<vmem>>, vector<16xf32>,
        tpu.vector_store %arg10[%parallel_loop3A_492, %parallel_loop3A_493], %parallel_loop3A_489 {add = true, strides = array<i32>} : memref<33x512xf32, #tpu.memory_space<vmem>>, vector<16xf32>,
      } {sc.loop_unroll_factor = 8 : i64, sc.parallel_access}
      %slice3A_249 = vector.extract_strided_slice %sub3A_106 {offsets = [13], sizes = [1], strides = [1]} : vector<16xi32> to vector<1xi32>
      %squeeze3A_250 = vector.extract %slice3A_249[0] : i32 from vector<1xi32>
      %get3A_251 = arith.index_cast %squeeze3A_250 : i32 to index
      %get3A_252 = memref.load %arg11[%get3A_251] : memref<33xf32, #tpu.memory_space<smem>>
      %add3A_253 = arith.constant 1.000000e+00 : f32
      %add3A_254 = arith.addf %get3A_252, %add3A_253 : f32
      %swap3A_255 = arith.index_cast %squeeze3A_250 : i32 to index
      %swap3A_256 = memref.load %arg11[%swap3A_255] : memref<33xf32, #tpu.memory_space<smem>>
      memref.store %add3A_254, %arg11[%swap3A_255] : memref<33xf32, #tpu.memory_space<smem>>
      %parallel_loop3A_257 = arith.constant 0 : i32
      %parallel_loop3A_258 = arith.constant 32 : i32
      %parallel_loop3A_259 = arith.constant 1 : i32
      scf.for %parallel_loop3A_483 = %parallel_loop3A_257 to %parallel_loop3A_258 step %parallel_loop3A_259  : i32 {
        %parallel_loop3A_484 = arith.constant 16 : i32
        %parallel_loop3A_485 = arith.muli %parallel_loop3A_483, %parallel_loop3A_484 : i32
        %parallel_loop3A_486 = arith.constant 13 : i32
        %parallel_loop3A_487 = arith.index_cast %parallel_loop3A_486 : i32 to index
        %parallel_loop3A_488 = arith.index_cast %parallel_loop3A_485 : i32 to index
        %parallel_loop3A_489 = tpu.vector_load %arg8[%parallel_loop3A_487, %parallel_loop3A_488] {strides = array<i32>} : memref<16x512xf32, #tpu.memory_space<vmem>>, vector<16xf32>,
        %parallel_loop3A_490 = arith.constant 16 : i32
        %parallel_loop3A_491 = arith.muli %parallel_loop3A_483, %parallel_loop3A_490 : i32
        %parallel_loop3A_492 = arith.index_cast %squeeze3A_250 : i32 to index
        %parallel_loop3A_493 = arith.index_cast %parallel_loop3A_491 : i32 to index
        %parallel_loop3A_494 = tpu.vector_load %arg10[%parallel_loop3A_492, %parallel_loop3A_493] {strides = array<i32>} : memref<33x512xf32, #tpu.memory_space<vmem>>, vector<16xf32>,
        tpu.vector_store %arg10[%parallel_loop3A_492, %parallel_loop3A_493], %parallel_loop3A_489 {add = true, strides = array<i32>} : memref<33x512xf32, #tpu.memory_space<vmem>>, vector<16xf32>,
      } {sc.loop_unroll_factor = 8 : i64, sc.parallel_access}
      %slice3A_260 = vector.extract_strided_slice %sub3A_106 {offsets = [14], sizes = [1], strides = [1]} : vector<16xi32> to vector<1xi32>
      %squeeze3A_261 = vector.extract %slice3A_260[0] : i32 from vector<1xi32>
      %get3A_262 = arith.index_cast %squeeze3A_261 : i32 to index
      %get3A_263 = memref.load %arg11[%get3A_262] : memref<33xf32, #tpu.memory_space<smem>>
      %add3A_264 = arith.constant 1.000000e+00 : f32
      %add3A_265 = arith.addf %get3A_263, %add3A_264 : f32
      %swap3A_266 = arith.index_cast %squeeze3A_261 : i32 to index
      %swap3A_267 = memref.load %arg11[%swap3A_266] : memref<33xf32, #tpu.memory_space<smem>>
      memref.store %add3A_265, %arg11[%swap3A_266] : memref<33xf32, #tpu.memory_space<smem>>
      %parallel_loop3A_268 = arith.constant 0 : i32
      %parallel_loop3A_269 = arith.constant 32 : i32
      %parallel_loop3A_270 = arith.constant 1 : i32
      scf.for %parallel_loop3A_483 = %parallel_loop3A_268 to %parallel_loop3A_269 step %parallel_loop3A_270  : i32 {
        %parallel_loop3A_484 = arith.constant 16 : i32
        %parallel_loop3A_485 = arith.muli %parallel_loop3A_483, %parallel_loop3A_484 : i32
        %parallel_loop3A_486 = arith.constant 14 : i32
        %parallel_loop3A_487 = arith.index_cast %parallel_loop3A_486 : i32 to index
        %parallel_loop3A_488 = arith.index_cast %parallel_loop3A_485 : i32 to index
        %parallel_loop3A_489 = tpu.vector_load %arg8[%parallel_loop3A_487, %parallel_loop3A_488] {strides = array<i32>} : memref<16x512xf32, #tpu.memory_space<vmem>>, vector<16xf32>,
        %parallel_loop3A_490 = arith.constant 16 : i32
        %parallel_loop3A_491 = arith.muli %parallel_loop3A_483, %parallel_loop3A_490 : i32
        %parallel_loop3A_492 = arith.index_cast %squeeze3A_261 : i32 to index
        %parallel_loop3A_493 = arith.index_cast %parallel_loop3A_491 : i32 to index
        %parallel_loop3A_494 = tpu.vector_load %arg10[%parallel_loop3A_492, %parallel_loop3A_493] {strides = array<i32>} : memref<33x512xf32, #tpu.memory_space<vmem>>, vector<16xf32>,
        tpu.vector_store %arg10[%parallel_loop3A_492, %parallel_loop3A_493], %parallel_loop3A_489 {add = true, strides = array<i32>} : memref<33x512xf32, #tpu.memory_space<vmem>>, vector<16xf32>,
      } {sc.loop_unroll_factor = 8 : i64, sc.parallel_access}
      %slice3A_271 = vector.extract_strided_slice %sub3A_106 {offsets = [15], sizes = [1], strides = [1]} : vector<16xi32> to vector<1xi32>
      %squeeze3A_272 = vector.extract %slice3A_271[0] : i32 from vector<1xi32>
      %get3A_273 = arith.index_cast %squeeze3A_272 : i32 to index
      %get3A_274 = memref.load %arg11[%get3A_273] : memref<33xf32, #tpu.memory_space<smem>>
      %add3A_275 = arith.constant 1.000000e+00 : f32
      %add3A_276 = arith.addf %get3A_274, %add3A_275 : f32
      %swap3A_277 = arith.index_cast %squeeze3A_272 : i32 to index
      %swap3A_278 = memref.load %arg11[%swap3A_277] : memref<33xf32, #tpu.memory_space<smem>>
      memref.store %add3A_276, %arg11[%swap3A_277] : memref<33xf32, #tpu.memory_space<smem>>
      %parallel_loop3A_279 = arith.constant 0 : i32
      %parallel_loop3A_280 = arith.constant 32 : i32
      %parallel_loop3A_281 = arith.constant 1 : i32
      scf.for %parallel_loop3A_483 = %parallel_loop3A_279 to %parallel_loop3A_280 step %parallel_loop3A_281  : i32 {
        %parallel_loop3A_484 = arith.constant 16 : i32
        %parallel_loop3A_485 = arith.muli %parallel_loop3A_483, %parallel_loop3A_484 : i32
        %parallel_loop3A_486 = arith.constant 15 : i32
        %parallel_loop3A_487 = arith.index_cast %parallel_loop3A_486 : i32 to index
        %parallel_loop3A_488 = arith.index_cast %parallel_loop3A_485 : i32 to index
        %parallel_loop3A_489 = tpu.vector_load %arg8[%parallel_loop3A_487, %parallel_loop3A_488] {strides = array<i32>} : memref<16x512xf32, #tpu.memory_space<vmem>>, vector<16xf32>,
        %parallel_loop3A_490 = arith.constant 16 : i32
        %parallel_loop3A_491 = arith.muli %parallel_loop3A_483, %parallel_loop3A_490 : i32
        %parallel_loop3A_492 = arith.index_cast %squeeze3A_272 : i32 to index
        %parallel_loop3A_493 = arith.index_cast %parallel_loop3A_491 : i32 to index
        %parallel_loop3A_494 = tpu.vector_load %arg10[%parallel_loop3A_492, %parallel_loop3A_493] {strides = array<i32>} : memref<33x512xf32, #tpu.memory_space<vmem>>, vector<16xf32>,
        tpu.vector_store %arg10[%parallel_loop3A_492, %parallel_loop3A_493], %parallel_loop3A_489 {add = true, strides = array<i32>} : memref<33x512xf32, #tpu.memory_space<vmem>>, vector<16xf32>,
      } {sc.loop_unroll_factor = 8 : i64, sc.parallel_access}
      %add3A_282 = arith.constant 2 : i32
      %add3A_283 = arith.addi %mul3A_97, %add3A_282 : i32
      %lt3A = arith.cmpi slt, %add3A_283, %mul3A_67 : i32
      %convert_element_type3A_284 = arith.extui %lt3A : i1 to i32
      %cond3A_285 = arith.constant 0 : i32
      %cond3A_286 = arith.cmpi ne, %convert_element_type3A_284, %cond3A_285 : i32
      scf.if %cond3A_286 {
        %add3A_483 = arith.constant 2 : i32
        %add3A_484 = arith.addi %mul3A_97, %add3A_483 : i32
        %mul3A_485 = arith.constant 16 : i32
        %mul3A_486 = arith.muli %add3A_484, %mul3A_485 : i32
        %dma_start3A = tpu.memref_slice %arg6[%mul3A_486] : memref<16416xi32, #tpu.memory_space<vmem>> -> memref<16xi32, #tpu.memory_space<vmem>>
        %dma_start3A_487 = arith.constant 0 : i32
        %dma_start3A_488 = arith.constant 0 : i32
        %dma_start3A_489 = tpu.memref_slice %arg2[%dma_start3A_487, %dma_start3A_488] : memref<16384x512xf32, #tpu.memory_space<hbm>> -> memref<16384x512xf32, #tpu.memory_space<hbm>>
        tpu.enqueue_indirect_dma source(%dma_start3A_489 : memref<16384x512xf32, #tpu.memory_space<hbm>>) target(%arg8 : memref<16x512xf32, #tpu.memory_space<vmem>>) offsets(%dma_start3A : memref<16xi32, #tpu.memory_space<vmem>>) semaphore(%arg13 : memref<!tpu.dma_semaphore, #tpu.memory_space<semaphore_mem>>)
      } else {
      }
      %add3A_287 = arith.constant 1 : i32
      %add3A_288 = arith.addi %mul3A_97, %add3A_287 : i32
      %mul3A_289 = arith.constant 16 : i32
      %mul3A_290 = arith.muli %add3A_288, %mul3A_289 : i32
      %dma_wait3A_291 = tpu.memref_slice %arg6[%mul3A_290] : memref<16416xi32, #tpu.memory_space<vmem>> -> memref<16xi32, #tpu.memory_space<vmem>>
      %dma_wait3A_292 = arith.constant 0 : i32
      %dma_wait3A_293 = arith.constant 0 : i32
      %dma_wait3A_294 = tpu.memref_slice %arg2[%dma_wait3A_292, %dma_wait3A_293] : memref<16384x512xf32, #tpu.memory_space<hbm>> -> memref<16384x512xf32, #tpu.memory_space<hbm>>
      tpu.wait_indirect_dma semaphore(%arg14 : memref<!tpu.dma_semaphore, #tpu.memory_space<semaphore_mem>>) src(%dma_wait3A_294 : memref<16384x512xf32, #tpu.memory_space<hbm>>) dst(%arg9 : memref<16x512xf32, #tpu.memory_space<vmem>>)
      %mul3A_295 = arith.constant 16 : i32
      %mul3A_296 = arith.muli %add3A_288, %mul3A_295 : i32
      %get3A_297 = arith.index_cast %mul3A_296 : i32 to index
      %get3A_298 = tpu.vector_load %arg7[%get3A_297] {strides = array<i32>} : memref<16416xi32, #tpu.memory_space<vmem>>, vector<16xi32>,
      %sub3A_299 = arith.subi %get3A_298, %broadcast_in_dim3A_11 : vector<16xi32>
      %slice3A_300 = vector.extract_strided_slice %sub3A_299 {offsets = [0], sizes = [1], strides = [1]} : vector<16xi32> to vector<1xi32>
      %squeeze3A_301 = vector.extract %slice3A_300[0] : i32 from vector<1xi32>
      %get3A_302 = arith.index_cast %squeeze3A_301 : i32 to index
      %get3A_303 = memref.load %arg11[%get3A_302] : memref<33xf32, #tpu.memory_space<smem>>
      %add3A_304 = arith.constant 1.000000e+00 : f32
      %add3A_305 = arith.addf %get3A_303, %add3A_304 : f32
      %swap3A_306 = arith.index_cast %squeeze3A_301 : i32 to index
      %swap3A_307 = memref.load %arg11[%swap3A_306] : memref<33xf32, #tpu.memory_space<smem>>
      memref.store %add3A_305, %arg11[%swap3A_306] : memref<33xf32, #tpu.memory_space<smem>>
      %parallel_loop3A_308 = arith.constant 0 : i32
      %parallel_loop3A_309 = arith.constant 32 : i32
      %parallel_loop3A_310 = arith.constant 1 : i32
      scf.for %parallel_loop3A_483 = %parallel_loop3A_308 to %parallel_loop3A_309 step %parallel_loop3A_310  : i32 {
        %parallel_loop3A_484 = arith.constant 16 : i32
        %parallel_loop3A_485 = arith.muli %parallel_loop3A_483, %parallel_loop3A_484 : i32
        %parallel_loop3A_486 = arith.constant 0 : i32
        %parallel_loop3A_487 = arith.index_cast %parallel_loop3A_486 : i32 to index
        %parallel_loop3A_488 = arith.index_cast %parallel_loop3A_485 : i32 to index
        %parallel_loop3A_489 = tpu.vector_load %arg9[%parallel_loop3A_487, %parallel_loop3A_488] {strides = array<i32>} : memref<16x512xf32, #tpu.memory_space<vmem>>, vector<16xf32>,
        %parallel_loop3A_490 = arith.constant 16 : i32
        %parallel_loop3A_491 = arith.muli %parallel_loop3A_483, %parallel_loop3A_490 : i32
        %parallel_loop3A_492 = arith.index_cast %squeeze3A_301 : i32 to index
        %parallel_loop3A_493 = arith.index_cast %parallel_loop3A_491 : i32 to index
        %parallel_loop3A_494 = tpu.vector_load %arg10[%parallel_loop3A_492, %parallel_loop3A_493] {strides = array<i32>} : memref<33x512xf32, #tpu.memory_space<vmem>>, vector<16xf32>,
        tpu.vector_store %arg10[%parallel_loop3A_492, %parallel_loop3A_493], %parallel_loop3A_489 {add = true, strides = array<i32>} : memref<33x512xf32, #tpu.memory_space<vmem>>, vector<16xf32>,
      } {sc.loop_unroll_factor = 8 : i64, sc.parallel_access}
      %slice3A_311 = vector.extract_strided_slice %sub3A_299 {offsets = [1], sizes = [1], strides = [1]} : vector<16xi32> to vector<1xi32>
      %squeeze3A_312 = vector.extract %slice3A_311[0] : i32 from vector<1xi32>
      %get3A_313 = arith.index_cast %squeeze3A_312 : i32 to index
      %get3A_314 = memref.load %arg11[%get3A_313] : memref<33xf32, #tpu.memory_space<smem>>
      %add3A_315 = arith.constant 1.000000e+00 : f32
      %add3A_316 = arith.addf %get3A_314, %add3A_315 : f32
      %swap3A_317 = arith.index_cast %squeeze3A_312 : i32 to index
      %swap3A_318 = memref.load %arg11[%swap3A_317] : memref<33xf32, #tpu.memory_space<smem>>
      memref.store %add3A_316, %arg11[%swap3A_317] : memref<33xf32, #tpu.memory_space<smem>>
      %parallel_loop3A_319 = arith.constant 0 : i32
      %parallel_loop3A_320 = arith.constant 32 : i32
      %parallel_loop3A_321 = arith.constant 1 : i32
      scf.for %parallel_loop3A_483 = %parallel_loop3A_319 to %parallel_loop3A_320 step %parallel_loop3A_321  : i32 {
        %parallel_loop3A_484 = arith.constant 16 : i32
        %parallel_loop3A_485 = arith.muli %parallel_loop3A_483, %parallel_loop3A_484 : i32
        %parallel_loop3A_486 = arith.constant 1 : i32
        %parallel_loop3A_487 = arith.index_cast %parallel_loop3A_486 : i32 to index
        %parallel_loop3A_488 = arith.index_cast %parallel_loop3A_485 : i32 to index
        %parallel_loop3A_489 = tpu.vector_load %arg9[%parallel_loop3A_487, %parallel_loop3A_488] {strides = array<i32>} : memref<16x512xf32, #tpu.memory_space<vmem>>, vector<16xf32>,
        %parallel_loop3A_490 = arith.constant 16 : i32
        %parallel_loop3A_491 = arith.muli %parallel_loop3A_483, %parallel_loop3A_490 : i32
        %parallel_loop3A_492 = arith.index_cast %squeeze3A_312 : i32 to index
        %parallel_loop3A_493 = arith.index_cast %parallel_loop3A_491 : i32 to index
        %parallel_loop3A_494 = tpu.vector_load %arg10[%parallel_loop3A_492, %parallel_loop3A_493] {strides = array<i32>} : memref<33x512xf32, #tpu.memory_space<vmem>>, vector<16xf32>,
        tpu.vector_store %arg10[%parallel_loop3A_492, %parallel_loop3A_493], %parallel_loop3A_489 {add = true, strides = array<i32>} : memref<33x512xf32, #tpu.memory_space<vmem>>, vector<16xf32>,
      } {sc.loop_unroll_factor = 8 : i64, sc.parallel_access}
      %slice3A_322 = vector.extract_strided_slice %sub3A_299 {offsets = [2], sizes = [1], strides = [1]} : vector<16xi32> to vector<1xi32>
      %squeeze3A_323 = vector.extract %slice3A_322[0] : i32 from vector<1xi32>
      %get3A_324 = arith.index_cast %squeeze3A_323 : i32 to index
      %get3A_325 = memref.load %arg11[%get3A_324] : memref<33xf32, #tpu.memory_space<smem>>
      %add3A_326 = arith.constant 1.000000e+00 : f32
      %add3A_327 = arith.addf %get3A_325, %add3A_326 : f32
      %swap3A_328 = arith.index_cast %squeeze3A_323 : i32 to index
      %swap3A_329 = memref.load %arg11[%swap3A_328] : memref<33xf32, #tpu.memory_space<smem>>
      memref.store %add3A_327, %arg11[%swap3A_328] : memref<33xf32, #tpu.memory_space<smem>>
      %parallel_loop3A_330 = arith.constant 0 : i32
      %parallel_loop3A_331 = arith.constant 32 : i32
      %parallel_loop3A_332 = arith.constant 1 : i32
      scf.for %parallel_loop3A_483 = %parallel_loop3A_330 to %parallel_loop3A_331 step %parallel_loop3A_332  : i32 {
        %parallel_loop3A_484 = arith.constant 16 : i32
        %parallel_loop3A_485 = arith.muli %parallel_loop3A_483, %parallel_loop3A_484 : i32
        %parallel_loop3A_486 = arith.constant 2 : i32
        %parallel_loop3A_487 = arith.index_cast %parallel_loop3A_486 : i32 to index
        %parallel_loop3A_488 = arith.index_cast %parallel_loop3A_485 : i32 to index
        %parallel_loop3A_489 = tpu.vector_load %arg9[%parallel_loop3A_487, %parallel_loop3A_488] {strides = array<i32>} : memref<16x512xf32, #tpu.memory_space<vmem>>, vector<16xf32>,
        %parallel_loop3A_490 = arith.constant 16 : i32
        %parallel_loop3A_491 = arith.muli %parallel_loop3A_483, %parallel_loop3A_490 : i32
        %parallel_loop3A_492 = arith.index_cast %squeeze3A_323 : i32 to index
        %parallel_loop3A_493 = arith.index_cast %parallel_loop3A_491 : i32 to index
        %parallel_loop3A_494 = tpu.vector_load %arg10[%parallel_loop3A_492, %parallel_loop3A_493] {strides = array<i32>} : memref<33x512xf32, #tpu.memory_space<vmem>>, vector<16xf32>,
        tpu.vector_store %arg10[%parallel_loop3A_492, %parallel_loop3A_493], %parallel_loop3A_489 {add = true, strides = array<i32>} : memref<33x512xf32, #tpu.memory_space<vmem>>, vector<16xf32>,
      } {sc.loop_unroll_factor = 8 : i64, sc.parallel_access}
      %slice3A_333 = vector.extract_strided_slice %sub3A_299 {offsets = [3], sizes = [1], strides = [1]} : vector<16xi32> to vector<1xi32>
      %squeeze3A_334 = vector.extract %slice3A_333[0] : i32 from vector<1xi32>
      %get3A_335 = arith.index_cast %squeeze3A_334 : i32 to index
      %get3A_336 = memref.load %arg11[%get3A_335] : memref<33xf32, #tpu.memory_space<smem>>
      %add3A_337 = arith.constant 1.000000e+00 : f32
      %add3A_338 = arith.addf %get3A_336, %add3A_337 : f32
      %swap3A_339 = arith.index_cast %squeeze3A_334 : i32 to index
      %swap3A_340 = memref.load %arg11[%swap3A_339] : memref<33xf32, #tpu.memory_space<smem>>
      memref.store %add3A_338, %arg11[%swap3A_339] : memref<33xf32, #tpu.memory_space<smem>>
      %parallel_loop3A_341 = arith.constant 0 : i32
      %parallel_loop3A_342 = arith.constant 32 : i32
      %parallel_loop3A_343 = arith.constant 1 : i32
      scf.for %parallel_loop3A_483 = %parallel_loop3A_341 to %parallel_loop3A_342 step %parallel_loop3A_343  : i32 {
        %parallel_loop3A_484 = arith.constant 16 : i32
        %parallel_loop3A_485 = arith.muli %parallel_loop3A_483, %parallel_loop3A_484 : i32
        %parallel_loop3A_486 = arith.constant 3 : i32
        %parallel_loop3A_487 = arith.index_cast %parallel_loop3A_486 : i32 to index
        %parallel_loop3A_488 = arith.index_cast %parallel_loop3A_485 : i32 to index
        %parallel_loop3A_489 = tpu.vector_load %arg9[%parallel_loop3A_487, %parallel_loop3A_488] {strides = array<i32>} : memref<16x512xf32, #tpu.memory_space<vmem>>, vector<16xf32>,
        %parallel_loop3A_490 = arith.constant 16 : i32
        %parallel_loop3A_491 = arith.muli %parallel_loop3A_483, %parallel_loop3A_490 : i32
        %parallel_loop3A_492 = arith.index_cast %squeeze3A_334 : i32 to index
        %parallel_loop3A_493 = arith.index_cast %parallel_loop3A_491 : i32 to index
        %parallel_loop3A_494 = tpu.vector_load %arg10[%parallel_loop3A_492, %parallel_loop3A_493] {strides = array<i32>} : memref<33x512xf32, #tpu.memory_space<vmem>>, vector<16xf32>,
        tpu.vector_store %arg10[%parallel_loop3A_492, %parallel_loop3A_493], %parallel_loop3A_489 {add = true, strides = array<i32>} : memref<33x512xf32, #tpu.memory_space<vmem>>, vector<16xf32>,
      } {sc.loop_unroll_factor = 8 : i64, sc.parallel_access}
      %slice3A_344 = vector.extract_strided_slice %sub3A_299 {offsets = [4], sizes = [1], strides = [1]} : vector<16xi32> to vector<1xi32>
      %squeeze3A_345 = vector.extract %slice3A_344[0] : i32 from vector<1xi32>
      %get3A_346 = arith.index_cast %squeeze3A_345 : i32 to index
      %get3A_347 = memref.load %arg11[%get3A_346] : memref<33xf32, #tpu.memory_space<smem>>
      %add3A_348 = arith.constant 1.000000e+00 : f32
      %add3A_349 = arith.addf %get3A_347, %add3A_348 : f32
      %swap3A_350 = arith.index_cast %squeeze3A_345 : i32 to index
      %swap3A_351 = memref.load %arg11[%swap3A_350] : memref<33xf32, #tpu.memory_space<smem>>
      memref.store %add3A_349, %arg11[%swap3A_350] : memref<33xf32, #tpu.memory_space<smem>>
      %parallel_loop3A_352 = arith.constant 0 : i32
      %parallel_loop3A_353 = arith.constant 32 : i32
      %parallel_loop3A_354 = arith.constant 1 : i32
      scf.for %parallel_loop3A_483 = %parallel_loop3A_352 to %parallel_loop3A_353 step %parallel_loop3A_354  : i32 {
        %parallel_loop3A_484 = arith.constant 16 : i32
        %parallel_loop3A_485 = arith.muli %parallel_loop3A_483, %parallel_loop3A_484 : i32
        %parallel_loop3A_486 = arith.constant 4 : i32
        %parallel_loop3A_487 = arith.index_cast %parallel_loop3A_486 : i32 to index
        %parallel_loop3A_488 = arith.index_cast %parallel_loop3A_485 : i32 to index
        %parallel_loop3A_489 = tpu.vector_load %arg9[%parallel_loop3A_487, %parallel_loop3A_488] {strides = array<i32>} : memref<16x512xf32, #tpu.memory_space<vmem>>, vector<16xf32>,
        %parallel_loop3A_490 = arith.constant 16 : i32
        %parallel_loop3A_491 = arith.muli %parallel_loop3A_483, %parallel_loop3A_490 : i32
        %parallel_loop3A_492 = arith.index_cast %squeeze3A_345 : i32 to index
        %parallel_loop3A_493 = arith.index_cast %parallel_loop3A_491 : i32 to index
        %parallel_loop3A_494 = tpu.vector_load %arg10[%parallel_loop3A_492, %parallel_loop3A_493] {strides = array<i32>} : memref<33x512xf32, #tpu.memory_space<vmem>>, vector<16xf32>,
        tpu.vector_store %arg10[%parallel_loop3A_492, %parallel_loop3A_493], %parallel_loop3A_489 {add = true, strides = array<i32>} : memref<33x512xf32, #tpu.memory_space<vmem>>, vector<16xf32>,
      } {sc.loop_unroll_factor = 8 : i64, sc.parallel_access}
      %slice3A_355 = vector.extract_strided_slice %sub3A_299 {offsets = [5], sizes = [1], strides = [1]} : vector<16xi32> to vector<1xi32>
      %squeeze3A_356 = vector.extract %slice3A_355[0] : i32 from vector<1xi32>
      %get3A_357 = arith.index_cast %squeeze3A_356 : i32 to index
      %get3A_358 = memref.load %arg11[%get3A_357] : memref<33xf32, #tpu.memory_space<smem>>
      %add3A_359 = arith.constant 1.000000e+00 : f32
      %add3A_360 = arith.addf %get3A_358, %add3A_359 : f32
      %swap3A_361 = arith.index_cast %squeeze3A_356 : i32 to index
      %swap3A_362 = memref.load %arg11[%swap3A_361] : memref<33xf32, #tpu.memory_space<smem>>
      memref.store %add3A_360, %arg11[%swap3A_361] : memref<33xf32, #tpu.memory_space<smem>>
      %parallel_loop3A_363 = arith.constant 0 : i32
      %parallel_loop3A_364 = arith.constant 32 : i32
      %parallel_loop3A_365 = arith.constant 1 : i32
      scf.for %parallel_loop3A_483 = %parallel_loop3A_363 to %parallel_loop3A_364 step %parallel_loop3A_365  : i32 {
        %parallel_loop3A_484 = arith.constant 16 : i32
        %parallel_loop3A_485 = arith.muli %parallel_loop3A_483, %parallel_loop3A_484 : i32
        %parallel_loop3A_486 = arith.constant 5 : i32
        %parallel_loop3A_487 = arith.index_cast %parallel_loop3A_486 : i32 to index
        %parallel_loop3A_488 = arith.index_cast %parallel_loop3A_485 : i32 to index
        %parallel_loop3A_489 = tpu.vector_load %arg9[%parallel_loop3A_487, %parallel_loop3A_488] {strides = array<i32>} : memref<16x512xf32, #tpu.memory_space<vmem>>, vector<16xf32>,
        %parallel_loop3A_490 = arith.constant 16 : i32
        %parallel_loop3A_491 = arith.muli %parallel_loop3A_483, %parallel_loop3A_490 : i32
        %parallel_loop3A_492 = arith.index_cast %squeeze3A_356 : i32 to index
        %parallel_loop3A_493 = arith.index_cast %parallel_loop3A_491 : i32 to index
        %parallel_loop3A_494 = tpu.vector_load %arg10[%parallel_loop3A_492, %parallel_loop3A_493] {strides = array<i32>} : memref<33x512xf32, #tpu.memory_space<vmem>>, vector<16xf32>,
        tpu.vector_store %arg10[%parallel_loop3A_492, %parallel_loop3A_493], %parallel_loop3A_489 {add = true, strides = array<i32>} : memref<33x512xf32, #tpu.memory_space<vmem>>, vector<16xf32>,
      } {sc.loop_unroll_factor = 8 : i64, sc.parallel_access}
      %slice3A_366 = vector.extract_strided_slice %sub3A_299 {offsets = [6], sizes = [1], strides = [1]} : vector<16xi32> to vector<1xi32>
      %squeeze3A_367 = vector.extract %slice3A_366[0] : i32 from vector<1xi32>
      %get3A_368 = arith.index_cast %squeeze3A_367 : i32 to index
      %get3A_369 = memref.load %arg11[%get3A_368] : memref<33xf32, #tpu.memory_space<smem>>
      %add3A_370 = arith.constant 1.000000e+00 : f32
      %add3A_371 = arith.addf %get3A_369, %add3A_370 : f32
      %swap3A_372 = arith.index_cast %squeeze3A_367 : i32 to index
      %swap3A_373 = memref.load %arg11[%swap3A_372] : memref<33xf32, #tpu.memory_space<smem>>
      memref.store %add3A_371, %arg11[%swap3A_372] : memref<33xf32, #tpu.memory_space<smem>>
      %parallel_loop3A_374 = arith.constant 0 : i32
      %parallel_loop3A_375 = arith.constant 32 : i32
      %parallel_loop3A_376 = arith.constant 1 : i32
      scf.for %parallel_loop3A_483 = %parallel_loop3A_374 to %parallel_loop3A_375 step %parallel_loop3A_376  : i32 {
        %parallel_loop3A_484 = arith.constant 16 : i32
        %parallel_loop3A_485 = arith.muli %parallel_loop3A_483, %parallel_loop3A_484 : i32
        %parallel_loop3A_486 = arith.constant 6 : i32
        %parallel_loop3A_487 = arith.index_cast %parallel_loop3A_486 : i32 to index
        %parallel_loop3A_488 = arith.index_cast %parallel_loop3A_485 : i32 to index
        %parallel_loop3A_489 = tpu.vector_load %arg9[%parallel_loop3A_487, %parallel_loop3A_488] {strides = array<i32>} : memref<16x512xf32, #tpu.memory_space<vmem>>, vector<16xf32>,
        %parallel_loop3A_490 = arith.constant 16 : i32
        %parallel_loop3A_491 = arith.muli %parallel_loop3A_483, %parallel_loop3A_490 : i32
        %parallel_loop3A_492 = arith.index_cast %squeeze3A_367 : i32 to index
        %parallel_loop3A_493 = arith.index_cast %parallel_loop3A_491 : i32 to index
        %parallel_loop3A_494 = tpu.vector_load %arg10[%parallel_loop3A_492, %parallel_loop3A_493] {strides = array<i32>} : memref<33x512xf32, #tpu.memory_space<vmem>>, vector<16xf32>,
        tpu.vector_store %arg10[%parallel_loop3A_492, %parallel_loop3A_493], %parallel_loop3A_489 {add = true, strides = array<i32>} : memref<33x512xf32, #tpu.memory_space<vmem>>, vector<16xf32>,
      } {sc.loop_unroll_factor = 8 : i64, sc.parallel_access}
      %slice3A_377 = vector.extract_strided_slice %sub3A_299 {offsets = [7], sizes = [1], strides = [1]} : vector<16xi32> to vector<1xi32>
      %squeeze3A_378 = vector.extract %slice3A_377[0] : i32 from vector<1xi32>
      %get3A_379 = arith.index_cast %squeeze3A_378 : i32 to index
      %get3A_380 = memref.load %arg11[%get3A_379] : memref<33xf32, #tpu.memory_space<smem>>
      %add3A_381 = arith.constant 1.000000e+00 : f32
      %add3A_382 = arith.addf %get3A_380, %add3A_381 : f32
      %swap3A_383 = arith.index_cast %squeeze3A_378 : i32 to index
      %swap3A_384 = memref.load %arg11[%swap3A_383] : memref<33xf32, #tpu.memory_space<smem>>
      memref.store %add3A_382, %arg11[%swap3A_383] : memref<33xf32, #tpu.memory_space<smem>>
      %parallel_loop3A_385 = arith.constant 0 : i32
      %parallel_loop3A_386 = arith.constant 32 : i32
      %parallel_loop3A_387 = arith.constant 1 : i32
      scf.for %parallel_loop3A_483 = %parallel_loop3A_385 to %parallel_loop3A_386 step %parallel_loop3A_387  : i32 {
        %parallel_loop3A_484 = arith.constant 16 : i32
        %parallel_loop3A_485 = arith.muli %parallel_loop3A_483, %parallel_loop3A_484 : i32
        %parallel_loop3A_486 = arith.constant 7 : i32
        %parallel_loop3A_487 = arith.index_cast %parallel_loop3A_486 : i32 to index
        %parallel_loop3A_488 = arith.index_cast %parallel_loop3A_485 : i32 to index
        %parallel_loop3A_489 = tpu.vector_load %arg9[%parallel_loop3A_487, %parallel_loop3A_488] {strides = array<i32>} : memref<16x512xf32, #tpu.memory_space<vmem>>, vector<16xf32>,
        %parallel_loop3A_490 = arith.constant 16 : i32
        %parallel_loop3A_491 = arith.muli %parallel_loop3A_483, %parallel_loop3A_490 : i32
        %parallel_loop3A_492 = arith.index_cast %squeeze3A_378 : i32 to index
        %parallel_loop3A_493 = arith.index_cast %parallel_loop3A_491 : i32 to index
        %parallel_loop3A_494 = tpu.vector_load %arg10[%parallel_loop3A_492, %parallel_loop3A_493] {strides = array<i32>} : memref<33x512xf32, #tpu.memory_space<vmem>>, vector<16xf32>,
        tpu.vector_store %arg10[%parallel_loop3A_492, %parallel_loop3A_493], %parallel_loop3A_489 {add = true, strides = array<i32>} : memref<33x512xf32, #tpu.memory_space<vmem>>, vector<16xf32>,
      } {sc.loop_unroll_factor = 8 : i64, sc.parallel_access}
      %slice3A_388 = vector.extract_strided_slice %sub3A_299 {offsets = [8], sizes = [1], strides = [1]} : vector<16xi32> to vector<1xi32>
      %squeeze3A_389 = vector.extract %slice3A_388[0] : i32 from vector<1xi32>
      %get3A_390 = arith.index_cast %squeeze3A_389 : i32 to index
      %get3A_391 = memref.load %arg11[%get3A_390] : memref<33xf32, #tpu.memory_space<smem>>
      %add3A_392 = arith.constant 1.000000e+00 : f32
      %add3A_393 = arith.addf %get3A_391, %add3A_392 : f32
      %swap3A_394 = arith.index_cast %squeeze3A_389 : i32 to index
      %swap3A_395 = memref.load %arg11[%swap3A_394] : memref<33xf32, #tpu.memory_space<smem>>
      memref.store %add3A_393, %arg11[%swap3A_394] : memref<33xf32, #tpu.memory_space<smem>>
      %parallel_loop3A_396 = arith.constant 0 : i32
      %parallel_loop3A_397 = arith.constant 32 : i32
      %parallel_loop3A_398 = arith.constant 1 : i32
      scf.for %parallel_loop3A_483 = %parallel_loop3A_396 to %parallel_loop3A_397 step %parallel_loop3A_398  : i32 {
        %parallel_loop3A_484 = arith.constant 16 : i32
        %parallel_loop3A_485 = arith.muli %parallel_loop3A_483, %parallel_loop3A_484 : i32
        %parallel_loop3A_486 = arith.constant 8 : i32
        %parallel_loop3A_487 = arith.index_cast %parallel_loop3A_486 : i32 to index
        %parallel_loop3A_488 = arith.index_cast %parallel_loop3A_485 : i32 to index
        %parallel_loop3A_489 = tpu.vector_load %arg9[%parallel_loop3A_487, %parallel_loop3A_488] {strides = array<i32>} : memref<16x512xf32, #tpu.memory_space<vmem>>, vector<16xf32>,
        %parallel_loop3A_490 = arith.constant 16 : i32
        %parallel_loop3A_491 = arith.muli %parallel_loop3A_483, %parallel_loop3A_490 : i32
        %parallel_loop3A_492 = arith.index_cast %squeeze3A_389 : i32 to index
        %parallel_loop3A_493 = arith.index_cast %parallel_loop3A_491 : i32 to index
        %parallel_loop3A_494 = tpu.vector_load %arg10[%parallel_loop3A_492, %parallel_loop3A_493] {strides = array<i32>} : memref<33x512xf32, #tpu.memory_space<vmem>>, vector<16xf32>,
        tpu.vector_store %arg10[%parallel_loop3A_492, %parallel_loop3A_493], %parallel_loop3A_489 {add = true, strides = array<i32>} : memref<33x512xf32, #tpu.memory_space<vmem>>, vector<16xf32>,
      } {sc.loop_unroll_factor = 8 : i64, sc.parallel_access}
      %slice3A_399 = vector.extract_strided_slice %sub3A_299 {offsets = [9], sizes = [1], strides = [1]} : vector<16xi32> to vector<1xi32>
      %squeeze3A_400 = vector.extract %slice3A_399[0] : i32 from vector<1xi32>
      %get3A_401 = arith.index_cast %squeeze3A_400 : i32 to index
      %get3A_402 = memref.load %arg11[%get3A_401] : memref<33xf32, #tpu.memory_space<smem>>
      %add3A_403 = arith.constant 1.000000e+00 : f32
      %add3A_404 = arith.addf %get3A_402, %add3A_403 : f32
      %swap3A_405 = arith.index_cast %squeeze3A_400 : i32 to index
      %swap3A_406 = memref.load %arg11[%swap3A_405] : memref<33xf32, #tpu.memory_space<smem>>
      memref.store %add3A_404, %arg11[%swap3A_405] : memref<33xf32, #tpu.memory_space<smem>>
      %parallel_loop3A_407 = arith.constant 0 : i32
      %parallel_loop3A_408 = arith.constant 32 : i32
      %parallel_loop3A_409 = arith.constant 1 : i32
      scf.for %parallel_loop3A_483 = %parallel_loop3A_407 to %parallel_loop3A_408 step %parallel_loop3A_409  : i32 {
        %parallel_loop3A_484 = arith.constant 16 : i32
        %parallel_loop3A_485 = arith.muli %parallel_loop3A_483, %parallel_loop3A_484 : i32
        %parallel_loop3A_486 = arith.constant 9 : i32
        %parallel_loop3A_487 = arith.index_cast %parallel_loop3A_486 : i32 to index
        %parallel_loop3A_488 = arith.index_cast %parallel_loop3A_485 : i32 to index
        %parallel_loop3A_489 = tpu.vector_load %arg9[%parallel_loop3A_487, %parallel_loop3A_488] {strides = array<i32>} : memref<16x512xf32, #tpu.memory_space<vmem>>, vector<16xf32>,
        %parallel_loop3A_490 = arith.constant 16 : i32
        %parallel_loop3A_491 = arith.muli %parallel_loop3A_483, %parallel_loop3A_490 : i32
        %parallel_loop3A_492 = arith.index_cast %squeeze3A_400 : i32 to index
        %parallel_loop3A_493 = arith.index_cast %parallel_loop3A_491 : i32 to index
        %parallel_loop3A_494 = tpu.vector_load %arg10[%parallel_loop3A_492, %parallel_loop3A_493] {strides = array<i32>} : memref<33x512xf32, #tpu.memory_space<vmem>>, vector<16xf32>,
        tpu.vector_store %arg10[%parallel_loop3A_492, %parallel_loop3A_493], %parallel_loop3A_489 {add = true, strides = array<i32>} : memref<33x512xf32, #tpu.memory_space<vmem>>, vector<16xf32>,
      } {sc.loop_unroll_factor = 8 : i64, sc.parallel_access}
      %slice3A_410 = vector.extract_strided_slice %sub3A_299 {offsets = [10], sizes = [1], strides = [1]} : vector<16xi32> to vector<1xi32>
      %squeeze3A_411 = vector.extract %slice3A_410[0] : i32 from vector<1xi32>
      %get3A_412 = arith.index_cast %squeeze3A_411 : i32 to index
      %get3A_413 = memref.load %arg11[%get3A_412] : memref<33xf32, #tpu.memory_space<smem>>
      %add3A_414 = arith.constant 1.000000e+00 : f32
      %add3A_415 = arith.addf %get3A_413, %add3A_414 : f32
      %swap3A_416 = arith.index_cast %squeeze3A_411 : i32 to index
      %swap3A_417 = memref.load %arg11[%swap3A_416] : memref<33xf32, #tpu.memory_space<smem>>
      memref.store %add3A_415, %arg11[%swap3A_416] : memref<33xf32, #tpu.memory_space<smem>>
      %parallel_loop3A_418 = arith.constant 0 : i32
      %parallel_loop3A_419 = arith.constant 32 : i32
      %parallel_loop3A_420 = arith.constant 1 : i32
      scf.for %parallel_loop3A_483 = %parallel_loop3A_418 to %parallel_loop3A_419 step %parallel_loop3A_420  : i32 {
        %parallel_loop3A_484 = arith.constant 16 : i32
        %parallel_loop3A_485 = arith.muli %parallel_loop3A_483, %parallel_loop3A_484 : i32
        %parallel_loop3A_486 = arith.constant 10 : i32
        %parallel_loop3A_487 = arith.index_cast %parallel_loop3A_486 : i32 to index
        %parallel_loop3A_488 = arith.index_cast %parallel_loop3A_485 : i32 to index
        %parallel_loop3A_489 = tpu.vector_load %arg9[%parallel_loop3A_487, %parallel_loop3A_488] {strides = array<i32>} : memref<16x512xf32, #tpu.memory_space<vmem>>, vector<16xf32>,
        %parallel_loop3A_490 = arith.constant 16 : i32
        %parallel_loop3A_491 = arith.muli %parallel_loop3A_483, %parallel_loop3A_490 : i32
        %parallel_loop3A_492 = arith.index_cast %squeeze3A_411 : i32 to index
        %parallel_loop3A_493 = arith.index_cast %parallel_loop3A_491 : i32 to index
        %parallel_loop3A_494 = tpu.vector_load %arg10[%parallel_loop3A_492, %parallel_loop3A_493] {strides = array<i32>} : memref<33x512xf32, #tpu.memory_space<vmem>>, vector<16xf32>,
        tpu.vector_store %arg10[%parallel_loop3A_492, %parallel_loop3A_493], %parallel_loop3A_489 {add = true, strides = array<i32>} : memref<33x512xf32, #tpu.memory_space<vmem>>, vector<16xf32>,
      } {sc.loop_unroll_factor = 8 : i64, sc.parallel_access}
      %slice3A_421 = vector.extract_strided_slice %sub3A_299 {offsets = [11], sizes = [1], strides = [1]} : vector<16xi32> to vector<1xi32>
      %squeeze3A_422 = vector.extract %slice3A_421[0] : i32 from vector<1xi32>
      %get3A_423 = arith.index_cast %squeeze3A_422 : i32 to index
      %get3A_424 = memref.load %arg11[%get3A_423] : memref<33xf32, #tpu.memory_space<smem>>
      %add3A_425 = arith.constant 1.000000e+00 : f32
      %add3A_426 = arith.addf %get3A_424, %add3A_425 : f32
      %swap3A_427 = arith.index_cast %squeeze3A_422 : i32 to index
      %swap3A_428 = memref.load %arg11[%swap3A_427] : memref<33xf32, #tpu.memory_space<smem>>
      memref.store %add3A_426, %arg11[%swap3A_427] : memref<33xf32, #tpu.memory_space<smem>>
      %parallel_loop3A_429 = arith.constant 0 : i32
      %parallel_loop3A_430 = arith.constant 32 : i32
      %parallel_loop3A_431 = arith.constant 1 : i32
      scf.for %parallel_loop3A_483 = %parallel_loop3A_429 to %parallel_loop3A_430 step %parallel_loop3A_431  : i32 {
        %parallel_loop3A_484 = arith.constant 16 : i32
        %parallel_loop3A_485 = arith.muli %parallel_loop3A_483, %parallel_loop3A_484 : i32
        %parallel_loop3A_486 = arith.constant 11 : i32
        %parallel_loop3A_487 = arith.index_cast %parallel_loop3A_486 : i32 to index
        %parallel_loop3A_488 = arith.index_cast %parallel_loop3A_485 : i32 to index
        %parallel_loop3A_489 = tpu.vector_load %arg9[%parallel_loop3A_487, %parallel_loop3A_488] {strides = array<i32>} : memref<16x512xf32, #tpu.memory_space<vmem>>, vector<16xf32>,
        %parallel_loop3A_490 = arith.constant 16 : i32
        %parallel_loop3A_491 = arith.muli %parallel_loop3A_483, %parallel_loop3A_490 : i32
        %parallel_loop3A_492 = arith.index_cast %squeeze3A_422 : i32 to index
        %parallel_loop3A_493 = arith.index_cast %parallel_loop3A_491 : i32 to index
        %parallel_loop3A_494 = tpu.vector_load %arg10[%parallel_loop3A_492, %parallel_loop3A_493] {strides = array<i32>} : memref<33x512xf32, #tpu.memory_space<vmem>>, vector<16xf32>,
        tpu.vector_store %arg10[%parallel_loop3A_492, %parallel_loop3A_493], %parallel_loop3A_489 {add = true, strides = array<i32>} : memref<33x512xf32, #tpu.memory_space<vmem>>, vector<16xf32>,
      } {sc.loop_unroll_factor = 8 : i64, sc.parallel_access}
      %slice3A_432 = vector.extract_strided_slice %sub3A_299 {offsets = [12], sizes = [1], strides = [1]} : vector<16xi32> to vector<1xi32>
      %squeeze3A_433 = vector.extract %slice3A_432[0] : i32 from vector<1xi32>
      %get3A_434 = arith.index_cast %squeeze3A_433 : i32 to index
      %get3A_435 = memref.load %arg11[%get3A_434] : memref<33xf32, #tpu.memory_space<smem>>
      %add3A_436 = arith.constant 1.000000e+00 : f32
      %add3A_437 = arith.addf %get3A_435, %add3A_436 : f32
      %swap3A_438 = arith.index_cast %squeeze3A_433 : i32 to index
      %swap3A_439 = memref.load %arg11[%swap3A_438] : memref<33xf32, #tpu.memory_space<smem>>
      memref.store %add3A_437, %arg11[%swap3A_438] : memref<33xf32, #tpu.memory_space<smem>>
      %parallel_loop3A_440 = arith.constant 0 : i32
      %parallel_loop3A_441 = arith.constant 32 : i32
      %parallel_loop3A_442 = arith.constant 1 : i32
      scf.for %parallel_loop3A_483 = %parallel_loop3A_440 to %parallel_loop3A_441 step %parallel_loop3A_442  : i32 {
        %parallel_loop3A_484 = arith.constant 16 : i32
        %parallel_loop3A_485 = arith.muli %parallel_loop3A_483, %parallel_loop3A_484 : i32
        %parallel_loop3A_486 = arith.constant 12 : i32
        %parallel_loop3A_487 = arith.index_cast %parallel_loop3A_486 : i32 to index
        %parallel_loop3A_488 = arith.index_cast %parallel_loop3A_485 : i32 to index
        %parallel_loop3A_489 = tpu.vector_load %arg9[%parallel_loop3A_487, %parallel_loop3A_488] {strides = array<i32>} : memref<16x512xf32, #tpu.memory_space<vmem>>, vector<16xf32>,
        %parallel_loop3A_490 = arith.constant 16 : i32
        %parallel_loop3A_491 = arith.muli %parallel_loop3A_483, %parallel_loop3A_490 : i32
        %parallel_loop3A_492 = arith.index_cast %squeeze3A_433 : i32 to index
        %parallel_loop3A_493 = arith.index_cast %parallel_loop3A_491 : i32 to index
        %parallel_loop3A_494 = tpu.vector_load %arg10[%parallel_loop3A_492, %parallel_loop3A_493] {strides = array<i32>} : memref<33x512xf32, #tpu.memory_space<vmem>>, vector<16xf32>,
        tpu.vector_store %arg10[%parallel_loop3A_492, %parallel_loop3A_493], %parallel_loop3A_489 {add = true, strides = array<i32>} : memref<33x512xf32, #tpu.memory_space<vmem>>, vector<16xf32>,
      } {sc.loop_unroll_factor = 8 : i64, sc.parallel_access}
      %slice3A_443 = vector.extract_strided_slice %sub3A_299 {offsets = [13], sizes = [1], strides = [1]} : vector<16xi32> to vector<1xi32>
      %squeeze3A_444 = vector.extract %slice3A_443[0] : i32 from vector<1xi32>
      %get3A_445 = arith.index_cast %squeeze3A_444 : i32 to index
      %get3A_446 = memref.load %arg11[%get3A_445] : memref<33xf32, #tpu.memory_space<smem>>
      %add3A_447 = arith.constant 1.000000e+00 : f32
      %add3A_448 = arith.addf %get3A_446, %add3A_447 : f32
      %swap3A_449 = arith.index_cast %squeeze3A_444 : i32 to index
      %swap3A_450 = memref.load %arg11[%swap3A_449] : memref<33xf32, #tpu.memory_space<smem>>
      memref.store %add3A_448, %arg11[%swap3A_449] : memref<33xf32, #tpu.memory_space<smem>>
      %parallel_loop3A_451 = arith.constant 0 : i32
      %parallel_loop3A_452 = arith.constant 32 : i32
      %parallel_loop3A_453 = arith.constant 1 : i32
      scf.for %parallel_loop3A_483 = %parallel_loop3A_451 to %parallel_loop3A_452 step %parallel_loop3A_453  : i32 {
        %parallel_loop3A_484 = arith.constant 16 : i32
        %parallel_loop3A_485 = arith.muli %parallel_loop3A_483, %parallel_loop3A_484 : i32
        %parallel_loop3A_486 = arith.constant 13 : i32
        %parallel_loop3A_487 = arith.index_cast %parallel_loop3A_486 : i32 to index
        %parallel_loop3A_488 = arith.index_cast %parallel_loop3A_485 : i32 to index
        %parallel_loop3A_489 = tpu.vector_load %arg9[%parallel_loop3A_487, %parallel_loop3A_488] {strides = array<i32>} : memref<16x512xf32, #tpu.memory_space<vmem>>, vector<16xf32>,
        %parallel_loop3A_490 = arith.constant 16 : i32
        %parallel_loop3A_491 = arith.muli %parallel_loop3A_483, %parallel_loop3A_490 : i32
        %parallel_loop3A_492 = arith.index_cast %squeeze3A_444 : i32 to index
        %parallel_loop3A_493 = arith.index_cast %parallel_loop3A_491 : i32 to index
        %parallel_loop3A_494 = tpu.vector_load %arg10[%parallel_loop3A_492, %parallel_loop3A_493] {strides = array<i32>} : memref<33x512xf32, #tpu.memory_space<vmem>>, vector<16xf32>,
        tpu.vector_store %arg10[%parallel_loop3A_492, %parallel_loop3A_493], %parallel_loop3A_489 {add = true, strides = array<i32>} : memref<33x512xf32, #tpu.memory_space<vmem>>, vector<16xf32>,
      } {sc.loop_unroll_factor = 8 : i64, sc.parallel_access}
      %slice3A_454 = vector.extract_strided_slice %sub3A_299 {offsets = [14], sizes = [1], strides = [1]} : vector<16xi32> to vector<1xi32>
      %squeeze3A_455 = vector.extract %slice3A_454[0] : i32 from vector<1xi32>
      %get3A_456 = arith.index_cast %squeeze3A_455 : i32 to index
      %get3A_457 = memref.load %arg11[%get3A_456] : memref<33xf32, #tpu.memory_space<smem>>
      %add3A_458 = arith.constant 1.000000e+00 : f32
      %add3A_459 = arith.addf %get3A_457, %add3A_458 : f32
      %swap3A_460 = arith.index_cast %squeeze3A_455 : i32 to index
      %swap3A_461 = memref.load %arg11[%swap3A_460] : memref<33xf32, #tpu.memory_space<smem>>
      memref.store %add3A_459, %arg11[%swap3A_460] : memref<33xf32, #tpu.memory_space<smem>>
      %parallel_loop3A_462 = arith.constant 0 : i32
      %parallel_loop3A_463 = arith.constant 32 : i32
      %parallel_loop3A_464 = arith.constant 1 : i32
      scf.for %parallel_loop3A_483 = %parallel_loop3A_462 to %parallel_loop3A_463 step %parallel_loop3A_464  : i32 {
        %parallel_loop3A_484 = arith.constant 16 : i32
        %parallel_loop3A_485 = arith.muli %parallel_loop3A_483, %parallel_loop3A_484 : i32
        %parallel_loop3A_486 = arith.constant 14 : i32
        %parallel_loop3A_487 = arith.index_cast %parallel_loop3A_486 : i32 to index
        %parallel_loop3A_488 = arith.index_cast %parallel_loop3A_485 : i32 to index
        %parallel_loop3A_489 = tpu.vector_load %arg9[%parallel_loop3A_487, %parallel_loop3A_488] {strides = array<i32>} : memref<16x512xf32, #tpu.memory_space<vmem>>, vector<16xf32>,
        %parallel_loop3A_490 = arith.constant 16 : i32
        %parallel_loop3A_491 = arith.muli %parallel_loop3A_483, %parallel_loop3A_490 : i32
        %parallel_loop3A_492 = arith.index_cast %squeeze3A_455 : i32 to index
        %parallel_loop3A_493 = arith.index_cast %parallel_loop3A_491 : i32 to index
        %parallel_loop3A_494 = tpu.vector_load %arg10[%parallel_loop3A_492, %parallel_loop3A_493] {strides = array<i32>} : memref<33x512xf32, #tpu.memory_space<vmem>>, vector<16xf32>,
        tpu.vector_store %arg10[%parallel_loop3A_492, %parallel_loop3A_493], %parallel_loop3A_489 {add = true, strides = array<i32>} : memref<33x512xf32, #tpu.memory_space<vmem>>, vector<16xf32>,
      } {sc.loop_unroll_factor = 8 : i64, sc.parallel_access}
      %slice3A_465 = vector.extract_strided_slice %sub3A_299 {offsets = [15], sizes = [1], strides = [1]} : vector<16xi32> to vector<1xi32>
      %squeeze3A_466 = vector.extract %slice3A_465[0] : i32 from vector<1xi32>
      %get3A_467 = arith.index_cast %squeeze3A_466 : i32 to index
      %get3A_468 = memref.load %arg11[%get3A_467] : memref<33xf32, #tpu.memory_space<smem>>
      %add3A_469 = arith.constant 1.000000e+00 : f32
      %add3A_470 = arith.addf %get3A_468, %add3A_469 : f32
      %swap3A_471 = arith.index_cast %squeeze3A_466 : i32 to index
      %swap3A_472 = memref.load %arg11[%swap3A_471] : memref<33xf32, #tpu.memory_space<smem>>
      memref.store %add3A_470, %arg11[%swap3A_471] : memref<33xf32, #tpu.memory_space<smem>>
      %parallel_loop3A_473 = arith.constant 0 : i32
      %parallel_loop3A_474 = arith.constant 32 : i32
      %parallel_loop3A_475 = arith.constant 1 : i32
      scf.for %parallel_loop3A_483 = %parallel_loop3A_473 to %parallel_loop3A_474 step %parallel_loop3A_475  : i32 {
        %parallel_loop3A_484 = arith.constant 16 : i32
        %parallel_loop3A_485 = arith.muli %parallel_loop3A_483, %parallel_loop3A_484 : i32
        %parallel_loop3A_486 = arith.constant 15 : i32
        %parallel_loop3A_487 = arith.index_cast %parallel_loop3A_486 : i32 to index
        %parallel_loop3A_488 = arith.index_cast %parallel_loop3A_485 : i32 to index
        %parallel_loop3A_489 = tpu.vector_load %arg9[%parallel_loop3A_487, %parallel_loop3A_488] {strides = array<i32>} : memref<16x512xf32, #tpu.memory_space<vmem>>, vector<16xf32>,
        %parallel_loop3A_490 = arith.constant 16 : i32
        %parallel_loop3A_491 = arith.muli %parallel_loop3A_483, %parallel_loop3A_490 : i32
        %parallel_loop3A_492 = arith.index_cast %squeeze3A_466 : i32 to index
        %parallel_loop3A_493 = arith.index_cast %parallel_loop3A_491 : i32 to index
        %parallel_loop3A_494 = tpu.vector_load %arg10[%parallel_loop3A_492, %parallel_loop3A_493] {strides = array<i32>} : memref<33x512xf32, #tpu.memory_space<vmem>>, vector<16xf32>,
        tpu.vector_store %arg10[%parallel_loop3A_492, %parallel_loop3A_493], %parallel_loop3A_489 {add = true, strides = array<i32>} : memref<33x512xf32, #tpu.memory_space<vmem>>, vector<16xf32>,
      } {sc.loop_unroll_factor = 8 : i64, sc.parallel_access}
      %add3A_476 = arith.constant 2 : i32
      %add3A_477 = arith.addi %add3A_288, %add3A_476 : i32
      %lt3A_478 = arith.cmpi slt, %add3A_477, %mul3A_67 : i32
      %convert_element_type3A_479 = arith.extui %lt3A_478 : i1 to i32
      %cond3A_480 = arith.constant 0 : i32
      %cond3A_481 = arith.cmpi ne, %convert_element_type3A_479, %cond3A_480 : i32
      scf.if %cond3A_481 {
        %add3A_483 = arith.constant 2 : i32
        %add3A_484 = arith.addi %add3A_288, %add3A_483 : i32
        %mul3A_485 = arith.constant 16 : i32
        %mul3A_486 = arith.muli %add3A_484, %mul3A_485 : i32
        %dma_start3A = tpu.memref_slice %arg6[%mul3A_486] : memref<16416xi32, #tpu.memory_space<vmem>> -> memref<16xi32, #tpu.memory_space<vmem>>
        %dma_start3A_487 = arith.constant 0 : i32
        %dma_start3A_488 = arith.constant 0 : i32
        %dma_start3A_489 = tpu.memref_slice %arg2[%dma_start3A_487, %dma_start3A_488] : memref<16384x512xf32, #tpu.memory_space<hbm>> -> memref<16384x512xf32, #tpu.memory_space<hbm>>
        tpu.enqueue_indirect_dma source(%dma_start3A_489 : memref<16384x512xf32, #tpu.memory_space<hbm>>) target(%arg9 : memref<16x512xf32, #tpu.memory_space<vmem>>) offsets(%dma_start3A : memref<16xi32, #tpu.memory_space<vmem>>) semaphore(%arg14 : memref<!tpu.dma_semaphore, #tpu.memory_space<semaphore_mem>>)
      } else {
      }
      %while3A_482 = arith.constant 0 : i32
      scf.yield %while3A_482 : i32
    }
    %while3A_84 = arith.constant 1 : i32
    %while3A_85 = scf.for %while3A_94 = %while3A_81 to %while3A_77 step %while3A_84 iter_args(%while3A_95 = %while3A_83) -> (i32)  : i32 {
      %mul3A_96 = arith.constant 2 : i32
      %mul3A_97 = arith.muli %mul3A_96, %while3A_94 : i32
      %mul3A_98 = arith.constant 16 : i32
      %mul3A_99 = arith.muli %mul3A_97, %mul3A_98 : i32
      %dma_wait3A = tpu.memref_slice %arg6[%mul3A_99] : memref<16416xi32, #tpu.memory_space<vmem>> -> memref<16xi32, #tpu.memory_space<vmem>>
      %dma_wait3A_100 = arith.constant 0 : i32
      %dma_wait3A_101 = arith.constant 0 : i32
      %dma_wait3A_102 = tpu.memref_slice %arg2[%dma_wait3A_100, %dma_wait3A_101] : memref<16384x512xf32, #tpu.memory_space<hbm>> -> memref<16384x512xf32, #tpu.memory_space<hbm>>
      tpu.wait_indirect_dma semaphore(%arg13 : memref<!tpu.dma_semaphore, #tpu.memory_space<semaphore_mem>>) src(%dma_wait3A_102 : memref<16384x512xf32, #tpu.memory_space<hbm>>) dst(%arg8 : memref<16x512xf32, #tpu.memory_space<vmem>>)
      %mul3A_103 = arith.constant 16 : i32
      %mul3A_104 = arith.muli %mul3A_97, %mul3A_103 : i32
      %get3A = arith.index_cast %mul3A_104 : i32 to index
      %get3A_105 = tpu.vector_load %arg7[%get3A] {strides = array<i32>} : memref<16416xi32, #tpu.memory_space<vmem>>, vector<16xi32>,
      %sub3A_106 = arith.subi %get3A_105, %broadcast_in_dim3A_11 : vector<16xi32>
      %slice3A_107 = vector.extract_strided_slice %sub3A_106 {offsets = [0], sizes = [1], strides = [1]} : vector<16xi32> to vector<1xi32>
      %squeeze3A_108 = vector.extract %slice3A_107[0] : i32 from vector<1xi32>
      %get3A_109 = arith.index_cast %squeeze3A_108 : i32 to index
      %get3A_110 = memref.load %arg11[%get3A_109] : memref<33xf32, #tpu.memory_space<smem>>
      %add3A_111 = arith.constant 1.000000e+00 : f32
      %add3A_112 = arith.addf %get3A_110, %add3A_111 : f32
      %swap3A_113 = arith.index_cast %squeeze3A_108 : i32 to index
      %swap3A_114 = memref.load %arg11[%swap3A_113] : memref<33xf32, #tpu.memory_space<smem>>
      memref.store %add3A_112, %arg11[%swap3A_113] : memref<33xf32, #tpu.memory_space<smem>>
      %parallel_loop3A = arith.constant 0 : i32
      %parallel_loop3A_115 = arith.constant 32 : i32
      %parallel_loop3A_116 = arith.constant 1 : i32
      scf.for %parallel_loop3A_483 = %parallel_loop3A to %parallel_loop3A_115 step %parallel_loop3A_116  : i32 {
        %parallel_loop3A_484 = arith.constant 16 : i32
        %parallel_loop3A_485 = arith.muli %parallel_loop3A_483, %parallel_loop3A_484 : i32
        %parallel_loop3A_486 = arith.constant 0 : i32
        %parallel_loop3A_487 = arith.index_cast %parallel_loop3A_486 : i32 to index
        %parallel_loop3A_488 = arith.index_cast %parallel_loop3A_485 : i32 to index
        %parallel_loop3A_489 = tpu.vector_load %arg8[%parallel_loop3A_487, %parallel_loop3A_488] {strides = array<i32>} : memref<16x512xf32, #tpu.memory_space<vmem>>, vector<16xf32>,
        %parallel_loop3A_490 = arith.constant 16 : i32
        %parallel_loop3A_491 = arith.muli %parallel_loop3A_483, %parallel_loop3A_490 : i32
        %parallel_loop3A_492 = arith.index_cast %squeeze3A_108 : i32 to index
        %parallel_loop3A_493 = arith.index_cast %parallel_loop3A_491 : i32 to index
        %parallel_loop3A_494 = tpu.vector_load %arg10[%parallel_loop3A_492, %parallel_loop3A_493] {strides = array<i32>} : memref<33x512xf32, #tpu.memory_space<vmem>>, vector<16xf32>,
        tpu.vector_store %arg10[%parallel_loop3A_492, %parallel_loop3A_493], %parallel_loop3A_489 {add = true, strides = array<i32>} : memref<33x512xf32, #tpu.memory_space<vmem>>, vector<16xf32>,
      } {sc.loop_unroll_factor = 8 : i64, sc.parallel_access}
      %slice3A_117 = vector.extract_strided_slice %sub3A_106 {offsets = [1], sizes = [1], strides = [1]} : vector<16xi32> to vector<1xi32>
      %squeeze3A_118 = vector.extract %slice3A_117[0] : i32 from vector<1xi32>
      %get3A_119 = arith.index_cast %squeeze3A_118 : i32 to index
      %get3A_120 = memref.load %arg11[%get3A_119] : memref<33xf32, #tpu.memory_space<smem>>
      %add3A_121 = arith.constant 1.000000e+00 : f32
      %add3A_122 = arith.addf %get3A_120, %add3A_121 : f32
      %swap3A_123 = arith.index_cast %squeeze3A_118 : i32 to index
      %swap3A_124 = memref.load %arg11[%swap3A_123] : memref<33xf32, #tpu.memory_space<smem>>
      memref.store %add3A_122, %arg11[%swap3A_123] : memref<33xf32, #tpu.memory_space<smem>>
      %parallel_loop3A_125 = arith.constant 0 : i32
      %parallel_loop3A_126 = arith.constant 32 : i32
      %parallel_loop3A_127 = arith.constant 1 : i32
      scf.for %parallel_loop3A_483 = %parallel_loop3A_125 to %parallel_loop3A_126 step %parallel_loop3A_127  : i32 {
        %parallel_loop3A_484 = arith.constant 16 : i32
        %parallel_loop3A_485 = arith.muli %parallel_loop3A_483, %parallel_loop3A_484 : i32
        %parallel_loop3A_486 = arith.constant 1 : i32
        %parallel_loop3A_487 = arith.index_cast %parallel_loop3A_486 : i32 to index
        %parallel_loop3A_488 = arith.index_cast %parallel_loop3A_485 : i32 to index
        %parallel_loop3A_489 = tpu.vector_load %arg8[%parallel_loop3A_487, %parallel_loop3A_488] {strides = array<i32>} : memref<16x512xf32, #tpu.memory_space<vmem>>, vector<16xf32>,
        %parallel_loop3A_490 = arith.constant 16 : i32
        %parallel_loop3A_491 = arith.muli %parallel_loop3A_483, %parallel_loop3A_490 : i32
        %parallel_loop3A_492 = arith.index_cast %squeeze3A_118 : i32 to index
        %parallel_loop3A_493 = arith.index_cast %parallel_loop3A_491 : i32 to index
        %parallel_loop3A_494 = tpu.vector_load %arg10[%parallel_loop3A_492, %parallel_loop3A_493] {strides = array<i32>} : memref<33x512xf32, #tpu.memory_space<vmem>>, vector<16xf32>,
        tpu.vector_store %arg10[%parallel_loop3A_492, %parallel_loop3A_493], %parallel_loop3A_489 {add = true, strides = array<i32>} : memref<33x512xf32, #tpu.memory_space<vmem>>, vector<16xf32>,
      } {sc.loop_unroll_factor = 8 : i64, sc.parallel_access}
      %slice3A_128 = vector.extract_strided_slice %sub3A_106 {offsets = [2], sizes = [1], strides = [1]} : vector<16xi32> to vector<1xi32>
      %squeeze3A_129 = vector.extract %slice3A_128[0] : i32 from vector<1xi32>
      %get3A_130 = arith.index_cast %squeeze3A_129 : i32 to index
      %get3A_131 = memref.load %arg11[%get3A_130] : memref<33xf32, #tpu.memory_space<smem>>
      %add3A_132 = arith.constant 1.000000e+00 : f32
      %add3A_133 = arith.addf %get3A_131, %add3A_132 : f32
      %swap3A_134 = arith.index_cast %squeeze3A_129 : i32 to index
      %swap3A_135 = memref.load %arg11[%swap3A_134] : memref<33xf32, #tpu.memory_space<smem>>
      memref.store %add3A_133, %arg11[%swap3A_134] : memref<33xf32, #tpu.memory_space<smem>>
      %parallel_loop3A_136 = arith.constant 0 : i32
      %parallel_loop3A_137 = arith.constant 32 : i32
      %parallel_loop3A_138 = arith.constant 1 : i32
      scf.for %parallel_loop3A_483 = %parallel_loop3A_136 to %parallel_loop3A_137 step %parallel_loop3A_138  : i32 {
        %parallel_loop3A_484 = arith.constant 16 : i32
        %parallel_loop3A_485 = arith.muli %parallel_loop3A_483, %parallel_loop3A_484 : i32
        %parallel_loop3A_486 = arith.constant 2 : i32
        %parallel_loop3A_487 = arith.index_cast %parallel_loop3A_486 : i32 to index
        %parallel_loop3A_488 = arith.index_cast %parallel_loop3A_485 : i32 to index
        %parallel_loop3A_489 = tpu.vector_load %arg8[%parallel_loop3A_487, %parallel_loop3A_488] {strides = array<i32>} : memref<16x512xf32, #tpu.memory_space<vmem>>, vector<16xf32>,
        %parallel_loop3A_490 = arith.constant 16 : i32
        %parallel_loop3A_491 = arith.muli %parallel_loop3A_483, %parallel_loop3A_490 : i32
        %parallel_loop3A_492 = arith.index_cast %squeeze3A_129 : i32 to index
        %parallel_loop3A_493 = arith.index_cast %parallel_loop3A_491 : i32 to index
        %parallel_loop3A_494 = tpu.vector_load %arg10[%parallel_loop3A_492, %parallel_loop3A_493] {strides = array<i32>} : memref<33x512xf32, #tpu.memory_space<vmem>>, vector<16xf32>,
        tpu.vector_store %arg10[%parallel_loop3A_492, %parallel_loop3A_493], %parallel_loop3A_489 {add = true, strides = array<i32>} : memref<33x512xf32, #tpu.memory_space<vmem>>, vector<16xf32>,
      } {sc.loop_unroll_factor = 8 : i64, sc.parallel_access}
      %slice3A_139 = vector.extract_strided_slice %sub3A_106 {offsets = [3], sizes = [1], strides = [1]} : vector<16xi32> to vector<1xi32>
      %squeeze3A_140 = vector.extract %slice3A_139[0] : i32 from vector<1xi32>
      %get3A_141 = arith.index_cast %squeeze3A_140 : i32 to index
      %get3A_142 = memref.load %arg11[%get3A_141] : memref<33xf32, #tpu.memory_space<smem>>
      %add3A_143 = arith.constant 1.000000e+00 : f32
      %add3A_144 = arith.addf %get3A_142, %add3A_143 : f32
      %swap3A_145 = arith.index_cast %squeeze3A_140 : i32 to index
      %swap3A_146 = memref.load %arg11[%swap3A_145] : memref<33xf32, #tpu.memory_space<smem>>
      memref.store %add3A_144, %arg11[%swap3A_145] : memref<33xf32, #tpu.memory_space<smem>>
      %parallel_loop3A_147 = arith.constant 0 : i32
      %parallel_loop3A_148 = arith.constant 32 : i32
      %parallel_loop3A_149 = arith.constant 1 : i32
      scf.for %parallel_loop3A_483 = %parallel_loop3A_147 to %parallel_loop3A_148 step %parallel_loop3A_149  : i32 {
        %parallel_loop3A_484 = arith.constant 16 : i32
        %parallel_loop3A_485 = arith.muli %parallel_loop3A_483, %parallel_loop3A_484 : i32
        %parallel_loop3A_486 = arith.constant 3 : i32
        %parallel_loop3A_487 = arith.index_cast %parallel_loop3A_486 : i32 to index
        %parallel_loop3A_488 = arith.index_cast %parallel_loop3A_485 : i32 to index
        %parallel_loop3A_489 = tpu.vector_load %arg8[%parallel_loop3A_487, %parallel_loop3A_488] {strides = array<i32>} : memref<16x512xf32, #tpu.memory_space<vmem>>, vector<16xf32>,
        %parallel_loop3A_490 = arith.constant 16 : i32
        %parallel_loop3A_491 = arith.muli %parallel_loop3A_483, %parallel_loop3A_490 : i32
        %parallel_loop3A_492 = arith.index_cast %squeeze3A_140 : i32 to index
        %parallel_loop3A_493 = arith.index_cast %parallel_loop3A_491 : i32 to index
        %parallel_loop3A_494 = tpu.vector_load %arg10[%parallel_loop3A_492, %parallel_loop3A_493] {strides = array<i32>} : memref<33x512xf32, #tpu.memory_space<vmem>>, vector<16xf32>,
        tpu.vector_store %arg10[%parallel_loop3A_492, %parallel_loop3A_493], %parallel_loop3A_489 {add = true, strides = array<i32>} : memref<33x512xf32, #tpu.memory_space<vmem>>, vector<16xf32>,
      } {sc.loop_unroll_factor = 8 : i64, sc.parallel_access}
      %slice3A_150 = vector.extract_strided_slice %sub3A_106 {offsets = [4], sizes = [1], strides = [1]} : vector<16xi32> to vector<1xi32>
      %squeeze3A_151 = vector.extract %slice3A_150[0] : i32 from vector<1xi32>
      %get3A_152 = arith.index_cast %squeeze3A_151 : i32 to index
      %get3A_153 = memref.load %arg11[%get3A_152] : memref<33xf32, #tpu.memory_space<smem>>
      %add3A_154 = arith.constant 1.000000e+00 : f32
      %add3A_155 = arith.addf %get3A_153, %add3A_154 : f32
      %swap3A_156 = arith.index_cast %squeeze3A_151 : i32 to index
      %swap3A_157 = memref.load %arg11[%swap3A_156] : memref<33xf32, #tpu.memory_space<smem>>
      memref.store %add3A_155, %arg11[%swap3A_156] : memref<33xf32, #tpu.memory_space<smem>>
      %parallel_loop3A_158 = arith.constant 0 : i32
      %parallel_loop3A_159 = arith.constant 32 : i32
      %parallel_loop3A_160 = arith.constant 1 : i32
      scf.for %parallel_loop3A_483 = %parallel_loop3A_158 to %parallel_loop3A_159 step %parallel_loop3A_160  : i32 {
        %parallel_loop3A_484 = arith.constant 16 : i32
        %parallel_loop3A_485 = arith.muli %parallel_loop3A_483, %parallel_loop3A_484 : i32
        %parallel_loop3A_486 = arith.constant 4 : i32
        %parallel_loop3A_487 = arith.index_cast %parallel_loop3A_486 : i32 to index
        %parallel_loop3A_488 = arith.index_cast %parallel_loop3A_485 : i32 to index
        %parallel_loop3A_489 = tpu.vector_load %arg8[%parallel_loop3A_487, %parallel_loop3A_488] {strides = array<i32>} : memref<16x512xf32, #tpu.memory_space<vmem>>, vector<16xf32>,
        %parallel_loop3A_490 = arith.constant 16 : i32
        %parallel_loop3A_491 = arith.muli %parallel_loop3A_483, %parallel_loop3A_490 : i32
        %parallel_loop3A_492 = arith.index_cast %squeeze3A_151 : i32 to index
        %parallel_loop3A_493 = arith.index_cast %parallel_loop3A_491 : i32 to index
        %parallel_loop3A_494 = tpu.vector_load %arg10[%parallel_loop3A_492, %parallel_loop3A_493] {strides = array<i32>} : memref<33x512xf32, #tpu.memory_space<vmem>>, vector<16xf32>,
        tpu.vector_store %arg10[%parallel_loop3A_492, %parallel_loop3A_493], %parallel_loop3A_489 {add = true, strides = array<i32>} : memref<33x512xf32, #tpu.memory_space<vmem>>, vector<16xf32>,
      } {sc.loop_unroll_factor = 8 : i64, sc.parallel_access}
      %slice3A_161 = vector.extract_strided_slice %sub3A_106 {offsets = [5], sizes = [1], strides = [1]} : vector<16xi32> to vector<1xi32>
      %squeeze3A_162 = vector.extract %slice3A_161[0] : i32 from vector<1xi32>
      %get3A_163 = arith.index_cast %squeeze3A_162 : i32 to index
      %get3A_164 = memref.load %arg11[%get3A_163] : memref<33xf32, #tpu.memory_space<smem>>
      %add3A_165 = arith.constant 1.000000e+00 : f32
      %add3A_166 = arith.addf %get3A_164, %add3A_165 : f32
      %swap3A_167 = arith.index_cast %squeeze3A_162 : i32 to index
      %swap3A_168 = memref.load %arg11[%swap3A_167] : memref<33xf32, #tpu.memory_space<smem>>
      memref.store %add3A_166, %arg11[%swap3A_167] : memref<33xf32, #tpu.memory_space<smem>>
      %parallel_loop3A_169 = arith.constant 0 : i32
      %parallel_loop3A_170 = arith.constant 32 : i32
      %parallel_loop3A_171 = arith.constant 1 : i32
      scf.for %parallel_loop3A_483 = %parallel_loop3A_169 to %parallel_loop3A_170 step %parallel_loop3A_171  : i32 {
        %parallel_loop3A_484 = arith.constant 16 : i32
        %parallel_loop3A_485 = arith.muli %parallel_loop3A_483, %parallel_loop3A_484 : i32
        %parallel_loop3A_486 = arith.constant 5 : i32
        %parallel_loop3A_487 = arith.index_cast %parallel_loop3A_486 : i32 to index
        %parallel_loop3A_488 = arith.index_cast %parallel_loop3A_485 : i32 to index
        %parallel_loop3A_489 = tpu.vector_load %arg8[%parallel_loop3A_487, %parallel_loop3A_488] {strides = array<i32>} : memref<16x512xf32, #tpu.memory_space<vmem>>, vector<16xf32>,
        %parallel_loop3A_490 = arith.constant 16 : i32
        %parallel_loop3A_491 = arith.muli %parallel_loop3A_483, %parallel_loop3A_490 : i32
        %parallel_loop3A_492 = arith.index_cast %squeeze3A_162 : i32 to index
        %parallel_loop3A_493 = arith.index_cast %parallel_loop3A_491 : i32 to index
        %parallel_loop3A_494 = tpu.vector_load %arg10[%parallel_loop3A_492, %parallel_loop3A_493] {strides = array<i32>} : memref<33x512xf32, #tpu.memory_space<vmem>>, vector<16xf32>,
        tpu.vector_store %arg10[%parallel_loop3A_492, %parallel_loop3A_493], %parallel_loop3A_489 {add = true, strides = array<i32>} : memref<33x512xf32, #tpu.memory_space<vmem>>, vector<16xf32>,
      } {sc.loop_unroll_factor = 8 : i64, sc.parallel_access}
      %slice3A_172 = vector.extract_strided_slice %sub3A_106 {offsets = [6], sizes = [1], strides = [1]} : vector<16xi32> to vector<1xi32>
      %squeeze3A_173 = vector.extract %slice3A_172[0] : i32 from vector<1xi32>
      %get3A_174 = arith.index_cast %squeeze3A_173 : i32 to index
      %get3A_175 = memref.load %arg11[%get3A_174] : memref<33xf32, #tpu.memory_space<smem>>
      %add3A_176 = arith.constant 1.000000e+00 : f32
      %add3A_177 = arith.addf %get3A_175, %add3A_176 : f32
      %swap3A_178 = arith.index_cast %squeeze3A_173 : i32 to index
      %swap3A_179 = memref.load %arg11[%swap3A_178] : memref<33xf32, #tpu.memory_space<smem>>
      memref.store %add3A_177, %arg11[%swap3A_178] : memref<33xf32, #tpu.memory_space<smem>>
      %parallel_loop3A_180 = arith.constant 0 : i32
      %parallel_loop3A_181 = arith.constant 32 : i32
      %parallel_loop3A_182 = arith.constant 1 : i32
      scf.for %parallel_loop3A_483 = %parallel_loop3A_180 to %parallel_loop3A_181 step %parallel_loop3A_182  : i32 {
        %parallel_loop3A_484 = arith.constant 16 : i32
        %parallel_loop3A_485 = arith.muli %parallel_loop3A_483, %parallel_loop3A_484 : i32
        %parallel_loop3A_486 = arith.constant 6 : i32
        %parallel_loop3A_487 = arith.index_cast %parallel_loop3A_486 : i32 to index
        %parallel_loop3A_488 = arith.index_cast %parallel_loop3A_485 : i32 to index
        %parallel_loop3A_489 = tpu.vector_load %arg8[%parallel_loop3A_487, %parallel_loop3A_488] {strides = array<i32>} : memref<16x512xf32, #tpu.memory_space<vmem>>, vector<16xf32>,
        %parallel_loop3A_490 = arith.constant 16 : i32
        %parallel_loop3A_491 = arith.muli %parallel_loop3A_483, %parallel_loop3A_490 : i32
        %parallel_loop3A_492 = arith.index_cast %squeeze3A_173 : i32 to index
        %parallel_loop3A_493 = arith.index_cast %parallel_loop3A_491 : i32 to index
        %parallel_loop3A_494 = tpu.vector_load %arg10[%parallel_loop3A_492, %parallel_loop3A_493] {strides = array<i32>} : memref<33x512xf32, #tpu.memory_space<vmem>>, vector<16xf32>,
        tpu.vector_store %arg10[%parallel_loop3A_492, %parallel_loop3A_493], %parallel_loop3A_489 {add = true, strides = array<i32>} : memref<33x512xf32, #tpu.memory_space<vmem>>, vector<16xf32>,
      } {sc.loop_unroll_factor = 8 : i64, sc.parallel_access}
      %slice3A_183 = vector.extract_strided_slice %sub3A_106 {offsets = [7], sizes = [1], strides = [1]} : vector<16xi32> to vector<1xi32>
      %squeeze3A_184 = vector.extract %slice3A_183[0] : i32 from vector<1xi32>
      %get3A_185 = arith.index_cast %squeeze3A_184 : i32 to index
      %get3A_186 = memref.load %arg11[%get3A_185] : memref<33xf32, #tpu.memory_space<smem>>
      %add3A_187 = arith.constant 1.000000e+00 : f32
      %add3A_188 = arith.addf %get3A_186, %add3A_187 : f32
      %swap3A_189 = arith.index_cast %squeeze3A_184 : i32 to index
      %swap3A_190 = memref.load %arg11[%swap3A_189] : memref<33xf32, #tpu.memory_space<smem>>
      memref.store %add3A_188, %arg11[%swap3A_189] : memref<33xf32, #tpu.memory_space<smem>>
      %parallel_loop3A_191 = arith.constant 0 : i32
      %parallel_loop3A_192 = arith.constant 32 : i32
      %parallel_loop3A_193 = arith.constant 1 : i32
      scf.for %parallel_loop3A_483 = %parallel_loop3A_191 to %parallel_loop3A_192 step %parallel_loop3A_193  : i32 {
        %parallel_loop3A_484 = arith.constant 16 : i32
        %parallel_loop3A_485 = arith.muli %parallel_loop3A_483, %parallel_loop3A_484 : i32
        %parallel_loop3A_486 = arith.constant 7 : i32
        %parallel_loop3A_487 = arith.index_cast %parallel_loop3A_486 : i32 to index
        %parallel_loop3A_488 = arith.index_cast %parallel_loop3A_485 : i32 to index
        %parallel_loop3A_489 = tpu.vector_load %arg8[%parallel_loop3A_487, %parallel_loop3A_488] {strides = array<i32>} : memref<16x512xf32, #tpu.memory_space<vmem>>, vector<16xf32>,
        %parallel_loop3A_490 = arith.constant 16 : i32
        %parallel_loop3A_491 = arith.muli %parallel_loop3A_483, %parallel_loop3A_490 : i32
        %parallel_loop3A_492 = arith.index_cast %squeeze3A_184 : i32 to index
        %parallel_loop3A_493 = arith.index_cast %parallel_loop3A_491 : i32 to index
        %parallel_loop3A_494 = tpu.vector_load %arg10[%parallel_loop3A_492, %parallel_loop3A_493] {strides = array<i32>} : memref<33x512xf32, #tpu.memory_space<vmem>>, vector<16xf32>,
        tpu.vector_store %arg10[%parallel_loop3A_492, %parallel_loop3A_493], %parallel_loop3A_489 {add = true, strides = array<i32>} : memref<33x512xf32, #tpu.memory_space<vmem>>, vector<16xf32>,
      } {sc.loop_unroll_factor = 8 : i64, sc.parallel_access}
      %slice3A_194 = vector.extract_strided_slice %sub3A_106 {offsets = [8], sizes = [1], strides = [1]} : vector<16xi32> to vector<1xi32>
      %squeeze3A_195 = vector.extract %slice3A_194[0] : i32 from vector<1xi32>
      %get3A_196 = arith.index_cast %squeeze3A_195 : i32 to index
      %get3A_197 = memref.load %arg11[%get3A_196] : memref<33xf32, #tpu.memory_space<smem>>
      %add3A_198 = arith.constant 1.000000e+00 : f32
      %add3A_199 = arith.addf %get3A_197, %add3A_198 : f32
      %swap3A_200 = arith.index_cast %squeeze3A_195 : i32 to index
      %swap3A_201 = memref.load %arg11[%swap3A_200] : memref<33xf32, #tpu.memory_space<smem>>
      memref.store %add3A_199, %arg11[%swap3A_200] : memref<33xf32, #tpu.memory_space<smem>>
      %parallel_loop3A_202 = arith.constant 0 : i32
      %parallel_loop3A_203 = arith.constant 32 : i32
      %parallel_loop3A_204 = arith.constant 1 : i32
      scf.for %parallel_loop3A_483 = %parallel_loop3A_202 to %parallel_loop3A_203 step %parallel_loop3A_204  : i32 {
        %parallel_loop3A_484 = arith.constant 16 : i32
        %parallel_loop3A_485 = arith.muli %parallel_loop3A_483, %parallel_loop3A_484 : i32
        %parallel_loop3A_486 = arith.constant 8 : i32
        %parallel_loop3A_487 = arith.index_cast %parallel_loop3A_486 : i32 to index
        %parallel_loop3A_488 = arith.index_cast %parallel_loop3A_485 : i32 to index
        %parallel_loop3A_489 = tpu.vector_load %arg8[%parallel_loop3A_487, %parallel_loop3A_488] {strides = array<i32>} : memref<16x512xf32, #tpu.memory_space<vmem>>, vector<16xf32>,
        %parallel_loop3A_490 = arith.constant 16 : i32
        %parallel_loop3A_491 = arith.muli %parallel_loop3A_483, %parallel_loop3A_490 : i32
        %parallel_loop3A_492 = arith.index_cast %squeeze3A_195 : i32 to index
        %parallel_loop3A_493 = arith.index_cast %parallel_loop3A_491 : i32 to index
        %parallel_loop3A_494 = tpu.vector_load %arg10[%parallel_loop3A_492, %parallel_loop3A_493] {strides = array<i32>} : memref<33x512xf32, #tpu.memory_space<vmem>>, vector<16xf32>,
        tpu.vector_store %arg10[%parallel_loop3A_492, %parallel_loop3A_493], %parallel_loop3A_489 {add = true, strides = array<i32>} : memref<33x512xf32, #tpu.memory_space<vmem>>, vector<16xf32>,
      } {sc.loop_unroll_factor = 8 : i64, sc.parallel_access}
      %slice3A_205 = vector.extract_strided_slice %sub3A_106 {offsets = [9], sizes = [1], strides = [1]} : vector<16xi32> to vector<1xi32>
      %squeeze3A_206 = vector.extract %slice3A_205[0] : i32 from vector<1xi32>
      %get3A_207 = arith.index_cast %squeeze3A_206 : i32 to index
      %get3A_208 = memref.load %arg11[%get3A_207] : memref<33xf32, #tpu.memory_space<smem>>
      %add3A_209 = arith.constant 1.000000e+00 : f32
      %add3A_210 = arith.addf %get3A_208, %add3A_209 : f32
      %swap3A_211 = arith.index_cast %squeeze3A_206 : i32 to index
      %swap3A_212 = memref.load %arg11[%swap3A_211] : memref<33xf32, #tpu.memory_space<smem>>
      memref.store %add3A_210, %arg11[%swap3A_211] : memref<33xf32, #tpu.memory_space<smem>>
      %parallel_loop3A_213 = arith.constant 0 : i32
      %parallel_loop3A_214 = arith.constant 32 : i32
      %parallel_loop3A_215 = arith.constant 1 : i32
      scf.for %parallel_loop3A_483 = %parallel_loop3A_213 to %parallel_loop3A_214 step %parallel_loop3A_215  : i32 {
        %parallel_loop3A_484 = arith.constant 16 : i32
        %parallel_loop3A_485 = arith.muli %parallel_loop3A_483, %parallel_loop3A_484 : i32
        %parallel_loop3A_486 = arith.constant 9 : i32
        %parallel_loop3A_487 = arith.index_cast %parallel_loop3A_486 : i32 to index
        %parallel_loop3A_488 = arith.index_cast %parallel_loop3A_485 : i32 to index
        %parallel_loop3A_489 = tpu.vector_load %arg8[%parallel_loop3A_487, %parallel_loop3A_488] {strides = array<i32>} : memref<16x512xf32, #tpu.memory_space<vmem>>, vector<16xf32>,
        %parallel_loop3A_490 = arith.constant 16 : i32
        %parallel_loop3A_491 = arith.muli %parallel_loop3A_483, %parallel_loop3A_490 : i32
        %parallel_loop3A_492 = arith.index_cast %squeeze3A_206 : i32 to index
        %parallel_loop3A_493 = arith.index_cast %parallel_loop3A_491 : i32 to index
        %parallel_loop3A_494 = tpu.vector_load %arg10[%parallel_loop3A_492, %parallel_loop3A_493] {strides = array<i32>} : memref<33x512xf32, #tpu.memory_space<vmem>>, vector<16xf32>,
        tpu.vector_store %arg10[%parallel_loop3A_492, %parallel_loop3A_493], %parallel_loop3A_489 {add = true, strides = array<i32>} : memref<33x512xf32, #tpu.memory_space<vmem>>, vector<16xf32>,
      } {sc.loop_unroll_factor = 8 : i64, sc.parallel_access}
      %slice3A_216 = vector.extract_strided_slice %sub3A_106 {offsets = [10], sizes = [1], strides = [1]} : vector<16xi32> to vector<1xi32>
      %squeeze3A_217 = vector.extract %slice3A_216[0] : i32 from vector<1xi32>
      %get3A_218 = arith.index_cast %squeeze3A_217 : i32 to index
      %get3A_219 = memref.load %arg11[%get3A_218] : memref<33xf32, #tpu.memory_space<smem>>
      %add3A_220 = arith.constant 1.000000e+00 : f32
      %add3A_221 = arith.addf %get3A_219, %add3A_220 : f32
      %swap3A_222 = arith.index_cast %squeeze3A_217 : i32 to index
      %swap3A_223 = memref.load %arg11[%swap3A_222] : memref<33xf32, #tpu.memory_space<smem>>
      memref.store %add3A_221, %arg11[%swap3A_222] : memref<33xf32, #tpu.memory_space<smem>>
      %parallel_loop3A_224 = arith.constant 0 : i32
      %parallel_loop3A_225 = arith.constant 32 : i32
      %parallel_loop3A_226 = arith.constant 1 : i32
      scf.for %parallel_loop3A_483 = %parallel_loop3A_224 to %parallel_loop3A_225 step %parallel_loop3A_226  : i32 {
        %parallel_loop3A_484 = arith.constant 16 : i32
        %parallel_loop3A_485 = arith.muli %parallel_loop3A_483, %parallel_loop3A_484 : i32
        %parallel_loop3A_486 = arith.constant 10 : i32
        %parallel_loop3A_487 = arith.index_cast %parallel_loop3A_486 : i32 to index
        %parallel_loop3A_488 = arith.index_cast %parallel_loop3A_485 : i32 to index
        %parallel_loop3A_489 = tpu.vector_load %arg8[%parallel_loop3A_487, %parallel_loop3A_488] {strides = array<i32>} : memref<16x512xf32, #tpu.memory_space<vmem>>, vector<16xf32>,
        %parallel_loop3A_490 = arith.constant 16 : i32
        %parallel_loop3A_491 = arith.muli %parallel_loop3A_483, %parallel_loop3A_490 : i32
        %parallel_loop3A_492 = arith.index_cast %squeeze3A_217 : i32 to index
        %parallel_loop3A_493 = arith.index_cast %parallel_loop3A_491 : i32 to index
        %parallel_loop3A_494 = tpu.vector_load %arg10[%parallel_loop3A_492, %parallel_loop3A_493] {strides = array<i32>} : memref<33x512xf32, #tpu.memory_space<vmem>>, vector<16xf32>,
        tpu.vector_store %arg10[%parallel_loop3A_492, %parallel_loop3A_493], %parallel_loop3A_489 {add = true, strides = array<i32>} : memref<33x512xf32, #tpu.memory_space<vmem>>, vector<16xf32>,
      } {sc.loop_unroll_factor = 8 : i64, sc.parallel_access}
      %slice3A_227 = vector.extract_strided_slice %sub3A_106 {offsets = [11], sizes = [1], strides = [1]} : vector<16xi32> to vector<1xi32>
      %squeeze3A_228 = vector.extract %slice3A_227[0] : i32 from vector<1xi32>
      %get3A_229 = arith.index_cast %squeeze3A_228 : i32 to index
      %get3A_230 = memref.load %arg11[%get3A_229] : memref<33xf32, #tpu.memory_space<smem>>
      %add3A_231 = arith.constant 1.000000e+00 : f32
      %add3A_232 = arith.addf %get3A_230, %add3A_231 : f32
      %swap3A_233 = arith.index_cast %squeeze3A_228 : i32 to index
      %swap3A_234 = memref.load %arg11[%swap3A_233] : memref<33xf32, #tpu.memory_space<smem>>
      memref.store %add3A_232, %arg11[%swap3A_233] : memref<33xf32, #tpu.memory_space<smem>>
      %parallel_loop3A_235 = arith.constant 0 : i32
      %parallel_loop3A_236 = arith.constant 32 : i32
      %parallel_loop3A_237 = arith.constant 1 : i32
      scf.for %parallel_loop3A_483 = %parallel_loop3A_235 to %parallel_loop3A_236 step %parallel_loop3A_237  : i32 {
        %parallel_loop3A_484 = arith.constant 16 : i32
        %parallel_loop3A_485 = arith.muli %parallel_loop3A_483, %parallel_loop3A_484 : i32
        %parallel_loop3A_486 = arith.constant 11 : i32
        %parallel_loop3A_487 = arith.index_cast %parallel_loop3A_486 : i32 to index
        %parallel_loop3A_488 = arith.index_cast %parallel_loop3A_485 : i32 to index
        %parallel_loop3A_489 = tpu.vector_load %arg8[%parallel_loop3A_487, %parallel_loop3A_488] {strides = array<i32>} : memref<16x512xf32, #tpu.memory_space<vmem>>, vector<16xf32>,
        %parallel_loop3A_490 = arith.constant 16 : i32
        %parallel_loop3A_491 = arith.muli %parallel_loop3A_483, %parallel_loop3A_490 : i32
        %parallel_loop3A_492 = arith.index_cast %squeeze3A_228 : i32 to index
        %parallel_loop3A_493 = arith.index_cast %parallel_loop3A_491 : i32 to index
        %parallel_loop3A_494 = tpu.vector_load %arg10[%parallel_loop3A_492, %parallel_loop3A_493] {strides = array<i32>} : memref<33x512xf32, #tpu.memory_space<vmem>>, vector<16xf32>,
        tpu.vector_store %arg10[%parallel_loop3A_492, %parallel_loop3A_493], %parallel_loop3A_489 {add = true, strides = array<i32>} : memref<33x512xf32, #tpu.memory_space<vmem>>, vector<16xf32>,
      } {sc.loop_unroll_factor = 8 : i64, sc.parallel_access}
      %slice3A_238 = vector.extract_strided_slice %sub3A_106 {offsets = [12], sizes = [1], strides = [1]} : vector<16xi32> to vector<1xi32>
      %squeeze3A_239 = vector.extract %slice3A_238[0] : i32 from vector<1xi32>
      %get3A_240 = arith.index_cast %squeeze3A_239 : i32 to index
      %get3A_241 = memref.load %arg11[%get3A_240] : memref<33xf32, #tpu.memory_space<smem>>
      %add3A_242 = arith.constant 1.000000e+00 : f32
      %add3A_243 = arith.addf %get3A_241, %add3A_242 : f32
      %swap3A_244 = arith.index_cast %squeeze3A_239 : i32 to index
      %swap3A_245 = memref.load %arg11[%swap3A_244] : memref<33xf32, #tpu.memory_space<smem>>
      memref.store %add3A_243, %arg11[%swap3A_244] : memref<33xf32, #tpu.memory_space<smem>>
      %parallel_loop3A_246 = arith.constant 0 : i32
      %parallel_loop3A_247 = arith.constant 32 : i32
      %parallel_loop3A_248 = arith.constant 1 : i32
      scf.for %parallel_loop3A_483 = %parallel_loop3A_246 to %parallel_loop3A_247 step %parallel_loop3A_248  : i32 {
        %parallel_loop3A_484 = arith.constant 16 : i32
        %parallel_loop3A_485 = arith.muli %parallel_loop3A_483, %parallel_loop3A_484 : i32
        %parallel_loop3A_486 = arith.constant 12 : i32
        %parallel_loop3A_487 = arith.index_cast %parallel_loop3A_486 : i32 to index
        %parallel_loop3A_488 = arith.index_cast %parallel_loop3A_485 : i32 to index
        %parallel_loop3A_489 = tpu.vector_load %arg8[%parallel_loop3A_487, %parallel_loop3A_488] {strides = array<i32>} : memref<16x512xf32, #tpu.memory_space<vmem>>, vector<16xf32>,
        %parallel_loop3A_490 = arith.constant 16 : i32
        %parallel_loop3A_491 = arith.muli %parallel_loop3A_483, %parallel_loop3A_490 : i32
        %parallel_loop3A_492 = arith.index_cast %squeeze3A_239 : i32 to index
        %parallel_loop3A_493 = arith.index_cast %parallel_loop3A_491 : i32 to index
        %parallel_loop3A_494 = tpu.vector_load %arg10[%parallel_loop3A_492, %parallel_loop3A_493] {strides = array<i32>} : memref<33x512xf32, #tpu.memory_space<vmem>>, vector<16xf32>,
        tpu.vector_store %arg10[%parallel_loop3A_492, %parallel_loop3A_493], %parallel_loop3A_489 {add = true, strides = array<i32>} : memref<33x512xf32, #tpu.memory_space<vmem>>, vector<16xf32>,
      } {sc.loop_unroll_factor = 8 : i64, sc.parallel_access}
      %slice3A_249 = vector.extract_strided_slice %sub3A_106 {offsets = [13], sizes = [1], strides = [1]} : vector<16xi32> to vector<1xi32>
      %squeeze3A_250 = vector.extract %slice3A_249[0] : i32 from vector<1xi32>
      %get3A_251 = arith.index_cast %squeeze3A_250 : i32 to index
      %get3A_252 = memref.load %arg11[%get3A_251] : memref<33xf32, #tpu.memory_space<smem>>
      %add3A_253 = arith.constant 1.000000e+00 : f32
      %add3A_254 = arith.addf %get3A_252, %add3A_253 : f32
      %swap3A_255 = arith.index_cast %squeeze3A_250 : i32 to index
      %swap3A_256 = memref.load %arg11[%swap3A_255] : memref<33xf32, #tpu.memory_space<smem>>
      memref.store %add3A_254, %arg11[%swap3A_255] : memref<33xf32, #tpu.memory_space<smem>>
      %parallel_loop3A_257 = arith.constant 0 : i32
      %parallel_loop3A_258 = arith.constant 32 : i32
      %parallel_loop3A_259 = arith.constant 1 : i32
      scf.for %parallel_loop3A_483 = %parallel_loop3A_257 to %parallel_loop3A_258 step %parallel_loop3A_259  : i32 {
        %parallel_loop3A_484 = arith.constant 16 : i32
        %parallel_loop3A_485 = arith.muli %parallel_loop3A_483, %parallel_loop3A_484 : i32
        %parallel_loop3A_486 = arith.constant 13 : i32
        %parallel_loop3A_487 = arith.index_cast %parallel_loop3A_486 : i32 to index
        %parallel_loop3A_488 = arith.index_cast %parallel_loop3A_485 : i32 to index
        %parallel_loop3A_489 = tpu.vector_load %arg8[%parallel_loop3A_487, %parallel_loop3A_488] {strides = array<i32>} : memref<16x512xf32, #tpu.memory_space<vmem>>, vector<16xf32>,
        %parallel_loop3A_490 = arith.constant 16 : i32
        %parallel_loop3A_491 = arith.muli %parallel_loop3A_483, %parallel_loop3A_490 : i32
        %parallel_loop3A_492 = arith.index_cast %squeeze3A_250 : i32 to index
        %parallel_loop3A_493 = arith.index_cast %parallel_loop3A_491 : i32 to index
        %parallel_loop3A_494 = tpu.vector_load %arg10[%parallel_loop3A_492, %parallel_loop3A_493] {strides = array<i32>} : memref<33x512xf32, #tpu.memory_space<vmem>>, vector<16xf32>,
        tpu.vector_store %arg10[%parallel_loop3A_492, %parallel_loop3A_493], %parallel_loop3A_489 {add = true, strides = array<i32>} : memref<33x512xf32, #tpu.memory_space<vmem>>, vector<16xf32>,
      } {sc.loop_unroll_factor = 8 : i64, sc.parallel_access}
      %slice3A_260 = vector.extract_strided_slice %sub3A_106 {offsets = [14], sizes = [1], strides = [1]} : vector<16xi32> to vector<1xi32>
      %squeeze3A_261 = vector.extract %slice3A_260[0] : i32 from vector<1xi32>
      %get3A_262 = arith.index_cast %squeeze3A_261 : i32 to index
      %get3A_263 = memref.load %arg11[%get3A_262] : memref<33xf32, #tpu.memory_space<smem>>
      %add3A_264 = arith.constant 1.000000e+00 : f32
      %add3A_265 = arith.addf %get3A_263, %add3A_264 : f32
      %swap3A_266 = arith.index_cast %squeeze3A_261 : i32 to index
      %swap3A_267 = memref.load %arg11[%swap3A_266] : memref<33xf32, #tpu.memory_space<smem>>
      memref.store %add3A_265, %arg11[%swap3A_266] : memref<33xf32, #tpu.memory_space<smem>>
      %parallel_loop3A_268 = arith.constant 0 : i32
      %parallel_loop3A_269 = arith.constant 32 : i32
      %parallel_loop3A_270 = arith.constant 1 : i32
      scf.for %parallel_loop3A_483 = %parallel_loop3A_268 to %parallel_loop3A_269 step %parallel_loop3A_270  : i32 {
        %parallel_loop3A_484 = arith.constant 16 : i32
        %parallel_loop3A_485 = arith.muli %parallel_loop3A_483, %parallel_loop3A_484 : i32
        %parallel_loop3A_486 = arith.constant 14 : i32
        %parallel_loop3A_487 = arith.index_cast %parallel_loop3A_486 : i32 to index
        %parallel_loop3A_488 = arith.index_cast %parallel_loop3A_485 : i32 to index
        %parallel_loop3A_489 = tpu.vector_load %arg8[%parallel_loop3A_487, %parallel_loop3A_488] {strides = array<i32>} : memref<16x512xf32, #tpu.memory_space<vmem>>, vector<16xf32>,
        %parallel_loop3A_490 = arith.constant 16 : i32
        %parallel_loop3A_491 = arith.muli %parallel_loop3A_483, %parallel_loop3A_490 : i32
        %parallel_loop3A_492 = arith.index_cast %squeeze3A_261 : i32 to index
        %parallel_loop3A_493 = arith.index_cast %parallel_loop3A_491 : i32 to index
        %parallel_loop3A_494 = tpu.vector_load %arg10[%parallel_loop3A_492, %parallel_loop3A_493] {strides = array<i32>} : memref<33x512xf32, #tpu.memory_space<vmem>>, vector<16xf32>,
        tpu.vector_store %arg10[%parallel_loop3A_492, %parallel_loop3A_493], %parallel_loop3A_489 {add = true, strides = array<i32>} : memref<33x512xf32, #tpu.memory_space<vmem>>, vector<16xf32>,
      } {sc.loop_unroll_factor = 8 : i64, sc.parallel_access}
      %slice3A_271 = vector.extract_strided_slice %sub3A_106 {offsets = [15], sizes = [1], strides = [1]} : vector<16xi32> to vector<1xi32>
      %squeeze3A_272 = vector.extract %slice3A_271[0] : i32 from vector<1xi32>
      %get3A_273 = arith.index_cast %squeeze3A_272 : i32 to index
      %get3A_274 = memref.load %arg11[%get3A_273] : memref<33xf32, #tpu.memory_space<smem>>
      %add3A_275 = arith.constant 1.000000e+00 : f32
      %add3A_276 = arith.addf %get3A_274, %add3A_275 : f32
      %swap3A_277 = arith.index_cast %squeeze3A_272 : i32 to index
      %swap3A_278 = memref.load %arg11[%swap3A_277] : memref<33xf32, #tpu.memory_space<smem>>
      memref.store %add3A_276, %arg11[%swap3A_277] : memref<33xf32, #tpu.memory_space<smem>>
      %parallel_loop3A_279 = arith.constant 0 : i32
      %parallel_loop3A_280 = arith.constant 32 : i32
      %parallel_loop3A_281 = arith.constant 1 : i32
      scf.for %parallel_loop3A_483 = %parallel_loop3A_279 to %parallel_loop3A_280 step %parallel_loop3A_281  : i32 {
        %parallel_loop3A_484 = arith.constant 16 : i32
        %parallel_loop3A_485 = arith.muli %parallel_loop3A_483, %parallel_loop3A_484 : i32
        %parallel_loop3A_486 = arith.constant 15 : i32
        %parallel_loop3A_487 = arith.index_cast %parallel_loop3A_486 : i32 to index
        %parallel_loop3A_488 = arith.index_cast %parallel_loop3A_485 : i32 to index
        %parallel_loop3A_489 = tpu.vector_load %arg8[%parallel_loop3A_487, %parallel_loop3A_488] {strides = array<i32>} : memref<16x512xf32, #tpu.memory_space<vmem>>, vector<16xf32>,
        %parallel_loop3A_490 = arith.constant 16 : i32
        %parallel_loop3A_491 = arith.muli %parallel_loop3A_483, %parallel_loop3A_490 : i32
        %parallel_loop3A_492 = arith.index_cast %squeeze3A_272 : i32 to index
        %parallel_loop3A_493 = arith.index_cast %parallel_loop3A_491 : i32 to index
        %parallel_loop3A_494 = tpu.vector_load %arg10[%parallel_loop3A_492, %parallel_loop3A_493] {strides = array<i32>} : memref<33x512xf32, #tpu.memory_space<vmem>>, vector<16xf32>,
        tpu.vector_store %arg10[%parallel_loop3A_492, %parallel_loop3A_493], %parallel_loop3A_489 {add = true, strides = array<i32>} : memref<33x512xf32, #tpu.memory_space<vmem>>, vector<16xf32>,
      } {sc.loop_unroll_factor = 8 : i64, sc.parallel_access}
      %add3A_282 = arith.constant 2 : i32
      %add3A_283 = arith.addi %mul3A_97, %add3A_282 : i32
      %lt3A = arith.cmpi slt, %add3A_283, %mul3A_67 : i32
      %convert_element_type3A_284 = arith.extui %lt3A : i1 to i32
      %cond3A_285 = arith.constant 0 : i32
      %cond3A_286 = arith.cmpi ne, %convert_element_type3A_284, %cond3A_285 : i32
      scf.if %cond3A_286 {
        %add3A_483 = arith.constant 2 : i32
        %add3A_484 = arith.addi %mul3A_97, %add3A_483 : i32
        %mul3A_485 = arith.constant 16 : i32
        %mul3A_486 = arith.muli %add3A_484, %mul3A_485 : i32
        %dma_start3A = tpu.memref_slice %arg6[%mul3A_486] : memref<16416xi32, #tpu.memory_space<vmem>> -> memref<16xi32, #tpu.memory_space<vmem>>
        %dma_start3A_487 = arith.constant 0 : i32
        %dma_start3A_488 = arith.constant 0 : i32
        %dma_start3A_489 = tpu.memref_slice %arg2[%dma_start3A_487, %dma_start3A_488] : memref<16384x512xf32, #tpu.memory_space<hbm>> -> memref<16384x512xf32, #tpu.memory_space<hbm>>
        tpu.enqueue_indirect_dma source(%dma_start3A_489 : memref<16384x512xf32, #tpu.memory_space<hbm>>) target(%arg8 : memref<16x512xf32, #tpu.memory_space<vmem>>) offsets(%dma_start3A : memref<16xi32, #tpu.memory_space<vmem>>) semaphore(%arg13 : memref<!tpu.dma_semaphore, #tpu.memory_space<semaphore_mem>>)
      } else {
      }
      %add3A_287 = arith.constant 1 : i32
      %add3A_288 = arith.addi %mul3A_97, %add3A_287 : i32
      %mul3A_289 = arith.constant 16 : i32
      %mul3A_290 = arith.muli %add3A_288, %mul3A_289 : i32
      %dma_wait3A_291 = tpu.memref_slice %arg6[%mul3A_290] : memref<16416xi32, #tpu.memory_space<vmem>> -> memref<16xi32, #tpu.memory_space<vmem>>
      %dma_wait3A_292 = arith.constant 0 : i32
      %dma_wait3A_293 = arith.constant 0 : i32
      %dma_wait3A_294 = tpu.memref_slice %arg2[%dma_wait3A_292, %dma_wait3A_293] : memref<16384x512xf32, #tpu.memory_space<hbm>> -> memref<16384x512xf32, #tpu.memory_space<hbm>>
      tpu.wait_indirect_dma semaphore(%arg14 : memref<!tpu.dma_semaphore, #tpu.memory_space<semaphore_mem>>) src(%dma_wait3A_294 : memref<16384x512xf32, #tpu.memory_space<hbm>>) dst(%arg9 : memref<16x512xf32, #tpu.memory_space<vmem>>)
      %mul3A_295 = arith.constant 16 : i32
      %mul3A_296 = arith.muli %add3A_288, %mul3A_295 : i32
      %get3A_297 = arith.index_cast %mul3A_296 : i32 to index
      %get3A_298 = tpu.vector_load %arg7[%get3A_297] {strides = array<i32>} : memref<16416xi32, #tpu.memory_space<vmem>>, vector<16xi32>,
      %sub3A_299 = arith.subi %get3A_298, %broadcast_in_dim3A_11 : vector<16xi32>
      %slice3A_300 = vector.extract_strided_slice %sub3A_299 {offsets = [0], sizes = [1], strides = [1]} : vector<16xi32> to vector<1xi32>
      %squeeze3A_301 = vector.extract %slice3A_300[0] : i32 from vector<1xi32>
      %get3A_302 = arith.index_cast %squeeze3A_301 : i32 to index
      %get3A_303 = memref.load %arg11[%get3A_302] : memref<33xf32, #tpu.memory_space<smem>>
      %add3A_304 = arith.constant 1.000000e+00 : f32
      %add3A_305 = arith.addf %get3A_303, %add3A_304 : f32
      %swap3A_306 = arith.index_cast %squeeze3A_301 : i32 to index
      %swap3A_307 = memref.load %arg11[%swap3A_306] : memref<33xf32, #tpu.memory_space<smem>>
      memref.store %add3A_305, %arg11[%swap3A_306] : memref<33xf32, #tpu.memory_space<smem>>
      %parallel_loop3A_308 = arith.constant 0 : i32
      %parallel_loop3A_309 = arith.constant 32 : i32
      %parallel_loop3A_310 = arith.constant 1 : i32
      scf.for %parallel_loop3A_483 = %parallel_loop3A_308 to %parallel_loop3A_309 step %parallel_loop3A_310  : i32 {
        %parallel_loop3A_484 = arith.constant 16 : i32
        %parallel_loop3A_485 = arith.muli %parallel_loop3A_483, %parallel_loop3A_484 : i32
        %parallel_loop3A_486 = arith.constant 0 : i32
        %parallel_loop3A_487 = arith.index_cast %parallel_loop3A_486 : i32 to index
        %parallel_loop3A_488 = arith.index_cast %parallel_loop3A_485 : i32 to index
        %parallel_loop3A_489 = tpu.vector_load %arg9[%parallel_loop3A_487, %parallel_loop3A_488] {strides = array<i32>} : memref<16x512xf32, #tpu.memory_space<vmem>>, vector<16xf32>,
        %parallel_loop3A_490 = arith.constant 16 : i32
        %parallel_loop3A_491 = arith.muli %parallel_loop3A_483, %parallel_loop3A_490 : i32
        %parallel_loop3A_492 = arith.index_cast %squeeze3A_301 : i32 to index
        %parallel_loop3A_493 = arith.index_cast %parallel_loop3A_491 : i32 to index
        %parallel_loop3A_494 = tpu.vector_load %arg10[%parallel_loop3A_492, %parallel_loop3A_493] {strides = array<i32>} : memref<33x512xf32, #tpu.memory_space<vmem>>, vector<16xf32>,
        tpu.vector_store %arg10[%parallel_loop3A_492, %parallel_loop3A_493], %parallel_loop3A_489 {add = true, strides = array<i32>} : memref<33x512xf32, #tpu.memory_space<vmem>>, vector<16xf32>,
      } {sc.loop_unroll_factor = 8 : i64, sc.parallel_access}
      %slice3A_311 = vector.extract_strided_slice %sub3A_299 {offsets = [1], sizes = [1], strides = [1]} : vector<16xi32> to vector<1xi32>
      %squeeze3A_312 = vector.extract %slice3A_311[0] : i32 from vector<1xi32>
      %get3A_313 = arith.index_cast %squeeze3A_312 : i32 to index
      %get3A_314 = memref.load %arg11[%get3A_313] : memref<33xf32, #tpu.memory_space<smem>>
      %add3A_315 = arith.constant 1.000000e+00 : f32
      %add3A_316 = arith.addf %get3A_314, %add3A_315 : f32
      %swap3A_317 = arith.index_cast %squeeze3A_312 : i32 to index
      %swap3A_318 = memref.load %arg11[%swap3A_317] : memref<33xf32, #tpu.memory_space<smem>>
      memref.store %add3A_316, %arg11[%swap3A_317] : memref<33xf32, #tpu.memory_space<smem>>
      %parallel_loop3A_319 = arith.constant 0 : i32
      %parallel_loop3A_320 = arith.constant 32 : i32
      %parallel_loop3A_321 = arith.constant 1 : i32
      scf.for %parallel_loop3A_483 = %parallel_loop3A_319 to %parallel_loop3A_320 step %parallel_loop3A_321  : i32 {
        %parallel_loop3A_484 = arith.constant 16 : i32
        %parallel_loop3A_485 = arith.muli %parallel_loop3A_483, %parallel_loop3A_484 : i32
        %parallel_loop3A_486 = arith.constant 1 : i32
        %parallel_loop3A_487 = arith.index_cast %parallel_loop3A_486 : i32 to index
        %parallel_loop3A_488 = arith.index_cast %parallel_loop3A_485 : i32 to index
        %parallel_loop3A_489 = tpu.vector_load %arg9[%parallel_loop3A_487, %parallel_loop3A_488] {strides = array<i32>} : memref<16x512xf32, #tpu.memory_space<vmem>>, vector<16xf32>,
        %parallel_loop3A_490 = arith.constant 16 : i32
        %parallel_loop3A_491 = arith.muli %parallel_loop3A_483, %parallel_loop3A_490 : i32
        %parallel_loop3A_492 = arith.index_cast %squeeze3A_312 : i32 to index
        %parallel_loop3A_493 = arith.index_cast %parallel_loop3A_491 : i32 to index
        %parallel_loop3A_494 = tpu.vector_load %arg10[%parallel_loop3A_492, %parallel_loop3A_493] {strides = array<i32>} : memref<33x512xf32, #tpu.memory_space<vmem>>, vector<16xf32>,
        tpu.vector_store %arg10[%parallel_loop3A_492, %parallel_loop3A_493], %parallel_loop3A_489 {add = true, strides = array<i32>} : memref<33x512xf32, #tpu.memory_space<vmem>>, vector<16xf32>,
      } {sc.loop_unroll_factor = 8 : i64, sc.parallel_access}
      %slice3A_322 = vector.extract_strided_slice %sub3A_299 {offsets = [2], sizes = [1], strides = [1]} : vector<16xi32> to vector<1xi32>
      %squeeze3A_323 = vector.extract %slice3A_322[0] : i32 from vector<1xi32>
      %get3A_324 = arith.index_cast %squeeze3A_323 : i32 to index
      %get3A_325 = memref.load %arg11[%get3A_324] : memref<33xf32, #tpu.memory_space<smem>>
      %add3A_326 = arith.constant 1.000000e+00 : f32
      %add3A_327 = arith.addf %get3A_325, %add3A_326 : f32
      %swap3A_328 = arith.index_cast %squeeze3A_323 : i32 to index
      %swap3A_329 = memref.load %arg11[%swap3A_328] : memref<33xf32, #tpu.memory_space<smem>>
      memref.store %add3A_327, %arg11[%swap3A_328] : memref<33xf32, #tpu.memory_space<smem>>
      %parallel_loop3A_330 = arith.constant 0 : i32
      %parallel_loop3A_331 = arith.constant 32 : i32
      %parallel_loop3A_332 = arith.constant 1 : i32
      scf.for %parallel_loop3A_483 = %parallel_loop3A_330 to %parallel_loop3A_331 step %parallel_loop3A_332  : i32 {
        %parallel_loop3A_484 = arith.constant 16 : i32
        %parallel_loop3A_485 = arith.muli %parallel_loop3A_483, %parallel_loop3A_484 : i32
        %parallel_loop3A_486 = arith.constant 2 : i32
        %parallel_loop3A_487 = arith.index_cast %parallel_loop3A_486 : i32 to index
        %parallel_loop3A_488 = arith.index_cast %parallel_loop3A_485 : i32 to index
        %parallel_loop3A_489 = tpu.vector_load %arg9[%parallel_loop3A_487, %parallel_loop3A_488] {strides = array<i32>} : memref<16x512xf32, #tpu.memory_space<vmem>>, vector<16xf32>,
        %parallel_loop3A_490 = arith.constant 16 : i32
        %parallel_loop3A_491 = arith.muli %parallel_loop3A_483, %parallel_loop3A_490 : i32
        %parallel_loop3A_492 = arith.index_cast %squeeze3A_323 : i32 to index
        %parallel_loop3A_493 = arith.index_cast %parallel_loop3A_491 : i32 to index
        %parallel_loop3A_494 = tpu.vector_load %arg10[%parallel_loop3A_492, %parallel_loop3A_493] {strides = array<i32>} : memref<33x512xf32, #tpu.memory_space<vmem>>, vector<16xf32>,
        tpu.vector_store %arg10[%parallel_loop3A_492, %parallel_loop3A_493], %parallel_loop3A_489 {add = true, strides = array<i32>} : memref<33x512xf32, #tpu.memory_space<vmem>>, vector<16xf32>,
      } {sc.loop_unroll_factor = 8 : i64, sc.parallel_access}
      %slice3A_333 = vector.extract_strided_slice %sub3A_299 {offsets = [3], sizes = [1], strides = [1]} : vector<16xi32> to vector<1xi32>
      %squeeze3A_334 = vector.extract %slice3A_333[0] : i32 from vector<1xi32>
      %get3A_335 = arith.index_cast %squeeze3A_334 : i32 to index
      %get3A_336 = memref.load %arg11[%get3A_335] : memref<33xf32, #tpu.memory_space<smem>>
      %add3A_337 = arith.constant 1.000000e+00 : f32
      %add3A_338 = arith.addf %get3A_336, %add3A_337 : f32
      %swap3A_339 = arith.index_cast %squeeze3A_334 : i32 to index
      %swap3A_340 = memref.load %arg11[%swap3A_339] : memref<33xf32, #tpu.memory_space<smem>>
      memref.store %add3A_338, %arg11[%swap3A_339] : memref<33xf32, #tpu.memory_space<smem>>
      %parallel_loop3A_341 = arith.constant 0 : i32
      %parallel_loop3A_342 = arith.constant 32 : i32
      %parallel_loop3A_343 = arith.constant 1 : i32
      scf.for %parallel_loop3A_483 = %parallel_loop3A_341 to %parallel_loop3A_342 step %parallel_loop3A_343  : i32 {
        %parallel_loop3A_484 = arith.constant 16 : i32
        %parallel_loop3A_485 = arith.muli %parallel_loop3A_483, %parallel_loop3A_484 : i32
        %parallel_loop3A_486 = arith.constant 3 : i32
        %parallel_loop3A_487 = arith.index_cast %parallel_loop3A_486 : i32 to index
        %parallel_loop3A_488 = arith.index_cast %parallel_loop3A_485 : i32 to index
        %parallel_loop3A_489 = tpu.vector_load %arg9[%parallel_loop3A_487, %parallel_loop3A_488] {strides = array<i32>} : memref<16x512xf32, #tpu.memory_space<vmem>>, vector<16xf32>,
        %parallel_loop3A_490 = arith.constant 16 : i32
        %parallel_loop3A_491 = arith.muli %parallel_loop3A_483, %parallel_loop3A_490 : i32
        %parallel_loop3A_492 = arith.index_cast %squeeze3A_334 : i32 to index
        %parallel_loop3A_493 = arith.index_cast %parallel_loop3A_491 : i32 to index
        %parallel_loop3A_494 = tpu.vector_load %arg10[%parallel_loop3A_492, %parallel_loop3A_493] {strides = array<i32>} : memref<33x512xf32, #tpu.memory_space<vmem>>, vector<16xf32>,
        tpu.vector_store %arg10[%parallel_loop3A_492, %parallel_loop3A_493], %parallel_loop3A_489 {add = true, strides = array<i32>} : memref<33x512xf32, #tpu.memory_space<vmem>>, vector<16xf32>,
      } {sc.loop_unroll_factor = 8 : i64, sc.parallel_access}
      %slice3A_344 = vector.extract_strided_slice %sub3A_299 {offsets = [4], sizes = [1], strides = [1]} : vector<16xi32> to vector<1xi32>
      %squeeze3A_345 = vector.extract %slice3A_344[0] : i32 from vector<1xi32>
      %get3A_346 = arith.index_cast %squeeze3A_345 : i32 to index
      %get3A_347 = memref.load %arg11[%get3A_346] : memref<33xf32, #tpu.memory_space<smem>>
      %add3A_348 = arith.constant 1.000000e+00 : f32
      %add3A_349 = arith.addf %get3A_347, %add3A_348 : f32
      %swap3A_350 = arith.index_cast %squeeze3A_345 : i32 to index
      %swap3A_351 = memref.load %arg11[%swap3A_350] : memref<33xf32, #tpu.memory_space<smem>>
      memref.store %add3A_349, %arg11[%swap3A_350] : memref<33xf32, #tpu.memory_space<smem>>
      %parallel_loop3A_352 = arith.constant 0 : i32
      %parallel_loop3A_353 = arith.constant 32 : i32
      %parallel_loop3A_354 = arith.constant 1 : i32
      scf.for %parallel_loop3A_483 = %parallel_loop3A_352 to %parallel_loop3A_353 step %parallel_loop3A_354  : i32 {
        %parallel_loop3A_484 = arith.constant 16 : i32
        %parallel_loop3A_485 = arith.muli %parallel_loop3A_483, %parallel_loop3A_484 : i32
        %parallel_loop3A_486 = arith.constant 4 : i32
        %parallel_loop3A_487 = arith.index_cast %parallel_loop3A_486 : i32 to index
        %parallel_loop3A_488 = arith.index_cast %parallel_loop3A_485 : i32 to index
        %parallel_loop3A_489 = tpu.vector_load %arg9[%parallel_loop3A_487, %parallel_loop3A_488] {strides = array<i32>} : memref<16x512xf32, #tpu.memory_space<vmem>>, vector<16xf32>,
        %parallel_loop3A_490 = arith.constant 16 : i32
        %parallel_loop3A_491 = arith.muli %parallel_loop3A_483, %parallel_loop3A_490 : i32
        %parallel_loop3A_492 = arith.index_cast %squeeze3A_345 : i32 to index
        %parallel_loop3A_493 = arith.index_cast %parallel_loop3A_491 : i32 to index
        %parallel_loop3A_494 = tpu.vector_load %arg10[%parallel_loop3A_492, %parallel_loop3A_493] {strides = array<i32>} : memref<33x512xf32, #tpu.memory_space<vmem>>, vector<16xf32>,
        tpu.vector_store %arg10[%parallel_loop3A_492, %parallel_loop3A_493], %parallel_loop3A_489 {add = true, strides = array<i32>} : memref<33x512xf32, #tpu.memory_space<vmem>>, vector<16xf32>,
      } {sc.loop_unroll_factor = 8 : i64, sc.parallel_access}
      %slice3A_355 = vector.extract_strided_slice %sub3A_299 {offsets = [5], sizes = [1], strides = [1]} : vector<16xi32> to vector<1xi32>
      %squeeze3A_356 = vector.extract %slice3A_355[0] : i32 from vector<1xi32>
      %get3A_357 = arith.index_cast %squeeze3A_356 : i32 to index
      %get3A_358 = memref.load %arg11[%get3A_357] : memref<33xf32, #tpu.memory_space<smem>>
      %add3A_359 = arith.constant 1.000000e+00 : f32
      %add3A_360 = arith.addf %get3A_358, %add3A_359 : f32
      %swap3A_361 = arith.index_cast %squeeze3A_356 : i32 to index
      %swap3A_362 = memref.load %arg11[%swap3A_361] : memref<33xf32, #tpu.memory_space<smem>>
      memref.store %add3A_360, %arg11[%swap3A_361] : memref<33xf32, #tpu.memory_space<smem>>
      %parallel_loop3A_363 = arith.constant 0 : i32
      %parallel_loop3A_364 = arith.constant 32 : i32
      %parallel_loop3A_365 = arith.constant 1 : i32
      scf.for %parallel_loop3A_483 = %parallel_loop3A_363 to %parallel_loop3A_364 step %parallel_loop3A_365  : i32 {
        %parallel_loop3A_484 = arith.constant 16 : i32
        %parallel_loop3A_485 = arith.muli %parallel_loop3A_483, %parallel_loop3A_484 : i32
        %parallel_loop3A_486 = arith.constant 5 : i32
        %parallel_loop3A_487 = arith.index_cast %parallel_loop3A_486 : i32 to index
        %parallel_loop3A_488 = arith.index_cast %parallel_loop3A_485 : i32 to index
        %parallel_loop3A_489 = tpu.vector_load %arg9[%parallel_loop3A_487, %parallel_loop3A_488] {strides = array<i32>} : memref<16x512xf32, #tpu.memory_space<vmem>>, vector<16xf32>,
        %parallel_loop3A_490 = arith.constant 16 : i32
        %parallel_loop3A_491 = arith.muli %parallel_loop3A_483, %parallel_loop3A_490 : i32
        %parallel_loop3A_492 = arith.index_cast %squeeze3A_356 : i32 to index
        %parallel_loop3A_493 = arith.index_cast %parallel_loop3A_491 : i32 to index
        %parallel_loop3A_494 = tpu.vector_load %arg10[%parallel_loop3A_492, %parallel_loop3A_493] {strides = array<i32>} : memref<33x512xf32, #tpu.memory_space<vmem>>, vector<16xf32>,
        tpu.vector_store %arg10[%parallel_loop3A_492, %parallel_loop3A_493], %parallel_loop3A_489 {add = true, strides = array<i32>} : memref<33x512xf32, #tpu.memory_space<vmem>>, vector<16xf32>,
      } {sc.loop_unroll_factor = 8 : i64, sc.parallel_access}
      %slice3A_366 = vector.extract_strided_slice %sub3A_299 {offsets = [6], sizes = [1], strides = [1]} : vector<16xi32> to vector<1xi32>
      %squeeze3A_367 = vector.extract %slice3A_366[0] : i32 from vector<1xi32>
      %get3A_368 = arith.index_cast %squeeze3A_367 : i32 to index
      %get3A_369 = memref.load %arg11[%get3A_368] : memref<33xf32, #tpu.memory_space<smem>>
      %add3A_370 = arith.constant 1.000000e+00 : f32
      %add3A_371 = arith.addf %get3A_369, %add3A_370 : f32
      %swap3A_372 = arith.index_cast %squeeze3A_367 : i32 to index
      %swap3A_373 = memref.load %arg11[%swap3A_372] : memref<33xf32, #tpu.memory_space<smem>>
      memref.store %add3A_371, %arg11[%swap3A_372] : memref<33xf32, #tpu.memory_space<smem>>
      %parallel_loop3A_374 = arith.constant 0 : i32
      %parallel_loop3A_375 = arith.constant 32 : i32
      %parallel_loop3A_376 = arith.constant 1 : i32
      scf.for %parallel_loop3A_483 = %parallel_loop3A_374 to %parallel_loop3A_375 step %parallel_loop3A_376  : i32 {
        %parallel_loop3A_484 = arith.constant 16 : i32
        %parallel_loop3A_485 = arith.muli %parallel_loop3A_483, %parallel_loop3A_484 : i32
        %parallel_loop3A_486 = arith.constant 6 : i32
        %parallel_loop3A_487 = arith.index_cast %parallel_loop3A_486 : i32 to index
        %parallel_loop3A_488 = arith.index_cast %parallel_loop3A_485 : i32 to index
        %parallel_loop3A_489 = tpu.vector_load %arg9[%parallel_loop3A_487, %parallel_loop3A_488] {strides = array<i32>} : memref<16x512xf32, #tpu.memory_space<vmem>>, vector<16xf32>,
        %parallel_loop3A_490 = arith.constant 16 : i32
        %parallel_loop3A_491 = arith.muli %parallel_loop3A_483, %parallel_loop3A_490 : i32
        %parallel_loop3A_492 = arith.index_cast %squeeze3A_367 : i32 to index
        %parallel_loop3A_493 = arith.index_cast %parallel_loop3A_491 : i32 to index
        %parallel_loop3A_494 = tpu.vector_load %arg10[%parallel_loop3A_492, %parallel_loop3A_493] {strides = array<i32>} : memref<33x512xf32, #tpu.memory_space<vmem>>, vector<16xf32>,
        tpu.vector_store %arg10[%parallel_loop3A_492, %parallel_loop3A_493], %parallel_loop3A_489 {add = true, strides = array<i32>} : memref<33x512xf32, #tpu.memory_space<vmem>>, vector<16xf32>,
      } {sc.loop_unroll_factor = 8 : i64, sc.parallel_access}
      %slice3A_377 = vector.extract_strided_slice %sub3A_299 {offsets = [7], sizes = [1], strides = [1]} : vector<16xi32> to vector<1xi32>
      %squeeze3A_378 = vector.extract %slice3A_377[0] : i32 from vector<1xi32>
      %get3A_379 = arith.index_cast %squeeze3A_378 : i32 to index
      %get3A_380 = memref.load %arg11[%get3A_379] : memref<33xf32, #tpu.memory_space<smem>>
      %add3A_381 = arith.constant 1.000000e+00 : f32
      %add3A_382 = arith.addf %get3A_380, %add3A_381 : f32
      %swap3A_383 = arith.index_cast %squeeze3A_378 : i32 to index
      %swap3A_384 = memref.load %arg11[%swap3A_383] : memref<33xf32, #tpu.memory_space<smem>>
      memref.store %add3A_382, %arg11[%swap3A_383] : memref<33xf32, #tpu.memory_space<smem>>
      %parallel_loop3A_385 = arith.constant 0 : i32
      %parallel_loop3A_386 = arith.constant 32 : i32
      %parallel_loop3A_387 = arith.constant 1 : i32
      scf.for %parallel_loop3A_483 = %parallel_loop3A_385 to %parallel_loop3A_386 step %parallel_loop3A_387  : i32 {
        %parallel_loop3A_484 = arith.constant 16 : i32
        %parallel_loop3A_485 = arith.muli %parallel_loop3A_483, %parallel_loop3A_484 : i32
        %parallel_loop3A_486 = arith.constant 7 : i32
        %parallel_loop3A_487 = arith.index_cast %parallel_loop3A_486 : i32 to index
        %parallel_loop3A_488 = arith.index_cast %parallel_loop3A_485 : i32 to index
        %parallel_loop3A_489 = tpu.vector_load %arg9[%parallel_loop3A_487, %parallel_loop3A_488] {strides = array<i32>} : memref<16x512xf32, #tpu.memory_space<vmem>>, vector<16xf32>,
        %parallel_loop3A_490 = arith.constant 16 : i32
        %parallel_loop3A_491 = arith.muli %parallel_loop3A_483, %parallel_loop3A_490 : i32
        %parallel_loop3A_492 = arith.index_cast %squeeze3A_378 : i32 to index
        %parallel_loop3A_493 = arith.index_cast %parallel_loop3A_491 : i32 to index
        %parallel_loop3A_494 = tpu.vector_load %arg10[%parallel_loop3A_492, %parallel_loop3A_493] {strides = array<i32>} : memref<33x512xf32, #tpu.memory_space<vmem>>, vector<16xf32>,
        tpu.vector_store %arg10[%parallel_loop3A_492, %parallel_loop3A_493], %parallel_loop3A_489 {add = true, strides = array<i32>} : memref<33x512xf32, #tpu.memory_space<vmem>>, vector<16xf32>,
      } {sc.loop_unroll_factor = 8 : i64, sc.parallel_access}
      %slice3A_388 = vector.extract_strided_slice %sub3A_299 {offsets = [8], sizes = [1], strides = [1]} : vector<16xi32> to vector<1xi32>
      %squeeze3A_389 = vector.extract %slice3A_388[0] : i32 from vector<1xi32>
      %get3A_390 = arith.index_cast %squeeze3A_389 : i32 to index
      %get3A_391 = memref.load %arg11[%get3A_390] : memref<33xf32, #tpu.memory_space<smem>>
      %add3A_392 = arith.constant 1.000000e+00 : f32
      %add3A_393 = arith.addf %get3A_391, %add3A_392 : f32
      %swap3A_394 = arith.index_cast %squeeze3A_389 : i32 to index
      %swap3A_395 = memref.load %arg11[%swap3A_394] : memref<33xf32, #tpu.memory_space<smem>>
      memref.store %add3A_393, %arg11[%swap3A_394] : memref<33xf32, #tpu.memory_space<smem>>
      %parallel_loop3A_396 = arith.constant 0 : i32
      %parallel_loop3A_397 = arith.constant 32 : i32
      %parallel_loop3A_398 = arith.constant 1 : i32
      scf.for %parallel_loop3A_483 = %parallel_loop3A_396 to %parallel_loop3A_397 step %parallel_loop3A_398  : i32 {
        %parallel_loop3A_484 = arith.constant 16 : i32
        %parallel_loop3A_485 = arith.muli %parallel_loop3A_483, %parallel_loop3A_484 : i32
        %parallel_loop3A_486 = arith.constant 8 : i32
        %parallel_loop3A_487 = arith.index_cast %parallel_loop3A_486 : i32 to index
        %parallel_loop3A_488 = arith.index_cast %parallel_loop3A_485 : i32 to index
        %parallel_loop3A_489 = tpu.vector_load %arg9[%parallel_loop3A_487, %parallel_loop3A_488] {strides = array<i32>} : memref<16x512xf32, #tpu.memory_space<vmem>>, vector<16xf32>,
        %parallel_loop3A_490 = arith.constant 16 : i32
        %parallel_loop3A_491 = arith.muli %parallel_loop3A_483, %parallel_loop3A_490 : i32
        %parallel_loop3A_492 = arith.index_cast %squeeze3A_389 : i32 to index
        %parallel_loop3A_493 = arith.index_cast %parallel_loop3A_491 : i32 to index
        %parallel_loop3A_494 = tpu.vector_load %arg10[%parallel_loop3A_492, %parallel_loop3A_493] {strides = array<i32>} : memref<33x512xf32, #tpu.memory_space<vmem>>, vector<16xf32>,
        tpu.vector_store %arg10[%parallel_loop3A_492, %parallel_loop3A_493], %parallel_loop3A_489 {add = true, strides = array<i32>} : memref<33x512xf32, #tpu.memory_space<vmem>>, vector<16xf32>,
      } {sc.loop_unroll_factor = 8 : i64, sc.parallel_access}
      %slice3A_399 = vector.extract_strided_slice %sub3A_299 {offsets = [9], sizes = [1], strides = [1]} : vector<16xi32> to vector<1xi32>
      %squeeze3A_400 = vector.extract %slice3A_399[0] : i32 from vector<1xi32>
      %get3A_401 = arith.index_cast %squeeze3A_400 : i32 to index
      %get3A_402 = memref.load %arg11[%get3A_401] : memref<33xf32, #tpu.memory_space<smem>>
      %add3A_403 = arith.constant 1.000000e+00 : f32
      %add3A_404 = arith.addf %get3A_402, %add3A_403 : f32
      %swap3A_405 = arith.index_cast %squeeze3A_400 : i32 to index
      %swap3A_406 = memref.load %arg11[%swap3A_405] : memref<33xf32, #tpu.memory_space<smem>>
      memref.store %add3A_404, %arg11[%swap3A_405] : memref<33xf32, #tpu.memory_space<smem>>
      %parallel_loop3A_407 = arith.constant 0 : i32
      %parallel_loop3A_408 = arith.constant 32 : i32
      %parallel_loop3A_409 = arith.constant 1 : i32
      scf.for %parallel_loop3A_483 = %parallel_loop3A_407 to %parallel_loop3A_408 step %parallel_loop3A_409  : i32 {
        %parallel_loop3A_484 = arith.constant 16 : i32
        %parallel_loop3A_485 = arith.muli %parallel_loop3A_483, %parallel_loop3A_484 : i32
        %parallel_loop3A_486 = arith.constant 9 : i32
        %parallel_loop3A_487 = arith.index_cast %parallel_loop3A_486 : i32 to index
        %parallel_loop3A_488 = arith.index_cast %parallel_loop3A_485 : i32 to index
        %parallel_loop3A_489 = tpu.vector_load %arg9[%parallel_loop3A_487, %parallel_loop3A_488] {strides = array<i32>} : memref<16x512xf32, #tpu.memory_space<vmem>>, vector<16xf32>,
        %parallel_loop3A_490 = arith.constant 16 : i32
        %parallel_loop3A_491 = arith.muli %parallel_loop3A_483, %parallel_loop3A_490 : i32
        %parallel_loop3A_492 = arith.index_cast %squeeze3A_400 : i32 to index
        %parallel_loop3A_493 = arith.index_cast %parallel_loop3A_491 : i32 to index
        %parallel_loop3A_494 = tpu.vector_load %arg10[%parallel_loop3A_492, %parallel_loop3A_493] {strides = array<i32>} : memref<33x512xf32, #tpu.memory_space<vmem>>, vector<16xf32>,
        tpu.vector_store %arg10[%parallel_loop3A_492, %parallel_loop3A_493], %parallel_loop3A_489 {add = true, strides = array<i32>} : memref<33x512xf32, #tpu.memory_space<vmem>>, vector<16xf32>,
      } {sc.loop_unroll_factor = 8 : i64, sc.parallel_access}
      %slice3A_410 = vector.extract_strided_slice %sub3A_299 {offsets = [10], sizes = [1], strides = [1]} : vector<16xi32> to vector<1xi32>
      %squeeze3A_411 = vector.extract %slice3A_410[0] : i32 from vector<1xi32>
      %get3A_412 = arith.index_cast %squeeze3A_411 : i32 to index
      %get3A_413 = memref.load %arg11[%get3A_412] : memref<33xf32, #tpu.memory_space<smem>>
      %add3A_414 = arith.constant 1.000000e+00 : f32
      %add3A_415 = arith.addf %get3A_413, %add3A_414 : f32
      %swap3A_416 = arith.index_cast %squeeze3A_411 : i32 to index
      %swap3A_417 = memref.load %arg11[%swap3A_416] : memref<33xf32, #tpu.memory_space<smem>>
      memref.store %add3A_415, %arg11[%swap3A_416] : memref<33xf32, #tpu.memory_space<smem>>
      %parallel_loop3A_418 = arith.constant 0 : i32
      %parallel_loop3A_419 = arith.constant 32 : i32
      %parallel_loop3A_420 = arith.constant 1 : i32
      scf.for %parallel_loop3A_483 = %parallel_loop3A_418 to %parallel_loop3A_419 step %parallel_loop3A_420  : i32 {
        %parallel_loop3A_484 = arith.constant 16 : i32
        %parallel_loop3A_485 = arith.muli %parallel_loop3A_483, %parallel_loop3A_484 : i32
        %parallel_loop3A_486 = arith.constant 10 : i32
        %parallel_loop3A_487 = arith.index_cast %parallel_loop3A_486 : i32 to index
        %parallel_loop3A_488 = arith.index_cast %parallel_loop3A_485 : i32 to index
        %parallel_loop3A_489 = tpu.vector_load %arg9[%parallel_loop3A_487, %parallel_loop3A_488] {strides = array<i32>} : memref<16x512xf32, #tpu.memory_space<vmem>>, vector<16xf32>,
        %parallel_loop3A_490 = arith.constant 16 : i32
        %parallel_loop3A_491 = arith.muli %parallel_loop3A_483, %parallel_loop3A_490 : i32
        %parallel_loop3A_492 = arith.index_cast %squeeze3A_411 : i32 to index
        %parallel_loop3A_493 = arith.index_cast %parallel_loop3A_491 : i32 to index
        %parallel_loop3A_494 = tpu.vector_load %arg10[%parallel_loop3A_492, %parallel_loop3A_493] {strides = array<i32>} : memref<33x512xf32, #tpu.memory_space<vmem>>, vector<16xf32>,
        tpu.vector_store %arg10[%parallel_loop3A_492, %parallel_loop3A_493], %parallel_loop3A_489 {add = true, strides = array<i32>} : memref<33x512xf32, #tpu.memory_space<vmem>>, vector<16xf32>,
      } {sc.loop_unroll_factor = 8 : i64, sc.parallel_access}
      %slice3A_421 = vector.extract_strided_slice %sub3A_299 {offsets = [11], sizes = [1], strides = [1]} : vector<16xi32> to vector<1xi32>
      %squeeze3A_422 = vector.extract %slice3A_421[0] : i32 from vector<1xi32>
      %get3A_423 = arith.index_cast %squeeze3A_422 : i32 to index
      %get3A_424 = memref.load %arg11[%get3A_423] : memref<33xf32, #tpu.memory_space<smem>>
      %add3A_425 = arith.constant 1.000000e+00 : f32
      %add3A_426 = arith.addf %get3A_424, %add3A_425 : f32
      %swap3A_427 = arith.index_cast %squeeze3A_422 : i32 to index
      %swap3A_428 = memref.load %arg11[%swap3A_427] : memref<33xf32, #tpu.memory_space<smem>>
      memref.store %add3A_426, %arg11[%swap3A_427] : memref<33xf32, #tpu.memory_space<smem>>
      %parallel_loop3A_429 = arith.constant 0 : i32
      %parallel_loop3A_430 = arith.constant 32 : i32
      %parallel_loop3A_431 = arith.constant 1 : i32
      scf.for %parallel_loop3A_483 = %parallel_loop3A_429 to %parallel_loop3A_430 step %parallel_loop3A_431  : i32 {
        %parallel_loop3A_484 = arith.constant 16 : i32
        %parallel_loop3A_485 = arith.muli %parallel_loop3A_483, %parallel_loop3A_484 : i32
        %parallel_loop3A_486 = arith.constant 11 : i32
        %parallel_loop3A_487 = arith.index_cast %parallel_loop3A_486 : i32 to index
        %parallel_loop3A_488 = arith.index_cast %parallel_loop3A_485 : i32 to index
        %parallel_loop3A_489 = tpu.vector_load %arg9[%parallel_loop3A_487, %parallel_loop3A_488] {strides = array<i32>} : memref<16x512xf32, #tpu.memory_space<vmem>>, vector<16xf32>,
        %parallel_loop3A_490 = arith.constant 16 : i32
        %parallel_loop3A_491 = arith.muli %parallel_loop3A_483, %parallel_loop3A_490 : i32
        %parallel_loop3A_492 = arith.index_cast %squeeze3A_422 : i32 to index
        %parallel_loop3A_493 = arith.index_cast %parallel_loop3A_491 : i32 to index
        %parallel_loop3A_494 = tpu.vector_load %arg10[%parallel_loop3A_492, %parallel_loop3A_493] {strides = array<i32>} : memref<33x512xf32, #tpu.memory_space<vmem>>, vector<16xf32>,
        tpu.vector_store %arg10[%parallel_loop3A_492, %parallel_loop3A_493], %parallel_loop3A_489 {add = true, strides = array<i32>} : memref<33x512xf32, #tpu.memory_space<vmem>>, vector<16xf32>,
      } {sc.loop_unroll_factor = 8 : i64, sc.parallel_access}
      %slice3A_432 = vector.extract_strided_slice %sub3A_299 {offsets = [12], sizes = [1], strides = [1]} : vector<16xi32> to vector<1xi32>
      %squeeze3A_433 = vector.extract %slice3A_432[0] : i32 from vector<1xi32>
      %get3A_434 = arith.index_cast %squeeze3A_433 : i32 to index
      %get3A_435 = memref.load %arg11[%get3A_434] : memref<33xf32, #tpu.memory_space<smem>>
      %add3A_436 = arith.constant 1.000000e+00 : f32
      %add3A_437 = arith.addf %get3A_435, %add3A_436 : f32
      %swap3A_438 = arith.index_cast %squeeze3A_433 : i32 to index
      %swap3A_439 = memref.load %arg11[%swap3A_438] : memref<33xf32, #tpu.memory_space<smem>>
      memref.store %add3A_437, %arg11[%swap3A_438] : memref<33xf32, #tpu.memory_space<smem>>
      %parallel_loop3A_440 = arith.constant 0 : i32
      %parallel_loop3A_441 = arith.constant 32 : i32
      %parallel_loop3A_442 = arith.constant 1 : i32
      scf.for %parallel_loop3A_483 = %parallel_loop3A_440 to %parallel_loop3A_441 step %parallel_loop3A_442  : i32 {
        %parallel_loop3A_484 = arith.constant 16 : i32
        %parallel_loop3A_485 = arith.muli %parallel_loop3A_483, %parallel_loop3A_484 : i32
        %parallel_loop3A_486 = arith.constant 12 : i32
        %parallel_loop3A_487 = arith.index_cast %parallel_loop3A_486 : i32 to index
        %parallel_loop3A_488 = arith.index_cast %parallel_loop3A_485 : i32 to index
        %parallel_loop3A_489 = tpu.vector_load %arg9[%parallel_loop3A_487, %parallel_loop3A_488] {strides = array<i32>} : memref<16x512xf32, #tpu.memory_space<vmem>>, vector<16xf32>,
        %parallel_loop3A_490 = arith.constant 16 : i32
        %parallel_loop3A_491 = arith.muli %parallel_loop3A_483, %parallel_loop3A_490 : i32
        %parallel_loop3A_492 = arith.index_cast %squeeze3A_433 : i32 to index
        %parallel_loop3A_493 = arith.index_cast %parallel_loop3A_491 : i32 to index
        %parallel_loop3A_494 = tpu.vector_load %arg10[%parallel_loop3A_492, %parallel_loop3A_493] {strides = array<i32>} : memref<33x512xf32, #tpu.memory_space<vmem>>, vector<16xf32>,
        tpu.vector_store %arg10[%parallel_loop3A_492, %parallel_loop3A_493], %parallel_loop3A_489 {add = true, strides = array<i32>} : memref<33x512xf32, #tpu.memory_space<vmem>>, vector<16xf32>,
      } {sc.loop_unroll_factor = 8 : i64, sc.parallel_access}
      %slice3A_443 = vector.extract_strided_slice %sub3A_299 {offsets = [13], sizes = [1], strides = [1]} : vector<16xi32> to vector<1xi32>
      %squeeze3A_444 = vector.extract %slice3A_443[0] : i32 from vector<1xi32>
      %get3A_445 = arith.index_cast %squeeze3A_444 : i32 to index
      %get3A_446 = memref.load %arg11[%get3A_445] : memref<33xf32, #tpu.memory_space<smem>>
      %add3A_447 = arith.constant 1.000000e+00 : f32
      %add3A_448 = arith.addf %get3A_446, %add3A_447 : f32
      %swap3A_449 = arith.index_cast %squeeze3A_444 : i32 to index
      %swap3A_450 = memref.load %arg11[%swap3A_449] : memref<33xf32, #tpu.memory_space<smem>>
      memref.store %add3A_448, %arg11[%swap3A_449] : memref<33xf32, #tpu.memory_space<smem>>
      %parallel_loop3A_451 = arith.constant 0 : i32
      %parallel_loop3A_452 = arith.constant 32 : i32
      %parallel_loop3A_453 = arith.constant 1 : i32
      scf.for %parallel_loop3A_483 = %parallel_loop3A_451 to %parallel_loop3A_452 step %parallel_loop3A_453  : i32 {
        %parallel_loop3A_484 = arith.constant 16 : i32
        %parallel_loop3A_485 = arith.muli %parallel_loop3A_483, %parallel_loop3A_484 : i32
        %parallel_loop3A_486 = arith.constant 13 : i32
        %parallel_loop3A_487 = arith.index_cast %parallel_loop3A_486 : i32 to index
        %parallel_loop3A_488 = arith.index_cast %parallel_loop3A_485 : i32 to index
        %parallel_loop3A_489 = tpu.vector_load %arg9[%parallel_loop3A_487, %parallel_loop3A_488] {strides = array<i32>} : memref<16x512xf32, #tpu.memory_space<vmem>>, vector<16xf32>,
        %parallel_loop3A_490 = arith.constant 16 : i32
        %parallel_loop3A_491 = arith.muli %parallel_loop3A_483, %parallel_loop3A_490 : i32
        %parallel_loop3A_492 = arith.index_cast %squeeze3A_444 : i32 to index
        %parallel_loop3A_493 = arith.index_cast %parallel_loop3A_491 : i32 to index
        %parallel_loop3A_494 = tpu.vector_load %arg10[%parallel_loop3A_492, %parallel_loop3A_493] {strides = array<i32>} : memref<33x512xf32, #tpu.memory_space<vmem>>, vector<16xf32>,
        tpu.vector_store %arg10[%parallel_loop3A_492, %parallel_loop3A_493], %parallel_loop3A_489 {add = true, strides = array<i32>} : memref<33x512xf32, #tpu.memory_space<vmem>>, vector<16xf32>,
      } {sc.loop_unroll_factor = 8 : i64, sc.parallel_access}
      %slice3A_454 = vector.extract_strided_slice %sub3A_299 {offsets = [14], sizes = [1], strides = [1]} : vector<16xi32> to vector<1xi32>
      %squeeze3A_455 = vector.extract %slice3A_454[0] : i32 from vector<1xi32>
      %get3A_456 = arith.index_cast %squeeze3A_455 : i32 to index
      %get3A_457 = memref.load %arg11[%get3A_456] : memref<33xf32, #tpu.memory_space<smem>>
      %add3A_458 = arith.constant 1.000000e+00 : f32
      %add3A_459 = arith.addf %get3A_457, %add3A_458 : f32
      %swap3A_460 = arith.index_cast %squeeze3A_455 : i32 to index
      %swap3A_461 = memref.load %arg11[%swap3A_460] : memref<33xf32, #tpu.memory_space<smem>>
      memref.store %add3A_459, %arg11[%swap3A_460] : memref<33xf32, #tpu.memory_space<smem>>
      %parallel_loop3A_462 = arith.constant 0 : i32
      %parallel_loop3A_463 = arith.constant 32 : i32
      %parallel_loop3A_464 = arith.constant 1 : i32
      scf.for %parallel_loop3A_483 = %parallel_loop3A_462 to %parallel_loop3A_463 step %parallel_loop3A_464  : i32 {
        %parallel_loop3A_484 = arith.constant 16 : i32
        %parallel_loop3A_485 = arith.muli %parallel_loop3A_483, %parallel_loop3A_484 : i32
        %parallel_loop3A_486 = arith.constant 14 : i32
        %parallel_loop3A_487 = arith.index_cast %parallel_loop3A_486 : i32 to index
        %parallel_loop3A_488 = arith.index_cast %parallel_loop3A_485 : i32 to index
        %parallel_loop3A_489 = tpu.vector_load %arg9[%parallel_loop3A_487, %parallel_loop3A_488] {strides = array<i32>} : memref<16x512xf32, #tpu.memory_space<vmem>>, vector<16xf32>,
        %parallel_loop3A_490 = arith.constant 16 : i32
        %parallel_loop3A_491 = arith.muli %parallel_loop3A_483, %parallel_loop3A_490 : i32
        %parallel_loop3A_492 = arith.index_cast %squeeze3A_455 : i32 to index
        %parallel_loop3A_493 = arith.index_cast %parallel_loop3A_491 : i32 to index
        %parallel_loop3A_494 = tpu.vector_load %arg10[%parallel_loop3A_492, %parallel_loop3A_493] {strides = array<i32>} : memref<33x512xf32, #tpu.memory_space<vmem>>, vector<16xf32>,
        tpu.vector_store %arg10[%parallel_loop3A_492, %parallel_loop3A_493], %parallel_loop3A_489 {add = true, strides = array<i32>} : memref<33x512xf32, #tpu.memory_space<vmem>>, vector<16xf32>,
      } {sc.loop_unroll_factor = 8 : i64, sc.parallel_access}
      %slice3A_465 = vector.extract_strided_slice %sub3A_299 {offsets = [15], sizes = [1], strides = [1]} : vector<16xi32> to vector<1xi32>
      %squeeze3A_466 = vector.extract %slice3A_465[0] : i32 from vector<1xi32>
      %get3A_467 = arith.index_cast %squeeze3A_466 : i32 to index
      %get3A_468 = memref.load %arg11[%get3A_467] : memref<33xf32, #tpu.memory_space<smem>>
      %add3A_469 = arith.constant 1.000000e+00 : f32
      %add3A_470 = arith.addf %get3A_468, %add3A_469 : f32
      %swap3A_471 = arith.index_cast %squeeze3A_466 : i32 to index
      %swap3A_472 = memref.load %arg11[%swap3A_471] : memref<33xf32, #tpu.memory_space<smem>>
      memref.store %add3A_470, %arg11[%swap3A_471] : memref<33xf32, #tpu.memory_space<smem>>
      %parallel_loop3A_473 = arith.constant 0 : i32
      %parallel_loop3A_474 = arith.constant 32 : i32
      %parallel_loop3A_475 = arith.constant 1 : i32
      scf.for %parallel_loop3A_483 = %parallel_loop3A_473 to %parallel_loop3A_474 step %parallel_loop3A_475  : i32 {
        %parallel_loop3A_484 = arith.constant 16 : i32
        %parallel_loop3A_485 = arith.muli %parallel_loop3A_483, %parallel_loop3A_484 : i32
        %parallel_loop3A_486 = arith.constant 15 : i32
        %parallel_loop3A_487 = arith.index_cast %parallel_loop3A_486 : i32 to index
        %parallel_loop3A_488 = arith.index_cast %parallel_loop3A_485 : i32 to index
        %parallel_loop3A_489 = tpu.vector_load %arg9[%parallel_loop3A_487, %parallel_loop3A_488] {strides = array<i32>} : memref<16x512xf32, #tpu.memory_space<vmem>>, vector<16xf32>,
        %parallel_loop3A_490 = arith.constant 16 : i32
        %parallel_loop3A_491 = arith.muli %parallel_loop3A_483, %parallel_loop3A_490 : i32
        %parallel_loop3A_492 = arith.index_cast %squeeze3A_466 : i32 to index
        %parallel_loop3A_493 = arith.index_cast %parallel_loop3A_491 : i32 to index
        %parallel_loop3A_494 = tpu.vector_load %arg10[%parallel_loop3A_492, %parallel_loop3A_493] {strides = array<i32>} : memref<33x512xf32, #tpu.memory_space<vmem>>, vector<16xf32>,
        tpu.vector_store %arg10[%parallel_loop3A_492, %parallel_loop3A_493], %parallel_loop3A_489 {add = true, strides = array<i32>} : memref<33x512xf32, #tpu.memory_space<vmem>>, vector<16xf32>,
      } {sc.loop_unroll_factor = 8 : i64, sc.parallel_access}
      %add3A_476 = arith.constant 2 : i32
      %add3A_477 = arith.addi %add3A_288, %add3A_476 : i32
      %lt3A_478 = arith.cmpi slt, %add3A_477, %mul3A_67 : i32
      %convert_element_type3A_479 = arith.extui %lt3A_478 : i1 to i32
      %cond3A_480 = arith.constant 0 : i32
      %cond3A_481 = arith.cmpi ne, %convert_element_type3A_479, %cond3A_480 : i32
      scf.if %cond3A_481 {
        %add3A_483 = arith.constant 2 : i32
        %add3A_484 = arith.addi %add3A_288, %add3A_483 : i32
        %mul3A_485 = arith.constant 16 : i32
        %mul3A_486 = arith.muli %add3A_484, %mul3A_485 : i32
        %dma_start3A = tpu.memref_slice %arg6[%mul3A_486] : memref<16416xi32, #tpu.memory_space<vmem>> -> memref<16xi32, #tpu.memory_space<vmem>>
        %dma_start3A_487 = arith.constant 0 : i32
        %dma_start3A_488 = arith.constant 0 : i32
        %dma_start3A_489 = tpu.memref_slice %arg2[%dma_start3A_487, %dma_start3A_488] : memref<16384x512xf32, #tpu.memory_space<hbm>> -> memref<16384x512xf32, #tpu.memory_space<hbm>>
        tpu.enqueue_indirect_dma source(%dma_start3A_489 : memref<16384x512xf32, #tpu.memory_space<hbm>>) target(%arg9 : memref<16x512xf32, #tpu.memory_space<vmem>>) offsets(%dma_start3A : memref<16xi32, #tpu.memory_space<vmem>>) semaphore(%arg14 : memref<!tpu.dma_semaphore, #tpu.memory_space<semaphore_mem>>)
      } else {
      }
      %while3A_482 = arith.constant 0 : i32
      scf.yield %while3A_482 : i32
    }
    %scan3A_86 = arith.constant 0 : i32
    %scan3A_87 = arith.constant 32 : i32
    %scan3A_88 = arith.addi %scan3A_86, %scan3A_87 : i32
    %scan3A_89 = arith.constant 1 : i32
    %scan3A_90 = scf.for %scan3A_94 = %scan3A_86 to %scan3A_88 step %scan3A_89 iter_args(%scan3A_95 = %broadcast_in_dim3A_1) -> (vector<16xf32>)  : i32 {
      %get3A = arith.index_cast %scan3A_94 : i32 to index
      %get3A_96 = memref.load %arg11[%get3A] : memref<33xf32, #tpu.memory_space<smem>>
      %broadcast_in_dim3A_97 = vector.broadcast %get3A_96 : f32 to vector<16xf32>
      %max3A = arith.maximumf %broadcast_in_dim3A_97, %broadcast_in_dim3A_3 : vector<16xf32>
      %div3A_98 = arith.divf %broadcast_in_dim3A_3, %max3A : vector<16xf32>
      %get3A_99 = arith.index_cast %scan3A_94 : i32 to index
      %get3A_100 = arith.constant 0 : index
      %get3A_101 = tpu.vector_load %arg10[%get3A_99, %get3A_100] {strides = array<i32>} : memref<33x512xf32, #tpu.memory_space<vmem>>, vector<16xf32>,
      %mul3A_102 = arith.mulf %get3A_101, %get3A_101 : vector<16xf32>
      %add3A_103 = arith.addf %broadcast_in_dim3A_1, %mul3A_102 : vector<16xf32>
      %get3A_104 = arith.index_cast %scan3A_94 : i32 to index
      %get3A_105 = arith.constant 16 : index
      %get3A_106 = tpu.vector_load %arg10[%get3A_104, %get3A_105] {strides = array<i32>} : memref<33x512xf32, #tpu.memory_space<vmem>>, vector<16xf32>,
      %mul3A_107 = arith.mulf %get3A_106, %get3A_106 : vector<16xf32>
      %add3A_108 = arith.addf %broadcast_in_dim3A_1, %mul3A_107 : vector<16xf32>
      %get3A_109 = arith.index_cast %scan3A_94 : i32 to index
      %get3A_110 = arith.constant 32 : index
      %get3A_111 = tpu.vector_load %arg10[%get3A_109, %get3A_110] {strides = array<i32>} : memref<33x512xf32, #tpu.memory_space<vmem>>, vector<16xf32>,
      %mul3A_112 = arith.mulf %get3A_111, %get3A_111 : vector<16xf32>
      %add3A_113 = arith.addf %broadcast_in_dim3A_1, %mul3A_112 : vector<16xf32>
      %get3A_114 = arith.index_cast %scan3A_94 : i32 to index
      %get3A_115 = arith.constant 48 : index
      %get3A_116 = tpu.vector_load %arg10[%get3A_114, %get3A_115] {strides = array<i32>} : memref<33x512xf32, #tpu.memory_space<vmem>>, vector<16xf32>,
      %mul3A_117 = arith.mulf %get3A_116, %get3A_116 : vector<16xf32>
      %add3A_118 = arith.addf %broadcast_in_dim3A_1, %mul3A_117 : vector<16xf32>
      %get3A_119 = arith.index_cast %scan3A_94 : i32 to index
      %get3A_120 = arith.constant 64 : index
      %get3A_121 = tpu.vector_load %arg10[%get3A_119, %get3A_120] {strides = array<i32>} : memref<33x512xf32, #tpu.memory_space<vmem>>, vector<16xf32>,
      %mul3A_122 = arith.mulf %get3A_121, %get3A_121 : vector<16xf32>
      %add3A_123 = arith.addf %add3A_103, %mul3A_122 : vector<16xf32>
      %get3A_124 = arith.index_cast %scan3A_94 : i32 to index
      %get3A_125 = arith.constant 80 : index
      %get3A_126 = tpu.vector_load %arg10[%get3A_124, %get3A_125] {strides = array<i32>} : memref<33x512xf32, #tpu.memory_space<vmem>>, vector<16xf32>,
      %mul3A_127 = arith.mulf %get3A_126, %get3A_126 : vector<16xf32>
      %add3A_128 = arith.addf %add3A_108, %mul3A_127 : vector<16xf32>
      %get3A_129 = arith.index_cast %scan3A_94 : i32 to index
      %get3A_130 = arith.constant 96 : index
      %get3A_131 = tpu.vector_load %arg10[%get3A_129, %get3A_130] {strides = array<i32>} : memref<33x512xf32, #tpu.memory_space<vmem>>, vector<16xf32>,
      %mul3A_132 = arith.mulf %get3A_131, %get3A_131 : vector<16xf32>
      %add3A_133 = arith.addf %add3A_113, %mul3A_132 : vector<16xf32>
      %get3A_134 = arith.index_cast %scan3A_94 : i32 to index
      %get3A_135 = arith.constant 112 : index
      %get3A_136 = tpu.vector_load %arg10[%get3A_134, %get3A_135] {strides = array<i32>} : memref<33x512xf32, #tpu.memory_space<vmem>>, vector<16xf32>,
      %mul3A_137 = arith.mulf %get3A_136, %get3A_136 : vector<16xf32>
      %add3A_138 = arith.addf %add3A_118, %mul3A_137 : vector<16xf32>
      %get3A_139 = arith.index_cast %scan3A_94 : i32 to index
      %get3A_140 = arith.constant 128 : index
      %get3A_141 = tpu.vector_load %arg10[%get3A_139, %get3A_140] {strides = array<i32>} : memref<33x512xf32, #tpu.memory_space<vmem>>, vector<16xf32>,
      %mul3A_142 = arith.mulf %get3A_141, %get3A_141 : vector<16xf32>
      %add3A_143 = arith.addf %add3A_123, %mul3A_142 : vector<16xf32>
      %get3A_144 = arith.index_cast %scan3A_94 : i32 to index
      %get3A_145 = arith.constant 144 : index
      %get3A_146 = tpu.vector_load %arg10[%get3A_144, %get3A_145] {strides = array<i32>} : memref<33x512xf32, #tpu.memory_space<vmem>>, vector<16xf32>,
      %mul3A_147 = arith.mulf %get3A_146, %get3A_146 : vector<16xf32>
      %add3A_148 = arith.addf %add3A_128, %mul3A_147 : vector<16xf32>
      %get3A_149 = arith.index_cast %scan3A_94 : i32 to index
      %get3A_150 = arith.constant 160 : index
      %get3A_151 = tpu.vector_load %arg10[%get3A_149, %get3A_150] {strides = array<i32>} : memref<33x512xf32, #tpu.memory_space<vmem>>, vector<16xf32>,
      %mul3A_152 = arith.mulf %get3A_151, %get3A_151 : vector<16xf32>
      %add3A_153 = arith.addf %add3A_133, %mul3A_152 : vector<16xf32>
      %get3A_154 = arith.index_cast %scan3A_94 : i32 to index
      %get3A_155 = arith.constant 176 : index
      %get3A_156 = tpu.vector_load %arg10[%get3A_154, %get3A_155] {strides = array<i32>} : memref<33x512xf32, #tpu.memory_space<vmem>>, vector<16xf32>,
      %mul3A_157 = arith.mulf %get3A_156, %get3A_156 : vector<16xf32>
      %add3A_158 = arith.addf %add3A_138, %mul3A_157 : vector<16xf32>
      %get3A_159 = arith.index_cast %scan3A_94 : i32 to index
      %get3A_160 = arith.constant 192 : index
      %get3A_161 = tpu.vector_load %arg10[%get3A_159, %get3A_160] {strides = array<i32>} : memref<33x512xf32, #tpu.memory_space<vmem>>, vector<16xf32>,
      %mul3A_162 = arith.mulf %get3A_161, %get3A_161 : vector<16xf32>
      %add3A_163 = arith.addf %add3A_143, %mul3A_162 : vector<16xf32>
      %get3A_164 = arith.index_cast %scan3A_94 : i32 to index
      %get3A_165 = arith.constant 208 : index
      %get3A_166 = tpu.vector_load %arg10[%get3A_164, %get3A_165] {strides = array<i32>} : memref<33x512xf32, #tpu.memory_space<vmem>>, vector<16xf32>,
      %mul3A_167 = arith.mulf %get3A_166, %get3A_166 : vector<16xf32>
      %add3A_168 = arith.addf %add3A_148, %mul3A_167 : vector<16xf32>
      %get3A_169 = arith.index_cast %scan3A_94 : i32 to index
      %get3A_170 = arith.constant 224 : index
      %get3A_171 = tpu.vector_load %arg10[%get3A_169, %get3A_170] {strides = array<i32>} : memref<33x512xf32, #tpu.memory_space<vmem>>, vector<16xf32>,
      %mul3A_172 = arith.mulf %get3A_171, %get3A_171 : vector<16xf32>
      %add3A_173 = arith.addf %add3A_153, %mul3A_172 : vector<16xf32>
      %get3A_174 = arith.index_cast %scan3A_94 : i32 to index
      %get3A_175 = arith.constant 240 : index
      %get3A_176 = tpu.vector_load %arg10[%get3A_174, %get3A_175] {strides = array<i32>} : memref<33x512xf32, #tpu.memory_space<vmem>>, vector<16xf32>,
      %mul3A_177 = arith.mulf %get3A_176, %get3A_176 : vector<16xf32>
      %add3A_178 = arith.addf %add3A_158, %mul3A_177 : vector<16xf32>
      %get3A_179 = arith.index_cast %scan3A_94 : i32 to index
      %get3A_180 = arith.constant 256 : index
      %get3A_181 = tpu.vector_load %arg10[%get3A_179, %get3A_180] {strides = array<i32>} : memref<33x512xf32, #tpu.memory_space<vmem>>, vector<16xf32>,
      %mul3A_182 = arith.mulf %get3A_181, %get3A_181 : vector<16xf32>
      %add3A_183 = arith.addf %add3A_163, %mul3A_182 : vector<16xf32>
      %get3A_184 = arith.index_cast %scan3A_94 : i32 to index
      %get3A_185 = arith.constant 272 : index
      %get3A_186 = tpu.vector_load %arg10[%get3A_184, %get3A_185] {strides = array<i32>} : memref<33x512xf32, #tpu.memory_space<vmem>>, vector<16xf32>,
      %mul3A_187 = arith.mulf %get3A_186, %get3A_186 : vector<16xf32>
      %add3A_188 = arith.addf %add3A_168, %mul3A_187 : vector<16xf32>
      %get3A_189 = arith.index_cast %scan3A_94 : i32 to index
      %get3A_190 = arith.constant 288 : index
      %get3A_191 = tpu.vector_load %arg10[%get3A_189, %get3A_190] {strides = array<i32>} : memref<33x512xf32, #tpu.memory_space<vmem>>, vector<16xf32>,
      %mul3A_192 = arith.mulf %get3A_191, %get3A_191 : vector<16xf32>
      %add3A_193 = arith.addf %add3A_173, %mul3A_192 : vector<16xf32>
      %get3A_194 = arith.index_cast %scan3A_94 : i32 to index
      %get3A_195 = arith.constant 304 : index
      %get3A_196 = tpu.vector_load %arg10[%get3A_194, %get3A_195] {strides = array<i32>} : memref<33x512xf32, #tpu.memory_space<vmem>>, vector<16xf32>,
      %mul3A_197 = arith.mulf %get3A_196, %get3A_196 : vector<16xf32>
      %add3A_198 = arith.addf %add3A_178, %mul3A_197 : vector<16xf32>
      %get3A_199 = arith.index_cast %scan3A_94 : i32 to index
      %get3A_200 = arith.constant 320 : index
      %get3A_201 = tpu.vector_load %arg10[%get3A_199, %get3A_200] {strides = array<i32>} : memref<33x512xf32, #tpu.memory_space<vmem>>, vector<16xf32>,
      %mul3A_202 = arith.mulf %get3A_201, %get3A_201 : vector<16xf32>
      %add3A_203 = arith.addf %add3A_183, %mul3A_202 : vector<16xf32>
      %get3A_204 = arith.index_cast %scan3A_94 : i32 to index
      %get3A_205 = arith.constant 336 : index
      %get3A_206 = tpu.vector_load %arg10[%get3A_204, %get3A_205] {strides = array<i32>} : memref<33x512xf32, #tpu.memory_space<vmem>>, vector<16xf32>,
      %mul3A_207 = arith.mulf %get3A_206, %get3A_206 : vector<16xf32>
      %add3A_208 = arith.addf %add3A_188, %mul3A_207 : vector<16xf32>
      %get3A_209 = arith.index_cast %scan3A_94 : i32 to index
      %get3A_210 = arith.constant 352 : index
      %get3A_211 = tpu.vector_load %arg10[%get3A_209, %get3A_210] {strides = array<i32>} : memref<33x512xf32, #tpu.memory_space<vmem>>, vector<16xf32>,
      %mul3A_212 = arith.mulf %get3A_211, %get3A_211 : vector<16xf32>
      %add3A_213 = arith.addf %add3A_193, %mul3A_212 : vector<16xf32>
      %get3A_214 = arith.index_cast %scan3A_94 : i32 to index
      %get3A_215 = arith.constant 368 : index
      %get3A_216 = tpu.vector_load %arg10[%get3A_214, %get3A_215] {strides = array<i32>} : memref<33x512xf32, #tpu.memory_space<vmem>>, vector<16xf32>,
      %mul3A_217 = arith.mulf %get3A_216, %get3A_216 : vector<16xf32>
      %add3A_218 = arith.addf %add3A_198, %mul3A_217 : vector<16xf32>
      %get3A_219 = arith.index_cast %scan3A_94 : i32 to index
      %get3A_220 = arith.constant 384 : index
      %get3A_221 = tpu.vector_load %arg10[%get3A_219, %get3A_220] {strides = array<i32>} : memref<33x512xf32, #tpu.memory_space<vmem>>, vector<16xf32>,
      %mul3A_222 = arith.mulf %get3A_221, %get3A_221 : vector<16xf32>
      %add3A_223 = arith.addf %add3A_203, %mul3A_222 : vector<16xf32>
      %get3A_224 = arith.index_cast %scan3A_94 : i32 to index
      %get3A_225 = arith.constant 400 : index
      %get3A_226 = tpu.vector_load %arg10[%get3A_224, %get3A_225] {strides = array<i32>} : memref<33x512xf32, #tpu.memory_space<vmem>>, vector<16xf32>,
      %mul3A_227 = arith.mulf %get3A_226, %get3A_226 : vector<16xf32>
      %add3A_228 = arith.addf %add3A_208, %mul3A_227 : vector<16xf32>
      %get3A_229 = arith.index_cast %scan3A_94 : i32 to index
      %get3A_230 = arith.constant 416 : index
      %get3A_231 = tpu.vector_load %arg10[%get3A_229, %get3A_230] {strides = array<i32>} : memref<33x512xf32, #tpu.memory_space<vmem>>, vector<16xf32>,
      %mul3A_232 = arith.mulf %get3A_231, %get3A_231 : vector<16xf32>
      %add3A_233 = arith.addf %add3A_213, %mul3A_232 : vector<16xf32>
      %get3A_234 = arith.index_cast %scan3A_94 : i32 to index
      %get3A_235 = arith.constant 432 : index
      %get3A_236 = tpu.vector_load %arg10[%get3A_234, %get3A_235] {strides = array<i32>} : memref<33x512xf32, #tpu.memory_space<vmem>>, vector<16xf32>,
      %mul3A_237 = arith.mulf %get3A_236, %get3A_236 : vector<16xf32>
      %add3A_238 = arith.addf %add3A_218, %mul3A_237 : vector<16xf32>
      %get3A_239 = arith.index_cast %scan3A_94 : i32 to index
      %get3A_240 = arith.constant 448 : index
      %get3A_241 = tpu.vector_load %arg10[%get3A_239, %get3A_240] {strides = array<i32>} : memref<33x512xf32, #tpu.memory_space<vmem>>, vector<16xf32>,
      %mul3A_242 = arith.mulf %get3A_241, %get3A_241 : vector<16xf32>
      %add3A_243 = arith.addf %add3A_223, %mul3A_242 : vector<16xf32>
      %get3A_244 = arith.index_cast %scan3A_94 : i32 to index
      %get3A_245 = arith.constant 464 : index
      %get3A_246 = tpu.vector_load %arg10[%get3A_244, %get3A_245] {strides = array<i32>} : memref<33x512xf32, #tpu.memory_space<vmem>>, vector<16xf32>,
      %mul3A_247 = arith.mulf %get3A_246, %get3A_246 : vector<16xf32>
      %add3A_248 = arith.addf %add3A_228, %mul3A_247 : vector<16xf32>
      %get3A_249 = arith.index_cast %scan3A_94 : i32 to index
      %get3A_250 = arith.constant 480 : index
      %get3A_251 = tpu.vector_load %arg10[%get3A_249, %get3A_250] {strides = array<i32>} : memref<33x512xf32, #tpu.memory_space<vmem>>, vector<16xf32>,
      %mul3A_252 = arith.mulf %get3A_251, %get3A_251 : vector<16xf32>
      %add3A_253 = arith.addf %add3A_233, %mul3A_252 : vector<16xf32>
      %get3A_254 = arith.index_cast %scan3A_94 : i32 to index
      %get3A_255 = arith.constant 496 : index
      %get3A_256 = tpu.vector_load %arg10[%get3A_254, %get3A_255] {strides = array<i32>} : memref<33x512xf32, #tpu.memory_space<vmem>>, vector<16xf32>,
      %mul3A_257 = arith.mulf %get3A_256, %get3A_256 : vector<16xf32>
      %add3A_258 = arith.addf %add3A_238, %mul3A_257 : vector<16xf32>
      %add3A_259 = arith.addf %add3A_243, %add3A_248 : vector<16xf32>
      %add3A_260 = arith.addf %add3A_253, %add3A_258 : vector<16xf32>
      %add3A_261 = arith.addf %add3A_259, %add3A_260 : vector<16xf32>
      %mul3A_262 = arith.mulf %add3A_261, %div3A_98 : vector<16xf32>
      %add3A_263 = arith.addf %scan3A_95, %mul3A_262 : vector<16xf32>
      scf.yield %add3A_263 : vector<16xf32>
    }
    %scan3A_91 = arith.constant 32 : i32
    %swap3A_92 = arith.constant 0 : index
    %swap3A_93 = tpu.vector_load %arg12[%swap3A_92] {strides = array<i32>} : memref<16xf32, #tpu.memory_space<vmem>>, vector<16xf32>,
    tpu.vector_store %arg12[%swap3A_92], %scan3A_90 {strides = array<i32>} : memref<16xf32, #tpu.memory_space<vmem>>, vector<16xf32>,
    "tpu.region"() ({
      %run_scoped3A = tpu.sem_alloc : memref<!tpu.dma_semaphore, #tpu.memory_space<semaphore_mem>>
      %dma_start3A = arith.constant 0 : i32
      %dma_start3A_94 = tpu.memref_slice %arg4[%add3A, %dma_start3A] : memref<32x16xf32, #tpu.memory_space<hbm>> -> memref<1x16xf32, #tpu.memory_space<hbm>>
      %dma_start3A_95 = tpu.memref_squeeze %dma_start3A_94 : memref<1x16xf32, #tpu.memory_space<hbm>> -> memref<16xf32, #tpu.memory_space<hbm>>
      %dma_start3A_96 = arith.constant 0 : i32
      %dma_start3A_97 = tpu.memref_slice %arg4[%add3A, %dma_start3A_96] : memref<32x16xf32, #tpu.memory_space<hbm>> -> memref<1x16xf32, #tpu.memory_space<hbm>>
      %dma_start3A_98 = tpu.memref_squeeze %dma_start3A_97 : memref<1x16xf32, #tpu.memory_space<hbm>> -> memref<16xf32, #tpu.memory_space<hbm>>
      tpu.enqueue_dma source(%arg12 : memref<16xf32, #tpu.memory_space<vmem>>) target(%dma_start3A_98 : memref<16xf32, #tpu.memory_space<hbm>>) target_semaphore(%run_scoped3A : memref<!tpu.dma_semaphore, #tpu.memory_space<semaphore_mem>>)
      %dma_wait3A = arith.constant 0 : i32
      %dma_wait3A_99 = tpu.memref_slice %arg4[%add3A, %dma_wait3A] : memref<32x16xf32, #tpu.memory_space<hbm>> -> memref<1x16xf32, #tpu.memory_space<hbm>>
      %dma_wait3A_100 = tpu.memref_squeeze %dma_wait3A_99 : memref<1x16xf32, #tpu.memory_space<hbm>> -> memref<16xf32, #tpu.memory_space<hbm>>
      %dma_wait3A_101 = arith.constant 0 : i32
      %dma_wait3A_102 = tpu.memref_slice %arg4[%add3A, %dma_wait3A_101] : memref<32x16xf32, #tpu.memory_space<hbm>> -> memref<1x16xf32, #tpu.memory_space<hbm>>
      %dma_wait3A_103 = tpu.memref_squeeze %dma_wait3A_102 : memref<1x16xf32, #tpu.memory_space<hbm>> -> memref<16xf32, #tpu.memory_space<hbm>>
      tpu.wait_dma2 semaphore(%run_scoped3A : memref<!tpu.dma_semaphore, #tpu.memory_space<semaphore_mem>>) src(%arg12 : memref<16xf32, #tpu.memory_space<vmem>>) dst(%dma_wait3A_103 : memref<16xf32, #tpu.memory_space<hbm>>)
      tpu.yield
    }) : () -> ()
    return
  }
}

module attributes {stable_mosaic.version = 14 : i64} {
  func.func @_ssq_body(%arg0: i32, %arg1: memref<2048x512xf32, #tpu.memory_space<vmem>>, %arg2: memref<1x1xf32, #tpu.memory_space<vmem>>) attributes {dimension_semantics = [#tpu.dimension_semantics<arbitrary>], iteration_bounds = array<i64: 8>, scalar_prefetch = 0 : i64, scratch_operands = 0 : i64, tpu.core_type = #tpu.core_type<tc>, window_params = [{transform_indices = @transform_0, window_bounds = array<i64: 2048, 512>}, {pipeline_mode = #tpu.pipeline_mode<synchronous>, transform_indices = @transform_1, window_bounds = array<i64: 1, 1>}]} {
    %eq3A = arith.constant 0 : i32
    %eq3A_0 = arith.cmpi eq, %arg0, %eq3A : i32
    %convert_element_type3A = arith.extui %eq3A_0 : i1 to i32
    %cond3A = arith.constant 0 : i32
    %cond3A_1 = arith.cmpi ne, %convert_element_type3A, %cond3A : i32
    scf.if %cond3A_1 {
      %broadcast_in_dim3A = arith.constant 0.000000e+00 : f32
      %broadcast_in_dim3A_14 = vector.broadcast %broadcast_in_dim3A : f32 to vector<1x1xf32>
      %swap3A_15 = arith.constant 0 : index
      %swap3A_16 = arith.constant 0 : index
      %swap3A_17 = vector.load %arg2[%swap3A_15, %swap3A_16] : memref<1x1xf32, #tpu.memory_space<vmem>>, vector<1x1xf32>
      tpu.vector_store %arg2[%swap3A_15, %swap3A_16], %broadcast_in_dim3A_14 {strides = array<i32>} : memref<1x1xf32, #tpu.memory_space<vmem>>, vector<1x1xf32>,
    } else {
    }
    %get3A = arith.constant 0 : index
    %get3A_2 = arith.constant 0 : index
    %get3A_3 = vector.load %arg1[%get3A, %get3A_2] : memref<2048x512xf32, #tpu.memory_space<vmem>>, vector<2048x512xf32>
    %get3A_4 = arith.constant 0 : index
    %get3A_5 = arith.constant 0 : index
    %get3A_6 = vector.load %arg2[%get3A_4, %get3A_5] : memref<1x1xf32, #tpu.memory_space<vmem>>, vector<1x1xf32>
    %mul3A = arith.mulf %get3A_3, %get3A_3 : vector<2048x512xf32>
    %reduce_sum3A = vector.shape_cast %mul3A : vector<2048x512xf32> to vector<1x2048x512xf32>
    %reduce_sum3A_7 = arith.constant dense<0.000000e+00> : vector<1xf32>
    %reduce_sum3A_8 = vector.multi_reduction <add>, %reduce_sum3A, %reduce_sum3A_7 [1, 2] : vector<1x2048x512xf32> to vector<1xf32>
    %reduce_sum3A_9 = vector.shape_cast %reduce_sum3A_8 : vector<1xf32> to vector<1x1x1xf32>
    %reduce_sum3A_10 = vector.extract %reduce_sum3A_9[0, 0, 0] : f32 from vector<1x1x1xf32>
    %add3A = vector.broadcast %reduce_sum3A_10 : f32 to vector<1x1xf32>
    %add3A_11 = arith.addf %get3A_6, %add3A : vector<1x1xf32>
    %swap3A = arith.constant 0 : index
    %swap3A_12 = arith.constant 0 : index
    %swap3A_13 = vector.load %arg2[%swap3A, %swap3A_12] : memref<1x1xf32, #tpu.memory_space<vmem>>, vector<1x1xf32>
    tpu.vector_store %arg2[%swap3A, %swap3A_12], %add3A_11 {strides = array<i32>} : memref<1x1xf32, #tpu.memory_space<vmem>>, vector<1x1xf32>,
    return
  }
  func.func @transform_0(%arg0: i32) -> (i32, i32) {
    %c0_i32 = arith.constant 0 : i32
    %c0_i32_0 = arith.constant 0 : i32
    return %arg0, %c0_i32 : i32, i32
  }
  func.func @transform_1(%arg0: i32) -> (i32, i32) {
    %c0_i32 = arith.constant 0 : i32
    %c0_i32_0 = arith.constant 0 : i32
    %c0_i32_1 = arith.constant 0 : i32
    return %c0_i32, %c0_i32_0 : i32, i32
  }
}

</mosaic_0001>

<sc_bundles>
// kernel: _center_loss_sc.4.cloned.1.call-start
scs
__scs_entry_jumppad:
0x0: {  	(pc) =	sbr.rel $0x88, $3  }
0x1: {  	(tag) =	ssettag $0x0;
	lr =	simm.s32 $0x1  }
0x2: {  	[smem:$0x3F9F] =	sst lr;
	_ =	strace $0xD0000000  }
0x3: {  	_ = 	snop  }
0x4: {  	_ = 	snop  }
0x5: {  	_ = 	snop  }
0x6: {  	_ = 	snop  }
0x7: {  	_ = 	snop  }
__scs_overlays_trampoline_lowered:
0x8: {  	[smem:$0x3FAE] =	sst s0  }
0x9: {  	[smem:$0x3FAF] =	sst s1  }
0xa: {  	[smem:$0x3FB0] =	sst s2  }
0xb: {  	[smem:$0x3FB1] =	sst s3  }
0xc: {  	[smem:$0x3FB2] =	sst s4  }
0xd: {  	[smem:$0x3FB3] =	sst s5  }
0xe: {  	[smem:$0x3FB4] =	sst s6  }
0xf: {  	[smem:$0x3FB5] =	sst s7  }
0x10: {  	[smem:$0x3FB6] =	sst s8  }
0x11: {  	[smem:$0x3FB7] =	sst s9;
	s0 =	simm.s32 @!p0 $0x0  }
0x12: {  	s1 =	sld [smem:$0x3F9D];
	s0 =	simm.s32 @p0 $0x1  }
0x13: {  	[smem:$0x3FB8] =	sst s0;
	s0 =	simm.s32 @!p1 $0x0  }
0x14: {  	s2 =	sld [smem:$0x3F9C];
	s0 =	simm.s32 @p1 $0x1  }
0x15: {  	[smem:$0x3FB9] =	sst s0;
	s0 =	simm.s32 @!p2 $0x0  }
0x16: {  	s3 =	sld [smem:$0x3FDB];
	s0 =	simm.s32 @p2 $0x1  }
0x17: {  	s4 =	simm.s32 $0x1BF5;
	[smem:$0x3FBB] =	sst s0  }
0x18: {  	s0 =	sld [smem:$0x3F9E];
	_ =	swait.ge [sflag:s4], $0x0  }
0x19: {  	s7 =	sld [smem:$0x3F9F]  }
0x1a: {  	s8 =	sadd.s32 $0xFFFFE003, lr  }
0x1b: {  	s9 =	sadd.s32 $0xFFFFFEF7, lr;
	s5 =	simm.s32 $0xFFFFFFFF;
	p2 =	slt.u32 s8, $0xFFFFF086  }
0x1c: {  	p1 =	slt.u32 s9, $0xF7A;
	s5 =	simm.s32 @!p2 $0x0  }
0x1d: {  	s5 =	simm.s32 @p1 $0x1;
	p0 =	seq.s32 s7, s2  }
0x1e: {  	s7 =	smul.u32 @!p0 $0xF7A, s2;
	p2 =	seq.s32 @!p0 s5, $0x0  }
0x1f: {  	s9 =	smul.u32 $0xF7A, s1;
	s8 =	simm.s32 @!p0 $0x1BF5;
	p2 =	por !p2, p0  }
0x20: {  	[sflag:s8] =	ssyncset.s32 @!p0 $0xFFFFF086;
	s6 =	sadd.s32 @!p0 s3, s7;
	s7 =	simm.s32 @!p0 $0x108  }
0x21: {  	s3 =	sadd.s32 s3, s9;
	s6 =	sadd.s32 @!p0 $0x88, s6;
	s7 =	simm.s32 @p2 $0x1082  }
0x22: {  	[simem:s7], [sflag:s8] =	dma.local @!p0 [hbm:s6], $0xF7A  }
0x23: {  	s9 =	sor.u32 $0xD0000000, s2;
	s6 =	simm.s32 $0x108;
	_ =	swait.ge @!p0 [sflag:s8], $0x0  }
0x24: {  	s3 =	sadd.s32 $0x88, s3;
	s6 =	simm.s32 @!p1 $0x1082;
	[sflag:s4] =	ssyncset.s32 $0xFFFFF086  }
0x25: {  	[simem:s6], [sflag:s4] =	dma.local [hbm:s3], $0xF7A  }
0x26: {  	[smem:$0x3F9F] =	sst s1;
	(tag) =	ssettag s2;
	_ =	strace s9  }
0x27: {  	s1 =	sld [smem:$0x3FAF]  }
0x28: {  	s2 =	sld [smem:$0x3FB0]  }
0x29: {  	s4 =	sld [smem:$0x3FB2]  }
0x2a: {  	p0 =	seq.s32 s5, $0x0;
	s5 =	sld [smem:$0x3FB3]  }
0x2b: {  	s6 =	sld [smem:$0x3FB4]  }
0x2c: {  	s7 =	sld [smem:$0x3FB5]  }
0x2d: {  	s3 =	simm.s32 $0x108;
	s8 =	sld [smem:$0x3FB6]  }
0x2e: {  	s3 =	simm.s32 @!p0 $0x1082;
	s9 =	sld [smem:$0x3FB7]  }
0x2f: {  	lr =	sadd.s32 s0, s3;
	s0 =	sld [smem:$0x3FAE]  }
0x30: {  	s3 =	sld [smem:$0x3FB1]  }
0x31: {  	[smem:$0x3FBA] =	sst s10  }
0x32: {  	s10 =	sld [smem:$0x3FB8];
	_ =	sdelay $0x3  }
0x33: {  	p0 =	seq.s32 s10, $0x1;
	s10 =	sld [smem:$0x3FBA];
	_ =	sdelay $0x3  }
0x34: {  	[smem:$0x3FBA] =	sst s10  }
0x35: {  	s10 =	sld [smem:$0x3FB9];
	_ =	sdelay $0x3  }
0x36: {  	p1 =	seq.s32 s10, $0x1;
	s10 =	sld [smem:$0x3FBA];
	_ =	sdelay $0x3  }
0x37: {  	[smem:$0x3FBA] =	sst s10  }
0x38: {  	s10 =	sld [smem:$0x3FBB]  }
0x39: {  	_ = 	snop;
	(pc) =	sbr.ind lr, $3  }
0x3a: {  	_ = 	snop  }
0x3b: {  	_ = 	snop  }
0x3c: {  	p2 =	seq.s32 s10, $0x1;
	s10 =	sld [smem:$0x3FBA]  }
0x3d: {  	_ =	shalt  }
0x3e: {  	_ =	shalt  }
0x3f: {  	_ =	shalt  }
0x40: {  	_ =	shalt  }
0x41: {  	_ =	shalt  }
0x42: {  	_ =	shalt  }
0x43: {  	_ =	shalt  }
0x44: {  	_ =	shalt  }
0x45: {  	_ =	shalt  }
0x46: {  	_ =	shalt  }
0x47: {  	_ =	shalt  }
0x48: {  	_ =	shalt  }
0x49: {  	_ =	shalt  }
0x4a: {  	_ =	shalt  }
0x4b: {  	_ =	shalt  }
0x4c: {  	_ =	shalt  }
0x4d: {  	_ =	shalt  }
0x4e: {  	_ =	shalt  }
0x4f: {  	_ =	shalt  }
0x50: {  	_ =	shalt  }
0x51: {  	_ =	shalt  }
0x52: {  	_ =	shalt  }
0x53: {  	_ =	shalt  }
0x54: {  	_ =	shalt  }
0x55: {  	_ =	shalt  }
0x56: {  	_ =	shalt  }
0x57: {  	_ =	shalt  }
0x58: {  	_ =	shalt  }
0x59: {  	_ =	shalt  }
0x5a: {  	_ =	shalt  }
0x5b: {  	_ =	shalt  }
0x5c: {  	_ =	shalt  }
0x5d: {  	_ =	shalt  }
0x5e: {  	_ =	shalt  }
0x5f: {  	_ =	shalt  }
0x60: {  	_ =	shalt  }
0x61: {  	_ =	shalt  }
0x62: {  	_ =	shalt  }
0x63: {  	_ =	shalt  }
0x64: {  	_ =	shalt  }
0x65: {  	_ =	shalt  }
0x66: {  	_ =	shalt  }
0x67: {  	_ =	shalt  }
0x68: {  	_ =	shalt  }
0x69: {  	_ =	shalt  }
0x6a: {  	_ =	shalt  }
0x6b: {  	_ =	shalt  }
0x6c: {  	_ =	shalt  }
0x6d: {  	_ =	shalt  }
0x6e: {  	_ =	shalt  }
0x6f: {  	_ =	shalt  }
0x70: {  	_ =	shalt  }
0x71: {  	_ =	shalt  }
0x72: {  	_ =	shalt  }
0x73: {  	_ =	shalt  }
0x74: {  	_ =	shalt  }
0x75: {  	_ =	shalt  }
0x76: {  	_ =	shalt  }
0x77: {  	_ =	shalt  }
0x78: {  	_ =	shalt  }
0x79: {  	_ =	shalt  }
0x7a: {  	_ =	shalt  }
0x7b: {  	_ =	shalt  }
0x7c: {  	_ =	shalt  }
0x7d: {  	_ =	shalt  }
0x7e: {  	_ =	shalt  }
0x7f: {  	_ =	shalt  }
0x80: {  	_ =	shalt  }
0x81: {  	_ =	shalt  }
0x82: {  	_ =	shalt  }
0x83: {  	_ =	shalt  }
0x84: {  	_ =	shalt  }
0x85: {  	_ =	shalt  }
0x86: {  	_ =	shalt  }
0x87: {  	_ =	shalt  }
.Lfunc_end0:
.L_simem_size_0:
called_computation_lowered:
.L_overlay_start_0:
0x88: {  	s2 =	sld [smem:$0x3FD9]  }
0x89: {  	s3 =	sld [smem:$0x3FFE];
	_ =	sdelay $0x1  }
0x8a: {  	s1 =	srdreg.scid  }
0x8b: {  	s0 =	sand.u32 $0x1, s1  }
0x8c: {  	s17 =	sshll.u32 s0, $0xA;
	s2 =	sadd.s32 s3, s2  }
0x8d: {  	s2 =	sadd.s32 s2, s17  }
0x8e: {  	[smem:$0x3FC6] =	sst s2  }
0x8f: {  	_ = 	snop  }
0x90: {  	s2 =	sld [smem:$0x3FC9]  }
0x91: {  	s18 =	sld [smem:$0x3FC8];
	(tm) =	ssettm $0x1  }
0x92: {  	s4 =	sld [smem:$0x3FFB];
	_ =	sdelay $0x3  }
0x93: {  	_ =	strace s4  }
0x94: {  	s4 =	sld [smem:$0x3FFC];
	_ =	sdelay $0x3  }
0x95: {  	_ =	strace s4  }
0x96: {  	s4 =	sld [smem:$0x3FFD];
	_ =	sdelay $0x3  }
0x97: {  	_ =	strace s4  }
0x98: {  	_ =	strace $0x8FFFFFFF  }
0x99: {  	s19 =	sld [smem:$0x3FDB];
	_ =	sdelay $0x1  }
0x9a: {  	s5 =	simm.s32 $_scs_section_size  }
0x9b: {  	s6 =	simm.s32 $_size__tile_overlayer_lowered;
	s7 =	simm.s32 $_tile_overlayer_lowered  }
0x9c: {  	s22 =	simm.s32 $0x1BFF;
	s21 =	sshll.u32 s7, $0x1;
	s4 =	sadd.s32 s5, s19  }
0x9d: {  	s8 =	simm.s32 $0x0;
	s20 =	sshll.u32 s6, $0x1;
	s6 =	sadd.s32 s21, s4  }
0x9e: {  	[timem:s8], [sflag:s22] =	dma.local [hbm:s6], s20  }
0x9f: {  	_ =	swait.ge [sflag:s22], s20  }
0xa0: {  	s5 =	ssub.s32 $0x0, s20;
	[sflag:s22] =	ssyncset.done $0x0  }
0xa1: {  	[sflag:s22] =	ssyncadd.s32 s5;
	_ =	sdelay $0x1  }
0xa2: {  	s23 =	simm.s32 $0x1B8B  }
0xa3: {  	_ =	swait.ge [sflag:s23], $0x1  }
0xa4: {  	[sflag:s23] =	ssyncset.done $0x0  }
0xa5: {  	s25 =	simm.s32 $0x1B8E;
	s24 =	sld [smem:$0x3FFE];
	[sflag:s23] =	ssyncadd.s32 $0xFFFFFFFF  }
0xa6: {  	s26 =	simm.s32 $execute0_lowered;
	[smem:$0x3FD2] =	sst s25  }
0xa7: {  	s6 =	sshll.u32 s26, $0x1;
	_ =	strace $0x80000046;
	[dreg:$0x1] =	wrdreg $0xFFFFFFFF  }
0xa8: {  	s28 =	simm.s32 $_size_execute0_lowered;
	s4 =	sadd.s32 s4, s6;
	[dreg:$0x0] =	wrdreg $0x0  }
0xa9: {  	s6 =	sshll.u32 s28, $0x1;
	[dreg:$0x2] =	wrdreg s4  }
0xaa: {  	[dreg:$0x3] =	wrdreg s6  }
0xab: {  	[dreg:$0x4] =	wrdreg $0xC0  }
0xac: {  	_ =	task [dreg:s8], $0x5FFFF  }
0xad: {  	[dreg:$0x1] =	wrdreg $0xFFFFFFFF  }
0xae: {  	[dreg:$0x0] =	wrdreg $0x60  }
0xaf: {  	[dreg:$0x2] =	wrdreg s2  }
0xb0: {  	[dreg:$0x3] =	wrdreg s18  }
0xb1: {  	[dreg:$0x4] =	wrdreg s24  }
0xb2: {  	[dreg:$0x5] =	wrdreg $0x9  }
0xb3: {  	_ =	task.clear_ibuf [dreg:s8], $0x6FFFF;
	_ =	strace $0x90000046  }
0xb4: {  	s29 =	simm.s32 $0x9;
	_ =	strace $0x80000048  }
0xb5: {  	_ =	swait.ge [sflag:s29], $0x1  }
0xb6: {  	[sflag:s29] =	ssyncadd.s32 $0xFFFFFFFF  }
0xb7: {  	_ =	strace $0x90000048  }
0xb8: {  	_ =	sfence  }
0xb9: {  	s30 =	sld [smem:$0x0];
	_ =	sdelay $0x2  }
0xba: {  	s31 =	sshll.u32 s1, $0xD;
	s1 =	sshrl.u32 s1, $0x2  }
0xbb: {  	s3 =	sand.u32 $0x4000, s31;
	s1 =	sadd.s32 s1, s30  }
0xbc: {  	s0 =	sor.u32 s3, s0;
	s1 =	sshll.u32 s1, $0x11  }
0xbd: {  	s0 =	sor.u32 s1, s0  }
0xbe: {  	s0 =	sadd.s32 $0x8F2B, s0  }
0xbf: {  	[sflag:s0] =	ssyncadd.remote.s32 $0x1  }
0xc0: {  	_ =	sfence.sel $0xFFFF  }
0xc1: {  	[dreg:$0x0] =	wrdreg $0xFFFFFFFF;
	(pc) =	sbr.abs _section_cstart, $3  }
0xc2: {  	[dreg:$0x1] =	wrdreg $0xFFFFFFFF  }
0xc3: {  	_ =	task.clear_ibuf [dreg:s8], $0x2FFFF;
	_ =	strace $0x9FFFFFFF  }
0xc4: {  	(tm) =	ssettm $0x7FFFFFFF  }
0xc5: {  	_ =	shalt  }
tec
execute0_lowered:
.L_overlay_start_1:
0x0: {  	(tag) =	ssettag $0x1  }
0x1: {  	s1 =	rddreg [dreg:$0x0]  }
0x2: {  	s3 =	rddreg [dreg:$0x1]  }
0x3: {  	s6 =	rddreg [dreg:$0x2]  }
0x4: {  	s5 =	srdreg.scid;
	s2 =	stileid.u32  }
0x5: {  	s4 =	simm.s32 $0x0;
	s9 =	simm.s32 $0x4000;
	s10 =	simm.s32 $0x8080  }
0x6: {  	s13 =	simm.s32 $0xD100;
	s15 =	simm.s32 $0xE100;
	s16 =	simm.s32 $0xE900  }
0x7: {  	s17 =	simm.s32 $0xF100;
	s18 =	simm.s32 $0xF900;
	s19 =	simm.s32 $0x2  }
0x8: {  	s20 =	simm.s32 $0x15100;
	s21 =	simm.s32 $0x3;
	s22 =	simm.s32 $0x0  }
0x9: {  	s5 =	sand.u32 $0x1, s5;
	s7 =	sshll.u32 s2, $0x1;
	[smem:$0x7FF] =	sst s4  }
0xa: {  	s8 =	ssub.s32 $0x2, s5;
	s11 =	sor.u32 s5, s7;
	_ =	strace $0x80000047  }
0xb: {  	v3 =	vimm.f32 $0.0e+00;
	v4 =	vlaneseq.u32;
	s5 =	sadd.s32 $0x100, s1;
	s29 =	sshrl.u32 s8, $0x1;
	s12 =	sshll.u32 s11, $0x5  }
0xc: {  	v5 =	vimm.s32 $0x0;
	vm0 =	vmmov $0xffff;
	s31 =	sshll.u32 s11, $0x4;
	v0 =	vmov s11;
	s11 =	simm.s32 $0xC100;
	s30 =	ssub.s32 s8, s29  }
0xd: {  	v6 =	vand.u32 $0x7, v4;
	v7 =	vshrl.u32 v4, $0x3;
	v8 =	vor.u32 $0x8, v4;
	s14 =	sadd.s32 $0x20, s12;
	s6 =	sadd.s32 s6, s31;
	s8 =	simm.s32 $0x1  }
0xe: {  	v7 =	vmul.u32 $0x8, v7;
	v1 =	vmov s12;
	s12 =	simm.s32 $0xC900;
	s7 =	smax.u32 s30, $0x1;
	v2 =	vmov s14;
	s14 =	simm.s32 $0xD900  }
.LBB2_1:
0xf: {  	[tilespmem:s4], [sflag:$0x1] =	stream.linear.gather [hbm4b:s3+s4], $0x4000, $0x38;
	[tilespmem:$0x15180] =	vst v63  }
0x10: {  	s23 =	sand.u32 $0x7000, s4;
	s24 =	sand.u32 $0x380, s4  }
0x11: {  	s24 =	sor.u32 s24, s23  }
0x12: {  	s23 =	sadd.s32 $0x10100, s24;
	[tilespmem:s24+$0x10100] =	vst v3  }
0x13: {  	[tilespmem:s23+$0x10] =	vst v3  }
0x14: {  	[tilespmem:s23+$0x20] =	vst v3  }
0x15: {  	[tilespmem:s23+$0x30] =	vst v3  }
0x16: {  	[tilespmem:s23+$0x40] =	vst v3  }
0x17: {  	[tilespmem:s23+$0x50] =	vst v3  }
0x18: {  	[tilespmem:s23+$0x60] =	vst v3  }
0x19: {  	[tilespmem:s23+$0x70] =	vst v3  }
0x1a: {  	[tilespmem:s23+$0x400] =	vst v3  }
0x1b: {  	[tilespmem:s23+$0x410] =	vst v3  }
0x1c: {  	[tilespmem:s23+$0x420] =	vst v3  }
0x1d: {  	[tilespmem:s23+$0x430] =	vst v3  }
0x1e: {  	[tilespmem:s23+$0x440] =	vst v3  }
0x1f: {  	[tilespmem:s23+$0x450] =	vst v3  }
0x20: {  	[tilespmem:s23+$0x460] =	vst v3  }
0x21: {  	[tilespmem:s23+$0x470] =	vst v3  }
0x22: {  	[tilespmem:s23+$0x800] =	vst v3  }
0x23: {  	[tilespmem:s23+$0x810] =	vst v3  }
0x24: {  	[tilespmem:s23+$0x820] =	vst v3  }
0x25: {  	[tilespmem:s23+$0x830] =	vst v3  }
0x26: {  	[tilespmem:s23+$0x840] =	vst v3  }
0x27: {  	[tilespmem:s23+$0x850] =	vst v3  }
0x28: {  	[tilespmem:s23+$0x860] =	vst v3  }
0x29: {  	[tilespmem:s23+$0x870] =	vst v3  }
0x2a: {  	[tilespmem:s23+$0xC00] =	vst v3  }
0x2b: {  	[tilespmem:s23+$0xC10] =	vst v3  }
0x2c: {  	[tilespmem:s23+$0xC20] =	vst v3  }
0x2d: {  	[tilespmem:s23+$0xC30] =	vst v3  }
0x2e: {  	[smem:s4] =	sst s4;
	s26 =	simm.s32 $0x200;
	[tilespmem:s23+$0xC40] =	vst v3  }
0x2f: {  	s25 =	simm.s32 $0x80;
	s28 =	sand.u32 $0x7000, s26;
	s24 =	simm.s32 $0x1;
	[tilespmem:s23+$0xC50] =	vst v3  }
0x30: {  	s29 =	sand.u32 $0x380, s25;
	s26 =	simm.s32 $0x400;
	[smem:s24] =	sst s4;
	[tilespmem:s23+$0xC60] =	vst v3  }
.LBB2_2:
0x31: {  	p0 =	sne.s32 s26, $0x4000;
	s28 =	sor.u32 s29, s28;
	[tilespmem:s23+$0xC70] =	vst v3  }
0x32: {  	s23 =	sadd.s32 $0x10100, s28;
	[tilespmem:s28+$0x10100] =	vst v3  }
0x33: {  	s24 =	sadd.s32 $0x1, s24;
	[tilespmem:s23+$0x10] =	vst v3  }
0x34: {  	[smem:s24] =	sst s4;
	[tilespmem:s23+$0x20] =	vst v3  }
0x35: {  	[tilespmem:s23+$0x30] =	vst v3  }
0x36: {  	[tilespmem:s23+$0x40] =	vst v3  }
0x37: {  	[tilespmem:s23+$0x50] =	vst v3  }
0x38: {  	[tilespmem:s23+$0x60] =	vst v3  }
0x39: {  	[tilespmem:s23+$0x70] =	vst v3  }
0x3a: {  	[tilespmem:s23+$0x400] =	vst v3  }
0x3b: {  	[tilespmem:s23+$0x410] =	vst v3  }
0x3c: {  	[tilespmem:s23+$0x420] =	vst v3  }
0x3d: {  	[tilespmem:s23+$0x430] =	vst v3  }
0x3e: {  	[tilespmem:s23+$0x440] =	vst v3  }
0x3f: {  	[tilespmem:s23+$0x450] =	vst v3  }
0x40: {  	[tilespmem:s23+$0x460] =	vst v3  }
0x41: {  	[tilespmem:s23+$0x470] =	vst v3  }
0x42: {  	[tilespmem:s23+$0x800] =	vst v3  }
0x43: {  	[tilespmem:s23+$0x810] =	vst v3  }
0x44: {  	[tilespmem:s23+$0x820] =	vst v3  }
0x45: {  	[tilespmem:s23+$0x830] =	vst v3  }
0x46: {  	[tilespmem:s23+$0x840] =	vst v3  }
0x47: {  	[tilespmem:s23+$0x850] =	vst v3  }
0x48: {  	[tilespmem:s23+$0x860] =	vst v3  }
0x49: {  	[tilespmem:s23+$0x870] =	vst v3  }
0x4a: {  	[tilespmem:s23+$0xC00] =	vst v3  }
0x4b: {  	[tilespmem:s23+$0xC10] =	vst v3  }
.Ltmp0:
0x4c: {  	[tilespmem:s23+$0xC20] =	vst v3;
	(pc) =	sbr.rel @p0 .LBB2_2-.Ltmp0, $4  }
0x4d: {  	[tilespmem:s23+$0xC30] =	vst v3  }
0x4e: {  	[tilespmem:s23+$0xC40] =	vst v3  }
0x4f: {  	s25 =	sadd.s32 $0x80, s25;
	[tilespmem:s23+$0xC50] =	vst v3  }
0x50: {  	s28 =	sand.u32 $0x7000, s26;
	s29 =	sand.u32 $0x380, s25;
	s26 =	sadd.s32 $0x200, s26;
	[tilespmem:s23+$0xC60] =	vst v3  }
0x51: {  	s24 =	sor.u32 s29, s28;
	[tilespmem:s23+$0xC70] =	vst v3  }
0x52: {  	s30 =	sadd.s32 $0x10100, s24;
	[tilespmem:s24+$0x10100] =	vst v3  }
0x53: {  	[tilespmem:s30+$0x10] =	vst v3  }
0x54: {  	[tilespmem:s30+$0x20] =	vst v3  }
0x55: {  	[tilespmem:s30+$0x30] =	vst v3  }
0x56: {  	[tilespmem:s30+$0x40] =	vst v3  }
0x57: {  	[tilespmem:s30+$0x50] =	vst v3  }
0x58: {  	[tilespmem:s30+$0x60] =	vst v3  }
0x59: {  	[tilespmem:s30+$0x70] =	vst v3  }
0x5a: {  	[tilespmem:s30+$0x400] =	vst v3  }
0x5b: {  	[tilespmem:s30+$0x410] =	vst v3  }
0x5c: {  	[tilespmem:s30+$0x420] =	vst v3  }
0x5d: {  	[tilespmem:s30+$0x430] =	vst v3  }
0x5e: {  	[tilespmem:s30+$0x440] =	vst v3  }
0x5f: {  	[tilespmem:s30+$0x450] =	vst v3  }
0x60: {  	[tilespmem:s30+$0x460] =	vst v3  }
0x61: {  	[tilespmem:s30+$0x470] =	vst v3  }
0x62: {  	[tilespmem:s30+$0x800] =	vst v3  }
0x63: {  	[tilespmem:s30+$0x810] =	vst v3  }
0x64: {  	[tilespmem:s30+$0x820] =	vst v3  }
0x65: {  	[tilespmem:s30+$0x830] =	vst v3  }
0x66: {  	[tilespmem:s30+$0x840] =	vst v3  }
0x67: {  	[tilespmem:s30+$0x850] =	vst v3  }
0x68: {  	[tilespmem:s30+$0x860] =	vst v3  }
0x69: {  	[tilespmem:s30+$0x870] =	vst v3  }
0x6a: {  	[tilespmem:s30+$0xC00] =	vst v3  }
0x6b: {  	[tilespmem:s30+$0xC10] =	vst v3  }
0x6c: {  	[tilespmem:s30+$0xC20] =	vst v3  }
0x6d: {  	[tilespmem:s30+$0xC30] =	vst v3  }
0x6e: {  	[tilespmem:s30+$0xC40] =	vst v3  }
0x6f: {  	[tilespmem:s30+$0xC50] =	vst v3  }
0x70: {  	[tilespmem:s30+$0xC60] =	vst v3  }
0x71: {  	[tilespmem:s30+$0xC70] =	vst v3  }
0x72: {  	_ =	swait.ge [sflag:s8], $0x4000  }
0x73: {  	[sflag:s8] =	ssyncset.done $0x0  }
0x74: {  	s23 =	simm.s32 $0x40;
	[sflag:s8] =	ssyncadd.s32 $0xFFFFC000  }
0x75: {  	v10 =	vld [tilespmem:s23+$0xFFFFFFC0];
	_ =	sdelay $0x1  }
0x76: {  	v11 =	vld [tilespmem:s23+$0xFFFFFFD0];
	_ =	sdelay $0x1  }
0x77: {  	v12 =	vld [tilespmem:s23+$0xFFFFFFE0]  }
0x78: {  	v13 =	vld [tilespmem:s23+$0x0];
	v9 =	vshrl.u32 v10, $0x5  }
0x79: {  	v14 =	vld [tilespmem:s23+$0xFFFFFFF0];
	vm7 =	veq.s32 v9, v0  }
0x7a: {  	v16 =	vld [tilespmem:s23+$0x10];
	v15 =	vshrl.u32 v11, $0x5;
	v9 =	vsel vm7, $0x1, v5  }
0x7b: {  	v19 =	vld [tilespmem:s23+$0x20];
	vm6 =	veq.s32 v15, v0;
	(xrf0) =	vadd.scan.msk.s32 $0xffff, v9  }
0x7c: {  	v17 =	vshrl.u32 v12, $0x5;
	v15 =	vsel vm6, $0x1, v5  }
0x7d: {  	v18 =	vshrl.u32 v13, $0x5;
	vm5 =	veq.s32 v17, v0;
	(xrf0) =	vadd.scan.msk.s32 $0xffff, v15  }
0x7e: {  	v30 =	vshrl.u32 v14, $0x5;
	vm2 =	veq.s32 v18, v0;
	v29 =	vsel vm5, $0x1, v5;
	v9 =	vld [tilespmem:s23+$0x30]  }
0x7f: {  	v31 =	vimm.s32 $0x0;
	vm4 =	veq.s32 v30, v0;
	v32 =	vsel vm2, $0x1, v5;
	(xrf0) =	vadd.scan.msk.s32 $0xffff, v29  }
0x80: {  	v20 =	vshrl.u32 v16, $0x5;
	v24 =	vshrl.u32 v19, $0x5;
	v21 =	vsel vm4, $0x1, v5;
	(xrf0) =	vadd.scan.msk.s32 $0xffff, v32  }
0x81: {  	vm3 =	veq.s32 v20, v0;
	vm8 =	veq.s32 v24, v0;
	v33 =	vmpcnt.ones.xlane vm7;
	v22, _, _ =	vpop (xrf0);
	(xrf0) =	vadd.scan.msk.s32 $0xffff, v21  }
0x82: {  	v34 =	vmpcnt.ones.xlane vm6;
	v36 =	vsel vm3, $0x1, v5;
	v37 =	vadd.s32 v22, v31  }
0x83: {  	v15 =	vadd.s32 v31, v33;
	v35 =	vshrl.u32 v9, $0x5;
	v39, _, _ =	vpop (xrf0);
	v20 =	vadd.s32 $0xFFFFFFFF, v37  }
0x84: {  	v38 =	vmpcnt.ones.xlane vm5;
	vm1 =	veq.s32 v35, v0;
	v18 =	vadd.s32 v15, v39  }
0x85: {  	s31 =	simm.s32 $0x0;
	v23 =	vsel vm1, $0x1, v5;
	(xrf0) =	vadd.scan.msk.s32 $0xffff, v36;
	v15 =	vadd.s32 v15, v34;
	v41, _, _ =	vpop (xrf0);
	v40 =	vadd.s32 $0xFFFFFFFF, v18  }
0x86: {  	v45 =	vor.u32 s31, v4;
	v43 =	vsel vm8, $0x1, v5;
	(xrf0) =	vadd.scan.msk.s32 $0xffff, v23;
	v18 =	vadd.s32 v15, v41;
	v44, _, _ =	vpop (xrf0)  }
0x87: {  	s0 =	simm.s32 $0x10;
	v42 =	vmpcnt.ones.xlane vm4;
	v15 =	vadd.s32 v15, v38;
	v18 =	vadd.s32 $0xFFFFFFFF, v18;
	v25, _, _ =	vpop (xrf0);
	(xrf0) =	vadd.scan.msk.s32 $0xffff, v43  }
0x88: {  	v48 =	vor.u32 s0, v4;
	[tilespmem:v20+s9+$0x0] =	vst.idx.msk vm7, v45;
	v47 =	vadd.s32 v15, v25  }
0x89: {  	s25 =	simm.s32 $0x20;
	v46 =	vmpcnt.ones.xlane vm2;
	v15 =	vadd.s32 v15, v42;
	[tilespmem:v20+s10+$0x0] =	vst.idx.msk vm7, v10;
	v10 =	vadd.s32 $0xFFFFFFFF, v47  }
0x8a: {  	v52 =	vor.u32 s25, v4;
	v50 =	vadd.s32 v15, v44;
	[tilespmem:v40+s9+$0x0] =	vst.idx.msk vm6, v48  }
0x8b: {  	s26 =	simm.s32 $0x30;
	v49 =	vmpcnt.ones.xlane vm3;
	v51, _, _ =	vpop (xrf0);
	v15 =	vadd.s32 v15, v46;
	[tilespmem:v40+s10+$0x0] =	vst.idx.msk vm6, v11;
	v11 =	vadd.s32 $0xFFFFFFFF, v50  }
0x8c: {  	v55 =	vor.u32 s26, v4;
	v54, _, _ =	vpop (xrf0);
	v22 =	vadd.s32 v15, v51;
	[tilespmem:v18+s9+$0x0] =	vst.idx.msk vm5, v52  }
0x8d: {  	v53 =	vmpcnt.ones.xlane vm8;
	v15 =	vadd.s32 v15, v49;
	v56 =	vadd.s32 $0xFFFFFFFF, v22;
	[tilespmem:v18+s10+$0x0] =	vst.idx.msk vm5, v12;
	v57, _, _ =	vpop (xrf0)  }
0x8e: {  	s28 =	simm.s32 $0x40;
	[tilespmem:v10+s9+$0x0] =	vst.idx.msk vm4, v55;
	v18 =	vadd.s32 v15, v57  }
0x8f: {  	v58 =	vor.u32 s28, v4;
	v15 =	vadd.s32 v15, v53;
	[tilespmem:v10+s10+$0x0] =	vst.idx.msk vm4, v14;
	v10 =	vadd.s32 $0xFFFFFFFF, v18  }
0x90: {  	s29 =	simm.s32 $0x50;
	v59 =	vadd.s32 v15, v54;
	[tilespmem:v11+s9+$0x0] =	vst.idx.msk vm2, v58  }
0x91: {  	v60 =	vor.u32 s29, v4;
	[tilespmem:v11+s10+$0x0] =	vst.idx.msk vm2, v13;
	v11 =	vadd.s32 $0xFFFFFFFF, v59  }
0x92: {  	s30 =	simm.s32 $0x60;
	[tilespmem:v56+s9+$0x0] =	vst.idx.msk vm3, v60  }
0x93: {  	v61 =	vor.u32 s30, v4;
	[tilespmem:v56+s10+$0x0] =	vst.idx.msk vm3, v16  }
0x94: {  	s31 =	simm.s32 $0x70;
	v62 =	vmpcnt.ones.xlane vm1;
	[tilespmem:v10+s9+$0x0] =	vst.idx.msk vm8, v61  }
0x95: {  	v63 =	vor.u32 s31, v4;
	[tilespmem:v10+s10+$0x0] =	vst.idx.msk vm8, v19  }
0x96: {  	s24 =	simm.s32 $0xF0;
	v10 =	vadd.s32 v15, v62;
	[tilespmem:v11+s9+$0x0] =	vst.idx.msk vm1, v63  }
.LBB2_4:
0x97: {  	p0 =	sne.s32 s24, $0x3FF0  }
0x98: {  	[tilespmem:v11+s10+$0x0] =	vst.idx.msk vm1, v9;
	s23 =	sadd.s32 $0x80, s23;
	s25 =	smov.u32 s24;
	s24 =	sadd.s32 $0x80, s24  }
0x99: {  	v11 =	vld [tilespmem:s23+$0xFFFFFFC0];
	_ =	sdelay $0x1  }
0x9a: {  	v12 =	vld [tilespmem:s23+$0xFFFFFFD0]  }
0x9b: {  	v13 =	vld [tilespmem:s23+$0x0]  }
0x9c: {  	v14 =	vld [tilespmem:s23+$0xFFFFFFE0]  }
0x9d: {  	v9 =	vshrl.u32 v11, $0x5;
	v15 =	vld [tilespmem:s23+$0x10]  }
0x9e: {  	vm7 =	veq.s32 v9, v0;
	v16 =	vld [tilespmem:s23+$0xFFFFFFF0]  }
0x9f: {  	v9 =	vsel vm7, $0x1, v5;
	v17 =	vshrl.u32 v12, $0x5;
	v18 =	vmpcnt.ones.xlane vm7  }
0xa0: {  	vm6 =	veq.s32 v17, v0;
	v17 =	vshrl.u32 v13, $0x5;
	(xrf0) =	vadd.scan.msk.s32 $0xffff, v9  }
0xa1: {  	v19 =	vsel vm6, $0x1, v5;
	v20 =	vshrl.u32 v14, $0x5;
	v9 =	vld [tilespmem:s23+$0x30];
	v21 =	vmpcnt.ones.xlane vm6  }
0xa2: {  	vm3 =	veq.s32 v17, v0;
	vm4 =	veq.s32 v20, v0;
	v17 =	vshrl.u32 v15, $0x5;
	(xrf0) =	vadd.scan.msk.s32 $0xffff, v19  }
0xa3: {  	v19 =	vsel vm4, $0x1, v5;
	v20 =	vshrl.u32 v16, $0x5;
	vm2 =	veq.s32 v17, v0  }
0xa4: {  	v17 =	vsel vm3, $0x1, v5;
	vm5 =	veq.s32 v20, v0;
	v20 =	vsel vm2, $0x1, v5;
	v22 =	vld [tilespmem:s23+$0x20];
	(xrf0) =	vadd.scan.msk.s32 $0xffff, v19  }
0xa5: {  	v23 =	vmpcnt.ones.xlane vm2;
	v19 =	vsel vm5, $0x1, v5;
	(xrf0) =	vadd.scan.msk.s32 $0xffff, v17  }
0xa6: {  	v25 =	vmpcnt.ones.xlane vm3;
	v24 =	vmpcnt.ones.xlane vm5;
	v17 =	vshrl.u32 v9, $0x5;
	v26, _, _ =	vpop (xrf0);
	(xrf0) =	vadd.scan.msk.s32 $0xffff, v19  }
0xa7: {  	v19 =	vmpcnt.ones.xlane vm4;
	vm1 =	veq.s32 v17, v0;
	v17 =	vadd.s32 v26, v10;
	(xrf0) =	vadd.scan.msk.s32 $0xffff, v20  }
0xa8: {  	v10 =	vadd.s32 v10, v18;
	v27 =	vsel vm1, $0x1, v5;
	v17 =	vadd.s32 $0xFFFFFFFF, v17;
	v18, _, _ =	vpop (xrf0)  }
0xa9: {  	v26 =	vshrl.u32 v22, $0x5;
	v18 =	vadd.s32 v10, v18;
	v10 =	vadd.s32 v10, v21;
	(xrf0) =	vadd.scan.msk.s32 $0xffff, v27  }
0xaa: {  	vm8 =	veq.s32 v26, v0;
	v18 =	vadd.s32 $0xFFFFFFFF, v18;
	v19 =	vadd.s32 v10, v19;
	v20, _, _ =	vpop (xrf0)  }
0xab: {  	s26 =	sadd.s32 $0xFFFFFF90, s25;
	v21 =	vsel vm8, $0x1, v5;
	v10 =	vadd.s32 v10, v20;
	v20 =	vadd.s32 v19, v24;
	v24, _, _ =	vpop (xrf0)  }
0xac: {  	v28 =	vor.u32 s26, v4;
	v27 =	vadd.s32 $0xFFFFFFFF, v10;
	v10 =	vadd.s32 v20, v25;
	v25, _, _ =	vpop (xrf0);
	(xrf0) =	vadd.scan.msk.s32 $0xffff, v21  }
0xad: {  	s26 =	sadd.s32 $0xFFFFFFA0, s25;
	v29 =	vmpcnt.ones.xlane vm8;
	[tilespmem:v17+s9+$0x0] =	vst.idx.msk vm7, v28;
	v19 =	vadd.s32 v19, v25;
	v25 =	vmpcnt.ones.xlane vm1;
	v26, _, _ =	vpop (xrf0)  }
0xae: {  	v28 =	vor.u32 s26, v4;
	[tilespmem:v17+s10+$0x0] =	vst.idx.msk vm7, v11;
	v11 =	vadd.s32 $0xFFFFFFFF, v19;
	v17 =	vadd.s32 v10, v23  }
0xaf: {  	s26 =	sadd.s32 $0xFFFFFFB0, s25;
	v19 =	vadd.s32 v20, v24;
	[tilespmem:v18+s9+$0x0] =	vst.idx.msk vm6, v28;
	v20 =	vadd.s32 v17, v29;
	v21, _, _ =	vpop (xrf0)  }
0xb0: {  	v23 =	vor.u32 s26, v4;
	[tilespmem:v18+s10+$0x0] =	vst.idx.msk vm6, v12;
	v12 =	vadd.s32 $0xFFFFFFFF, v19;
	v18 =	vadd.s32 v20, v21  }
0xb1: {  	s26 =	sadd.s32 $0xFFFFFFC0, s25;
	v21 =	vadd.s32 v10, v26;
	v10 =	vadd.s32 v20, v25;
	[tilespmem:v27+s9+$0x0] =	vst.idx.msk vm4, v23  }
0xb2: {  	v20 =	vor.u32 s26, v4;
	[tilespmem:v27+s10+$0x0] =	vst.idx.msk vm4, v14;
	v14 =	vadd.s32 $0xFFFFFFFF, v21;
	v19, _, _ =	vpop (xrf0)  }
0xb3: {  	s26 =	sadd.s32 $0xFFFFFFD0, s25;
	[tilespmem:v11+s9+$0x0] =	vst.idx.msk vm5, v20;
	v17 =	vadd.s32 v17, v19  }
0xb4: {  	v19 =	vor.u32 s26, v4;
	[tilespmem:v11+s10+$0x0] =	vst.idx.msk vm5, v16;
	v16 =	vadd.s32 $0xFFFFFFFF, v17  }
0xb5: {  	s26 =	sadd.s32 $0xFFFFFFE0, s25;
	[tilespmem:v12+s9+$0x0] =	vst.idx.msk vm3, v19  }
0xb6: {  	v17 =	vor.u32 s26, v4;
	v11 =	vadd.s32 $0xFFFFFFFF, v18;
	[tilespmem:v12+s10+$0x0] =	vst.idx.msk vm3, v13  }
.Ltmp1:
0xb7: {  	s26 =	sadd.s32 $0xFFFFFFF0, s25;
	[tilespmem:v14+s9+$0x0] =	vst.idx.msk vm2, v17;
	(pc) =	sbr.rel @p0 .LBB2_4-.Ltmp1, $4  }
0xb8: {  	v12 =	vor.u32 s26, v4;
	[tilespmem:v14+s10+$0x0] =	vst.idx.msk vm2, v15  }
0xb9: {  	[tilespmem:v16+s9+$0x0] =	vst.idx.msk vm8, v12  }
0xba: {  	v12 =	vor.u32 s25, v4;
	[tilespmem:v16+s10+$0x0] =	vst.idx.msk vm8, v22  }
0xbb: {  	[tilespmem:v11+s9+$0x0] =	vst.idx.msk vm1, v12  }
0xbc: {  	(v2sf) =	vpush v10, $0x0;
	_ =	sdelay $0xe  }
0xbd: {  	s24 =	spop (v2sf)  }
0xbe: {  	s23 =	sadd.s32 $0x1F, s24  }
0xbf: {  	s25 =	sand.u32 $0x1F, s23  }
0xc0: {  	s31 =	sshra.s32 s23, $0x1F;
	p1 =	slt.s32 s23, $0x1;
	p0 =	sne.s32 s25, $0x0  }
0xc1: {  	s25 =	sshrl.u32 s31, $0x1B;
	p0 =	por !p1, !p0  }
0xc2: {  	s23 =	sadd.s32 s25, s23;
	s25 =	simm.s32 $0x1;
	p0 =	por !p0, !p0  }
0xc3: {  	s23 =	sshra.s32 s23, $0x5;
	s25 =	simm.s32 @!p0 $0x0  }
0xc4: {  	s23 =	ssub.s32 s23, s25  }
0xc5: {  	p0 =	slt.s32 s23, $0x1  }
.Ltmp2:
0xc6: {  	[tilespmem:v11+s10+$0x0] =	vst.idx.msk vm1, v9;
	(pc) =	sbr.rel @p0 .LBB2_72-.Ltmp2, $4  }
0xc7: {  	[tilespmem:s24+$0x4000] =	vst v5  }
0xc8: {  	[tilespmem:s24+$0x4010] =	vst v5  }
0xc9: {  	[tilespmem:s24+$0x8080] =	vst v2  }
0xca: {  	[tilespmem:s24+$0x8090] =	vst v2  }
0xcb: {  	v9 =	vld [tilespmem:$0x4000];
	_ =	sdelay $0x4  }
0xcc: {  	v10 =	vshll.u32 v9, $0x2  }
0xcd: {  	v9 =	vand.u32 $0x7, v9;
	v10 =	vand.u32 $0xFFFFFFE0, v10  }
0xce: {  	v9 =	vor.u32 v9, v10  }
0xcf: {  	v10 =	vperm.xlane v9, v6;
	_ =	sdelay $0x1  }
0xd0: {  	v10 =	vadd.s32 v7, v10;
	_ =	sdelay $0x1  }
0xd1: {  	v9 =	vperm.xlane v9, v8;
	_ =	sdelay $0x1  }
0xd2: {  	s24 =	simm.s32 $0x0;
	v9 =	vadd.s32 v7, v9  }
0xd3: {  	[tilespmem:s11], [sflag:$0x1] =	stream.indirect_vreg.gather [hbm4b:s1+s24], $0x80, v10, vm0, $0xb8;
	[tilespmem:$0x15180] =	vst v63  }
0xd4: {  	_ = 	snop  }
0xd5: {  	[tilespmem:s12], [sflag:$0x1] =	stream.indirect_vreg.gather [hbm4b:s5+s24], $0x80, v10, vm0, $0xb8;
	[tilespmem:$0x15180] =	vst v63  }
0xd6: {  	_ = 	snop  }
0xd7: {  	[tilespmem:s13], [sflag:$0x1] =	stream.indirect_vreg.gather [hbm4b:s1+s24], $0x80, v9, vm0, $0xb8;
	[tilespmem:$0x15180] =	vst v63  }
0xd8: {  	_ = 	snop  }
0xd9: {  	[tilespmem:s14], [sflag:$0x1] =	stream.indirect_vreg.gather [hbm4b:s5+s24], $0x80, v9, vm0, $0xb8;
	[tilespmem:$0x15180] =	vst v63  }
0xda: {  	v9 =	vld [tilespmem:$0x4010];
	_ =	sdelay $0x4  }
0xdb: {  	v10 =	vshll.u32 v9, $0x2  }
0xdc: {  	v9 =	vand.u32 $0x7, v9;
	v10 =	vand.u32 $0xFFFFFFE0, v10  }
0xdd: {  	v9 =	vor.u32 v9, v10  }
0xde: {  	v10 =	vperm.xlane v9, v6;
	_ =	sdelay $0x1  }
0xdf: {  	v10 =	vadd.s32 v7, v10;
	_ =	sdelay $0x1  }
0xe0: {  	v9 =	vperm.xlane v9, v8;
	_ =	sdelay $0x1  }
0xe1: {  	v9 =	vadd.s32 v7, v9  }
0xe2: {  	[tilespmem:s15], [sflag:$0x2] =	stream.indirect_vreg.gather [hbm4b:s1+s24], $0x80, v10, vm0, $0xb8;
	[tilespmem:$0x15180] =	vst v63  }
0xe3: {  	_ = 	snop  }
0xe4: {  	[tilespmem:s16], [sflag:$0x2] =	stream.indirect_vreg.gather [hbm4b:s5+s24], $0x80, v10, vm0, $0xb8;
	[tilespmem:$0x15180] =	vst v63  }
0xe5: {  	_ = 	snop  }
0xe6: {  	[tilespmem:s17], [sflag:$0x2] =	stream.indirect_vreg.gather [hbm4b:s1+s24], $0x80, v9, vm0, $0xb8;
	[tilespmem:$0x15180] =	vst v63  }
0xe7: {  	s25 =	sshll.u32 s23, $0x1  }
0xe8: {  	[tilespmem:s18], [sflag:$0x2] =	stream.indirect_vreg.gather [hbm4b:s5+s24], $0x80, v9, vm0, $0xb8;
	[tilespmem:$0x15180] =	vst v63  }
.LBB2_7:
0xe9: {  	_ =	swait.ge [sflag:s8], $0x2000  }
0xea: {  	s26 =	sshll.u32 s24, $0x7;
	[sflag:s8] =	ssyncset.done $0x0  }
0xeb: {  	s26 =	sshra.s32 s26, $0x2;
	[sflag:s8] =	ssyncadd.s32 $0xFFFFE000  }
0xec: {  	v9 =	vld [tilespmem:s26+$0x8080];
	_ =	sdelay $0x4  }
0xed: {  	v9 =	vsub.s32 v9, v1  }
0xee: {  	(v2sf) =	vpush v9, $0x0;
	_ =	sdelay $0xc  }
0xef: {  	s31 =	simm.s32 $0x0  }
0xf0: {  	v10 =	vld [tilespmem:s31+$0xC170]  }
0xf1: {  	v11 =	vld [tilespmem:s31+$0xC100];
	s30 =	spop (v2sf)  }
0xf2: {  	v12 =	vld [tilespmem:s31+$0xC110];
	s28 =	sshll.u32 s30, $0x9;
	s29 =	sshll.u32 s30, $0x7  }
0xf3: {  	v13 =	vld [tilespmem:s31+$0xC120];
	s28 =	sand.u32 $0xFFFFF000, s28;
	s29 =	sand.u32 $0x380, s29  }
0xf4: {  	v14 =	vld [tilespmem:s31+$0xC130];
	s28 =	sor.u32 s29, s28  }
0xf5: {  	v15 =	vld [tilespmem:s31+$0xC140];
	s28 =	sadd.s32 $0x10100, s28  }
0xf6: {  	v16 =	vld [tilespmem:s31+$0xC150];
	s29 =	sadd.s32 $0x0, s28  }
0xf7: {  	[tilespmem:s29+$0x70] =	vst.add.f32.msk $0xffff, v10  }
0xf8: {  	v10 =	vld [tilespmem:s31+$0xC160]  }
0xf9: {  	s31 =	sld [smem:s30+$0x0];
	[tilespmem:s29+$0x0] =	vst.add.f32.msk $0xffff, v11  }
0xfa: {  	[tilespmem:s29+$0x10] =	vst.add.f32.msk $0xffff, v12  }
0xfb: {  	[tilespmem:s29+$0x20] =	vst.add.f32.msk $0xffff, v13  }
0xfc: {  	[tilespmem:s29+$0x30] =	vst.add.f32.msk $0xffff, v14;
	s31 =	sadd.f32 $1.000000000e+00, s31  }
0xfd: {  	[tilespmem:s29+$0x40] =	vst.add.f32.msk $0xffff, v15  }
0xfe: {  	[tilespmem:s29+$0x50] =	vst.add.f32.msk $0xffff, v16;
	[smem:s30] =	sst s31;
	s30 =	simm.s32 $0x0;
	s31 =	simm.s32 $0x1000  }
.LBB2_8:
0xff: {  	s0 =	sshra.s32 s31, $0x2;
	s30 =	sadd.s32 $0x8, s30;
	[tilespmem:s29+$0x60] =	vst.add.f32.msk $0xffff, v10  }
0x100: {  	v10 =	vld [tilespmem:s0+$0xC170];
	p0 =	slt.u32 s30, $0x18  }
0x101: {  	v11 =	vld [tilespmem:s0+$0xC100]  }
0x102: {  	v12 =	vld [tilespmem:s0+$0xC110]  }
0x103: {  	v13 =	vld [tilespmem:s0+$0xC120]  }
0x104: {  	s29 =	sadd.s32 s0, s28;
	v14 =	vld [tilespmem:s0+$0xC130]  }
0x105: {  	[tilespmem:s29+$0x70] =	vst.add.f32.msk $0xffff, v10  }
0x106: {  	v15 =	vld [tilespmem:s0+$0xC140]  }
0x107: {  	v16 =	vld [tilespmem:s0+$0xC150]  }
0x108: {  	v10 =	vld [tilespmem:s0+$0xC160]  }
0x109: {  	[tilespmem:s29+$0x0] =	vst.add.f32.msk $0xffff, v11  }
.Ltmp3:
0x10a: {  	[tilespmem:s29+$0x10] =	vst.add.f32.msk $0xffff, v12;
	(pc) =	sbr.rel @p0 .LBB2_8-.Ltmp3, $4  }
0x10b: {  	[tilespmem:s29+$0x20] =	vst.add.f32.msk $0xffff, v13  }
0x10c: {  	[tilespmem:s29+$0x30] =	vst.add.f32.msk $0xffff, v14  }
0x10d: {  	[tilespmem:s29+$0x40] =	vst.add.f32.msk $0xffff, v15  }
0x10e: {  	s31 =	sadd.s32 $0x1000, s31;
	[tilespmem:s29+$0x50] =	vst.add.f32.msk $0xffff, v16  }
0x10f: {  	(v2sf) =	vpush v9, $0x1;
	_ =	sdelay $0xc  }
0x110: {  	[tilespmem:s29+$0x60] =	vst.add.f32.msk $0xffff, v10;
	s30 =	simm.s32 $0x0  }
0x111: {  	v10 =	vld [tilespmem:s30+$0xC1F0]  }
0x112: {  	v11 =	vld [tilespmem:s30+$0xC180];
	s0 =	spop (v2sf)  }
0x113: {  	v12 =	vld [tilespmem:s30+$0xC190];
	s28 =	sshll.u32 s0, $0x9;
	s29 =	sshll.u32 s0, $0x7  }
0x114: {  	v13 =	vld [tilespmem:s30+$0xC1A0];
	s28 =	sand.u32 $0xFFFFF000, s28;
	s29 =	sand.u32 $0x380, s29  }
0x115: {  	v14 =	vld [tilespmem:s30+$0xC1B0];
	s28 =	sor.u32 s29, s28  }
0x116: {  	v15 =	vld [tilespmem:s30+$0xC1C0];
	s28 =	sadd.s32 $0x10100, s28  }
0x117: {  	v16 =	vld [tilespmem:s30+$0xC1D0];
	s29 =	sadd.s32 $0x0, s28  }
0x118: {  	[tilespmem:s29+$0x70] =	vst.add.f32.msk $0xffff, v10  }
0x119: {  	v10 =	vld [tilespmem:s30+$0xC1E0]  }
0x11a: {  	s30 =	sld [smem:s0+$0x0];
	[tilespmem:s29+$0x0] =	vst.add.f32.msk $0xffff, v11  }
0x11b: {  	[tilespmem:s29+$0x10] =	vst.add.f32.msk $0xffff, v12  }
0x11c: {  	[tilespmem:s29+$0x20] =	vst.add.f32.msk $0xffff, v13  }
0x11d: {  	[tilespmem:s29+$0x30] =	vst.add.f32.msk $0xffff, v14;
	s30 =	sadd.f32 $1.000000000e+00, s30  }
0x11e: {  	[tilespmem:s29+$0x40] =	vst.add.f32.msk $0xffff, v15  }
0x11f: {  	s31 =	simm.s32 $0x1000;
	[tilespmem:s29+$0x50] =	vst.add.f32.msk $0xffff, v16;
	[smem:s0] =	sst s30;
	s30 =	simm.s32 $0x0  }
.LBB2_10:
0x120: {  	s0 =	sshra.s32 s31, $0x2;
	s30 =	sadd.s32 $0x8, s30;
	[tilespmem:s29+$0x60] =	vst.add.f32.msk $0xffff, v10  }
0x121: {  	v10 =	vld [tilespmem:s0+$0xC1F0];
	p0 =	slt.u32 s30, $0x18  }
0x122: {  	v11 =	vld [tilespmem:s0+$0xC180]  }
0x123: {  	v12 =	vld [tilespmem:s0+$0xC190]  }
0x124: {  	v13 =	vld [tilespmem:s0+$0xC1A0]  }
0x125: {  	s29 =	sadd.s32 s0, s28;
	v14 =	vld [tilespmem:s0+$0xC1B0]  }
0x126: {  	[tilespmem:s29+$0x70] =	vst.add.f32.msk $0xffff, v10  }
0x127: {  	v15 =	vld [tilespmem:s0+$0xC1C0]  }
0x128: {  	v16 =	vld [tilespmem:s0+$0xC1D0]  }
0x129: {  	v10 =	vld [tilespmem:s0+$0xC1E0]  }
0x12a: {  	[tilespmem:s29+$0x0] =	vst.add.f32.msk $0xffff, v11  }
.Ltmp4:
0x12b: {  	[tilespmem:s29+$0x10] =	vst.add.f32.msk $0xffff, v12;
	(pc) =	sbr.rel @p0 .LBB2_10-.Ltmp4, $4  }
0x12c: {  	[tilespmem:s29+$0x20] =	vst.add.f32.msk $0xffff, v13  }
0x12d: {  	[tilespmem:s29+$0x30] =	vst.add.f32.msk $0xffff, v14  }
0x12e: {  	[tilespmem:s29+$0x40] =	vst.add.f32.msk $0xffff, v15  }
0x12f: {  	s31 =	sadd.s32 $0x1000, s31;
	[tilespmem:s29+$0x50] =	vst.add.f32.msk $0xffff, v16  }
0x130: {  	(v2sf) =	vpush v9, $0x2;
	_ =	sdelay $0xc  }
0x131: {  	[tilespmem:s29+$0x60] =	vst.add.f32.msk $0xffff, v10;
	s30 =	simm.s32 $0x0  }
0x132: {  	v10 =	vld [tilespmem:s30+$0xC270]  }
0x133: {  	v11 =	vld [tilespmem:s30+$0xC200];
	s0 =	spop (v2sf)  }
0x134: {  	v12 =	vld [tilespmem:s30+$0xC210];
	s28 =	sshll.u32 s0, $0x9;
	s29 =	sshll.u32 s0, $0x7  }
0x135: {  	v13 =	vld [tilespmem:s30+$0xC220];
	s28 =	sand.u32 $0xFFFFF000, s28;
	s29 =	sand.u32 $0x380, s29  }
0x136: {  	v14 =	vld [tilespmem:s30+$0xC230];
	s28 =	sor.u32 s29, s28  }
0x137: {  	v15 =	vld [tilespmem:s30+$0xC240];
	s28 =	sadd.s32 $0x10100, s28  }
0x138: {  	v16 =	vld [tilespmem:s30+$0xC250];
	s29 =	sadd.s32 $0x0, s28  }
0x139: {  	[tilespmem:s29+$0x70] =	vst.add.f32.msk $0xffff, v10  }
0x13a: {  	v10 =	vld [tilespmem:s30+$0xC260]  }
0x13b: {  	s30 =	sld [smem:s0+$0x0];
	[tilespmem:s29+$0x0] =	vst.add.f32.msk $0xffff, v11  }
0x13c: {  	[tilespmem:s29+$0x10] =	vst.add.f32.msk $0xffff, v12  }
0x13d: {  	[tilespmem:s29+$0x20] =	vst.add.f32.msk $0xffff, v13  }
0x13e: {  	[tilespmem:s29+$0x30] =	vst.add.f32.msk $0xffff, v14;
	s30 =	sadd.f32 $1.000000000e+00, s30  }
0x13f: {  	[tilespmem:s29+$0x40] =	vst.add.f32.msk $0xffff, v15  }
0x140: {  	s31 =	simm.s32 $0x1000;
	[tilespmem:s29+$0x50] =	vst.add.f32.msk $0xffff, v16;
	[smem:s0] =	sst s30;
	s30 =	simm.s32 $0x0  }
.LBB2_12:
0x141: {  	s0 =	sshra.s32 s31, $0x2;
	s30 =	sadd.s32 $0x8, s30;
	[tilespmem:s29+$0x60] =	vst.add.f32.msk $0xffff, v10  }
0x142: {  	v10 =	vld [tilespmem:s0+$0xC270];
	p0 =	slt.u32 s30, $0x18  }
0x143: {  	v11 =	vld [tilespmem:s0+$0xC200]  }
0x144: {  	v12 =	vld [tilespmem:s0+$0xC210]  }
0x145: {  	v13 =	vld [tilespmem:s0+$0xC220]  }
0x146: {  	s29 =	sadd.s32 s0, s28;
	v14 =	vld [tilespmem:s0+$0xC230]  }
0x147: {  	[tilespmem:s29+$0x70] =	vst.add.f32.msk $0xffff, v10  }
0x148: {  	v15 =	vld [tilespmem:s0+$0xC240]  }
0x149: {  	v16 =	vld [tilespmem:s0+$0xC250]  }
0x14a: {  	v10 =	vld [tilespmem:s0+$0xC260]  }
0x14b: {  	[tilespmem:s29+$0x0] =	vst.add.f32.msk $0xffff, v11  }
.Ltmp5:
0x14c: {  	[tilespmem:s29+$0x10] =	vst.add.f32.msk $0xffff, v12;
	(pc) =	sbr.rel @p0 .LBB2_12-.Ltmp5, $4  }
0x14d: {  	[tilespmem:s29+$0x20] =	vst.add.f32.msk $0xffff, v13  }
0x14e: {  	[tilespmem:s29+$0x30] =	vst.add.f32.msk $0xffff, v14  }
0x14f: {  	[tilespmem:s29+$0x40] =	vst.add.f32.msk $0xffff, v15  }
0x150: {  	s31 =	sadd.s32 $0x1000, s31;
	[tilespmem:s29+$0x50] =	vst.add.f32.msk $0xffff, v16  }
0x151: {  	(v2sf) =	vpush v9, $0x3;
	_ =	sdelay $0xc  }
0x152: {  	[tilespmem:s29+$0x60] =	vst.add.f32.msk $0xffff, v10;
	s30 =	simm.s32 $0x0  }
0x153: {  	v10 =	vld [tilespmem:s30+$0xC2F0]  }
0x154: {  	v11 =	vld [tilespmem:s30+$0xC280];
	s0 =	spop (v2sf)  }
0x155: {  	v12 =	vld [tilespmem:s30+$0xC290];
	s28 =	sshll.u32 s0, $0x9;
	s29 =	sshll.u32 s0, $0x7  }
0x156: {  	v13 =	vld [tilespmem:s30+$0xC2A0];
	s28 =	sand.u32 $0xFFFFF000, s28;
	s29 =	sand.u32 $0x380, s29  }
0x157: {  	v14 =	vld [tilespmem:s30+$0xC2B0];
	s28 =	sor.u32 s29, s28  }
0x158: {  	v15 =	vld [tilespmem:s30+$0xC2C0];
	s28 =	sadd.s32 $0x10100, s28  }
0x159: {  	v16 =	vld [tilespmem:s30+$0xC2D0];
	s29 =	sadd.s32 $0x0, s28  }
0x15a: {  	[tilespmem:s29+$0x70] =	vst.add.f32.msk $0xffff, v10  }
0x15b: {  	v10 =	vld [tilespmem:s30+$0xC2E0]  }
0x15c: {  	s30 =	sld [smem:s0+$0x0];
	[tilespmem:s29+$0x0] =	vst.add.f32.msk $0xffff, v11  }
0x15d: {  	[tilespmem:s29+$0x10] =	vst.add.f32.msk $0xffff, v12  }
0x15e: {  	[tilespmem:s29+$0x20] =	vst.add.f32.msk $0xffff, v13  }
0x15f: {  	[tilespmem:s29+$0x30] =	vst.add.f32.msk $0xffff, v14;
	s30 =	sadd.f32 $1.000000000e+00, s30  }
0x160: {  	[tilespmem:s29+$0x40] =	vst.add.f32.msk $0xffff, v15  }
0x161: {  	s31 =	simm.s32 $0x1000;
	[tilespmem:s29+$0x50] =	vst.add.f32.msk $0xffff, v16;
	[smem:s0] =	sst s30;
	s30 =	simm.s32 $0x0  }
.LBB2_14:
0x162: {  	s0 =	sshra.s32 s31, $0x2;
	s30 =	sadd.s32 $0x8, s30;
	[tilespmem:s29+$0x60] =	vst.add.f32.msk $0xffff, v10  }
0x163: {  	v10 =	vld [tilespmem:s0+$0xC2F0];
	p0 =	slt.u32 s30, $0x18  }
0x164: {  	v11 =	vld [tilespmem:s0+$0xC280]  }
0x165: {  	v12 =	vld [tilespmem:s0+$0xC290]  }
0x166: {  	v13 =	vld [tilespmem:s0+$0xC2A0]  }
0x167: {  	s29 =	sadd.s32 s0, s28;
	v14 =	vld [tilespmem:s0+$0xC2B0]  }
0x168: {  	[tilespmem:s29+$0x70] =	vst.add.f32.msk $0xffff, v10  }
0x169: {  	v15 =	vld [tilespmem:s0+$0xC2C0]  }
0x16a: {  	v16 =	vld [tilespmem:s0+$0xC2D0]  }
0x16b: {  	v10 =	vld [tilespmem:s0+$0xC2E0]  }
0x16c: {  	[tilespmem:s29+$0x0] =	vst.add.f32.msk $0xffff, v11  }
.Ltmp6:
0x16d: {  	[tilespmem:s29+$0x10] =	vst.add.f32.msk $0xffff, v12;
	(pc) =	sbr.rel @p0 .LBB2_14-.Ltmp6, $4  }
0x16e: {  	[tilespmem:s29+$0x20] =	vst.add.f32.msk $0xffff, v13  }
0x16f: {  	[tilespmem:s29+$0x30] =	vst.add.f32.msk $0xffff, v14  }
0x170: {  	[tilespmem:s29+$0x40] =	vst.add.f32.msk $0xffff, v15  }
0x171: {  	s31 =	sadd.s32 $0x1000, s31;
	[tilespmem:s29+$0x50] =	vst.add.f32.msk $0xffff, v16  }
0x172: {  	(v2sf) =	vpush v9, $0x4;
	_ =	sdelay $0xc  }
0x173: {  	[tilespmem:s29+$0x60] =	vst.add.f32.msk $0xffff, v10;
	s30 =	simm.s32 $0x0  }
0x174: {  	v10 =	vld [tilespmem:s30+$0xC370]  }
0x175: {  	v11 =	vld [tilespmem:s30+$0xC300];
	s0 =	spop (v2sf)  }
0x176: {  	v12 =	vld [tilespmem:s30+$0xC310];
	s28 =	sshll.u32 s0, $0x9;
	s29 =	sshll.u32 s0, $0x7  }
0x177: {  	v13 =	vld [tilespmem:s30+$0xC320];
	s28 =	sand.u32 $0xFFFFF000, s28;
	s29 =	sand.u32 $0x380, s29  }
0x178: {  	v14 =	vld [tilespmem:s30+$0xC330];
	s28 =	sor.u32 s29, s28  }
0x179: {  	v15 =	vld [tilespmem:s30+$0xC340];
	s28 =	sadd.s32 $0x10100, s28  }
0x17a: {  	v16 =	vld [tilespmem:s30+$0xC350];
	s29 =	sadd.s32 $0x0, s28  }
0x17b: {  	[tilespmem:s29+$0x70] =	vst.add.f32.msk $0xffff, v10  }
0x17c: {  	v10 =	vld [tilespmem:s30+$0xC360]  }
0x17d: {  	s30 =	sld [smem:s0+$0x0];
	[tilespmem:s29+$0x0] =	vst.add.f32.msk $0xffff, v11  }
0x17e: {  	[tilespmem:s29+$0x10] =	vst.add.f32.msk $0xffff, v12  }
0x17f: {  	[tilespmem:s29+$0x20] =	vst.add.f32.msk $0xffff, v13  }
0x180: {  	[tilespmem:s29+$0x30] =	vst.add.f32.msk $0xffff, v14;
	s30 =	sadd.f32 $1.000000000e+00, s30  }
0x181: {  	[tilespmem:s29+$0x40] =	vst.add.f32.msk $0xffff, v15  }
0x182: {  	s31 =	simm.s32 $0x1000;
	[tilespmem:s29+$0x50] =	vst.add.f32.msk $0xffff, v16;
	[smem:s0] =	sst s30;
	s30 =	simm.s32 $0x0  }
.LBB2_16:
0x183: {  	s0 =	sshra.s32 s31, $0x2;
	s30 =	sadd.s32 $0x8, s30;
	[tilespmem:s29+$0x60] =	vst.add.f32.msk $0xffff, v10  }
0x184: {  	v10 =	vld [tilespmem:s0+$0xC370];
	p0 =	slt.u32 s30, $0x18  }
0x185: {  	v11 =	vld [tilespmem:s0+$0xC300]  }
0x186: {  	v12 =	vld [tilespmem:s0+$0xC310]  }
0x187: {  	v13 =	vld [tilespmem:s0+$0xC320]  }
0x188: {  	s29 =	sadd.s32 s0, s28;
	v14 =	vld [tilespmem:s0+$0xC330]  }
0x189: {  	[tilespmem:s29+$0x70] =	vst.add.f32.msk $0xffff, v10  }
0x18a: {  	v15 =	vld [tilespmem:s0+$0xC340]  }
0x18b: {  	v16 =	vld [tilespmem:s0+$0xC350]  }
0x18c: {  	v10 =	vld [tilespmem:s0+$0xC360]  }
0x18d: {  	[tilespmem:s29+$0x0] =	vst.add.f32.msk $0xffff, v11  }
.Ltmp7:
0x18e: {  	[tilespmem:s29+$0x10] =	vst.add.f32.msk $0xffff, v12;
	(pc) =	sbr.rel @p0 .LBB2_16-.Ltmp7, $4  }
0x18f: {  	[tilespmem:s29+$0x20] =	vst.add.f32.msk $0xffff, v13  }
0x190: {  	[tilespmem:s29+$0x30] =	vst.add.f32.msk $0xffff, v14  }
0x191: {  	[tilespmem:s29+$0x40] =	vst.add.f32.msk $0xffff, v15  }
0x192: {  	s31 =	sadd.s32 $0x1000, s31;
	[tilespmem:s29+$0x50] =	vst.add.f32.msk $0xffff, v16  }
0x193: {  	(v2sf) =	vpush v9, $0x5;
	_ =	sdelay $0xc  }
0x194: {  	[tilespmem:s29+$0x60] =	vst.add.f32.msk $0xffff, v10;
	s30 =	simm.s32 $0x0  }
0x195: {  	v10 =	vld [tilespmem:s30+$0xC3F0]  }
0x196: {  	v11 =	vld [tilespmem:s30+$0xC380];
	s0 =	spop (v2sf)  }
0x197: {  	v12 =	vld [tilespmem:s30+$0xC390];
	s28 =	sshll.u32 s0, $0x9;
	s29 =	sshll.u32 s0, $0x7  }
0x198: {  	v13 =	vld [tilespmem:s30+$0xC3A0];
	s28 =	sand.u32 $0xFFFFF000, s28;
	s29 =	sand.u32 $0x380, s29  }
0x199: {  	v14 =	vld [tilespmem:s30+$0xC3B0];
	s28 =	sor.u32 s29, s28  }
0x19a: {  	v15 =	vld [tilespmem:s30+$0xC3C0];
	s28 =	sadd.s32 $0x10100, s28  }
0x19b: {  	v16 =	vld [tilespmem:s30+$0xC3D0];
	s29 =	sadd.s32 $0x0, s28  }
0x19c: {  	[tilespmem:s29+$0x70] =	vst.add.f32.msk $0xffff, v10  }
0x19d: {  	v10 =	vld [tilespmem:s30+$0xC3E0]  }
0x19e: {  	s30 =	sld [smem:s0+$0x0];
	[tilespmem:s29+$0x0] =	vst.add.f32.msk $0xffff, v11  }
0x19f: {  	[tilespmem:s29+$0x10] =	vst.add.f32.msk $0xffff, v12  }
0x1a0: {  	[tilespmem:s29+$0x20] =	vst.add.f32.msk $0xffff, v13  }
0x1a1: {  	[tilespmem:s29+$0x30] =	vst.add.f32.msk $0xffff, v14;
	s30 =	sadd.f32 $1.000000000e+00, s30  }
0x1a2: {  	[tilespmem:s29+$0x40] =	vst.add.f32.msk $0xffff, v15  }
0x1a3: {  	s31 =	simm.s32 $0x1000;
	[tilespmem:s29+$0x50] =	vst.add.f32.msk $0xffff, v16;
	[smem:s0] =	sst s30;
	s30 =	simm.s32 $0x0  }
.LBB2_18:
0x1a4: {  	s0 =	sshra.s32 s31, $0x2;
	s30 =	sadd.s32 $0x8, s30;
	[tilespmem:s29+$0x60] =	vst.add.f32.msk $0xffff, v10  }
0x1a5: {  	v10 =	vld [tilespmem:s0+$0xC3F0];
	p0 =	slt.u32 s30, $0x18  }
0x1a6: {  	v11 =	vld [tilespmem:s0+$0xC380]  }
0x1a7: {  	v12 =	vld [tilespmem:s0+$0xC390]  }
0x1a8: {  	v13 =	vld [tilespmem:s0+$0xC3A0]  }
0x1a9: {  	s29 =	sadd.s32 s0, s28;
	v14 =	vld [tilespmem:s0+$0xC3B0]  }
0x1aa: {  	[tilespmem:s29+$0x70] =	vst.add.f32.msk $0xffff, v10  }
0x1ab: {  	v15 =	vld [tilespmem:s0+$0xC3C0]  }
0x1ac: {  	v16 =	vld [tilespmem:s0+$0xC3D0]  }
0x1ad: {  	v10 =	vld [tilespmem:s0+$0xC3E0]  }
0x1ae: {  	[tilespmem:s29+$0x0] =	vst.add.f32.msk $0xffff, v11  }
.Ltmp8:
0x1af: {  	[tilespmem:s29+$0x10] =	vst.add.f32.msk $0xffff, v12;
	(pc) =	sbr.rel @p0 .LBB2_18-.Ltmp8, $4  }
0x1b0: {  	[tilespmem:s29+$0x20] =	vst.add.f32.msk $0xffff, v13  }
0x1b1: {  	[tilespmem:s29+$0x30] =	vst.add.f32.msk $0xffff, v14  }
0x1b2: {  	[tilespmem:s29+$0x40] =	vst.add.f32.msk $0xffff, v15  }
0x1b3: {  	s31 =	sadd.s32 $0x1000, s31;
	[tilespmem:s29+$0x50] =	vst.add.f32.msk $0xffff, v16  }
0x1b4: {  	(v2sf) =	vpush v9, $0x6;
	_ =	sdelay $0xc  }
0x1b5: {  	[tilespmem:s29+$0x60] =	vst.add.f32.msk $0xffff, v10;
	s30 =	simm.s32 $0x0  }
0x1b6: {  	v10 =	vld [tilespmem:s30+$0xC470]  }
0x1b7: {  	v11 =	vld [tilespmem:s30+$0xC400];
	s0 =	spop (v2sf)  }
0x1b8: {  	v12 =	vld [tilespmem:s30+$0xC410];
	s28 =	sshll.u32 s0, $0x9;
	s29 =	sshll.u32 s0, $0x7  }
0x1b9: {  	v13 =	vld [tilespmem:s30+$0xC420];
	s28 =	sand.u32 $0xFFFFF000, s28;
	s29 =	sand.u32 $0x380, s29  }
0x1ba: {  	v14 =	vld [tilespmem:s30+$0xC430];
	s28 =	sor.u32 s29, s28  }
0x1bb: {  	v15 =	vld [tilespmem:s30+$0xC440];
	s28 =	sadd.s32 $0x10100, s28  }
0x1bc: {  	v16 =	vld [tilespmem:s30+$0xC450];
	s29 =	sadd.s32 $0x0, s28  }
0x1bd: {  	[tilespmem:s29+$0x70] =	vst.add.f32.msk $0xffff, v10  }
0x1be: {  	v10 =	vld [tilespmem:s30+$0xC460]  }
0x1bf: {  	s30 =	sld [smem:s0+$0x0];
	[tilespmem:s29+$0x0] =	vst.add.f32.msk $0xffff, v11  }
0x1c0: {  	[tilespmem:s29+$0x10] =	vst.add.f32.msk $0xffff, v12  }
0x1c1: {  	[tilespmem:s29+$0x20] =	vst.add.f32.msk $0xffff, v13  }
0x1c2: {  	[tilespmem:s29+$0x30] =	vst.add.f32.msk $0xffff, v14;
	s30 =	sadd.f32 $1.000000000e+00, s30  }
0x1c3: {  	[tilespmem:s29+$0x40] =	vst.add.f32.msk $0xffff, v15  }
0x1c4: {  	s31 =	simm.s32 $0x1000;
	[tilespmem:s29+$0x50] =	vst.add.f32.msk $0xffff, v16;
	[smem:s0] =	sst s30;
	s30 =	simm.s32 $0x0  }
.LBB2_20:
0x1c5: {  	s0 =	sshra.s32 s31, $0x2;
	s30 =	sadd.s32 $0x8, s30;
	[tilespmem:s29+$0x60] =	vst.add.f32.msk $0xffff, v10  }
0x1c6: {  	v10 =	vld [tilespmem:s0+$0xC470];
	p0 =	slt.u32 s30, $0x18  }
0x1c7: {  	v11 =	vld [tilespmem:s0+$0xC400]  }
0x1c8: {  	v12 =	vld [tilespmem:s0+$0xC410]  }
0x1c9: {  	v13 =	vld [tilespmem:s0+$0xC420]  }
0x1ca: {  	s29 =	sadd.s32 s0, s28;
	v14 =	vld [tilespmem:s0+$0xC430]  }
0x1cb: {  	[tilespmem:s29+$0x70] =	vst.add.f32.msk $0xffff, v10  }
0x1cc: {  	v15 =	vld [tilespmem:s0+$0xC440]  }
0x1cd: {  	v16 =	vld [tilespmem:s0+$0xC450]  }
0x1ce: {  	v10 =	vld [tilespmem:s0+$0xC460]  }
0x1cf: {  	[tilespmem:s29+$0x0] =	vst.add.f32.msk $0xffff, v11  }
.Ltmp9:
0x1d0: {  	[tilespmem:s29+$0x10] =	vst.add.f32.msk $0xffff, v12;
	(pc) =	sbr.rel @p0 .LBB2_20-.Ltmp9, $4  }
0x1d1: {  	[tilespmem:s29+$0x20] =	vst.add.f32.msk $0xffff, v13  }
0x1d2: {  	[tilespmem:s29+$0x30] =	vst.add.f32.msk $0xffff, v14  }
0x1d3: {  	[tilespmem:s29+$0x40] =	vst.add.f32.msk $0xffff, v15  }
0x1d4: {  	s31 =	sadd.s32 $0x1000, s31;
	[tilespmem:s29+$0x50] =	vst.add.f32.msk $0xffff, v16  }
0x1d5: {  	(v2sf) =	vpush v9, $0x7;
	_ =	sdelay $0xc  }
0x1d6: {  	[tilespmem:s29+$0x60] =	vst.add.f32.msk $0xffff, v10;
	s30 =	simm.s32 $0x0  }
0x1d7: {  	v10 =	vld [tilespmem:s30+$0xC4F0]  }
0x1d8: {  	v11 =	vld [tilespmem:s30+$0xC480];
	s0 =	spop (v2sf)  }
0x1d9: {  	v12 =	vld [tilespmem:s30+$0xC490];
	s28 =	sshll.u32 s0, $0x9;
	s29 =	sshll.u32 s0, $0x7  }
0x1da: {  	v13 =	vld [tilespmem:s30+$0xC4A0];
	s28 =	sand.u32 $0xFFFFF000, s28;
	s29 =	sand.u32 $0x380, s29  }
0x1db: {  	v14 =	vld [tilespmem:s30+$0xC4B0];
	s28 =	sor.u32 s29, s28  }
0x1dc: {  	v15 =	vld [tilespmem:s30+$0xC4C0];
	s28 =	sadd.s32 $0x10100, s28  }
0x1dd: {  	v16 =	vld [tilespmem:s30+$0xC4D0];
	s29 =	sadd.s32 $0x0, s28  }
0x1de: {  	[tilespmem:s29+$0x70] =	vst.add.f32.msk $0xffff, v10  }
0x1df: {  	v10 =	vld [tilespmem:s30+$0xC4E0]  }
0x1e0: {  	s30 =	sld [smem:s0+$0x0];
	[tilespmem:s29+$0x0] =	vst.add.f32.msk $0xffff, v11  }
0x1e1: {  	[tilespmem:s29+$0x10] =	vst.add.f32.msk $0xffff, v12  }
0x1e2: {  	[tilespmem:s29+$0x20] =	vst.add.f32.msk $0xffff, v13  }
0x1e3: {  	[tilespmem:s29+$0x30] =	vst.add.f32.msk $0xffff, v14;
	s30 =	sadd.f32 $1.000000000e+00, s30  }
0x1e4: {  	[tilespmem:s29+$0x40] =	vst.add.f32.msk $0xffff, v15  }
0x1e5: {  	s31 =	simm.s32 $0x1000;
	[tilespmem:s29+$0x50] =	vst.add.f32.msk $0xffff, v16;
	[smem:s0] =	sst s30;
	s30 =	simm.s32 $0x0  }
.LBB2_22:
0x1e6: {  	s0 =	sshra.s32 s31, $0x2;
	s30 =	sadd.s32 $0x8, s30;
	[tilespmem:s29+$0x60] =	vst.add.f32.msk $0xffff, v10  }
0x1e7: {  	v10 =	vld [tilespmem:s0+$0xC4F0];
	p0 =	slt.u32 s30, $0x18  }
0x1e8: {  	v11 =	vld [tilespmem:s0+$0xC480]  }
0x1e9: {  	v12 =	vld [tilespmem:s0+$0xC490]  }
0x1ea: {  	v13 =	vld [tilespmem:s0+$0xC4A0]  }
0x1eb: {  	s29 =	sadd.s32 s0, s28;
	v14 =	vld [tilespmem:s0+$0xC4B0]  }
0x1ec: {  	[tilespmem:s29+$0x70] =	vst.add.f32.msk $0xffff, v10  }
0x1ed: {  	v15 =	vld [tilespmem:s0+$0xC4C0]  }
0x1ee: {  	v16 =	vld [tilespmem:s0+$0xC4D0]  }
0x1ef: {  	v10 =	vld [tilespmem:s0+$0xC4E0]  }
0x1f0: {  	[tilespmem:s29+$0x0] =	vst.add.f32.msk $0xffff, v11  }
.Ltmp10:
0x1f1: {  	[tilespmem:s29+$0x10] =	vst.add.f32.msk $0xffff, v12;
	(pc) =	sbr.rel @p0 .LBB2_22-.Ltmp10, $4  }
0x1f2: {  	[tilespmem:s29+$0x20] =	vst.add.f32.msk $0xffff, v13  }
0x1f3: {  	[tilespmem:s29+$0x30] =	vst.add.f32.msk $0xffff, v14  }
0x1f4: {  	[tilespmem:s29+$0x40] =	vst.add.f32.msk $0xffff, v15  }
0x1f5: {  	s31 =	sadd.s32 $0x1000, s31;
	[tilespmem:s29+$0x50] =	vst.add.f32.msk $0xffff, v16  }
0x1f6: {  	(v2sf) =	vpush v9, $0x8;
	_ =	sdelay $0xc  }
0x1f7: {  	[tilespmem:s29+$0x60] =	vst.add.f32.msk $0xffff, v10;
	s30 =	simm.s32 $0x0  }
0x1f8: {  	v10 =	vld [tilespmem:s30+$0xD170]  }
0x1f9: {  	v11 =	vld [tilespmem:s30+$0xD100];
	s0 =	spop (v2sf)  }
0x1fa: {  	v12 =	vld [tilespmem:s30+$0xD110];
	s28 =	sshll.u32 s0, $0x9;
	s29 =	sshll.u32 s0, $0x7  }
0x1fb: {  	v13 =	vld [tilespmem:s30+$0xD120];
	s28 =	sand.u32 $0xFFFFF000, s28;
	s29 =	sand.u32 $0x380, s29  }
0x1fc: {  	v14 =	vld [tilespmem:s30+$0xD130];
	s28 =	sor.u32 s29, s28  }
0x1fd: {  	v15 =	vld [tilespmem:s30+$0xD140];
	s28 =	sadd.s32 $0x10100, s28  }
0x1fe: {  	v16 =	vld [tilespmem:s30+$0xD150];
	s29 =	sadd.s32 $0x0, s28  }
0x1ff: {  	[tilespmem:s29+$0x70] =	vst.add.f32.msk $0xffff, v10  }
0x200: {  	v10 =	vld [tilespmem:s30+$0xD160]  }
0x201: {  	s30 =	sld [smem:s0+$0x0];
	[tilespmem:s29+$0x0] =	vst.add.f32.msk $0xffff, v11  }
0x202: {  	[tilespmem:s29+$0x10] =	vst.add.f32.msk $0xffff, v12  }
0x203: {  	[tilespmem:s29+$0x20] =	vst.add.f32.msk $0xffff, v13  }
0x204: {  	[tilespmem:s29+$0x30] =	vst.add.f32.msk $0xffff, v14;
	s30 =	sadd.f32 $1.000000000e+00, s30  }
0x205: {  	[tilespmem:s29+$0x40] =	vst.add.f32.msk $0xffff, v15  }
0x206: {  	s31 =	simm.s32 $0x1000;
	[tilespmem:s29+$0x50] =	vst.add.f32.msk $0xffff, v16;
	[smem:s0] =	sst s30;
	s30 =	simm.s32 $0x0  }
.LBB2_24:
0x207: {  	s0 =	sshra.s32 s31, $0x2;
	s30 =	sadd.s32 $0x8, s30;
	[tilespmem:s29+$0x60] =	vst.add.f32.msk $0xffff, v10  }
0x208: {  	v10 =	vld [tilespmem:s0+$0xD170];
	p0 =	slt.u32 s30, $0x18  }
0x209: {  	v11 =	vld [tilespmem:s0+$0xD100]  }
0x20a: {  	v12 =	vld [tilespmem:s0+$0xD110]  }
0x20b: {  	v13 =	vld [tilespmem:s0+$0xD120]  }
0x20c: {  	s29 =	sadd.s32 s0, s28;
	v14 =	vld [tilespmem:s0+$0xD130]  }
0x20d: {  	[tilespmem:s29+$0x70] =	vst.add.f32.msk $0xffff, v10  }
0x20e: {  	v15 =	vld [tilespmem:s0+$0xD140]  }
0x20f: {  	v16 =	vld [tilespmem:s0+$0xD150]  }
0x210: {  	v10 =	vld [tilespmem:s0+$0xD160]  }
0x211: {  	[tilespmem:s29+$0x0] =	vst.add.f32.msk $0xffff, v11  }
.Ltmp11:
0x212: {  	[tilespmem:s29+$0x10] =	vst.add.f32.msk $0xffff, v12;
	(pc) =	sbr.rel @p0 .LBB2_24-.Ltmp11, $4  }
0x213: {  	[tilespmem:s29+$0x20] =	vst.add.f32.msk $0xffff, v13  }
0x214: {  	[tilespmem:s29+$0x30] =	vst.add.f32.msk $0xffff, v14  }
0x215: {  	[tilespmem:s29+$0x40] =	vst.add.f32.msk $0xffff, v15  }
0x216: {  	s31 =	sadd.s32 $0x1000, s31;
	[tilespmem:s29+$0x50] =	vst.add.f32.msk $0xffff, v16  }
0x217: {  	(v2sf) =	vpush v9, $0x9;
	_ =	sdelay $0xc  }
0x218: {  	[tilespmem:s29+$0x60] =	vst.add.f32.msk $0xffff, v10;
	s30 =	simm.s32 $0x0  }
0x219: {  	v10 =	vld [tilespmem:s30+$0xD1F0]  }
0x21a: {  	v11 =	vld [tilespmem:s30+$0xD180];
	s0 =	spop (v2sf)  }
0x21b: {  	v12 =	vld [tilespmem:s30+$0xD190];
	s28 =	sshll.u32 s0, $0x9;
	s29 =	sshll.u32 s0, $0x7  }
0x21c: {  	v13 =	vld [tilespmem:s30+$0xD1A0];
	s28 =	sand.u32 $0xFFFFF000, s28;
	s29 =	sand.u32 $0x380, s29  }
0x21d: {  	v14 =	vld [tilespmem:s30+$0xD1B0];
	s28 =	sor.u32 s29, s28  }
0x21e: {  	v15 =	vld [tilespmem:s30+$0xD1C0];
	s28 =	sadd.s32 $0x10100, s28  }
0x21f: {  	v16 =	vld [tilespmem:s30+$0xD1D0];
	s29 =	sadd.s32 $0x0, s28  }
0x220: {  	[tilespmem:s29+$0x70] =	vst.add.f32.msk $0xffff, v10  }
0x221: {  	v10 =	vld [tilespmem:s30+$0xD1E0]  }
0x222: {  	s30 =	sld [smem:s0+$0x0];
	[tilespmem:s29+$0x0] =	vst.add.f32.msk $0xffff, v11  }
0x223: {  	[tilespmem:s29+$0x10] =	vst.add.f32.msk $0xffff, v12  }
0x224: {  	[tilespmem:s29+$0x20] =	vst.add.f32.msk $0xffff, v13  }
0x225: {  	[tilespmem:s29+$0x30] =	vst.add.f32.msk $0xffff, v14;
	s30 =	sadd.f32 $1.000000000e+00, s30  }
0x226: {  	[tilespmem:s29+$0x40] =	vst.add.f32.msk $0xffff, v15  }
0x227: {  	s31 =	simm.s32 $0x1000;
	[tilespmem:s29+$0x50] =	vst.add.f32.msk $0xffff, v16;
	[smem:s0] =	sst s30;
	s30 =	simm.s32 $0x0  }
.LBB2_26:
0x228: {  	s0 =	sshra.s32 s31, $0x2;
	s30 =	sadd.s32 $0x8, s30;
	[tilespmem:s29+$0x60] =	vst.add.f32.msk $0xffff, v10  }
0x229: {  	v10 =	vld [tilespmem:s0+$0xD1F0];
	p0 =	slt.u32 s30, $0x18  }
0x22a: {  	v11 =	vld [tilespmem:s0+$0xD180]  }
0x22b: {  	v12 =	vld [tilespmem:s0+$0xD190]  }
0x22c: {  	v13 =	vld [tilespmem:s0+$0xD1A0]  }
0x22d: {  	s29 =	sadd.s32 s0, s28;
	v14 =	vld [tilespmem:s0+$0xD1B0]  }
0x22e: {  	[tilespmem:s29+$0x70] =	vst.add.f32.msk $0xffff, v10  }
0x22f: {  	v15 =	vld [tilespmem:s0+$0xD1C0]  }
0x230: {  	v16 =	vld [tilespmem:s0+$0xD1D0]  }
0x231: {  	v10 =	vld [tilespmem:s0+$0xD1E0]  }
0x232: {  	[tilespmem:s29+$0x0] =	vst.add.f32.msk $0xffff, v11  }
.Ltmp12:
0x233: {  	[tilespmem:s29+$0x10] =	vst.add.f32.msk $0xffff, v12;
	(pc) =	sbr.rel @p0 .LBB2_26-.Ltmp12, $4  }
0x234: {  	[tilespmem:s29+$0x20] =	vst.add.f32.msk $0xffff, v13  }
0x235: {  	[tilespmem:s29+$0x30] =	vst.add.f32.msk $0xffff, v14  }
0x236: {  	[tilespmem:s29+$0x40] =	vst.add.f32.msk $0xffff, v15  }
0x237: {  	s31 =	sadd.s32 $0x1000, s31;
	[tilespmem:s29+$0x50] =	vst.add.f32.msk $0xffff, v16  }
0x238: {  	(v2sf) =	vpush v9, $0xA;
	_ =	sdelay $0xc  }
0x239: {  	[tilespmem:s29+$0x60] =	vst.add.f32.msk $0xffff, v10;
	s30 =	simm.s32 $0x0  }
0x23a: {  	v10 =	vld [tilespmem:s30+$0xD270]  }
0x23b: {  	v11 =	vld [tilespmem:s30+$0xD200];
	s0 =	spop (v2sf)  }
0x23c: {  	v12 =	vld [tilespmem:s30+$0xD210];
	s28 =	sshll.u32 s0, $0x9;
	s29 =	sshll.u32 s0, $0x7  }
0x23d: {  	v13 =	vld [tilespmem:s30+$0xD220];
	s28 =	sand.u32 $0xFFFFF000, s28;
	s29 =	sand.u32 $0x380, s29  }
0x23e: {  	v14 =	vld [tilespmem:s30+$0xD230];
	s28 =	sor.u32 s29, s28  }
0x23f: {  	v15 =	vld [tilespmem:s30+$0xD240];
	s28 =	sadd.s32 $0x10100, s28  }
0x240: {  	v16 =	vld [tilespmem:s30+$0xD250];
	s29 =	sadd.s32 $0x0, s28  }
0x241: {  	[tilespmem:s29+$0x70] =	vst.add.f32.msk $0xffff, v10  }
0x242: {  	v10 =	vld [tilespmem:s30+$0xD260]  }
0x243: {  	s30 =	sld [smem:s0+$0x0];
	[tilespmem:s29+$0x0] =	vst.add.f32.msk $0xffff, v11  }
0x244: {  	[tilespmem:s29+$0x10] =	vst.add.f32.msk $0xffff, v12  }
0x245: {  	[tilespmem:s29+$0x20] =	vst.add.f32.msk $0xffff, v13  }
0x246: {  	[tilespmem:s29+$0x30] =	vst.add.f32.msk $0xffff, v14;
	s30 =	sadd.f32 $1.000000000e+00, s30  }
0x247: {  	[tilespmem:s29+$0x40] =	vst.add.f32.msk $0xffff, v15  }
0x248: {  	s31 =	simm.s32 $0x1000;
	[tilespmem:s29+$0x50] =	vst.add.f32.msk $0xffff, v16;
	[smem:s0] =	sst s30;
	s30 =	simm.s32 $0x0  }
.LBB2_28:
0x249: {  	s0 =	sshra.s32 s31, $0x2;
	s30 =	sadd.s32 $0x8, s30;
	[tilespmem:s29+$0x60] =	vst.add.f32.msk $0xffff, v10  }
0x24a: {  	v10 =	vld [tilespmem:s0+$0xD270];
	p0 =	slt.u32 s30, $0x18  }
0x24b: {  	v11 =	vld [tilespmem:s0+$0xD200]  }
0x24c: {  	v12 =	vld [tilespmem:s0+$0xD210]  }
0x24d: {  	v13 =	vld [tilespmem:s0+$0xD220]  }
0x24e: {  	s29 =	sadd.s32 s0, s28;
	v14 =	vld [tilespmem:s0+$0xD230]  }
0x24f: {  	[tilespmem:s29+$0x70] =	vst.add.f32.msk $0xffff, v10  }
0x250: {  	v15 =	vld [tilespmem:s0+$0xD240]  }
0x251: {  	v16 =	vld [tilespmem:s0+$0xD250]  }
0x252: {  	v10 =	vld [tilespmem:s0+$0xD260]  }
0x253: {  	[tilespmem:s29+$0x0] =	vst.add.f32.msk $0xffff, v11  }
.Ltmp13:
0x254: {  	[tilespmem:s29+$0x10] =	vst.add.f32.msk $0xffff, v12;
	(pc) =	sbr.rel @p0 .LBB2_28-.Ltmp13, $4  }
0x255: {  	[tilespmem:s29+$0x20] =	vst.add.f32.msk $0xffff, v13  }
0x256: {  	[tilespmem:s29+$0x30] =	vst.add.f32.msk $0xffff, v14  }
0x257: {  	[tilespmem:s29+$0x40] =	vst.add.f32.msk $0xffff, v15  }
0x258: {  	s31 =	sadd.s32 $0x1000, s31;
	[tilespmem:s29+$0x50] =	vst.add.f32.msk $0xffff, v16  }
0x259: {  	(v2sf) =	vpush v9, $0xB;
	_ =	sdelay $0xc  }
0x25a: {  	[tilespmem:s29+$0x60] =	vst.add.f32.msk $0xffff, v10;
	s30 =	simm.s32 $0x0  }
0x25b: {  	v10 =	vld [tilespmem:s30+$0xD2F0]  }
0x25c: {  	v11 =	vld [tilespmem:s30+$0xD280];
	s0 =	spop (v2sf)  }
0x25d: {  	v12 =	vld [tilespmem:s30+$0xD290];
	s28 =	sshll.u32 s0, $0x9;
	s29 =	sshll.u32 s0, $0x7  }
0x25e: {  	v13 =	vld [tilespmem:s30+$0xD2A0];
	s28 =	sand.u32 $0xFFFFF000, s28;
	s29 =	sand.u32 $0x380, s29  }
0x25f: {  	v14 =	vld [tilespmem:s30+$0xD2B0];
	s28 =	sor.u32 s29, s28  }
0x260: {  	v15 =	vld [tilespmem:s30+$0xD2C0];
	s28 =	sadd.s32 $0x10100, s28  }
0x261: {  	v16 =	vld [tilespmem:s30+$0xD2D0];
	s29 =	sadd.s32 $0x0, s28  }
0x262: {  	[tilespmem:s29+$0x70] =	vst.add.f32.msk $0xffff, v10  }
0x263: {  	v10 =	vld [tilespmem:s30+$0xD2E0]  }
0x264: {  	s30 =	sld [smem:s0+$0x0];
	[tilespmem:s29+$0x0] =	vst.add.f32.msk $0xffff, v11  }
0x265: {  	[tilespmem:s29+$0x10] =	vst.add.f32.msk $0xffff, v12  }
0x266: {  	[tilespmem:s29+$0x20] =	vst.add.f32.msk $0xffff, v13  }
0x267: {  	[tilespmem:s29+$0x30] =	vst.add.f32.msk $0xffff, v14;
	s30 =	sadd.f32 $1.000000000e+00, s30  }
0x268: {  	[tilespmem:s29+$0x40] =	vst.add.f32.msk $0xffff, v15  }
0x269: {  	s31 =	simm.s32 $0x1000;
	[tilespmem:s29+$0x50] =	vst.add.f32.msk $0xffff, v16;
	[smem:s0] =	sst s30;
	s30 =	simm.s32 $0x0  }
.LBB2_30:
0x26a: {  	s0 =	sshra.s32 s31, $0x2;
	s30 =	sadd.s32 $0x8, s30;
	[tilespmem:s29+$0x60] =	vst.add.f32.msk $0xffff, v10  }
0x26b: {  	v10 =	vld [tilespmem:s0+$0xD2F0];
	p0 =	slt.u32 s30, $0x18  }
0x26c: {  	v11 =	vld [tilespmem:s0+$0xD280]  }
0x26d: {  	v12 =	vld [tilespmem:s0+$0xD290]  }
0x26e: {  	v13 =	vld [tilespmem:s0+$0xD2A0]  }
0x26f: {  	s29 =	sadd.s32 s0, s28;
	v14 =	vld [tilespmem:s0+$0xD2B0]  }
0x270: {  	[tilespmem:s29+$0x70] =	vst.add.f32.msk $0xffff, v10  }
0x271: {  	v15 =	vld [tilespmem:s0+$0xD2C0]  }
0x272: {  	v16 =	vld [tilespmem:s0+$0xD2D0]  }
0x273: {  	v10 =	vld [tilespmem:s0+$0xD2E0]  }
0x274: {  	[tilespmem:s29+$0x0] =	vst.add.f32.msk $0xffff, v11  }
.Ltmp14:
0x275: {  	[tilespmem:s29+$0x10] =	vst.add.f32.msk $0xffff, v12;
	(pc) =	sbr.rel @p0 .LBB2_30-.Ltmp14, $4  }
0x276: {  	[tilespmem:s29+$0x20] =	vst.add.f32.msk $0xffff, v13  }
0x277: {  	[tilespmem:s29+$0x30] =	vst.add.f32.msk $0xffff, v14  }
0x278: {  	[tilespmem:s29+$0x40] =	vst.add.f32.msk $0xffff, v15  }
0x279: {  	s31 =	sadd.s32 $0x1000, s31;
	[tilespmem:s29+$0x50] =	vst.add.f32.msk $0xffff, v16  }
0x27a: {  	(v2sf) =	vpush v9, $0xC;
	_ =	sdelay $0xc  }
0x27b: {  	[tilespmem:s29+$0x60] =	vst.add.f32.msk $0xffff, v10;
	s30 =	simm.s32 $0x0  }
0x27c: {  	v10 =	vld [tilespmem:s30+$0xD370]  }
0x27d: {  	v11 =	vld [tilespmem:s30+$0xD300];
	s0 =	spop (v2sf)  }
0x27e: {  	v12 =	vld [tilespmem:s30+$0xD310];
	s28 =	sshll.u32 s0, $0x9;
	s29 =	sshll.u32 s0, $0x7  }
0x27f: {  	v13 =	vld [tilespmem:s30+$0xD320];
	s28 =	sand.u32 $0xFFFFF000, s28;
	s29 =	sand.u32 $0x380, s29  }
0x280: {  	v14 =	vld [tilespmem:s30+$0xD330];
	s28 =	sor.u32 s29, s28  }
0x281: {  	v15 =	vld [tilespmem:s30+$0xD340];
	s28 =	sadd.s32 $0x10100, s28  }
0x282: {  	v16 =	vld [tilespmem:s30+$0xD350];
	s29 =	sadd.s32 $0x0, s28  }
0x283: {  	[tilespmem:s29+$0x70] =	vst.add.f32.msk $0xffff, v10  }
0x284: {  	v10 =	vld [tilespmem:s30+$0xD360]  }
0x285: {  	s30 =	sld [smem:s0+$0x0];
	[tilespmem:s29+$0x0] =	vst.add.f32.msk $0xffff, v11  }
0x286: {  	[tilespmem:s29+$0x10] =	vst.add.f32.msk $0xffff, v12  }
0x287: {  	[tilespmem:s29+$0x20] =	vst.add.f32.msk $0xffff, v13  }
0x288: {  	[tilespmem:s29+$0x30] =	vst.add.f32.msk $0xffff, v14;
	s30 =	sadd.f32 $1.000000000e+00, s30  }
0x289: {  	[tilespmem:s29+$0x40] =	vst.add.f32.msk $0xffff, v15  }
0x28a: {  	s31 =	simm.s32 $0x1000;
	[tilespmem:s29+$0x50] =	vst.add.f32.msk $0xffff, v16;
	[smem:s0] =	sst s30;
	s30 =	simm.s32 $0x0  }
.LBB2_32:
0x28b: {  	s0 =	sshra.s32 s31, $0x2;
	s30 =	sadd.s32 $0x8, s30;
	[tilespmem:s29+$0x60] =	vst.add.f32.msk $0xffff, v10  }
0x28c: {  	v10 =	vld [tilespmem:s0+$0xD370];
	p0 =	slt.u32 s30, $0x18  }
0x28d: {  	v11 =	vld [tilespmem:s0+$0xD300]  }
0x28e: {  	v12 =	vld [tilespmem:s0+$0xD310]  }
0x28f: {  	v13 =	vld [tilespmem:s0+$0xD320]  }
0x290: {  	s29 =	sadd.s32 s0, s28;
	v14 =	vld [tilespmem:s0+$0xD330]  }
0x291: {  	[tilespmem:s29+$0x70] =	vst.add.f32.msk $0xffff, v10  }
0x292: {  	v15 =	vld [tilespmem:s0+$0xD340]  }
0x293: {  	v16 =	vld [tilespmem:s0+$0xD350]  }
0x294: {  	v10 =	vld [tilespmem:s0+$0xD360]  }
0x295: {  	[tilespmem:s29+$0x0] =	vst.add.f32.msk $0xffff, v11  }
.Ltmp15:
0x296: {  	[tilespmem:s29+$0x10] =	vst.add.f32.msk $0xffff, v12;
	(pc) =	sbr.rel @p0 .LBB2_32-.Ltmp15, $4  }
0x297: {  	[tilespmem:s29+$0x20] =	vst.add.f32.msk $0xffff, v13  }
0x298: {  	[tilespmem:s29+$0x30] =	vst.add.f32.msk $0xffff, v14  }
0x299: {  	[tilespmem:s29+$0x40] =	vst.add.f32.msk $0xffff, v15  }
0x29a: {  	s31 =	sadd.s32 $0x1000, s31;
	[tilespmem:s29+$0x50] =	vst.add.f32.msk $0xffff, v16  }
0x29b: {  	(v2sf) =	vpush v9, $0xD;
	_ =	sdelay $0xc  }
0x29c: {  	[tilespmem:s29+$0x60] =	vst.add.f32.msk $0xffff, v10;
	s30 =	simm.s32 $0x0  }
0x29d: {  	v10 =	vld [tilespmem:s30+$0xD3F0]  }
0x29e: {  	v11 =	vld [tilespmem:s30+$0xD380];
	s0 =	spop (v2sf)  }
0x29f: {  	v12 =	vld [tilespmem:s30+$0xD390];
	s28 =	sshll.u32 s0, $0x9;
	s29 =	sshll.u32 s0, $0x7  }
0x2a0: {  	v13 =	vld [tilespmem:s30+$0xD3A0];
	s28 =	sand.u32 $0xFFFFF000, s28;
	s29 =	sand.u32 $0x380, s29  }
0x2a1: {  	v14 =	vld [tilespmem:s30+$0xD3B0];
	s28 =	sor.u32 s29, s28  }
0x2a2: {  	v15 =	vld [tilespmem:s30+$0xD3C0];
	s28 =	sadd.s32 $0x10100, s28  }
0x2a3: {  	v16 =	vld [tilespmem:s30+$0xD3D0];
	s29 =	sadd.s32 $0x0, s28  }
0x2a4: {  	[tilespmem:s29+$0x70] =	vst.add.f32.msk $0xffff, v10  }
0x2a5: {  	v10 =	vld [tilespmem:s30+$0xD3E0]  }
0x2a6: {  	s30 =	sld [smem:s0+$0x0];
	[tilespmem:s29+$0x0] =	vst.add.f32.msk $0xffff, v11  }
0x2a7: {  	[tilespmem:s29+$0x10] =	vst.add.f32.msk $0xffff, v12  }
0x2a8: {  	[tilespmem:s29+$0x20] =	vst.add.f32.msk $0xffff, v13  }
0x2a9: {  	[tilespmem:s29+$0x30] =	vst.add.f32.msk $0xffff, v14;
	s30 =	sadd.f32 $1.000000000e+00, s30  }
0x2aa: {  	[tilespmem:s29+$0x40] =	vst.add.f32.msk $0xffff, v15  }
0x2ab: {  	s31 =	simm.s32 $0x1000;
	[tilespmem:s29+$0x50] =	vst.add.f32.msk $0xffff, v16;
	[smem:s0] =	sst s30;
	s30 =	simm.s32 $0x0  }
.LBB2_34:
0x2ac: {  	s0 =	sshra.s32 s31, $0x2;
	s30 =	sadd.s32 $0x8, s30;
	[tilespmem:s29+$0x60] =	vst.add.f32.msk $0xffff, v10  }
0x2ad: {  	v10 =	vld [tilespmem:s0+$0xD3F0];
	p0 =	slt.u32 s30, $0x18  }
0x2ae: {  	v11 =	vld [tilespmem:s0+$0xD380]  }
0x2af: {  	v12 =	vld [tilespmem:s0+$0xD390]  }
0x2b0: {  	v13 =	vld [tilespmem:s0+$0xD3A0]  }
0x2b1: {  	s29 =	sadd.s32 s0, s28;
	v14 =	vld [tilespmem:s0+$0xD3B0]  }
0x2b2: {  	[tilespmem:s29+$0x70] =	vst.add.f32.msk $0xffff, v10  }
0x2b3: {  	v15 =	vld [tilespmem:s0+$0xD3C0]  }
0x2b4: {  	v16 =	vld [tilespmem:s0+$0xD3D0]  }
0x2b5: {  	v10 =	vld [tilespmem:s0+$0xD3E0]  }
0x2b6: {  	[tilespmem:s29+$0x0] =	vst.add.f32.msk $0xffff, v11  }
.Ltmp16:
0x2b7: {  	[tilespmem:s29+$0x10] =	vst.add.f32.msk $0xffff, v12;
	(pc) =	sbr.rel @p0 .LBB2_34-.Ltmp16, $4  }
0x2b8: {  	[tilespmem:s29+$0x20] =	vst.add.f32.msk $0xffff, v13  }
0x2b9: {  	[tilespmem:s29+$0x30] =	vst.add.f32.msk $0xffff, v14  }
0x2ba: {  	[tilespmem:s29+$0x40] =	vst.add.f32.msk $0xffff, v15  }
0x2bb: {  	s31 =	sadd.s32 $0x1000, s31;
	[tilespmem:s29+$0x50] =	vst.add.f32.msk $0xffff, v16  }
0x2bc: {  	(v2sf) =	vpush v9, $0xE;
	_ =	sdelay $0xc  }
0x2bd: {  	[tilespmem:s29+$0x60] =	vst.add.f32.msk $0xffff, v10;
	s30 =	simm.s32 $0x0  }
0x2be: {  	v10 =	vld [tilespmem:s30+$0xD470]  }
0x2bf: {  	v11 =	vld [tilespmem:s30+$0xD400];
	s0 =	spop (v2sf)  }
0x2c0: {  	v12 =	vld [tilespmem:s30+$0xD410];
	s28 =	sshll.u32 s0, $0x9;
	s29 =	sshll.u32 s0, $0x7  }
0x2c1: {  	v13 =	vld [tilespmem:s30+$0xD420];
	s28 =	sand.u32 $0xFFFFF000, s28;
	s29 =	sand.u32 $0x380, s29  }
0x2c2: {  	v14 =	vld [tilespmem:s30+$0xD430];
	s28 =	sor.u32 s29, s28  }
0x2c3: {  	v15 =	vld [tilespmem:s30+$0xD440];
	s28 =	sadd.s32 $0x10100, s28  }
0x2c4: {  	v16 =	vld [tilespmem:s30+$0xD450];
	s29 =	sadd.s32 $0x0, s28  }
0x2c5: {  	[tilespmem:s29+$0x70] =	vst.add.f32.msk $0xffff, v10  }
0x2c6: {  	v10 =	vld [tilespmem:s30+$0xD460]  }
0x2c7: {  	s30 =	sld [smem:s0+$0x0];
	[tilespmem:s29+$0x0] =	vst.add.f32.msk $0xffff, v11  }
0x2c8: {  	[tilespmem:s29+$0x10] =	vst.add.f32.msk $0xffff, v12  }
0x2c9: {  	[tilespmem:s29+$0x20] =	vst.add.f32.msk $0xffff, v13  }
0x2ca: {  	[tilespmem:s29+$0x30] =	vst.add.f32.msk $0xffff, v14;
	s30 =	sadd.f32 $1.000000000e+00, s30  }
0x2cb: {  	[tilespmem:s29+$0x40] =	vst.add.f32.msk $0xffff, v15  }
0x2cc: {  	s31 =	simm.s32 $0x1000;
	[tilespmem:s29+$0x50] =	vst.add.f32.msk $0xffff, v16;
	[smem:s0] =	sst s30;
	s30 =	simm.s32 $0x0  }
.LBB2_36:
0x2cd: {  	s0 =	sshra.s32 s31, $0x2;
	s30 =	sadd.s32 $0x8, s30;
	[tilespmem:s29+$0x60] =	vst.add.f32.msk $0xffff, v10  }
0x2ce: {  	v10 =	vld [tilespmem:s0+$0xD470];
	p0 =	slt.u32 s30, $0x18  }
0x2cf: {  	v11 =	vld [tilespmem:s0+$0xD400]  }
0x2d0: {  	v12 =	vld [tilespmem:s0+$0xD410]  }
0x2d1: {  	v13 =	vld [tilespmem:s0+$0xD420]  }
0x2d2: {  	s29 =	sadd.s32 s0, s28;
	v14 =	vld [tilespmem:s0+$0xD430]  }
0x2d3: {  	[tilespmem:s29+$0x70] =	vst.add.f32.msk $0xffff, v10  }
0x2d4: {  	v15 =	vld [tilespmem:s0+$0xD440]  }
0x2d5: {  	v16 =	vld [tilespmem:s0+$0xD450]  }
0x2d6: {  	v10 =	vld [tilespmem:s0+$0xD460]  }
0x2d7: {  	[tilespmem:s29+$0x0] =	vst.add.f32.msk $0xffff, v11  }
.Ltmp17:
0x2d8: {  	[tilespmem:s29+$0x10] =	vst.add.f32.msk $0xffff, v12;
	(pc) =	sbr.rel @p0 .LBB2_36-.Ltmp17, $4  }
0x2d9: {  	[tilespmem:s29+$0x20] =	vst.add.f32.msk $0xffff, v13  }
0x2da: {  	[tilespmem:s29+$0x30] =	vst.add.f32.msk $0xffff, v14  }
0x2db: {  	[tilespmem:s29+$0x40] =	vst.add.f32.msk $0xffff, v15  }
0x2dc: {  	s31 =	sadd.s32 $0x1000, s31;
	[tilespmem:s29+$0x50] =	vst.add.f32.msk $0xffff, v16  }
0x2dd: {  	(v2sf) =	vpush v9, $0xF;
	_ =	sdelay $0xc  }
0x2de: {  	[tilespmem:s29+$0x60] =	vst.add.f32.msk $0xffff, v10;
	s30 =	simm.s32 $0x0  }
0x2df: {  	v9 =	vld [tilespmem:s30+$0xD4F0]  }
0x2e0: {  	v10 =	vld [tilespmem:s30+$0xD480];
	s0 =	spop (v2sf)  }
0x2e1: {  	v11 =	vld [tilespmem:s30+$0xD490];
	s28 =	sshll.u32 s0, $0x9;
	s29 =	sshll.u32 s0, $0x7  }
0x2e2: {  	v12 =	vld [tilespmem:s30+$0xD4A0];
	s28 =	sand.u32 $0xFFFFF000, s28;
	s29 =	sand.u32 $0x380, s29  }
0x2e3: {  	v13 =	vld [tilespmem:s30+$0xD4B0];
	s28 =	sor.u32 s29, s28  }
0x2e4: {  	v14 =	vld [tilespmem:s30+$0xD4C0];
	s28 =	sadd.s32 $0x10100, s28  }
0x2e5: {  	v15 =	vld [tilespmem:s30+$0xD4D0];
	s29 =	sadd.s32 $0x0, s28  }
0x2e6: {  	[tilespmem:s29+$0x70] =	vst.add.f32.msk $0xffff, v9  }
0x2e7: {  	v9 =	vld [tilespmem:s30+$0xD4E0]  }
0x2e8: {  	s30 =	sld [smem:s0+$0x0];
	[tilespmem:s29+$0x0] =	vst.add.f32.msk $0xffff, v10  }
0x2e9: {  	[tilespmem:s29+$0x10] =	vst.add.f32.msk $0xffff, v11  }
0x2ea: {  	[tilespmem:s29+$0x20] =	vst.add.f32.msk $0xffff, v12  }
0x2eb: {  	[tilespmem:s29+$0x30] =	vst.add.f32.msk $0xffff, v13;
	s30 =	sadd.f32 $1.000000000e+00, s30  }
0x2ec: {  	[tilespmem:s29+$0x40] =	vst.add.f32.msk $0xffff, v14  }
0x2ed: {  	s31 =	simm.s32 $0x1000;
	[tilespmem:s29+$0x50] =	vst.add.f32.msk $0xffff, v15;
	[smem:s0] =	sst s30;
	s30 =	simm.s32 $0x0  }
.LBB2_38:
0x2ee: {  	s0 =	sshra.s32 s31, $0x2;
	s30 =	sadd.s32 $0x8, s30;
	[tilespmem:s29+$0x60] =	vst.add.f32.msk $0xffff, v9  }
0x2ef: {  	v9 =	vld [tilespmem:s0+$0xD4F0];
	p0 =	slt.u32 s30, $0x18  }
0x2f0: {  	v10 =	vld [tilespmem:s0+$0xD480]  }
0x2f1: {  	v11 =	vld [tilespmem:s0+$0xD490]  }
0x2f2: {  	v12 =	vld [tilespmem:s0+$0xD4A0]  }
0x2f3: {  	s29 =	sadd.s32 s0, s28;
	v13 =	vld [tilespmem:s0+$0xD4B0]  }
0x2f4: {  	[tilespmem:s29+$0x70] =	vst.add.f32.msk $0xffff, v9  }
0x2f5: {  	v14 =	vld [tilespmem:s0+$0xD4C0]  }
0x2f6: {  	v15 =	vld [tilespmem:s0+$0xD4D0]  }
0x2f7: {  	v9 =	vld [tilespmem:s0+$0xD4E0]  }
0x2f8: {  	[tilespmem:s29+$0x0] =	vst.add.f32.msk $0xffff, v10  }
.Ltmp18:
0x2f9: {  	[tilespmem:s29+$0x10] =	vst.add.f32.msk $0xffff, v11;
	(pc) =	sbr.rel @p0 .LBB2_38-.Ltmp18, $4  }
0x2fa: {  	[tilespmem:s29+$0x20] =	vst.add.f32.msk $0xffff, v12  }
0x2fb: {  	[tilespmem:s29+$0x30] =	vst.add.f32.msk $0xffff, v13  }
0x2fc: {  	[tilespmem:s29+$0x40] =	vst.add.f32.msk $0xffff, v14  }
0x2fd: {  	s31 =	sadd.s32 $0x1000, s31;
	[tilespmem:s29+$0x50] =	vst.add.f32.msk $0xffff, v15  }
0x2fe: {  	s28 =	sshll.u32 s24, $0x1  }
0x2ff: {  	s0 =	sadd.s32 $0x2, s28  }
0x300: {  	p0 =	sge.s32 s0, s25  }
0x301: {  	s0 =	sshll.u32 @!p0 s0, $0x6  }
0x302: {  	[tilespmem:s29+$0x60] =	vst.add.f32.msk $0xffff, v9;
	s0 =	sshra.s32 @!p0 s0, $0x2  }
0x303: {  	v9 =	vld @!p0 [tilespmem:s0+$0x4000];
	_ =	sdelay $0x4  }
0x304: {  	v10 =	vshll.u32 @!p0 v9, $0x2  }
0x305: {  	v11 =	vlaneseq.u32 @!p0;
	v9 =	vand.u32 @!p0 $0x7, v9;
	v10 =	vand.u32 @!p0 $0xFFFFFFE0, v10  }
0x306: {  	v12 =	vshrl.u32 @!p0 v11, $0x3;
	v9 =	vor.u32 @!p0 v9, v10;
	v10 =	vand.u32 @!p0 $0x7, v11  }
0x307: {  	v12 =	vmul.u32 @!p0 $0x8, v12;
	v10 =	vperm.xlane @!p0 v9, v10;
	_ =	sdelay $0x1  }
0x308: {  	v10 =	vadd.s32 @!p0 v12, v10  }
0x309: {  	v11 =	vor.u32 @!p0 $0x8, v11  }
0x30a: {  	v9 =	vperm.xlane @!p0 v9, v11;
	_ =	sdelay $0x1  }
0x30b: {  	vm1 =	vmmov @!p0 $0xffff;
	s29 =	simm.s32 @!p0 $0xC100;
	s0 =	simm.s32 @!p0 $0x0;
	v9 =	vadd.s32 @!p0 v12, v9  }
0x30c: {  	[tilespmem:s29], [sflag:$0x1] =	stream.indirect_vreg.gather @!p0 [hbm4b:s1+s0], $0x80, v10, vm1, $0xb8;
	[tilespmem:$0x15180] =	vst v63  }
0x30d: {  	s29 =	simm.s32 @!p0 $0xC900  }
0x30e: {  	[tilespmem:s29], [sflag:$0x1] =	stream.indirect_vreg.gather @!p0 [hbm4b:s5+s0], $0x80, v10, vm1, $0xb8;
	[tilespmem:$0x15180] =	vst v63  }
0x30f: {  	s29 =	simm.s32 @!p0 $0xD100  }
0x310: {  	[tilespmem:s29], [sflag:$0x1] =	stream.indirect_vreg.gather @!p0 [hbm4b:s1+s0], $0x80, v9, vm1, $0xb8;
	[tilespmem:$0x15180] =	vst v63  }
0x311: {  	s29 =	simm.s32 @!p0 $0xD900  }
0x312: {  	[tilespmem:s29], [sflag:$0x1] =	stream.indirect_vreg.gather @!p0 [hbm4b:s5+s0], $0x80, v9, vm1, $0xb8;
	[tilespmem:$0x15180] =	vst v63  }
0x313: {  	_ =	swait.ge [sflag:s19], $0x2000  }
0x314: {  	[sflag:s19] =	ssyncset.done $0x0  }
0x315: {  	[sflag:s19] =	ssyncadd.s32 $0xFFFFE000  }
0x316: {  	v9 =	vld [tilespmem:s26+$0x8090];
	_ =	sdelay $0x4  }
0x317: {  	v9 =	vsub.s32 v9, v1  }
0x318: {  	(v2sf) =	vpush v9, $0x0;
	_ =	sdelay $0xc  }
0x319: {  	s30 =	simm.s32 $0x0  }
0x31a: {  	v10 =	vld [tilespmem:s30+$0xE170]  }
0x31b: {  	v11 =	vld [tilespmem:s30+$0xE100];
	s0 =	spop (v2sf)  }
0x31c: {  	v63 =	vld [tilespmem:s30+$0xE110];
	s26 =	sshll.u32 s0, $0x9;
	s29 =	sshll.u32 s0, $0x7  }
0x31d: {  	v13 =	vld [tilespmem:s30+$0xE120];
	s26 =	sand.u32 $0xFFFFF000, s26;
	s29 =	sand.u32 $0x380, s29  }
0x31e: {  	v14 =	vld [tilespmem:s30+$0xE130];
	s26 =	sor.u32 s29, s26  }
0x31f: {  	v15 =	vld [tilespmem:s30+$0xE140];
	s26 =	sadd.s32 $0x10100, s26  }
0x320: {  	v16 =	vld [tilespmem:s30+$0xE150];
	s29 =	sadd.s32 $0x0, s26  }
0x321: {  	[tilespmem:s29+$0x70] =	vst.add.f32.msk $0xffff, v10  }
0x322: {  	v10 =	vld [tilespmem:s30+$0xE160]  }
0x323: {  	s30 =	sld [smem:s0+$0x0];
	[tilespmem:s29+$0x0] =	vst.add.f32.msk $0xffff, v11  }
0x324: {  	[tilespmem:s29+$0x10] =	vst.add.f32.msk $0xffff, v63  }
0x325: {  	[tilespmem:s29+$0x20] =	vst.add.f32.msk $0xffff, v13  }
0x326: {  	[tilespmem:s29+$0x30] =	vst.add.f32.msk $0xffff, v14;
	s30 =	sadd.f32 $1.000000000e+00, s30  }
0x327: {  	[tilespmem:s29+$0x40] =	vst.add.f32.msk $0xffff, v15  }
0x328: {  	s31 =	simm.s32 $0x1000;
	[tilespmem:s29+$0x50] =	vst.add.f32.msk $0xffff, v16;
	[smem:s0] =	sst s30;
	s30 =	simm.s32 $0x0  }
.LBB2_40:
0x329: {  	s0 =	sshra.s32 s31, $0x2;
	s30 =	sadd.s32 $0x8, s30;
	[tilespmem:s29+$0x60] =	vst.add.f32.msk $0xffff, v10  }
0x32a: {  	v10 =	vld [tilespmem:s0+$0xE170];
	p0 =	slt.u32 s30, $0x18  }
0x32b: {  	v11 =	vld [tilespmem:s0+$0xE100]  }
0x32c: {  	v12 =	vld [tilespmem:s0+$0xE110]  }
0x32d: {  	v13 =	vld [tilespmem:s0+$0xE120]  }
0x32e: {  	s29 =	sadd.s32 s0, s26;
	v14 =	vld [tilespmem:s0+$0xE130]  }
0x32f: {  	[tilespmem:s29+$0x70] =	vst.add.f32.msk $0xffff, v10  }
0x330: {  	v15 =	vld [tilespmem:s0+$0xE140]  }
0x331: {  	v16 =	vld [tilespmem:s0+$0xE150]  }
0x332: {  	v10 =	vld [tilespmem:s0+$0xE160]  }
0x333: {  	[tilespmem:s29+$0x0] =	vst.add.f32.msk $0xffff, v11  }
.Ltmp19:
0x334: {  	[tilespmem:s29+$0x10] =	vst.add.f32.msk $0xffff, v12;
	(pc) =	sbr.rel @p0 .LBB2_40-.Ltmp19, $4  }
0x335: {  	[tilespmem:s29+$0x20] =	vst.add.f32.msk $0xffff, v13  }
0x336: {  	[tilespmem:s29+$0x30] =	vst.add.f32.msk $0xffff, v14  }
0x337: {  	[tilespmem:s29+$0x40] =	vst.add.f32.msk $0xffff, v15  }
0x338: {  	s31 =	sadd.s32 $0x1000, s31;
	[tilespmem:s29+$0x50] =	vst.add.f32.msk $0xffff, v16  }
0x339: {  	(v2sf) =	vpush v9, $0x1;
	_ =	sdelay $0xc  }
0x33a: {  	[tilespmem:s29+$0x60] =	vst.add.f32.msk $0xffff, v10;
	s30 =	simm.s32 $0x0  }
0x33b: {  	v10 =	vld [tilespmem:s30+$0xE1F0]  }
0x33c: {  	v11 =	vld [tilespmem:s30+$0xE180];
	s0 =	spop (v2sf)  }
0x33d: {  	v12 =	vld [tilespmem:s30+$0xE190];
	s26 =	sshll.u32 s0, $0x9;
	s29 =	sshll.u32 s0, $0x7  }
0x33e: {  	v13 =	vld [tilespmem:s30+$0xE1A0];
	s26 =	sand.u32 $0xFFFFF000, s26;
	s29 =	sand.u32 $0x380, s29  }
0x33f: {  	v14 =	vld [tilespmem:s30+$0xE1B0];
	s26 =	sor.u32 s29, s26  }
0x340: {  	v15 =	vld [tilespmem:s30+$0xE1C0];
	s26 =	sadd.s32 $0x10100, s26  }
0x341: {  	v16 =	vld [tilespmem:s30+$0xE1D0];
	s29 =	sadd.s32 $0x0, s26  }
0x342: {  	[tilespmem:s29+$0x70] =	vst.add.f32.msk $0xffff, v10  }
0x343: {  	v10 =	vld [tilespmem:s30+$0xE1E0]  }
0x344: {  	s30 =	sld [smem:s0+$0x0];
	[tilespmem:s29+$0x0] =	vst.add.f32.msk $0xffff, v11  }
0x345: {  	[tilespmem:s29+$0x10] =	vst.add.f32.msk $0xffff, v12  }
0x346: {  	[tilespmem:s29+$0x20] =	vst.add.f32.msk $0xffff, v13  }
0x347: {  	[tilespmem:s29+$0x30] =	vst.add.f32.msk $0xffff, v14;
	s30 =	sadd.f32 $1.000000000e+00, s30  }
0x348: {  	[tilespmem:s29+$0x40] =	vst.add.f32.msk $0xffff, v15  }
0x349: {  	s31 =	simm.s32 $0x1000;
	[tilespmem:s29+$0x50] =	vst.add.f32.msk $0xffff, v16;
	[smem:s0] =	sst s30;
	s30 =	simm.s32 $0x0  }
.LBB2_42:
0x34a: {  	s0 =	sshra.s32 s31, $0x2;
	s30 =	sadd.s32 $0x8, s30;
	[tilespmem:s29+$0x60] =	vst.add.f32.msk $0xffff, v10  }
0x34b: {  	v10 =	vld [tilespmem:s0+$0xE1F0];
	p0 =	slt.u32 s30, $0x18  }
0x34c: {  	v11 =	vld [tilespmem:s0+$0xE180]  }
0x34d: {  	v12 =	vld [tilespmem:s0+$0xE190]  }
0x34e: {  	v13 =	vld [tilespmem:s0+$0xE1A0]  }
0x34f: {  	s29 =	sadd.s32 s0, s26;
	v14 =	vld [tilespmem:s0+$0xE1B0]  }
0x350: {  	[tilespmem:s29+$0x70] =	vst.add.f32.msk $0xffff, v10  }
0x351: {  	v15 =	vld [tilespmem:s0+$0xE1C0]  }
0x352: {  	v16 =	vld [tilespmem:s0+$0xE1D0]  }
0x353: {  	v10 =	vld [tilespmem:s0+$0xE1E0]  }
0x354: {  	[tilespmem:s29+$0x0] =	vst.add.f32.msk $0xffff, v11  }
.Ltmp20:
0x355: {  	[tilespmem:s29+$0x10] =	vst.add.f32.msk $0xffff, v12;
	(pc) =	sbr.rel @p0 .LBB2_42-.Ltmp20, $4  }
0x356: {  	[tilespmem:s29+$0x20] =	vst.add.f32.msk $0xffff, v13  }
0x357: {  	[tilespmem:s29+$0x30] =	vst.add.f32.msk $0xffff, v14  }
0x358: {  	[tilespmem:s29+$0x40] =	vst.add.f32.msk $0xffff, v15  }
0x359: {  	s31 =	sadd.s32 $0x1000, s31;
	[tilespmem:s29+$0x50] =	vst.add.f32.msk $0xffff, v16  }
0x35a: {  	(v2sf) =	vpush v9, $0x2;
	_ =	sdelay $0xc  }
0x35b: {  	[tilespmem:s29+$0x60] =	vst.add.f32.msk $0xffff, v10;
	s30 =	simm.s32 $0x0  }
0x35c: {  	v10 =	vld [tilespmem:s30+$0xE270]  }
0x35d: {  	v11 =	vld [tilespmem:s30+$0xE200];
	s0 =	spop (v2sf)  }
0x35e: {  	v12 =	vld [tilespmem:s30+$0xE210];
	s26 =	sshll.u32 s0, $0x9;
	s29 =	sshll.u32 s0, $0x7  }
0x35f: {  	v13 =	vld [tilespmem:s30+$0xE220];
	s26 =	sand.u32 $0xFFFFF000, s26;
	s29 =	sand.u32 $0x380, s29  }
0x360: {  	v14 =	vld [tilespmem:s30+$0xE230];
	s26 =	sor.u32 s29, s26  }
0x361: {  	v15 =	vld [tilespmem:s30+$0xE240];
	s26 =	sadd.s32 $0x10100, s26  }
0x362: {  	v16 =	vld [tilespmem:s30+$0xE250];
	s29 =	sadd.s32 $0x0, s26  }
0x363: {  	[tilespmem:s29+$0x70] =	vst.add.f32.msk $0xffff, v10  }
0x364: {  	v10 =	vld [tilespmem:s30+$0xE260]  }
0x365: {  	s30 =	sld [smem:s0+$0x0];
	[tilespmem:s29+$0x0] =	vst.add.f32.msk $0xffff, v11  }
0x366: {  	[tilespmem:s29+$0x10] =	vst.add.f32.msk $0xffff, v12  }
0x367: {  	[tilespmem:s29+$0x20] =	vst.add.f32.msk $0xffff, v13  }
0x368: {  	[tilespmem:s29+$0x30] =	vst.add.f32.msk $0xffff, v14;
	s30 =	sadd.f32 $1.000000000e+00, s30  }
0x369: {  	[tilespmem:s29+$0x40] =	vst.add.f32.msk $0xffff, v15  }
0x36a: {  	s31 =	simm.s32 $0x1000;
	[tilespmem:s29+$0x50] =	vst.add.f32.msk $0xffff, v16;
	[smem:s0] =	sst s30;
	s30 =	simm.s32 $0x0  }
.LBB2_44:
0x36b: {  	s0 =	sshra.s32 s31, $0x2;
	s30 =	sadd.s32 $0x8, s30;
	[tilespmem:s29+$0x60] =	vst.add.f32.msk $0xffff, v10  }
0x36c: {  	v10 =	vld [tilespmem:s0+$0xE270];
	p0 =	slt.u32 s30, $0x18  }
0x36d: {  	v11 =	vld [tilespmem:s0+$0xE200]  }
0x36e: {  	v12 =	vld [tilespmem:s0+$0xE210]  }
0x36f: {  	v13 =	vld [tilespmem:s0+$0xE220]  }
0x370: {  	s29 =	sadd.s32 s0, s26;
	v14 =	vld [tilespmem:s0+$0xE230]  }
0x371: {  	[tilespmem:s29+$0x70] =	vst.add.f32.msk $0xffff, v10  }
0x372: {  	v15 =	vld [tilespmem:s0+$0xE240]  }
0x373: {  	v16 =	vld [tilespmem:s0+$0xE250]  }
0x374: {  	v10 =	vld [tilespmem:s0+$0xE260]  }
0x375: {  	[tilespmem:s29+$0x0] =	vst.add.f32.msk $0xffff, v11  }
.Ltmp21:
0x376: {  	[tilespmem:s29+$0x10] =	vst.add.f32.msk $0xffff, v12;
	(pc) =	sbr.rel @p0 .LBB2_44-.Ltmp21, $4  }
0x377: {  	[tilespmem:s29+$0x20] =	vst.add.f32.msk $0xffff, v13  }
0x378: {  	[tilespmem:s29+$0x30] =	vst.add.f32.msk $0xffff, v14  }
0x379: {  	[tilespmem:s29+$0x40] =	vst.add.f32.msk $0xffff, v15  }
0x37a: {  	s31 =	sadd.s32 $0x1000, s31;
	[tilespmem:s29+$0x50] =	vst.add.f32.msk $0xffff, v16  }
0x37b: {  	(v2sf) =	vpush v9, $0x3;
	_ =	sdelay $0xc  }
0x37c: {  	[tilespmem:s29+$0x60] =	vst.add.f32.msk $0xffff, v10;
	s30 =	simm.s32 $0x0  }
0x37d: {  	v10 =	vld [tilespmem:s30+$0xE2F0]  }
0x37e: {  	v11 =	vld [tilespmem:s30+$0xE280];
	s0 =	spop (v2sf)  }
0x37f: {  	v12 =	vld [tilespmem:s30+$0xE290];
	s26 =	sshll.u32 s0, $0x9;
	s29 =	sshll.u32 s0, $0x7  }
0x380: {  	v13 =	vld [tilespmem:s30+$0xE2A0];
	s26 =	sand.u32 $0xFFFFF000, s26;
	s29 =	sand.u32 $0x380, s29  }
0x381: {  	v14 =	vld [tilespmem:s30+$0xE2B0];
	s26 =	sor.u32 s29, s26  }
0x382: {  	v15 =	vld [tilespmem:s30+$0xE2C0];
	s26 =	sadd.s32 $0x10100, s26  }
0x383: {  	v16 =	vld [tilespmem:s30+$0xE2D0];
	s29 =	sadd.s32 $0x0, s26  }
0x384: {  	[tilespmem:s29+$0x70] =	vst.add.f32.msk $0xffff, v10  }
0x385: {  	v10 =	vld [tilespmem:s30+$0xE2E0]  }
0x386: {  	s30 =	sld [smem:s0+$0x0];
	[tilespmem:s29+$0x0] =	vst.add.f32.msk $0xffff, v11  }
0x387: {  	[tilespmem:s29+$0x10] =	vst.add.f32.msk $0xffff, v12  }
0x388: {  	[tilespmem:s29+$0x20] =	vst.add.f32.msk $0xffff, v13  }
0x389: {  	[tilespmem:s29+$0x30] =	vst.add.f32.msk $0xffff, v14;
	s30 =	sadd.f32 $1.000000000e+00, s30  }
0x38a: {  	[tilespmem:s29+$0x40] =	vst.add.f32.msk $0xffff, v15  }
0x38b: {  	s31 =	simm.s32 $0x1000;
	[tilespmem:s29+$0x50] =	vst.add.f32.msk $0xffff, v16;
	[smem:s0] =	sst s30;
	s30 =	simm.s32 $0x0  }
.LBB2_46:
0x38c: {  	s0 =	sshra.s32 s31, $0x2;
	s30 =	sadd.s32 $0x8, s30;
	[tilespmem:s29+$0x60] =	vst.add.f32.msk $0xffff, v10  }
0x38d: {  	v10 =	vld [tilespmem:s0+$0xE2F0];
	p0 =	slt.u32 s30, $0x18  }
0x38e: {  	v11 =	vld [tilespmem:s0+$0xE280]  }
0x38f: {  	v12 =	vld [tilespmem:s0+$0xE290]  }
0x390: {  	v13 =	vld [tilespmem:s0+$0xE2A0]  }
0x391: {  	s29 =	sadd.s32 s0, s26;
	v14 =	vld [tilespmem:s0+$0xE2B0]  }
0x392: {  	[tilespmem:s29+$0x70] =	vst.add.f32.msk $0xffff, v10  }
0x393: {  	v15 =	vld [tilespmem:s0+$0xE2C0]  }
0x394: {  	v16 =	vld [tilespmem:s0+$0xE2D0]  }
0x395: {  	v10 =	vld [tilespmem:s0+$0xE2E0]  }
0x396: {  	[tilespmem:s29+$0x0] =	vst.add.f32.msk $0xffff, v11  }
.Ltmp22:
0x397: {  	[tilespmem:s29+$0x10] =	vst.add.f32.msk $0xffff, v12;
	(pc) =	sbr.rel @p0 .LBB2_46-.Ltmp22, $4  }
0x398: {  	[tilespmem:s29+$0x20] =	vst.add.f32.msk $0xffff, v13  }
0x399: {  	[tilespmem:s29+$0x30] =	vst.add.f32.msk $0xffff, v14  }
0x39a: {  	[tilespmem:s29+$0x40] =	vst.add.f32.msk $0xffff, v15  }
0x39b: {  	s31 =	sadd.s32 $0x1000, s31;
	[tilespmem:s29+$0x50] =	vst.add.f32.msk $0xffff, v16  }
0x39c: {  	(v2sf) =	vpush v9, $0x4;
	_ =	sdelay $0xc  }
0x39d: {  	[tilespmem:s29+$0x60] =	vst.add.f32.msk $0xffff, v10;
	s30 =	simm.s32 $0x0  }
0x39e: {  	v10 =	vld [tilespmem:s30+$0xE370]  }
0x39f: {  	v11 =	vld [tilespmem:s30+$0xE300];
	s0 =	spop (v2sf)  }
0x3a0: {  	v12 =	vld [tilespmem:s30+$0xE310];
	s26 =	sshll.u32 s0, $0x9;
	s29 =	sshll.u32 s0, $0x7  }
0x3a1: {  	v13 =	vld [tilespmem:s30+$0xE320];
	s26 =	sand.u32 $0xFFFFF000, s26;
	s29 =	sand.u32 $0x380, s29  }
0x3a2: {  	v14 =	vld [tilespmem:s30+$0xE330];
	s26 =	sor.u32 s29, s26  }
0x3a3: {  	v15 =	vld [tilespmem:s30+$0xE340];
	s26 =	sadd.s32 $0x10100, s26  }
0x3a4: {  	v16 =	vld [tilespmem:s30+$0xE350];
	s29 =	sadd.s32 $0x0, s26  }
0x3a5: {  	[tilespmem:s29+$0x70] =	vst.add.f32.msk $0xffff, v10  }
0x3a6: {  	v10 =	vld [tilespmem:s30+$0xE360]  }
0x3a7: {  	s30 =	sld [smem:s0+$0x0];
	[tilespmem:s29+$0x0] =	vst.add.f32.msk $0xffff, v11  }
0x3a8: {  	[tilespmem:s29+$0x10] =	vst.add.f32.msk $0xffff, v12  }
0x3a9: {  	[tilespmem:s29+$0x20] =	vst.add.f32.msk $0xffff, v13  }
0x3aa: {  	[tilespmem:s29+$0x30] =	vst.add.f32.msk $0xffff, v14;
	s30 =	sadd.f32 $1.000000000e+00, s30  }
0x3ab: {  	[tilespmem:s29+$0x40] =	vst.add.f32.msk $0xffff, v15  }
0x3ac: {  	s31 =	simm.s32 $0x1000;
	[tilespmem:s29+$0x50] =	vst.add.f32.msk $0xffff, v16;
	[smem:s0] =	sst s30;
	s30 =	simm.s32 $0x0  }
.LBB2_48:
0x3ad: {  	s0 =	sshra.s32 s31, $0x2;
	s30 =	sadd.s32 $0x8, s30;
	[tilespmem:s29+$0x60] =	vst.add.f32.msk $0xffff, v10  }
0x3ae: {  	v10 =	vld [tilespmem:s0+$0xE370];
	p0 =	slt.u32 s30, $0x18  }
0x3af: {  	v11 =	vld [tilespmem:s0+$0xE300]  }
0x3b0: {  	v12 =	vld [tilespmem:s0+$0xE310]  }
0x3b1: {  	v13 =	vld [tilespmem:s0+$0xE320]  }
0x3b2: {  	s29 =	sadd.s32 s0, s26;
	v14 =	vld [tilespmem:s0+$0xE330]  }
0x3b3: {  	[tilespmem:s29+$0x70] =	vst.add.f32.msk $0xffff, v10  }
0x3b4: {  	v15 =	vld [tilespmem:s0+$0xE340]  }
0x3b5: {  	v16 =	vld [tilespmem:s0+$0xE350]  }
0x3b6: {  	v10 =	vld [tilespmem:s0+$0xE360]  }
0x3b7: {  	[tilespmem:s29+$0x0] =	vst.add.f32.msk $0xffff, v11  }
.Ltmp23:
0x3b8: {  	[tilespmem:s29+$0x10] =	vst.add.f32.msk $0xffff, v12;
	(pc) =	sbr.rel @p0 .LBB2_48-.Ltmp23, $4  }
0x3b9: {  	[tilespmem:s29+$0x20] =	vst.add.f32.msk $0xffff, v13  }
0x3ba: {  	[tilespmem:s29+$0x30] =	vst.add.f32.msk $0xffff, v14  }
0x3bb: {  	[tilespmem:s29+$0x40] =	vst.add.f32.msk $0xffff, v15  }
0x3bc: {  	s31 =	sadd.s32 $0x1000, s31;
	[tilespmem:s29+$0x50] =	vst.add.f32.msk $0xffff, v16  }
0x3bd: {  	(v2sf) =	vpush v9, $0x5;
	_ =	sdelay $0xc  }
0x3be: {  	[tilespmem:s29+$0x60] =	vst.add.f32.msk $0xffff, v10;
	s30 =	simm.s32 $0x0  }
0x3bf: {  	v10 =	vld [tilespmem:s30+$0xE3F0]  }
0x3c0: {  	v11 =	vld [tilespmem:s30+$0xE380];
	s0 =	spop (v2sf)  }
0x3c1: {  	v12 =	vld [tilespmem:s30+$0xE390];
	s26 =	sshll.u32 s0, $0x9;
	s29 =	sshll.u32 s0, $0x7  }
0x3c2: {  	v13 =	vld [tilespmem:s30+$0xE3A0];
	s26 =	sand.u32 $0xFFFFF000, s26;
	s29 =	sand.u32 $0x380, s29  }
0x3c3: {  	v14 =	vld [tilespmem:s30+$0xE3B0];
	s26 =	sor.u32 s29, s26  }
0x3c4: {  	v15 =	vld [tilespmem:s30+$0xE3C0];
	s26 =	sadd.s32 $0x10100, s26  }
0x3c5: {  	v16 =	vld [tilespmem:s30+$0xE3D0];
	s29 =	sadd.s32 $0x0, s26  }
0x3c6: {  	[tilespmem:s29+$0x70] =	vst.add.f32.msk $0xffff, v10  }
0x3c7: {  	v10 =	vld [tilespmem:s30+$0xE3E0]  }
0x3c8: {  	s30 =	sld [smem:s0+$0x0];
	[tilespmem:s29+$0x0] =	vst.add.f32.msk $0xffff, v11  }
0x3c9: {  	[tilespmem:s29+$0x10] =	vst.add.f32.msk $0xffff, v12  }
0x3ca: {  	[tilespmem:s29+$0x20] =	vst.add.f32.msk $0xffff, v13  }
0x3cb: {  	[tilespmem:s29+$0x30] =	vst.add.f32.msk $0xffff, v14;
	s30 =	sadd.f32 $1.000000000e+00, s30  }
0x3cc: {  	[tilespmem:s29+$0x40] =	vst.add.f32.msk $0xffff, v15  }
0x3cd: {  	s31 =	simm.s32 $0x1000;
	[tilespmem:s29+$0x50] =	vst.add.f32.msk $0xffff, v16;
	[smem:s0] =	sst s30;
	s30 =	simm.s32 $0x0  }
.LBB2_50:
0x3ce: {  	s0 =	sshra.s32 s31, $0x2;
	s30 =	sadd.s32 $0x8, s30;
	[tilespmem:s29+$0x60] =	vst.add.f32.msk $0xffff, v10  }
0x3cf: {  	v10 =	vld [tilespmem:s0+$0xE3F0];
	p0 =	slt.u32 s30, $0x18  }
0x3d0: {  	v11 =	vld [tilespmem:s0+$0xE380]  }
0x3d1: {  	v12 =	vld [tilespmem:s0+$0xE390]  }
0x3d2: {  	v13 =	vld [tilespmem:s0+$0xE3A0]  }
0x3d3: {  	s29 =	sadd.s32 s0, s26;
	v14 =	vld [tilespmem:s0+$0xE3B0]  }
0x3d4: {  	[tilespmem:s29+$0x70] =	vst.add.f32.msk $0xffff, v10  }
0x3d5: {  	v15 =	vld [tilespmem:s0+$0xE3C0]  }
0x3d6: {  	v16 =	vld [tilespmem:s0+$0xE3D0]  }
0x3d7: {  	v10 =	vld [tilespmem:s0+$0xE3E0]  }
0x3d8: {  	[tilespmem:s29+$0x0] =	vst.add.f32.msk $0xffff, v11  }
.Ltmp24:
0x3d9: {  	[tilespmem:s29+$0x10] =	vst.add.f32.msk $0xffff, v12;
	(pc) =	sbr.rel @p0 .LBB2_50-.Ltmp24, $4  }
0x3da: {  	[tilespmem:s29+$0x20] =	vst.add.f32.msk $0xffff, v13  }
0x3db: {  	[tilespmem:s29+$0x30] =	vst.add.f32.msk $0xffff, v14  }
0x3dc: {  	[tilespmem:s29+$0x40] =	vst.add.f32.msk $0xffff, v15  }
0x3dd: {  	s31 =	sadd.s32 $0x1000, s31;
	[tilespmem:s29+$0x50] =	vst.add.f32.msk $0xffff, v16  }
0x3de: {  	(v2sf) =	vpush v9, $0x6;
	_ =	sdelay $0xc  }
0x3df: {  	[tilespmem:s29+$0x60] =	vst.add.f32.msk $0xffff, v10;
	s30 =	simm.s32 $0x0  }
0x3e0: {  	v10 =	vld [tilespmem:s30+$0xE470]  }
0x3e1: {  	v11 =	vld [tilespmem:s30+$0xE400];
	s0 =	spop (v2sf)  }
0x3e2: {  	v12 =	vld [tilespmem:s30+$0xE410];
	s26 =	sshll.u32 s0, $0x9;
	s29 =	sshll.u32 s0, $0x7  }
0x3e3: {  	v13 =	vld [tilespmem:s30+$0xE420];
	s26 =	sand.u32 $0xFFFFF000, s26;
	s29 =	sand.u32 $0x380, s29  }
0x3e4: {  	v14 =	vld [tilespmem:s30+$0xE430];
	s26 =	sor.u32 s29, s26  }
0x3e5: {  	v15 =	vld [tilespmem:s30+$0xE440];
	s26 =	sadd.s32 $0x10100, s26  }
0x3e6: {  	v16 =	vld [tilespmem:s30+$0xE450];
	s29 =	sadd.s32 $0x0, s26  }
0x3e7: {  	[tilespmem:s29+$0x70] =	vst.add.f32.msk $0xffff, v10  }
0x3e8: {  	v10 =	vld [tilespmem:s30+$0xE460]  }
0x3e9: {  	s30 =	sld [smem:s0+$0x0];
	[tilespmem:s29+$0x0] =	vst.add.f32.msk $0xffff, v11  }
0x3ea: {  	[tilespmem:s29+$0x10] =	vst.add.f32.msk $0xffff, v12  }
0x3eb: {  	[tilespmem:s29+$0x20] =	vst.add.f32.msk $0xffff, v13  }
0x3ec: {  	[tilespmem:s29+$0x30] =	vst.add.f32.msk $0xffff, v14;
	s30 =	sadd.f32 $1.000000000e+00, s30  }
0x3ed: {  	[tilespmem:s29+$0x40] =	vst.add.f32.msk $0xffff, v15  }
0x3ee: {  	s31 =	simm.s32 $0x1000;
	[tilespmem:s29+$0x50] =	vst.add.f32.msk $0xffff, v16;
	[smem:s0] =	sst s30;
	s30 =	simm.s32 $0x0  }
.LBB2_52:
0x3ef: {  	s0 =	sshra.s32 s31, $0x2;
	s30 =	sadd.s32 $0x8, s30;
	[tilespmem:s29+$0x60] =	vst.add.f32.msk $0xffff, v10  }
0x3f0: {  	v10 =	vld [tilespmem:s0+$0xE470];
	p0 =	slt.u32 s30, $0x18  }
0x3f1: {  	v11 =	vld [tilespmem:s0+$0xE400]  }
0x3f2: {  	v12 =	vld [tilespmem:s0+$0xE410]  }
0x3f3: {  	v13 =	vld [tilespmem:s0+$0xE420]  }
0x3f4: {  	s29 =	sadd.s32 s0, s26;
	v14 =	vld [tilespmem:s0+$0xE430]  }
0x3f5: {  	[tilespmem:s29+$0x70] =	vst.add.f32.msk $0xffff, v10  }
0x3f6: {  	v15 =	vld [tilespmem:s0+$0xE440]  }
0x3f7: {  	v16 =	vld [tilespmem:s0+$0xE450]  }
0x3f8: {  	v10 =	vld [tilespmem:s0+$0xE460]  }
0x3f9: {  	[tilespmem:s29+$0x0] =	vst.add.f32.msk $0xffff, v11  }
.Ltmp25:
0x3fa: {  	[tilespmem:s29+$0x10] =	vst.add.f32.msk $0xffff, v12;
	(pc) =	sbr.rel @p0 .LBB2_52-.Ltmp25, $4  }
0x3fb: {  	[tilespmem:s29+$0x20] =	vst.add.f32.msk $0xffff, v13  }
0x3fc: {  	[tilespmem:s29+$0x30] =	vst.add.f32.msk $0xffff, v14  }
0x3fd: {  	[tilespmem:s29+$0x40] =	vst.add.f32.msk $0xffff, v15  }
0x3fe: {  	s31 =	sadd.s32 $0x1000, s31;
	[tilespmem:s29+$0x50] =	vst.add.f32.msk $0xffff, v16  }
0x3ff: {  	(v2sf) =	vpush v9, $0x7;
	_ =	sdelay $0xc  }
0x400: {  	[tilespmem:s29+$0x60] =	vst.add.f32.msk $0xffff, v10;
	s30 =	simm.s32 $0x0  }
0x401: {  	v10 =	vld [tilespmem:s30+$0xE4F0]  }
0x402: {  	v11 =	vld [tilespmem:s30+$0xE480];
	s0 =	spop (v2sf)  }
0x403: {  	v12 =	vld [tilespmem:s30+$0xE490];
	s26 =	sshll.u32 s0, $0x9;
	s29 =	sshll.u32 s0, $0x7  }
0x404: {  	v13 =	vld [tilespmem:s30+$0xE4A0];
	s26 =	sand.u32 $0xFFFFF000, s26;
	s29 =	sand.u32 $0x380, s29  }
0x405: {  	v14 =	vld [tilespmem:s30+$0xE4B0];
	s26 =	sor.u32 s29, s26  }
0x406: {  	v15 =	vld [tilespmem:s30+$0xE4C0];
	s26 =	sadd.s32 $0x10100, s26  }
0x407: {  	v16 =	vld [tilespmem:s30+$0xE4D0];
	s29 =	sadd.s32 $0x0, s26  }
0x408: {  	[tilespmem:s29+$0x70] =	vst.add.f32.msk $0xffff, v10  }
0x409: {  	v10 =	vld [tilespmem:s30+$0xE4E0]  }
0x40a: {  	s30 =	sld [smem:s0+$0x0];
	[tilespmem:s29+$0x0] =	vst.add.f32.msk $0xffff, v11  }
0x40b: {  	[tilespmem:s29+$0x10] =	vst.add.f32.msk $0xffff, v12  }
0x40c: {  	[tilespmem:s29+$0x20] =	vst.add.f32.msk $0xffff, v13  }
0x40d: {  	[tilespmem:s29+$0x30] =	vst.add.f32.msk $0xffff, v14;
	s30 =	sadd.f32 $1.000000000e+00, s30  }
0x40e: {  	[tilespmem:s29+$0x40] =	vst.add.f32.msk $0xffff, v15  }
0x40f: {  	s31 =	simm.s32 $0x1000;
	[tilespmem:s29+$0x50] =	vst.add.f32.msk $0xffff, v16;
	[smem:s0] =	sst s30;
	s30 =	simm.s32 $0x0  }
.LBB2_54:
0x410: {  	s0 =	sshra.s32 s31, $0x2;
	s30 =	sadd.s32 $0x8, s30;
	[tilespmem:s29+$0x60] =	vst.add.f32.msk $0xffff, v10  }
0x411: {  	v10 =	vld [tilespmem:s0+$0xE4F0];
	p0 =	slt.u32 s30, $0x18  }
0x412: {  	v11 =	vld [tilespmem:s0+$0xE480]  }
0x413: {  	v12 =	vld [tilespmem:s0+$0xE490]  }
0x414: {  	v13 =	vld [tilespmem:s0+$0xE4A0]  }
0x415: {  	s29 =	sadd.s32 s0, s26;
	v14 =	vld [tilespmem:s0+$0xE4B0]  }
0x416: {  	[tilespmem:s29+$0x70] =	vst.add.f32.msk $0xffff, v10  }
0x417: {  	v15 =	vld [tilespmem:s0+$0xE4C0]  }
0x418: {  	v16 =	vld [tilespmem:s0+$0xE4D0]  }
0x419: {  	v10 =	vld [tilespmem:s0+$0xE4E0]  }
0x41a: {  	[tilespmem:s29+$0x0] =	vst.add.f32.msk $0xffff, v11  }
.Ltmp26:
0x41b: {  	[tilespmem:s29+$0x10] =	vst.add.f32.msk $0xffff, v12;
	(pc) =	sbr.rel @p0 .LBB2_54-.Ltmp26, $4  }
0x41c: {  	[tilespmem:s29+$0x20] =	vst.add.f32.msk $0xffff, v13  }
0x41d: {  	[tilespmem:s29+$0x30] =	vst.add.f32.msk $0xffff, v14  }
0x41e: {  	[tilespmem:s29+$0x40] =	vst.add.f32.msk $0xffff, v15  }
0x41f: {  	s31 =	sadd.s32 $0x1000, s31;
	[tilespmem:s29+$0x50] =	vst.add.f32.msk $0xffff, v16  }
0x420: {  	(v2sf) =	vpush v9, $0x8;
	_ =	sdelay $0xc  }
0x421: {  	[tilespmem:s29+$0x60] =	vst.add.f32.msk $0xffff, v10;
	s30 =	simm.s32 $0x0  }
0x422: {  	v10 =	vld [tilespmem:s30+$0xF170]  }
0x423: {  	v11 =	vld [tilespmem:s30+$0xF100];
	s0 =	spop (v2sf)  }
0x424: {  	v12 =	vld [tilespmem:s30+$0xF110];
	s26 =	sshll.u32 s0, $0x9;
	s29 =	sshll.u32 s0, $0x7  }
0x425: {  	v13 =	vld [tilespmem:s30+$0xF120];
	s26 =	sand.u32 $0xFFFFF000, s26;
	s29 =	sand.u32 $0x380, s29  }
0x426: {  	v14 =	vld [tilespmem:s30+$0xF130];
	s26 =	sor.u32 s29, s26  }
0x427: {  	v15 =	vld [tilespmem:s30+$0xF140];
	s26 =	sadd.s32 $0x10100, s26  }
0x428: {  	v16 =	vld [tilespmem:s30+$0xF150];
	s29 =	sadd.s32 $0x0, s26  }
0x429: {  	[tilespmem:s29+$0x70] =	vst.add.f32.msk $0xffff, v10  }
0x42a: {  	v10 =	vld [tilespmem:s30+$0xF160]  }
0x42b: {  	s30 =	sld [smem:s0+$0x0];
	[tilespmem:s29+$0x0] =	vst.add.f32.msk $0xffff, v11  }
0x42c: {  	[tilespmem:s29+$0x10] =	vst.add.f32.msk $0xffff, v12  }
0x42d: {  	[tilespmem:s29+$0x20] =	vst.add.f32.msk $0xffff, v13  }
0x42e: {  	[tilespmem:s29+$0x30] =	vst.add.f32.msk $0xffff, v14;
	s30 =	sadd.f32 $1.000000000e+00, s30  }
0x42f: {  	[tilespmem:s29+$0x40] =	vst.add.f32.msk $0xffff, v15  }
0x430: {  	s31 =	simm.s32 $0x1000;
	[tilespmem:s29+$0x50] =	vst.add.f32.msk $0xffff, v16;
	[smem:s0] =	sst s30;
	s30 =	simm.s32 $0x0  }
.LBB2_56:
0x431: {  	s0 =	sshra.s32 s31, $0x2;
	s30 =	sadd.s32 $0x8, s30;
	[tilespmem:s29+$0x60] =	vst.add.f32.msk $0xffff, v10  }
0x432: {  	v10 =	vld [tilespmem:s0+$0xF170];
	p0 =	slt.u32 s30, $0x18  }
0x433: {  	v11 =	vld [tilespmem:s0+$0xF100]  }
0x434: {  	v12 =	vld [tilespmem:s0+$0xF110]  }
0x435: {  	v13 =	vld [tilespmem:s0+$0xF120]  }
0x436: {  	s29 =	sadd.s32 s0, s26;
	v14 =	vld [tilespmem:s0+$0xF130]  }
0x437: {  	[tilespmem:s29+$0x70] =	vst.add.f32.msk $0xffff, v10  }
0x438: {  	v15 =	vld [tilespmem:s0+$0xF140]  }
0x439: {  	v16 =	vld [tilespmem:s0+$0xF150]  }
0x43a: {  	v10 =	vld [tilespmem:s0+$0xF160]  }
0x43b: {  	[tilespmem:s29+$0x0] =	vst.add.f32.msk $0xffff, v11  }
.Ltmp27:
0x43c: {  	[tilespmem:s29+$0x10] =	vst.add.f32.msk $0xffff, v12;
	(pc) =	sbr.rel @p0 .LBB2_56-.Ltmp27, $4  }
0x43d: {  	[tilespmem:s29+$0x20] =	vst.add.f32.msk $0xffff, v13  }
0x43e: {  	[tilespmem:s29+$0x30] =	vst.add.f32.msk $0xffff, v14  }
0x43f: {  	[tilespmem:s29+$0x40] =	vst.add.f32.msk $0xffff, v15  }
0x440: {  	s31 =	sadd.s32 $0x1000, s31;
	[tilespmem:s29+$0x50] =	vst.add.f32.msk $0xffff, v16  }
0x441: {  	(v2sf) =	vpush v9, $0x9;
	_ =	sdelay $0xc  }
0x442: {  	[tilespmem:s29+$0x60] =	vst.add.f32.msk $0xffff, v10;
	s30 =	simm.s32 $0x0  }
0x443: {  	v10 =	vld [tilespmem:s30+$0xF1F0]  }
0x444: {  	v11 =	vld [tilespmem:s30+$0xF180];
	s0 =	spop (v2sf)  }
0x445: {  	v12 =	vld [tilespmem:s30+$0xF190];
	s26 =	sshll.u32 s0, $0x9;
	s29 =	sshll.u32 s0, $0x7  }
0x446: {  	v13 =	vld [tilespmem:s30+$0xF1A0];
	s26 =	sand.u32 $0xFFFFF000, s26;
	s29 =	sand.u32 $0x380, s29  }
0x447: {  	v14 =	vld [tilespmem:s30+$0xF1B0];
	s26 =	sor.u32 s29, s26  }
0x448: {  	v15 =	vld [tilespmem:s30+$0xF1C0];
	s26 =	sadd.s32 $0x10100, s26  }
0x449: {  	v16 =	vld [tilespmem:s30+$0xF1D0];
	s29 =	sadd.s32 $0x0, s26  }
0x44a: {  	[tilespmem:s29+$0x70] =	vst.add.f32.msk $0xffff, v10  }
0x44b: {  	v10 =	vld [tilespmem:s30+$0xF1E0]  }
0x44c: {  	s30 =	sld [smem:s0+$0x0];
	[tilespmem:s29+$0x0] =	vst.add.f32.msk $0xffff, v11  }
0x44d: {  	[tilespmem:s29+$0x10] =	vst.add.f32.msk $0xffff, v12  }
0x44e: {  	[tilespmem:s29+$0x20] =	vst.add.f32.msk $0xffff, v13  }
0x44f: {  	[tilespmem:s29+$0x30] =	vst.add.f32.msk $0xffff, v14;
	s30 =	sadd.f32 $1.000000000e+00, s30  }
0x450: {  	[tilespmem:s29+$0x40] =	vst.add.f32.msk $0xffff, v15  }
0x451: {  	s31 =	simm.s32 $0x1000;
	[tilespmem:s29+$0x50] =	vst.add.f32.msk $0xffff, v16;
	[smem:s0] =	sst s30;
	s30 =	simm.s32 $0x0  }
.LBB2_58:
0x452: {  	s0 =	sshra.s32 s31, $0x2;
	s30 =	sadd.s32 $0x8, s30;
	[tilespmem:s29+$0x60] =	vst.add.f32.msk $0xffff, v10  }
0x453: {  	v10 =	vld [tilespmem:s0+$0xF1F0];
	p0 =	slt.u32 s30, $0x18  }
0x454: {  	v11 =	vld [tilespmem:s0+$0xF180]  }
0x455: {  	v12 =	vld [tilespmem:s0+$0xF190]  }
0x456: {  	v13 =	vld [tilespmem:s0+$0xF1A0]  }
0x457: {  	s29 =	sadd.s32 s0, s26;
	v14 =	vld [tilespmem:s0+$0xF1B0]  }
0x458: {  	[tilespmem:s29+$0x70] =	vst.add.f32.msk $0xffff, v10  }
0x459: {  	v15 =	vld [tilespmem:s0+$0xF1C0]  }
0x45a: {  	v16 =	vld [tilespmem:s0+$0xF1D0]  }
0x45b: {  	v10 =	vld [tilespmem:s0+$0xF1E0]  }
0x45c: {  	[tilespmem:s29+$0x0] =	vst.add.f32.msk $0xffff, v11  }
.Ltmp28:
0x45d: {  	[tilespmem:s29+$0x10] =	vst.add.f32.msk $0xffff, v12;
	(pc) =	sbr.rel @p0 .LBB2_58-.Ltmp28, $4  }
0x45e: {  	[tilespmem:s29+$0x20] =	vst.add.f32.msk $0xffff, v13  }
0x45f: {  	[tilespmem:s29+$0x30] =	vst.add.f32.msk $0xffff, v14  }
0x460: {  	[tilespmem:s29+$0x40] =	vst.add.f32.msk $0xffff, v15  }
0x461: {  	s31 =	sadd.s32 $0x1000, s31;
	[tilespmem:s29+$0x50] =	vst.add.f32.msk $0xffff, v16  }
0x462: {  	(v2sf) =	vpush v9, $0xA;
	_ =	sdelay $0xc  }
0x463: {  	[tilespmem:s29+$0x60] =	vst.add.f32.msk $0xffff, v10;
	s30 =	simm.s32 $0x0  }
0x464: {  	v10 =	vld [tilespmem:s30+$0xF270]  }
0x465: {  	v11 =	vld [tilespmem:s30+$0xF200];
	s0 =	spop (v2sf)  }
0x466: {  	v12 =	vld [tilespmem:s30+$0xF210];
	s26 =	sshll.u32 s0, $0x9;
	s29 =	sshll.u32 s0, $0x7  }
0x467: {  	v13 =	vld [tilespmem:s30+$0xF220];
	s26 =	sand.u32 $0xFFFFF000, s26;
	s29 =	sand.u32 $0x380, s29  }
0x468: {  	v14 =	vld [tilespmem:s30+$0xF230];
	s26 =	sor.u32 s29, s26  }
0x469: {  	v15 =	vld [tilespmem:s30+$0xF240];
	s26 =	sadd.s32 $0x10100, s26  }
0x46a: {  	v16 =	vld [tilespmem:s30+$0xF250];
	s29 =	sadd.s32 $0x0, s26  }
0x46b: {  	[tilespmem:s29+$0x70] =	vst.add.f32.msk $0xffff, v10  }
0x46c: {  	v10 =	vld [tilespmem:s30+$0xF260]  }
0x46d: {  	s30 =	sld [smem:s0+$0x0];
	[tilespmem:s29+$0x0] =	vst.add.f32.msk $0xffff, v11  }
0x46e: {  	[tilespmem:s29+$0x10] =	vst.add.f32.msk $0xffff, v12  }
0x46f: {  	[tilespmem:s29+$0x20] =	vst.add.f32.msk $0xffff, v13  }
0x470: {  	[tilespmem:s29+$0x30] =	vst.add.f32.msk $0xffff, v14;
	s30 =	sadd.f32 $1.000000000e+00, s30  }
0x471: {  	[tilespmem:s29+$0x40] =	vst.add.f32.msk $0xffff, v15  }
0x472: {  	s31 =	simm.s32 $0x1000;
	[tilespmem:s29+$0x50] =	vst.add.f32.msk $0xffff, v16;
	[smem:s0] =	sst s30;
	s30 =	simm.s32 $0x0  }
.LBB2_60:
0x473: {  	s0 =	sshra.s32 s31, $0x2;
	s30 =	sadd.s32 $0x8, s30;
	[tilespmem:s29+$0x60] =	vst.add.f32.msk $0xffff, v10  }
0x474: {  	v10 =	vld [tilespmem:s0+$0xF270];
	p0 =	slt.u32 s30, $0x18  }
0x475: {  	v11 =	vld [tilespmem:s0+$0xF200]  }
0x476: {  	v12 =	vld [tilespmem:s0+$0xF210]  }
0x477: {  	v13 =	vld [tilespmem:s0+$0xF220]  }
0x478: {  	s29 =	sadd.s32 s0, s26;
	v14 =	vld [tilespmem:s0+$0xF230]  }
0x479: {  	[tilespmem:s29+$0x70] =	vst.add.f32.msk $0xffff, v10  }
0x47a: {  	v15 =	vld [tilespmem:s0+$0xF240]  }
0x47b: {  	v16 =	vld [tilespmem:s0+$0xF250]  }
0x47c: {  	v10 =	vld [tilespmem:s0+$0xF260]  }
0x47d: {  	[tilespmem:s29+$0x0] =	vst.add.f32.msk $0xffff, v11  }
.Ltmp29:
0x47e: {  	[tilespmem:s29+$0x10] =	vst.add.f32.msk $0xffff, v12;
	(pc) =	sbr.rel @p0 .LBB2_60-.Ltmp29, $4  }
0x47f: {  	[tilespmem:s29+$0x20] =	vst.add.f32.msk $0xffff, v13  }
0x480: {  	[tilespmem:s29+$0x30] =	vst.add.f32.msk $0xffff, v14  }
0x481: {  	[tilespmem:s29+$0x40] =	vst.add.f32.msk $0xffff, v15  }
0x482: {  	s31 =	sadd.s32 $0x1000, s31;
	[tilespmem:s29+$0x50] =	vst.add.f32.msk $0xffff, v16  }
0x483: {  	(v2sf) =	vpush v9, $0xB;
	_ =	sdelay $0xc  }
0x484: {  	[tilespmem:s29+$0x60] =	vst.add.f32.msk $0xffff, v10;
	s30 =	simm.s32 $0x0  }
0x485: {  	v10 =	vld [tilespmem:s30+$0xF2F0]  }
0x486: {  	v11 =	vld [tilespmem:s30+$0xF280];
	s0 =	spop (v2sf)  }
0x487: {  	v12 =	vld [tilespmem:s30+$0xF290];
	s26 =	sshll.u32 s0, $0x9;
	s29 =	sshll.u32 s0, $0x7  }
0x488: {  	v13 =	vld [tilespmem:s30+$0xF2A0];
	s26 =	sand.u32 $0xFFFFF000, s26;
	s29 =	sand.u32 $0x380, s29  }
0x489: {  	v14 =	vld [tilespmem:s30+$0xF2B0];
	s26 =	sor.u32 s29, s26  }
0x48a: {  	v15 =	vld [tilespmem:s30+$0xF2C0];
	s26 =	sadd.s32 $0x10100, s26  }
0x48b: {  	v16 =	vld [tilespmem:s30+$0xF2D0];
	s29 =	sadd.s32 $0x0, s26  }
0x48c: {  	[tilespmem:s29+$0x70] =	vst.add.f32.msk $0xffff, v10  }
0x48d: {  	v10 =	vld [tilespmem:s30+$0xF2E0]  }
0x48e: {  	s30 =	sld [smem:s0+$0x0];
	[tilespmem:s29+$0x0] =	vst.add.f32.msk $0xffff, v11  }
0x48f: {  	[tilespmem:s29+$0x10] =	vst.add.f32.msk $0xffff, v12  }
0x490: {  	[tilespmem:s29+$0x20] =	vst.add.f32.msk $0xffff, v13  }
0x491: {  	[tilespmem:s29+$0x30] =	vst.add.f32.msk $0xffff, v14;
	s30 =	sadd.f32 $1.000000000e+00, s30  }
0x492: {  	[tilespmem:s29+$0x40] =	vst.add.f32.msk $0xffff, v15  }
0x493: {  	s31 =	simm.s32 $0x1000;
	[tilespmem:s29+$0x50] =	vst.add.f32.msk $0xffff, v16;
	[smem:s0] =	sst s30;
	s30 =	simm.s32 $0x0  }
.LBB2_62:
0x494: {  	s0 =	sshra.s32 s31, $0x2;
	s30 =	sadd.s32 $0x8, s30;
	[tilespmem:s29+$0x60] =	vst.add.f32.msk $0xffff, v10  }
0x495: {  	v10 =	vld [tilespmem:s0+$0xF2F0];
	p0 =	slt.u32 s30, $0x18  }
0x496: {  	v11 =	vld [tilespmem:s0+$0xF280]  }
0x497: {  	v12 =	vld [tilespmem:s0+$0xF290]  }
0x498: {  	v13 =	vld [tilespmem:s0+$0xF2A0]  }
0x499: {  	s29 =	sadd.s32 s0, s26;
	v14 =	vld [tilespmem:s0+$0xF2B0]  }
0x49a: {  	[tilespmem:s29+$0x70] =	vst.add.f32.msk $0xffff, v10  }
0x49b: {  	v15 =	vld [tilespmem:s0+$0xF2C0]  }
0x49c: {  	v16 =	vld [tilespmem:s0+$0xF2D0]  }
0x49d: {  	v10 =	vld [tilespmem:s0+$0xF2E0]  }
0x49e: {  	[tilespmem:s29+$0x0] =	vst.add.f32.msk $0xffff, v11  }
.Ltmp30:
0x49f: {  	[tilespmem:s29+$0x10] =	vst.add.f32.msk $0xffff, v12;
	(pc) =	sbr.rel @p0 .LBB2_62-.Ltmp30, $4  }
0x4a0: {  	[tilespmem:s29+$0x20] =	vst.add.f32.msk $0xffff, v13  }
0x4a1: {  	[tilespmem:s29+$0x30] =	vst.add.f32.msk $0xffff, v14  }
0x4a2: {  	[tilespmem:s29+$0x40] =	vst.add.f32.msk $0xffff, v15  }
0x4a3: {  	s31 =	sadd.s32 $0x1000, s31;
	[tilespmem:s29+$0x50] =	vst.add.f32.msk $0xffff, v16  }
0x4a4: {  	(v2sf) =	vpush v9, $0xC;
	_ =	sdelay $0xc  }
0x4a5: {  	[tilespmem:s29+$0x60] =	vst.add.f32.msk $0xffff, v10;
	s30 =	simm.s32 $0x0  }
0x4a6: {  	v10 =	vld [tilespmem:s30+$0xF370]  }
0x4a7: {  	v11 =	vld [tilespmem:s30+$0xF300];
	s0 =	spop (v2sf)  }
0x4a8: {  	v12 =	vld [tilespmem:s30+$0xF310];
	s26 =	sshll.u32 s0, $0x9;
	s29 =	sshll.u32 s0, $0x7  }
0x4a9: {  	v13 =	vld [tilespmem:s30+$0xF320];
	s26 =	sand.u32 $0xFFFFF000, s26;
	s29 =	sand.u32 $0x380, s29  }
0x4aa: {  	v14 =	vld [tilespmem:s30+$0xF330];
	s26 =	sor.u32 s29, s26  }
0x4ab: {  	v15 =	vld [tilespmem:s30+$0xF340];
	s26 =	sadd.s32 $0x10100, s26  }
0x4ac: {  	v16 =	vld [tilespmem:s30+$0xF350];
	s29 =	sadd.s32 $0x0, s26  }
0x4ad: {  	[tilespmem:s29+$0x70] =	vst.add.f32.msk $0xffff, v10  }
0x4ae: {  	v10 =	vld [tilespmem:s30+$0xF360]  }
0x4af: {  	s30 =	sld [smem:s0+$0x0];
	[tilespmem:s29+$0x0] =	vst.add.f32.msk $0xffff, v11  }
0x4b0: {  	[tilespmem:s29+$0x10] =	vst.add.f32.msk $0xffff, v12  }
0x4b1: {  	[tilespmem:s29+$0x20] =	vst.add.f32.msk $0xffff, v13  }
0x4b2: {  	[tilespmem:s29+$0x30] =	vst.add.f32.msk $0xffff, v14;
	s30 =	sadd.f32 $1.000000000e+00, s30  }
0x4b3: {  	[tilespmem:s29+$0x40] =	vst.add.f32.msk $0xffff, v15  }
0x4b4: {  	s31 =	simm.s32 $0x1000;
	[tilespmem:s29+$0x50] =	vst.add.f32.msk $0xffff, v16;
	[smem:s0] =	sst s30;
	s30 =	simm.s32 $0x0  }
.LBB2_64:
0x4b5: {  	s0 =	sshra.s32 s31, $0x2;
	s30 =	sadd.s32 $0x8, s30;
	[tilespmem:s29+$0x60] =	vst.add.f32.msk $0xffff, v10  }
0x4b6: {  	v10 =	vld [tilespmem:s0+$0xF370];
	p0 =	slt.u32 s30, $0x18  }
0x4b7: {  	v11 =	vld [tilespmem:s0+$0xF300]  }
0x4b8: {  	v12 =	vld [tilespmem:s0+$0xF310]  }
0x4b9: {  	v13 =	vld [tilespmem:s0+$0xF320]  }
0x4ba: {  	s29 =	sadd.s32 s0, s26;
	v14 =	vld [tilespmem:s0+$0xF330]  }
0x4bb: {  	[tilespmem:s29+$0x70] =	vst.add.f32.msk $0xffff, v10  }
0x4bc: {  	v15 =	vld [tilespmem:s0+$0xF340]  }
0x4bd: {  	v16 =	vld [tilespmem:s0+$0xF350]  }
0x4be: {  	v10 =	vld [tilespmem:s0+$0xF360]  }
0x4bf: {  	[tilespmem:s29+$0x0] =	vst.add.f32.msk $0xffff, v11  }
.Ltmp31:
0x4c0: {  	[tilespmem:s29+$0x10] =	vst.add.f32.msk $0xffff, v12;
	(pc) =	sbr.rel @p0 .LBB2_64-.Ltmp31, $4  }
0x4c1: {  	[tilespmem:s29+$0x20] =	vst.add.f32.msk $0xffff, v13  }
0x4c2: {  	[tilespmem:s29+$0x30] =	vst.add.f32.msk $0xffff, v14  }
0x4c3: {  	[tilespmem:s29+$0x40] =	vst.add.f32.msk $0xffff, v15  }
0x4c4: {  	s31 =	sadd.s32 $0x1000, s31;
	[tilespmem:s29+$0x50] =	vst.add.f32.msk $0xffff, v16  }
0x4c5: {  	(v2sf) =	vpush v9, $0xD;
	_ =	sdelay $0xc  }
0x4c6: {  	[tilespmem:s29+$0x60] =	vst.add.f32.msk $0xffff, v10;
	s30 =	simm.s32 $0x0  }
0x4c7: {  	v10 =	vld [tilespmem:s30+$0xF3F0]  }
0x4c8: {  	v11 =	vld [tilespmem:s30+$0xF380];
	s0 =	spop (v2sf)  }
0x4c9: {  	v12 =	vld [tilespmem:s30+$0xF390];
	s26 =	sshll.u32 s0, $0x9;
	s29 =	sshll.u32 s0, $0x7  }
0x4ca: {  	v13 =	vld [tilespmem:s30+$0xF3A0];
	s26 =	sand.u32 $0xFFFFF000, s26;
	s29 =	sand.u32 $0x380, s29  }
0x4cb: {  	v14 =	vld [tilespmem:s30+$0xF3B0];
	s26 =	sor.u32 s29, s26  }
0x4cc: {  	v15 =	vld [tilespmem:s30+$0xF3C0];
	s26 =	sadd.s32 $0x10100, s26  }
0x4cd: {  	v16 =	vld [tilespmem:s30+$0xF3D0];
	s29 =	sadd.s32 $0x0, s26  }
0x4ce: {  	[tilespmem:s29+$0x70] =	vst.add.f32.msk $0xffff, v10  }
0x4cf: {  	v10 =	vld [tilespmem:s30+$0xF3E0]  }
0x4d0: {  	s30 =	sld [smem:s0+$0x0];
	[tilespmem:s29+$0x0] =	vst.add.f32.msk $0xffff, v11  }
0x4d1: {  	[tilespmem:s29+$0x10] =	vst.add.f32.msk $0xffff, v12  }
0x4d2: {  	[tilespmem:s29+$0x20] =	vst.add.f32.msk $0xffff, v13  }
0x4d3: {  	[tilespmem:s29+$0x30] =	vst.add.f32.msk $0xffff, v14;
	s30 =	sadd.f32 $1.000000000e+00, s30  }
0x4d4: {  	[tilespmem:s29+$0x40] =	vst.add.f32.msk $0xffff, v15  }
0x4d5: {  	s31 =	simm.s32 $0x1000;
	[tilespmem:s29+$0x50] =	vst.add.f32.msk $0xffff, v16;
	[smem:s0] =	sst s30;
	s30 =	simm.s32 $0x0  }
.LBB2_66:
0x4d6: {  	s0 =	sshra.s32 s31, $0x2;
	s30 =	sadd.s32 $0x8, s30;
	[tilespmem:s29+$0x60] =	vst.add.f32.msk $0xffff, v10  }
0x4d7: {  	v10 =	vld [tilespmem:s0+$0xF3F0];
	p0 =	slt.u32 s30, $0x18  }
0x4d8: {  	v11 =	vld [tilespmem:s0+$0xF380]  }
0x4d9: {  	v12 =	vld [tilespmem:s0+$0xF390]  }
0x4da: {  	v13 =	vld [tilespmem:s0+$0xF3A0]  }
0x4db: {  	s29 =	sadd.s32 s0, s26;
	v14 =	vld [tilespmem:s0+$0xF3B0]  }
0x4dc: {  	[tilespmem:s29+$0x70] =	vst.add.f32.msk $0xffff, v10  }
0x4dd: {  	v15 =	vld [tilespmem:s0+$0xF3C0]  }
0x4de: {  	v16 =	vld [tilespmem:s0+$0xF3D0]  }
0x4df: {  	v10 =	vld [tilespmem:s0+$0xF3E0]  }
0x4e0: {  	[tilespmem:s29+$0x0] =	vst.add.f32.msk $0xffff, v11  }
.Ltmp32:
0x4e1: {  	[tilespmem:s29+$0x10] =	vst.add.f32.msk $0xffff, v12;
	(pc) =	sbr.rel @p0 .LBB2_66-.Ltmp32, $4  }
0x4e2: {  	[tilespmem:s29+$0x20] =	vst.add.f32.msk $0xffff, v13  }
0x4e3: {  	[tilespmem:s29+$0x30] =	vst.add.f32.msk $0xffff, v14  }
0x4e4: {  	[tilespmem:s29+$0x40] =	vst.add.f32.msk $0xffff, v15  }
0x4e5: {  	s31 =	sadd.s32 $0x1000, s31;
	[tilespmem:s29+$0x50] =	vst.add.f32.msk $0xffff, v16  }
0x4e6: {  	(v2sf) =	vpush v9, $0xE;
	_ =	sdelay $0xc  }
0x4e7: {  	[tilespmem:s29+$0x60] =	vst.add.f32.msk $0xffff, v10;
	s30 =	simm.s32 $0x0  }
0x4e8: {  	v10 =	vld [tilespmem:s30+$0xF470]  }
0x4e9: {  	v11 =	vld [tilespmem:s30+$0xF400];
	s0 =	spop (v2sf)  }
0x4ea: {  	v12 =	vld [tilespmem:s30+$0xF410];
	s26 =	sshll.u32 s0, $0x9;
	s29 =	sshll.u32 s0, $0x7  }
0x4eb: {  	v13 =	vld [tilespmem:s30+$0xF420];
	s26 =	sand.u32 $0xFFFFF000, s26;
	s29 =	sand.u32 $0x380, s29  }
0x4ec: {  	v14 =	vld [tilespmem:s30+$0xF430];
	s26 =	sor.u32 s29, s26  }
0x4ed: {  	v15 =	vld [tilespmem:s30+$0xF440];
	s26 =	sadd.s32 $0x10100, s26  }
0x4ee: {  	v16 =	vld [tilespmem:s30+$0xF450];
	s29 =	sadd.s32 $0x0, s26  }
0x4ef: {  	[tilespmem:s29+$0x70] =	vst.add.f32.msk $0xffff, v10  }
0x4f0: {  	v10 =	vld [tilespmem:s30+$0xF460]  }
0x4f1: {  	s30 =	sld [smem:s0+$0x0];
	[tilespmem:s29+$0x0] =	vst.add.f32.msk $0xffff, v11  }
0x4f2: {  	[tilespmem:s29+$0x10] =	vst.add.f32.msk $0xffff, v12  }
0x4f3: {  	[tilespmem:s29+$0x20] =	vst.add.f32.msk $0xffff, v13  }
0x4f4: {  	[tilespmem:s29+$0x30] =	vst.add.f32.msk $0xffff, v14;
	s30 =	sadd.f32 $1.000000000e+00, s30  }
0x4f5: {  	[tilespmem:s29+$0x40] =	vst.add.f32.msk $0xffff, v15  }
0x4f6: {  	s31 =	simm.s32 $0x1000;
	[tilespmem:s29+$0x50] =	vst.add.f32.msk $0xffff, v16;
	[smem:s0] =	sst s30;
	s30 =	simm.s32 $0x0  }
.LBB2_68:
0x4f7: {  	s0 =	sshra.s32 s31, $0x2;
	s30 =	sadd.s32 $0x8, s30;
	[tilespmem:s29+$0x60] =	vst.add.f32.msk $0xffff, v10  }
0x4f8: {  	v10 =	vld [tilespmem:s0+$0xF470];
	p0 =	slt.u32 s30, $0x18  }
0x4f9: {  	v11 =	vld [tilespmem:s0+$0xF400]  }
0x4fa: {  	v12 =	vld [tilespmem:s0+$0xF410]  }
0x4fb: {  	v13 =	vld [tilespmem:s0+$0xF420]  }
0x4fc: {  	s29 =	sadd.s32 s0, s26;
	v14 =	vld [tilespmem:s0+$0xF430]  }
0x4fd: {  	[tilespmem:s29+$0x70] =	vst.add.f32.msk $0xffff, v10  }
0x4fe: {  	v15 =	vld [tilespmem:s0+$0xF440]  }
0x4ff: {  	v16 =	vld [tilespmem:s0+$0xF450]  }
0x500: {  	v10 =	vld [tilespmem:s0+$0xF460]  }
0x501: {  	[tilespmem:s29+$0x0] =	vst.add.f32.msk $0xffff, v11  }
.Ltmp33:
0x502: {  	[tilespmem:s29+$0x10] =	vst.add.f32.msk $0xffff, v12;
	(pc) =	sbr.rel @p0 .LBB2_68-.Ltmp33, $4  }
0x503: {  	[tilespmem:s29+$0x20] =	vst.add.f32.msk $0xffff, v13  }
0x504: {  	[tilespmem:s29+$0x30] =	vst.add.f32.msk $0xffff, v14  }
0x505: {  	[tilespmem:s29+$0x40] =	vst.add.f32.msk $0xffff, v15  }
0x506: {  	s31 =	sadd.s32 $0x1000, s31;
	[tilespmem:s29+$0x50] =	vst.add.f32.msk $0xffff, v16  }
0x507: {  	(v2sf) =	vpush v9, $0xF;
	_ =	sdelay $0xc  }
0x508: {  	[tilespmem:s29+$0x60] =	vst.add.f32.msk $0xffff, v10;
	s30 =	simm.s32 $0x0  }
0x509: {  	v9 =	vld [tilespmem:s30+$0xF4F0]  }
0x50a: {  	v10 =	vld [tilespmem:s30+$0xF480];
	s0 =	spop (v2sf)  }
0x50b: {  	v11 =	vld [tilespmem:s30+$0xF490];
	s26 =	sshll.u32 s0, $0x9;
	s29 =	sshll.u32 s0, $0x7  }
0x50c: {  	v12 =	vld [tilespmem:s30+$0xF4A0];
	s26 =	sand.u32 $0xFFFFF000, s26;
	s29 =	sand.u32 $0x380, s29  }
0x50d: {  	v13 =	vld [tilespmem:s30+$0xF4B0];
	s26 =	sor.u32 s29, s26  }
0x50e: {  	v14 =	vld [tilespmem:s30+$0xF4C0];
	s26 =	sadd.s32 $0x10100, s26  }
0x50f: {  	v15 =	vld [tilespmem:s30+$0xF4D0];
	s29 =	sadd.s32 $0x0, s26  }
0x510: {  	[tilespmem:s29+$0x70] =	vst.add.f32.msk $0xffff, v9  }
0x511: {  	v9 =	vld [tilespmem:s30+$0xF4E0]  }
0x512: {  	s30 =	sld [smem:s0+$0x0];
	[tilespmem:s29+$0x0] =	vst.add.f32.msk $0xffff, v10  }
0x513: {  	[tilespmem:s29+$0x10] =	vst.add.f32.msk $0xffff, v11  }
0x514: {  	[tilespmem:s29+$0x20] =	vst.add.f32.msk $0xffff, v12  }
0x515: {  	[tilespmem:s29+$0x30] =	vst.add.f32.msk $0xffff, v13;
	s30 =	sadd.f32 $1.000000000e+00, s30  }
0x516: {  	[tilespmem:s29+$0x40] =	vst.add.f32.msk $0xffff, v14  }
0x517: {  	s31 =	simm.s32 $0x1000;
	[tilespmem:s29+$0x50] =	vst.add.f32.msk $0xffff, v15;
	[smem:s0] =	sst s30;
	s30 =	simm.s32 $0x0  }
.LBB2_70:
0x518: {  	s0 =	sshra.s32 s31, $0x2;
	s30 =	sadd.s32 $0x8, s30;
	[tilespmem:s29+$0x60] =	vst.add.f32.msk $0xffff, v9  }
0x519: {  	v9 =	vld [tilespmem:s0+$0xF4F0];
	p0 =	slt.u32 s30, $0x18  }
0x51a: {  	v10 =	vld [tilespmem:s0+$0xF480]  }
0x51b: {  	v11 =	vld [tilespmem:s0+$0xF490]  }
0x51c: {  	v12 =	vld [tilespmem:s0+$0xF4A0]  }
0x51d: {  	s29 =	sadd.s32 s0, s26;
	v13 =	vld [tilespmem:s0+$0xF4B0]  }
0x51e: {  	[tilespmem:s29+$0x70] =	vst.add.f32.msk $0xffff, v9  }
0x51f: {  	v14 =	vld [tilespmem:s0+$0xF4C0]  }
0x520: {  	v15 =	vld [tilespmem:s0+$0xF4D0]  }
0x521: {  	v9 =	vld [tilespmem:s0+$0xF4E0]  }
0x522: {  	[tilespmem:s29+$0x0] =	vst.add.f32.msk $0xffff, v10  }
.Ltmp34:
0x523: {  	[tilespmem:s29+$0x10] =	vst.add.f32.msk $0xffff, v11;
	(pc) =	sbr.rel @p0 .LBB2_70-.Ltmp34, $4  }
0x524: {  	[tilespmem:s29+$0x20] =	vst.add.f32.msk $0xffff, v12  }
0x525: {  	[tilespmem:s29+$0x30] =	vst.add.f32.msk $0xffff, v13  }
0x526: {  	[tilespmem:s29+$0x40] =	vst.add.f32.msk $0xffff, v14  }
0x527: {  	s31 =	sadd.s32 $0x1000, s31;
	[tilespmem:s29+$0x50] =	vst.add.f32.msk $0xffff, v15  }
0x528: {  	s0 =	sadd.s32 $0x3, s28  }
0x529: {  	p0 =	sge.s32 s0, s25  }
0x52a: {  	s0 =	sshll.u32 @!p0 s0, $0x6  }
0x52b: {  	[tilespmem:s29+$0x60] =	vst.add.f32.msk $0xffff, v9;
	s0 =	sshra.s32 @!p0 s0, $0x2  }
0x52c: {  	v9 =	vld @!p0 [tilespmem:s0+$0x4000];
	_ =	sdelay $0x4  }
0x52d: {  	v10 =	vshll.u32 @!p0 v9, $0x2  }
0x52e: {  	v11 =	vlaneseq.u32 @!p0;
	v9 =	vand.u32 @!p0 $0x7, v9;
	v10 =	vand.u32 @!p0 $0xFFFFFFE0, v10  }
0x52f: {  	v12 =	vshrl.u32 @!p0 v11, $0x3;
	v9 =	vor.u32 @!p0 v9, v10;
	v10 =	vand.u32 @!p0 $0x7, v11  }
0x530: {  	v12 =	vmul.u32 @!p0 $0x8, v12;
	v10 =	vperm.xlane @!p0 v9, v10;
	_ =	sdelay $0x1  }
0x531: {  	v10 =	vadd.s32 @!p0 v12, v10  }
0x532: {  	v11 =	vor.u32 @!p0 $0x8, v11  }
0x533: {  	v9 =	vperm.xlane @!p0 v9, v11;
	_ =	sdelay $0x1  }
0x534: {  	vm1 =	vmmov @!p0 $0xffff;
	s26 =	simm.s32 @!p0 $0xE100;
	s0 =	simm.s32 @!p0 $0x0;
	v9 =	vadd.s32 @!p0 v12, v9  }
0x535: {  	[tilespmem:s26], [sflag:$0x2] =	stream.indirect_vreg.gather @!p0 [hbm4b:s1+s0], $0x80, v10, vm1, $0xb8;
	[tilespmem:$0x15180] =	vst v63  }
0x536: {  	s26 =	simm.s32 @!p0 $0xE900  }
0x537: {  	[tilespmem:s26], [sflag:$0x2] =	stream.indirect_vreg.gather @!p0 [hbm4b:s5+s0], $0x80, v10, vm1, $0xb8;
	[tilespmem:$0x15180] =	vst v63  }
0x538: {  	s26 =	simm.s32 @!p0 $0xF100  }
0x539: {  	[tilespmem:s26], [sflag:$0x2] =	stream.indirect_vreg.gather @!p0 [hbm4b:s1+s0], $0x80, v9, vm1, $0xb8;
	[tilespmem:$0x15180] =	vst v63  }
0x53a: {  	s24 =	sadd.s32 $0x1, s24;
	s26 =	simm.s32 @!p0 $0xF900  }
0x53b: {  	[tilespmem:s26], [sflag:$0x2] =	stream.indirect_vreg.gather @!p0 [hbm4b:s5+s0], $0x80, v9, vm1, $0xb8;
	[tilespmem:$0x15180] =	vst v63  }
0x53c: {  	p0 =	sne.s32 s24, s23  }
.Ltmp35:
0x53d: {  	_ = 	snop;
	(pc) =	sbr.rel @p0 .LBB2_7-.Ltmp35, $1  }
0x53e: {  	_ =	sdelay $0x3  }
.LBB2_72:
0x53f: {  	s24 =	simm.s32 $0x0  }
0x540: {  	s0 =	sand.u32 $0x3000, s24;
	s23 =	sand.u32 $0x380, s24  }
0x541: {  	s0 =	sor.u32 s23, s0  }
0x542: {  	s23 =	sadd.s32 $0x10100, s0;
	v9 =	vld [tilespmem:s0+$0x10100]  }
0x543: {  	v10 =	vld [tilespmem:s23+$0xC40]  }
0x544: {  	v11 =	vld [tilespmem:s23+$0xC50]  }
0x545: {  	v12 =	vld [tilespmem:s23+$0xC00]  }
0x546: {  	v13 =	vld [tilespmem:s23+$0xC10]  }
0x547: {  	v16 =	vld [tilespmem:s23+$0x840]  }
0x548: {  	v15 =	vld [tilespmem:s23+$0x850]  }
0x549: {  	s0 =	sld [smem:$0x0];
	v19 =	vld [tilespmem:s23+$0x800]  }
0x54a: {  	v17 =	vld [tilespmem:s23+$0x810]  }
0x54b: {  	v20 =	vld [tilespmem:s23+$0x440]  }
0x54c: {  	v18 =	vld [tilespmem:s23+$0x450];
	v14 =	vmov s0  }
0x54d: {  	v23 =	vld [tilespmem:s23+$0x400];
	v14 =	vmax.f32 v14, $1.000000000e+00  }
0x54e: {  	v21 =	vld [tilespmem:s23+$0x410];
	v14 =	vbroadcast v14, $0x0  }
0x54f: {  	v24 =	vld [tilespmem:s23+$0x10]  }
0x550: {  	v22 =	vld [tilespmem:s23+$0x20];
	(erf) = vrcp.f32 v14  }
0x551: {  	v25 =	vld [tilespmem:s23+$0x30];
	v10 =	vmul.f32 v10, v10;
	v12 =	vmul.f32 v12, v12  }
0x552: {  	s25 =	simm.s32 $0x200;
	s26 =	simm.s32 $0x0;
	v26 =	vld [tilespmem:s23+$0x40];
	v11 =	vmul.f32 v11, v11;
	v14 =	vmul.f32 v9, v9;
	v9 =	vimm.f32 $0.0e+00  }
.LBB2_73:
0x553: {  	p0 =	sne.s32 s25, $0x3E00;
	v27 =	vld [tilespmem:s23+$0x50];
	v16 =	vmul.f32 v16, v16;
	v13 =	vmul.f32 v13, v13  }
0x554: {  	v19 =	vmul.f32 v19, v19;
	v15 =	vmul.f32 v15, v15;
	v28 =	vld [tilespmem:s23+$0x60]  }
0x555: {  	v20 =	vmul.f32 v20, v20;
	v17 =	vmul.f32 v17, v17;
	v29 =	vld [tilespmem:s23+$0x70]  }
0x556: {  	v23 =	vmul.f32 v23, v23;
	v18 =	vmul.f32 v18, v18;
	v30 =	vld [tilespmem:s23+$0x420]  }
0x557: {  	v21 =	vmul.f32 v21, v21;
	v24 =	vmul.f32 v24, v24;
	v31 =	vld [tilespmem:s23+$0x430]  }
0x558: {  	v22 =	vmul.f32 v22, v22;
	v25 =	vmul.f32 v25, v25;
	v32 =	vld [tilespmem:s23+$0x460]  }
0x559: {  	v26 =	vmul.f32 v26, v26;
	v27 =	vmul.f32 v27, v27;
	v33 =	vld [tilespmem:s23+$0x470];
	v34 =	vpop (erf)  }
0x55a: {  	v28 =	vmul.f32 v28, v28;
	v29 =	vmul.f32 v29, v29;
	v35 =	vld [tilespmem:s23+$0x820]  }
0x55b: {  	v14 =	vadd.f32 v26, v14;
	v24 =	vadd.f32 v27, v24;
	v26 =	vmul.f32 v30, v30;
	v27 =	vld [tilespmem:s23+$0x830]  }
0x55c: {  	v22 =	vadd.f32 v28, v22;
	v25 =	vadd.f32 v29, v25;
	v28 =	vmul.f32 v31, v31;
	v29 =	vld [tilespmem:s23+$0x860]  }
0x55d: {  	v14 =	vadd.f32 v23, v14;
	v21 =	vadd.f32 v21, v24;
	v23 =	vmul.f32 v32, v32;
	v24 =	vld [tilespmem:s23+$0x870]  }
0x55e: {  	v22 =	vadd.f32 v26, v22;
	v25 =	vadd.f32 v28, v25;
	v26 =	vmul.f32 v33, v33;
	v28 =	vld [tilespmem:s23+$0xC20]  }
0x55f: {  	s24 =	sadd.s32 $0x80, s24;
	v14 =	vadd.f32 v20, v14;
	v18 =	vadd.f32 v18, v21;
	v20 =	vmul.f32 v35, v35;
	v21 =	vld [tilespmem:s23+$0xC30]  }
0x560: {  	s0 =	sand.u32 $0x3000, s25;
	s28 =	sand.u32 $0x380, s24;
	v22 =	vadd.f32 v23, v22;
	v23 =	vadd.f32 v26, v25;
	v25 =	vmul.f32 v27, v27;
	v26 =	vld [tilespmem:s23+$0xC60]  }
0x561: {  	s0 =	sor.u32 s28, s0;
	v14 =	vadd.f32 v19, v14;
	v17 =	vadd.f32 v17, v18;
	v18 =	vmul.f32 v29, v29;
	v19 =	vld [tilespmem:s23+$0xC70]  }
0x562: {  	s23 =	sadd.s32 $0x10100, s0;
	v20 =	vadd.f32 v20, v22;
	v27 =	vld [tilespmem:s0+$0x10100];
	v22 =	vadd.f32 v25, v23;
	v23 =	vmul.f32 v24, v24  }
0x563: {  	v14 =	vadd.f32 v16, v14;
	v15 =	vadd.f32 v15, v17;
	v29 =	vld [tilespmem:s23+$0xC40];
	v16 =	vmul.f32 v28, v28  }
0x564: {  	v17 =	vadd.f32 v18, v20;
	v28 =	vld [tilespmem:s23+$0xC50];
	v18 =	vadd.f32 v23, v22;
	v20 =	vmul.f32 v21, v21  }
0x565: {  	v12 =	vadd.f32 v12, v14;
	v14 =	vadd.f32 v13, v15;
	v30 =	vld [tilespmem:s23+$0xC00];
	v21 =	vmul.f32 v26, v26  }
0x566: {  	v17 =	vadd.f32 v16, v17;
	v13 =	vld [tilespmem:s23+$0xC10];
	v18 =	vadd.f32 v20, v18;
	v19 =	vmul.f32 v19, v19  }
0x567: {  	v10 =	vadd.f32 v10, v12;
	v11 =	vadd.f32 v11, v14;
	v16 =	vld [tilespmem:s23+$0x840]  }
0x568: {  	s26 =	sadd.s32 $0x1, s26;
	v12 =	vadd.f32 v21, v17;
	v15 =	vld [tilespmem:s23+$0x850];
	v14 =	vadd.f32 v19, v18  }
0x569: {  	s0 =	sld [smem:s26+$0x0];
	v19 =	vld [tilespmem:s23+$0x800]  }
0x56a: {  	v10 =	vadd.f32 v11, v10;
	v17 =	vld [tilespmem:s23+$0x810];
	v11 =	vadd.f32 v14, v12  }
0x56b: {  	v20 =	vld [tilespmem:s23+$0x440]  }
0x56c: {  	v12 =	vmov s0;
	v18 =	vld [tilespmem:s23+$0x450];
	v10 =	vadd.f32 v11, v10  }
0x56d: {  	v11 =	vmax.f32 v12, $1.000000000e+00;
	v23 =	vld [tilespmem:s23+$0x400]  }
.Ltmp36:
0x56e: {  	v11 =	vbroadcast v11, $0x0;
	v21 =	vld [tilespmem:s23+$0x410];
	v10 =	vmul.f32 v10, v34;
	(pc) =	sbr.rel @p0 .LBB2_73-.Ltmp36, $4  }
0x56f: {  	v24 =	vld [tilespmem:s23+$0x10]  }
0x570: {  	v22 =	vld [tilespmem:s23+$0x20];
	(erf) = vrcp.f32 v11;
	v9 =	vadd.f32 v10, v9  }
0x571: {  	v14 =	vmul.f32 v27, v27;
	v10 =	vmul.f32 v29, v29;
	v25 =	vld [tilespmem:s23+$0x30]  }
0x572: {  	s25 =	sadd.s32 $0x200, s25;
	v12 =	vmul.f32 v30, v30;
	v11 =	vmul.f32 v28, v28;
	v26 =	vld [tilespmem:s23+$0x40]  }
0x573: {  	v27 =	vld [tilespmem:s23+$0x50];
	v16 =	vmul.f32 v16, v16;
	v13 =	vmul.f32 v13, v13  }
0x574: {  	v28 =	vld [tilespmem:s23+$0x60];
	v19 =	vmul.f32 v19, v19;
	v15 =	vmul.f32 v15, v15  }
0x575: {  	v29 =	vld [tilespmem:s23+$0x70];
	v20 =	vmul.f32 v20, v20;
	v17 =	vmul.f32 v17, v17  }
0x576: {  	v23 =	vmul.f32 v23, v23;
	v30 =	vld [tilespmem:s23+$0x420];
	v18 =	vmul.f32 v18, v18  }
0x577: {  	v21 =	vmul.f32 v21, v21;
	v31 =	vld [tilespmem:s23+$0x430];
	v24 =	vmul.f32 v24, v24  }
0x578: {  	v32 =	vld [tilespmem:s23+$0x460];
	v22 =	vmul.f32 v22, v22;
	v25 =	vmul.f32 v25, v25  }
0x579: {  	v33 =	vld [tilespmem:s23+$0x470];
	v26 =	vmul.f32 v26, v26;
	v27 =	vmul.f32 v27, v27  }
0x57a: {  	v34 =	vld [tilespmem:s23+$0x820];
	v28 =	vmul.f32 v28, v28;
	v29 =	vmul.f32 v29, v29  }
0x57b: {  	v38 =	vld [tilespmem:s23+$0x830];
	v37 =	vmul.f32 v30, v30;
	v14 =	vadd.f32 v26, v14;
	v24 =	vadd.f32 v27, v24  }
0x57c: {  	v40 =	vld [tilespmem:s23+$0x860];
	v39 =	vmul.f32 v31, v31;
	v22 =	vadd.f32 v28, v22;
	v25 =	vadd.f32 v29, v25  }
0x57d: {  	v42 =	vld [tilespmem:s23+$0x870];
	v41 =	vmul.f32 v32, v32;
	v14 =	vadd.f32 v23, v14;
	v21 =	vadd.f32 v21, v24  }
0x57e: {  	v44 =	vld [tilespmem:s23+$0xC20];
	v43 =	vmul.f32 v33, v33;
	v22 =	vadd.f32 v37, v22;
	v25 =	vadd.f32 v39, v25  }
0x57f: {  	v46 =	vld [tilespmem:s23+$0xC30];
	v45 =	vmul.f32 v34, v34;
	v14 =	vadd.f32 v20, v14;
	v18 =	vadd.f32 v18, v21  }
0x580: {  	v49 =	vld [tilespmem:s23+$0xC60];
	v48 =	vmul.f32 v38, v38;
	v22 =	vadd.f32 v41, v22;
	v47 =	vadd.f32 v43, v25  }
0x581: {  	v51 =	vld [tilespmem:s23+$0xC70];
	v50 =	vmul.f32 v40, v40;
	v14 =	vadd.f32 v19, v14;
	v17 =	vadd.f32 v17, v18  }
0x582: {  	v53 =	vmul.f32 v42, v42;
	v20 =	vadd.f32 v45, v22;
	v52 =	vadd.f32 v48, v47  }
0x583: {  	v54 =	vmul.f32 v44, v44;
	v14 =	vadd.f32 v16, v14;
	v15 =	vadd.f32 v15, v17  }
0x584: {  	v57 =	vmul.f32 v46, v46;
	v55 =	vadd.f32 v50, v20;
	v56 =	vadd.f32 v53, v52  }
0x585: {  	v58 =	vmul.f32 v49, v49;
	v12 =	vadd.f32 v12, v14;
	v13 =	vadd.f32 v13, v15  }
0x586: {  	v61 =	vmul.f32 v51, v51;
	v59 =	vadd.f32 v54, v55;
	v60 =	vadd.f32 v57, v56  }
0x587: {  	v10 =	vadd.f32 v10, v12;
	v11 =	vadd.f32 v11, v13  }
0x588: {  	v62 =	vadd.f32 v58, v59;
	v63 =	vadd.f32 v61, v60;
	_ =	sdelay $0x1  }
0x589: {  	v10 =	vadd.f32 v11, v10;
	v11 =	vadd.f32 v63, v62;
	_ =	sdelay $0x2  }
0x58a: {  	v10 =	vadd.f32 v11, v10  }
0x58b: {  	v11 =	vpop (erf)  }
0x58c: {  	v10 =	vmul.f32 v10, v11;
	_ =	sdelay $0x1  }
0x58d: {  	s22 =	sadd.s32 $0x1, s22;
	v9 =	vadd.f32 v10, v9  }
0x58e: {  	p0 =	sne.s32 s22, s7  }
.Ltmp37:
0x58f: {  	[tilespmem:$0x15100] =	vst v9;
	(pc) =	sbr.rel @p0 .LBB2_1-.Ltmp37, $4  }
0x590: {  	[hbm4b:s6+s4] =	stream.linear.scatter [tilespmem:s20], [sflag:$0x3], $0x80, $0x38;
	[tilespmem:$0x15180] =	vst v63  }
0x591: {  	_ =	swait.ge [sflag:s21], $0x80  }
0x592: {  	[sflag:s21] =	ssyncset.done $0x0  }
0x593: {  	[sflag:s21] =	ssyncadd.s32 $0xFFFFFF80  }
0x594: {  	_ =	sfence.sel $0x180000  }
0x595: {  	[bflag:$0x0] =	sbarrier.arrive $0xFFFF  }
0x596: {  	_ =	strace $0x90000047  }
0x597: {  	[bflag:$0x2] =	sbarrier.arrive $0xFFFF  }
0x598: {  	p0 =	sne.s32 s2, $0x0;
	s0 =	rddreg [dreg:$0x3]  }
0x599: {  	s0 =	sadd.s32 @!p0 $0x100000, s0  }
0x59a: {  	[sflag:s0] =	ssyncadd.tile.s32 @!p0 $0x1;
	_ =	shalt  }
.Lfunc_end2:
_tile_overlayer_lowered:
.L_overlay_start_2:
0x59b: {  	(tag) =	ssettag $0x2  }
0x59c: {  	s0 =	rddreg [dreg:$0x0];
	s2 =	stileid.u32  }
0x59d: {  	s1 =	rddreg [dreg:$0x1];
	p0 =	sne.s32 s2, $0x0  }
0x59e: {  	s3 =	rddreg [dreg:$0x2];
	[bflag:$0x3] =	sbarrier.arrive $0xFFFF;
	s2 =	simm.s32 @!p0 $0x1C03  }
0x59f: {  	[timem:s3], [sflag:s2] =	dma.local @!p0 [hbm:s0], s1  }
0x5a0: {  	s0 =	simm.s32 @!p0 $0x3  }
0x5a1: {  	_ =	swait.ge @!p0 [sflag:s0], s1  }
0x5a2: {  	s1 =	ssub.s32 @!p0 $0x0, s1;
	[sflag:s0] =	ssyncset.done @!p0 $0x0  }
0x5a3: {  	[sflag:s0] =	ssyncadd.s32 @!p0 s1  }
0x5a4: {  	[bflag:$0x3] =	sbarrier.arrive $0xFFFF  }
0x5a5: {  	_ =	shalt  }

</sc_bundles>
